<compile_context>
chip_gen: v7x
topology: tpu7x:2x2x1
jax: 0.10.2.dev20260603
libtpu: 0.0.44.dev20260713+nightly
codegen_flags: <defaults>
</compile_context>

<pallas_src>
import functools

import jax
import jax.numpy as jnp
from jax import lax
from jax.experimental import pallas as pl
from jax.experimental.pallas import tpu as pltpu
from jax.experimental.pallas import tpu_sc as plsc

N = 10000
E = 160000
D_IN = 256
HID = 20
HP = 32
D_OUT = 128
NN = 2 * N

NC, NS = 2, 16
NW = NC * NS
CH = 128
E2 = 2 * E
K = -(-E2 // (NW * CH))
KP = K + 2
EP = NW * K * CH
EPAD = EP - E2

ACC_ROWS = 20480
ZROWS = 160
ACC_PER_SUB = ACC_ROWS // NS

G = ACC_ROWS * HP // 1024
GB = 64
GG = 625



def _seg_common(y_hbm, src_hbm, dst_hbm, acc_s, y_s, src_v, dst_v, rows_v,
                zbuf_v, sem_ga, sem_gb, sem_y, sem_sc, s, wid,
                y_rows_per_sub):
    pltpu.async_copy(src_hbm.at[wid], src_v, sem_ga)
    pltpu.async_copy(dst_hbm.at[wid], dst_v, sem_gb)
    ysl = pl.ds(s * y_rows_per_sub, y_rows_per_sub)
    pltpu.async_copy(y_hbm.at[ysl], y_s.at[ysl], sem_y)

    zeros16 = jnp.zeros((16,), jnp.float32)

    def _zfill(i, carry):
        zbuf_v[i // 2, pl.ds((i % 2) * 16, 16)] = zeros16
        return carry

    lax.fori_loop(0, ZROWS * 2, _zfill, 0)
    pltpu.make_async_copy(src_hbm.at[wid], src_v, sem_ga).wait()
    pltpu.make_async_copy(dst_hbm.at[wid], dst_v, sem_gb).wait()
    pltpu.make_async_copy(y_hbm.at[ysl], y_s.at[ysl], sem_y).wait()

    zsl = [pl.ds(s * ACC_PER_SUB + t * ZROWS, ZROWS)
           for t in range(ACC_PER_SUB // ZROWS)]
    for t in zsl:
        pltpu.async_copy(zbuf_v, acc_s.at[t], sem_y)
    for t in zsl:
        pltpu.make_async_copy(zbuf_v, acc_s.at[t], sem_y).wait()
    plsc.subcore_barrier()

    gsems = (sem_ga, sem_gb)
    pltpu.async_copy(y_s.at[src_v.at[0]], rows_v.at[0], gsems[0])
    pltpu.async_copy(y_s.at[src_v.at[1]], rows_v.at[1], gsems[1])
    pltpu.make_async_copy(y_s.at[src_v.at[0]], rows_v.at[0], gsems[0]).wait()
    pltpu.async_copy(y_s.at[src_v.at[2]], rows_v.at[2], gsems[0])
    pltpu.async_copy(rows_v.at[0], acc_s.at[dst_v.at[0]], sem_sc, add=True)

    def _six(g, carry):
        for t in range(6):
            j = 1 + 6 * g + t
            b = (1 + t) % 3
            sg = gsems[(1 + t) % 2]
            pb = (b + 2) % 3
            pltpu.make_async_copy(y_s.at[src_v.at[j]], rows_v.at[b],
                                  sg).wait()
            pltpu.make_async_copy(rows_v.at[pb], acc_s.at[dst_v.at[j - 1]],
                                  sem_sc).wait()
            pltpu.async_copy(y_s.at[src_v.at[j + 2]], rows_v.at[pb], sg)
            pltpu.async_copy(rows_v.at[b], acc_s.at[dst_v.at[j]], sem_sc,
                             add=True)
        return carry

    lax.fori_loop(0, (K - 1) // 6, _six, 0)
    pltpu.make_async_copy(rows_v.at[(K - 1) % 3],
                          acc_s.at[dst_v.at[K - 1]], sem_sc).wait()
    pltpu.make_async_copy(y_s.at[src_v.at[K]], rows_v.at[K % 3],
                          gsems[K % 2]).wait()
    pltpu.make_async_copy(y_s.at[src_v.at[K + 1]], rows_v.at[(K + 1) % 3],
                          gsems[(K + 1) % 2]).wait()


def _seg_writeback(p_hbm, acc_s, c, s):
    plsc.subcore_barrier()
    pltpu.sync_copy(acc_s.at[pl.ds(s * ACC_PER_SUB, ACC_PER_SUB)],
                    p_hbm.at[c, pl.ds(s * ACC_PER_SUB, ACC_PER_SUB)])


def _make_seg_body(y_rows):
    rows_per_sub = y_rows // NS

    def _seg_body(y_hbm, src_hbm, dst_hbm, p_hbm, acc_s, y_s, src_v, dst_v,
                  rows_v, zbuf_v, sem_ga, sem_gb, sem_y, sem_sc):
        c = lax.axis_index("c")
        s = lax.axis_index("s")
        wid = c * NS + s
        _seg_common(y_hbm, src_hbm, dst_hbm, acc_s, y_s, src_v, dst_v, rows_v,
                    zbuf_v, sem_ga, sem_gb, sem_y, sem_sc, s, wid,
                    rows_per_sub)
        _seg_writeback(p_hbm, acc_s, c, s)

    return _seg_body


_MESH = dict(core_axis_name="c", subcore_axis_name="s",
             num_cores=NC, num_subcores=NS)


@functools.lru_cache(maxsize=2)
def _seg_kernel(y_rows):
    return pl.kernel(
        _make_seg_body(y_rows),
        out_type=jax.ShapeDtypeStruct((NC, ACC_ROWS, HP), jnp.float32),
        mesh=plsc.VectorSubcoreMesh(**_MESH),
        scratch_types=[
            pltpu.VMEM_SHARED((ACC_ROWS, HP), jnp.float32),
            pltpu.VMEM_SHARED((y_rows, HP), jnp.float32),
            pltpu.VMEM((KP, CH), jnp.int32),
            pltpu.VMEM((KP, CH), jnp.int32),
            pltpu.VMEM((3, CH, HP), jnp.float32),
            pltpu.VMEM((ZROWS, HP), jnp.float32),
            pltpu.SemaphoreType.DMA,
            pltpu.SemaphoreType.DMA,
            pltpu.SemaphoreType.DMA,
            pltpu.SemaphoreType.DMA,
        ],
        compiler_params=pltpu.CompilerParams(use_tc_tiling_on_sc=False),
    )



_XROWS = NN // 4
_ABLK = 1000


def _stage_a_body(x_ref, w_ref, o_ref):
    xp = x_ref[...].reshape(_ABLK, 4 * D_IN)
    o = jnp.dot(xp, w_ref[...], preferred_element_type=jnp.float32)
    o_ref[...] = o.reshape(_ABLK // 8, 8, 128)


def _stage_a(x, w4):
    grid = (_XROWS // _ABLK,)
    return pl.pallas_call(
        _stage_a_body,
        grid=grid,
        in_specs=[
            pl.BlockSpec((4 * _ABLK, D_IN), lambda i: (i, 0)),
            pl.BlockSpec((4 * D_IN, 128), lambda i: (0, 0)),
        ],
        out_specs=pl.BlockSpec((_ABLK // 8, 8, 128), lambda i: (i, 0, 0)),
        out_shape=jax.ShapeDtypeStruct((G, 8, 128), jnp.float32),
    )(x, w4)


def _stage_b1_body(p_ref, r_ref, b_ref, h_ref):
    a = p_ref[0] + p_ref[1]
    h_ref[...] = jnp.maximum(a + r_ref[...] + b_ref[...], 0.0)


def _stage_b1(p, r, b4):
    grid = (G // GB,)
    return pl.pallas_call(
        _stage_b1_body,
        grid=grid,
        in_specs=[
            pl.BlockSpec((NC, GB, 8, 128), lambda i: (0, i, 0, 0)),
            pl.BlockSpec((GB, 8, 128), lambda i: (i, 0, 0)),
            pl.BlockSpec((1, 128), lambda i: (0, 0)),
        ],
        out_specs=pl.BlockSpec((GB, 8, 128), lambda i: (i, 0, 0)),
        out_shape=jax.ShapeDtypeStruct((G, 8, 128), jnp.float32),
    )(p, r, b4)


def _stage_b_body(p_ref, h_ref, wr_ref, wq_ref, b_ref, o_ref):
    a = (p_ref[0] + p_ref[1]).reshape(GB * 8, 128)
    hp = h_ref[...].reshape(GB * 8, 128)
    o = jnp.maximum(
        jnp.dot(a, wr_ref[...], preferred_element_type=jnp.float32)
        + b_ref[...]
        + jnp.dot(hp, wq_ref[...], preferred_element_type=jnp.float32),
        0.0,
    )
    o_ref[...] = o.reshape(GB, 8, 128)


def _stage_b(p, h, wr4, wq4, b4):
    grid = (G // GB,)
    return pl.pallas_call(
        _stage_b_body,
        grid=grid,
        in_specs=[
            pl.BlockSpec((NC, GB, 8, 128), lambda i: (0, i, 0, 0)),
            pl.BlockSpec((GB, 8, 128), lambda i: (i, 0, 0)),
            pl.BlockSpec((128, 128), lambda i: (0, 0)),
            pl.BlockSpec((128, 128), lambda i: (0, 0)),
            pl.BlockSpec((1, 128), lambda i: (0, 0)),
        ],
        out_specs=pl.BlockSpec((GB, 8, 128), lambda i: (i, 0, 0)),
        out_shape=jax.ShapeDtypeStruct((G, 8, 128), jnp.float32),
    )(p, h, wr4, wq4, b4)


_CBLK = 125
_NBLK_C = GG // _CBLK


def _stage_c_body(p_ref, h3_ref, wr_ref, bo_ref, wq_ref, wl1_ref, bl1_ref,
                  wl2_ref, bl2_ref, wh1_ref, bh1_ref, wh2_ref, bh2_ref,
                  wh3_ref, bh3_ref, out_ref, acc):
    i = pl.program_id(0)
    a = (p_ref[0] + p_ref[1]).reshape(_CBLK * 8, 128)
    hp = h3_ref[...].reshape(_CBLK * 8, 128)
    h4 = jnp.maximum(
        jnp.dot(a, wr_ref[...], preferred_element_type=jnp.float32)
        + bo_ref[...]
        + jnp.dot(hp, wq_ref[...], preferred_element_type=jnp.float32),
        0.0,
    )

    rows = _CBLK * 8
    row_iota = lax.broadcasted_iota(jnp.int32, (rows, 1), 0)
    s0 = jnp.zeros((1, D_OUT), jnp.float32)
    s1 = jnp.zeros((1, D_OUT), jnp.float32)
    for q in range(4):
        nid = (i * rows + row_iota) * 4 + q
        hq = h4[:, q * D_OUT:(q + 1) * D_OUT]
        m0 = nid < N
        s0 = s0 + jnp.sum(jnp.where(m0, hq, 0.0), axis=0, keepdims=True)
        s1 = s1 + jnp.sum(jnp.where(m0, 0.0, hq), axis=0, keepdims=True)

    @pl.when(i == 0)
    def _():
        acc[0:1, :] = s0
        acc[1:2, :] = s1

    @pl.when(i > 0)
    def _():
        acc[0:1, :] = acc[0:1, :] + s0
        acc[1:2, :] = acc[1:2, :] + s1

    @pl.when(i == _NBLK_C - 1)
    def _():
        m = jnp.maximum(
            jnp.dot(acc[...], wl1_ref[...], preferred_element_type=jnp.float32)
            + bl1_ref[...], 0.0)
        m = jnp.maximum(
            jnp.dot(m, wl2_ref[...], preferred_element_type=jnp.float32)
            + bl2_ref[...], 0.0)
        z = (jnp.dot(m[0:1, :], wh1_ref[0:D_OUT, :],
                     preferred_element_type=jnp.float32)
             + jnp.dot(m[1:2, :], wh1_ref[D_OUT:2 * D_OUT, :],
                       preferred_element_type=jnp.float32)
             + bh1_ref[...])
        z = jnp.maximum(z, 0.0)
        z = jnp.maximum(
            jnp.dot(z, wh2_ref[...], preferred_element_type=jnp.float32)
            + bh2_ref[...], 0.0)
        z = (jnp.dot(z, wh3_ref[...], preferred_element_type=jnp.float32)
             + bh3_ref[...])
        out_ref[...] = 1.0 / (1.0 + jnp.exp(-z))


def _stage_c(p, h3, wr4, bo4, wq4, wl1, bl1, wl2, bl2, wh1, bh1, wh2, bh2,
             wh3, bh3):
    grid = (_NBLK_C,)

    def _full(shape):
        nd = len(shape)
        return pl.BlockSpec(shape, lambda i, _nd=nd: (0,) * _nd)

    return pl.pallas_call(
        _stage_c_body,
        grid=grid,
        in_specs=[
            pl.BlockSpec((NC, _CBLK, 8, 128), lambda i: (0, i, 0, 0)),
            pl.BlockSpec((_CBLK, 8, 128), lambda i: (i, 0, 0)),
            _full((128, 4 * D_OUT)),
            _full((1, 4 * D_OUT)),
            _full((128, 4 * D_OUT)),
            _full((D_OUT, D_OUT)),
            _full((1, D_OUT)),
            _full((D_OUT, D_OUT)),
            _full((1, D_OUT)),
            _full((2 * D_OUT, 10)),
            _full((1, 10)),
            _full((10, 10)),
            _full((1, 10)),
            _full((10, 1)),
            _full((1, 1)),
        ],
        out_specs=pl.BlockSpec((1, 1), lambda i: (0, 0)),
        out_shape=jax.ShapeDtypeStruct((1, 1), jnp.float32),
        scratch_shapes=[pltpu.VMEM((2, D_OUT), jnp.float32)],
    )(p, h3, wr4, bo4, wq4, wl1, bl1, wl2, bl2, wh1, bh1, wh2, bh2, wh3, bh3)



def _pad_cols(w, width=HP):
    return jnp.pad(w, ((0, 0), (0, width - w.shape[1])))


def _pad_rows(w, height=HP):
    return jnp.pad(w, ((0, height - w.shape[0]), (0, 0)))


def _bd4(w):
    return jnp.kron(jnp.eye(4, dtype=w.dtype), w)


def kernel(mol_1_graph, mol_1_nodes, mol_2_graph, mol_2_nodes, params):
    pr = params
    wr_in4 = _bd4(_pad_cols(pr['conv_in']['W_rel']))
    wq_in4 = _bd4(_pad_cols(pr['conv_in']['W_root']))
    b_in4 = jnp.tile(_pad_cols(pr['conv_in']['b'][None]), (1, 4))
    li1, li2 = pr['conv_internal']
    wr1 = _bd4(_pad_cols(_pad_rows(li1['W_rel'])))
    wq1 = _bd4(_pad_cols(_pad_rows(li1['W_root'])))
    b14 = jnp.tile(_pad_cols(li1['b'][None]), (1, 4))
    wr2 = _bd4(_pad_cols(_pad_rows(li2['W_rel'])))
    wq2 = _bd4(_pad_cols(_pad_rows(li2['W_root'])))
    b24 = jnp.tile(_pad_cols(li2['b'][None]), (1, 4))
    wr_out4 = _bd4(_pad_rows(pr['conv_out']['W_rel']))
    wq_out4 = _bd4(_pad_rows(pr['conv_out']['W_root']))
    b_out4 = jnp.tile(pr['conv_out']['b'][None], (1, 4))
    lo1, lo2 = pr['linear_output']
    wh1 = pr['linear_1']['W']
    bh1 = pr['linear_1']['b'][None]
    wh2 = pr['linear_2']['W']
    bh2 = pr['linear_2']['b'][None]
    wh3 = pr['linear_3']['W']
    bh3 = pr['linear_3']['b'][None]

    xs = jnp.concatenate([mol_1_nodes, mol_2_nodes], axis=0)
    src = jnp.concatenate([
        mol_1_graph[0], mol_2_graph[0] + N,
        jnp.zeros((EPAD,), jnp.int32),
    ])
    dst = jnp.concatenate([
        mol_1_graph[1], mol_2_graph[1] + N,
        jnp.full((EPAD,), NN, jnp.int32),
    ])
    src3 = jnp.concatenate([
        src.reshape(NW, K, CH),
        jnp.zeros((NW, KP - K, CH), jnp.int32),
    ], axis=1)
    dst3 = jnp.concatenate([
        dst.reshape(NW, K, CH),
        jnp.full((NW, KP - K, CH), NN, jnp.int32),
    ], axis=1)
    t0 = _stage_a(xs, wr_in4)
    p0 = _seg_kernel(ACC_ROWS)(t0.reshape(ACC_ROWS, HP), src3, dst3)
    r0 = _stage_a(xs, wq_in4)
    h1 = _stage_b1(p0.reshape(NC, G, 8, 128), r0, b_in4)
    p1 = _seg_kernel(ACC_ROWS)(h1.reshape(ACC_ROWS, HP), src3, dst3)
    h2 = _stage_b(p1.reshape(NC, G, 8, 128), h1, wr1, wq1, b14)
    p2 = _seg_kernel(ACC_ROWS)(h2.reshape(ACC_ROWS, HP), src3, dst3)
    h3 = _stage_b(p2.reshape(NC, G, 8, 128), h2, wr2, wq2, b24)
    p3 = _seg_kernel(ACC_ROWS)(h3.reshape(ACC_ROWS, HP), src3, dst3)
    out = _stage_c(p3.reshape(NC, G, 8, 128), h3, wr_out4, b_out4, wq_out4,
                   lo1['W'], lo1['b'][None], lo2['W'], lo2['b'][None],
                   wh1, bh1, wh2, bh2, wh3, bh3)
    return out.reshape((1,))

# --- scband reference (transcript-rebuilt; emitter-appended) ---
"""Pipeline reference for scband-molecule-comparator-41893111005426 (READ-ONLY COPY).

The authoritative reference and input builder live on the scoring server;
editing this copy changes nothing except your own understanding.
"""

import jax, jax.numpy as jnp
import numpy as np

N = 10000
E = 160000
D_IN = 256
HID = 20
D_OUT = 128


def _lin(k, fin, fout):
    k1, k2 = jax.random.split(k)
    s = 1.0 / np.sqrt(fin)
    return {
        'W': jax.random.uniform(k1, (fin, fout), minval=-s, maxval=s, dtype=jnp.float32),
        'b': jax.random.uniform(k2, (fout,), minval=-s, maxval=s, dtype=jnp.float32),
    }


def _gconv(k, fin, fout):
    k1, k2, k3 = jax.random.split(k, 3)
    s = 1.0 / np.sqrt(fin)
    return {
        'W_rel': jax.random.uniform(k1, (fin, fout), minval=-s, maxval=s, dtype=jnp.float32),
        'b': jax.random.uniform(k2, (fout,), minval=-s, maxval=s, dtype=jnp.float32),
        'W_root': jax.random.uniform(k3, (fin, fout), minval=-s, maxval=s, dtype=jnp.float32),
    }


def init_params(key):
    ks = jax.random.split(key, 9)
    return {
        'conv_in': _gconv(ks[0], D_IN, HID),
        'conv_internal': [_gconv(ks[1], HID, HID), _gconv(ks[2], HID, HID)],
        'conv_out': _gconv(ks[3], HID, D_OUT),
        'linear_output': [_lin(ks[4], D_OUT, D_OUT), _lin(ks[5], D_OUT, D_OUT)],
        'linear_1': _lin(ks[6], 2 * D_OUT, 10),
        'linear_2': _lin(ks[7], 10, 10),
        'linear_3': _lin(ks[8], 10, 1),
    }


def graph_conv(x, edge_index, p):
    # PyG GraphConv: out_i = lin_rel(sum_{j in N(i)} x_j) + lin_root(x_i)
    src = edge_index[0]
    dst = edge_index[1]
    agg = jax.ops.segment_sum(x[src], dst, num_segments=x.shape[0])
    return agg @ p['W_rel'] + p['b'] + x @ p['W_root']


def encoder(x, edge_index, params):
    h = jax.nn.relu(graph_conv(x, edge_index, params['conv_in']))
    for layer in params['conv_internal']:
        h = jax.nn.relu(graph_conv(h, edge_index, layer))
    h = jax.nn.relu(graph_conv(h, edge_index, params['conv_out']))
    h = jnp.sum(h, axis=0)
    for lin in params['linear_output']:
        h = jax.nn.relu(h @ lin['W'] + lin['b'])
    return h


def setup_inputs(seed: int = 0) -> dict:
    key = jax.random.key(seed)
    keys = jax.random.split(key, 5)
    mol_1_graph = jax.random.randint(keys[0], (2, E), 0, N, dtype=jnp.int64 if jax.config.jax_enable_x64 else jnp.int32)
    mol_1_nodes = jax.random.normal(keys[1], (N, D_IN), dtype=jnp.float32)
    mol_2_graph = jax.random.randint(keys[2], (2, E), 0, N, dtype=jnp.int64 if jax.config.jax_enable_x64 else jnp.int32)
    mol_2_nodes = jax.random.normal(keys[3], (N, D_IN), dtype=jnp.float32)
    params = init_params(keys[4])
    return {
        'mol_1_graph': mol_1_graph,
        'mol_1_nodes': mol_1_nodes,
        'mol_2_graph': mol_2_graph,
        'mol_2_nodes': mol_2_nodes,
        'params': params,
    }


def reference(mol_1_graph, mol_1_nodes, mol_2_graph, mol_2_nodes, params):
    m1 = encoder(mol_1_nodes, mol_1_graph, params)
    m2 = encoder(mol_2_nodes, mol_2_graph, params)
    r = jnp.concatenate([m1, m2], axis=-1)
    r = jax.nn.relu(r @ params['linear_1']['W'] + params['linear_1']['b'])
    r = jax.nn.relu(r @ params['linear_2']['W'] + params['linear_2']['b'])
    r = jax.nn.sigmoid(r @ params['linear_3']['W'] + params['linear_3']['b'])
    return r

if __name__ == "__main__":
    import jax
    _d = setup_inputs()
    print(jax.jit(kernel)(*tuple(_d.values())))

</pallas_src>

<mosaic_0001>
#map = affine_map<(d0, d1) -> (0, 0)>
#map1 = affine_map<(d0, d1) -> (0, 0, 0)>
module attributes {stable_mosaic.version = 14 : i64} {
  func.func @_seg_body(%arg0: i32, %arg1: i32, %arg2: memref<20480x32xf32, #tpu.memory_space<hbm>>, %arg3: memref<32x81x128xi32, #tpu.memory_space<hbm>>, %arg4: memref<32x81x128xi32, #tpu.memory_space<hbm>>, %arg5: memref<2x20480x32xf32, #tpu.memory_space<hbm>>, %arg6: memref<20480x32xf32, #tpu.memory_space<vmem_shared>>, %arg7: memref<20480x32xf32, #tpu.memory_space<vmem_shared>>, %arg8: memref<81x128xi32, #tpu.memory_space<vmem>>, %arg9: memref<81x128xi32, #tpu.memory_space<vmem>>, %arg10: memref<3x128x32xf32, #tpu.memory_space<vmem>>, %arg11: memref<160x32xf32, #tpu.memory_space<vmem>>, %arg12: memref<!tpu.dma_semaphore, #tpu.memory_space<semaphore_mem>>, %arg13: memref<!tpu.dma_semaphore, #tpu.memory_space<semaphore_mem>>, %arg14: memref<!tpu.dma_semaphore, #tpu.memory_space<semaphore_mem>>, %arg15: memref<!tpu.dma_semaphore, #tpu.memory_space<semaphore_mem>>) attributes {dimension_semantics = [#tpu.dimension_semantics<core_parallel>, #tpu.dimension_semantics<subcore_parallel>], iteration_bounds = array<i64: 2, 16>, scalar_prefetch = 0 : i64, scratch_operands = 10 : i64, tpu.core_type = #tpu.core_type<sc_vector_subcore>, window_params = [{transform_indices = #map}, {transform_indices = #map1}, {transform_indices = #map1}, {transform_indices = #map1}]} {
    %mul3A = arith.constant 16 : i32
    %mul3A_0 = arith.muli %arg0, %mul3A : i32
    %add3A = arith.addi %mul3A_0, %arg1 : i32
    %dma_start3A = arith.constant 0 : i32
    %dma_start3A_1 = arith.constant 0 : i32
    %dma_start3A_2 = tpu.memref_slice %arg3[%add3A, %dma_start3A, %dma_start3A_1] : memref<32x81x128xi32, #tpu.memory_space<hbm>> -> memref<1x81x128xi32, #tpu.memory_space<hbm>>
    %dma_start3A_3 = tpu.memref_squeeze %dma_start3A_2 : memref<1x81x128xi32, #tpu.memory_space<hbm>> -> memref<81x128xi32, #tpu.memory_space<hbm>>
    %dma_start3A_4 = arith.constant 0 : i32
    %dma_start3A_5 = arith.constant 0 : i32
    %dma_start3A_6 = tpu.memref_slice %arg3[%add3A, %dma_start3A_4, %dma_start3A_5] : memref<32x81x128xi32, #tpu.memory_space<hbm>> -> memref<1x81x128xi32, #tpu.memory_space<hbm>>
    %dma_start3A_7 = tpu.memref_squeeze %dma_start3A_6 : memref<1x81x128xi32, #tpu.memory_space<hbm>> -> memref<81x128xi32, #tpu.memory_space<hbm>>
    tpu.enqueue_dma source(%dma_start3A_7 : memref<81x128xi32, #tpu.memory_space<hbm>>) target(%arg8 : memref<81x128xi32, #tpu.memory_space<vmem>>) target_semaphore(%arg12 : memref<!tpu.dma_semaphore, #tpu.memory_space<semaphore_mem>>)
    %dma_start3A_8 = arith.constant 0 : i32
    %dma_start3A_9 = arith.constant 0 : i32
    %dma_start3A_10 = tpu.memref_slice %arg4[%add3A, %dma_start3A_8, %dma_start3A_9] : memref<32x81x128xi32, #tpu.memory_space<hbm>> -> memref<1x81x128xi32, #tpu.memory_space<hbm>>
    %dma_start3A_11 = tpu.memref_squeeze %dma_start3A_10 : memref<1x81x128xi32, #tpu.memory_space<hbm>> -> memref<81x128xi32, #tpu.memory_space<hbm>>
    %dma_start3A_12 = arith.constant 0 : i32
    %dma_start3A_13 = arith.constant 0 : i32
    %dma_start3A_14 = tpu.memref_slice %arg4[%add3A, %dma_start3A_12, %dma_start3A_13] : memref<32x81x128xi32, #tpu.memory_space<hbm>> -> memref<1x81x128xi32, #tpu.memory_space<hbm>>
    %dma_start3A_15 = tpu.memref_squeeze %dma_start3A_14 : memref<1x81x128xi32, #tpu.memory_space<hbm>> -> memref<81x128xi32, #tpu.memory_space<hbm>>
    tpu.enqueue_dma source(%dma_start3A_15 : memref<81x128xi32, #tpu.memory_space<hbm>>) target(%arg9 : memref<81x128xi32, #tpu.memory_space<vmem>>) target_semaphore(%arg13 : memref<!tpu.dma_semaphore, #tpu.memory_space<semaphore_mem>>)
    %mul3A_16 = arith.constant 1280 : i32
    %mul3A_17 = arith.muli %arg1, %mul3A_16 : i32
    %dma_start3A_18 = arith.constant 0 : i32
    %dma_start3A_19 = tpu.memref_slice %arg7[%mul3A_17, %dma_start3A_18] : memref<20480x32xf32, #tpu.memory_space<vmem_shared>> -> memref<1280x32xf32, #tpu.memory_space<vmem_shared>>
    %dma_start3A_20 = arith.constant 0 : i32
    %dma_start3A_21 = tpu.memref_slice %arg2[%mul3A_17, %dma_start3A_20] : memref<20480x32xf32, #tpu.memory_space<hbm>> -> memref<1280x32xf32, #tpu.memory_space<hbm>>
    tpu.enqueue_dma source(%dma_start3A_21 : memref<1280x32xf32, #tpu.memory_space<hbm>>) target(%dma_start3A_19 : memref<1280x32xf32, #tpu.memory_space<vmem_shared>>) target_semaphore(%arg14 : memref<!tpu.dma_semaphore, #tpu.memory_space<semaphore_mem>>)
    %broadcast_in_dim3A = arith.constant 0.000000e+00 : f32
    %broadcast_in_dim3A_22 = vector.broadcast %broadcast_in_dim3A : f32 to vector<16xf32>
    %scan3A = arith.constant 0 : i32
    %scan3A_23 = arith.constant 0 : i32
    %scan3A_24 = arith.constant 320 : i32
    %scan3A_25 = arith.addi %scan3A_23, %scan3A_24 : i32
    %scan3A_26 = arith.constant 1 : i32
    scf.for %scan3A_250 = %scan3A_23 to %scan3A_25 step %scan3A_26  : i32 {
      %jit3A = arith.constant 2 : i32
      %div3A = arith.divsi %scan3A_250, %jit3A : i32
      %sign3A = arith.constant 0 : i32
      %sign3A_251 = arith.cmpi sgt, %scan3A_250, %sign3A : i32
      %sign3A_252 = arith.extui %sign3A_251 : i1 to i32
      %sign3A_253 = arith.constant 0 : i32
      %sign3A_254 = arith.cmpi slt, %scan3A_250, %sign3A_253 : i32
      %sign3A_255 = arith.extui %sign3A_254 : i1 to i32
      %sign3A_256 = arith.subi %sign3A_252, %sign3A_255 : i32
      %sign3A_257 = arith.constant 0 : i32
      %sign3A_258 = arith.cmpi sgt, %jit3A, %sign3A_257 : i32
      %sign3A_259 = arith.extui %sign3A_258 : i1 to i32
      %sign3A_260 = arith.constant 0 : i32
      %sign3A_261 = arith.cmpi slt, %jit3A, %sign3A_260 : i32
      %sign3A_262 = arith.extui %sign3A_261 : i1 to i32
      %sign3A_263 = arith.subi %sign3A_259, %sign3A_262 : i32
      %ne3A = arith.cmpi ne, %sign3A_256, %sign3A_263 : i32
      %rem3A = arith.remsi %scan3A_250, %jit3A : i32
      %ne3A_264 = arith.constant 0 : i32
      %ne3A_265 = arith.cmpi ne, %rem3A, %ne3A_264 : i32
      %and3A = arith.andi %ne3A, %ne3A_265 : i1
      %sub3A = arith.constant 1 : i32
      %sub3A_266 = arith.subi %div3A, %sub3A : i32
      %select_n3A = arith.select %and3A, %sub3A_266, %div3A : i32
      %jit3A_267 = arith.constant 2 : i32
      %eq3A = arith.constant 0 : i32
      %eq3A_268 = arith.cmpi eq, %jit3A_267, %eq3A : i32
      %jit3A_269 = arith.constant 1 : i32
      %select_n3A_270 = arith.select %eq3A_268, %jit3A_269, %jit3A_267 : i32
      %rem3A_271 = arith.remsi %scan3A_250, %select_n3A_270 : i32
      %ne3A_272 = arith.constant 0 : i32
      %ne3A_273 = arith.cmpi ne, %rem3A_271, %ne3A_272 : i32
      %lt3A = arith.constant 0 : i32
      %lt3A_274 = arith.cmpi slt, %rem3A_271, %lt3A : i32
      %lt3A_275 = arith.constant 0 : i32
      %lt3A_276 = arith.cmpi slt, %select_n3A_270, %lt3A_275 : i32
      %ne3A_277 = arith.xori %lt3A_274, %lt3A_276 : i1
      %and3A_278 = arith.andi %ne3A_277, %ne3A_273 : i1
      %add3A_279 = arith.addi %rem3A_271, %select_n3A_270 : i32
      %select_n3A_280 = arith.select %and3A_278, %add3A_279, %rem3A_271 : i32
      %mul3A_281 = arith.constant 16 : i32
      %mul3A_282 = arith.muli %select_n3A_280, %mul3A_281 : i32
      %swap3A = arith.index_cast %select_n3A : i32 to index
      %swap3A_283 = arith.index_cast %mul3A_282 : i32 to index
      %swap3A_284 = tpu.vector_load %arg11[%swap3A, %swap3A_283] {strides = array<i32>} : memref<160x32xf32, #tpu.memory_space<vmem>>, vector<1x16xf32>,
      %swap3A_285 = vector.shape_cast %swap3A_284 : vector<1x16xf32> to vector<16xf32>
      %swap3A_286 = vector.shape_cast %broadcast_in_dim3A_22 : vector<16xf32> to vector<1x16xf32>
      tpu.vector_store %arg11[%swap3A, %swap3A_283], %swap3A_286 {strides = array<i32>} : memref<160x32xf32, #tpu.memory_space<vmem>>, vector<1x16xf32>,
    }
    %scan3A_27 = arith.constant 320 : i32
    %dma_wait3A = arith.constant 0 : i32
    %dma_wait3A_28 = arith.constant 0 : i32
    %dma_wait3A_29 = tpu.memref_slice %arg3[%add3A, %dma_wait3A, %dma_wait3A_28] : memref<32x81x128xi32, #tpu.memory_space<hbm>> -> memref<1x81x128xi32, #tpu.memory_space<hbm>>
    %dma_wait3A_30 = tpu.memref_squeeze %dma_wait3A_29 : memref<1x81x128xi32, #tpu.memory_space<hbm>> -> memref<81x128xi32, #tpu.memory_space<hbm>>
    %dma_wait3A_31 = arith.constant 0 : i32
    %dma_wait3A_32 = arith.constant 0 : i32
    %dma_wait3A_33 = tpu.memref_slice %arg3[%add3A, %dma_wait3A_31, %dma_wait3A_32] : memref<32x81x128xi32, #tpu.memory_space<hbm>> -> memref<1x81x128xi32, #tpu.memory_space<hbm>>
    %dma_wait3A_34 = tpu.memref_squeeze %dma_wait3A_33 : memref<1x81x128xi32, #tpu.memory_space<hbm>> -> memref<81x128xi32, #tpu.memory_space<hbm>>
    tpu.wait_dma2 semaphore(%arg12 : memref<!tpu.dma_semaphore, #tpu.memory_space<semaphore_mem>>) src(%dma_wait3A_34 : memref<81x128xi32, #tpu.memory_space<hbm>>) dst(%arg8 : memref<81x128xi32, #tpu.memory_space<vmem>>)
    %dma_wait3A_35 = arith.constant 0 : i32
    %dma_wait3A_36 = arith.constant 0 : i32
    %dma_wait3A_37 = tpu.memref_slice %arg4[%add3A, %dma_wait3A_35, %dma_wait3A_36] : memref<32x81x128xi32, #tpu.memory_space<hbm>> -> memref<1x81x128xi32, #tpu.memory_space<hbm>>
    %dma_wait3A_38 = tpu.memref_squeeze %dma_wait3A_37 : memref<1x81x128xi32, #tpu.memory_space<hbm>> -> memref<81x128xi32, #tpu.memory_space<hbm>>
    %dma_wait3A_39 = arith.constant 0 : i32
    %dma_wait3A_40 = arith.constant 0 : i32
    %dma_wait3A_41 = tpu.memref_slice %arg4[%add3A, %dma_wait3A_39, %dma_wait3A_40] : memref<32x81x128xi32, #tpu.memory_space<hbm>> -> memref<1x81x128xi32, #tpu.memory_space<hbm>>
    %dma_wait3A_42 = tpu.memref_squeeze %dma_wait3A_41 : memref<1x81x128xi32, #tpu.memory_space<hbm>> -> memref<81x128xi32, #tpu.memory_space<hbm>>
    tpu.wait_dma2 semaphore(%arg13 : memref<!tpu.dma_semaphore, #tpu.memory_space<semaphore_mem>>) src(%dma_wait3A_42 : memref<81x128xi32, #tpu.memory_space<hbm>>) dst(%arg9 : memref<81x128xi32, #tpu.memory_space<vmem>>)
    %dma_wait3A_43 = arith.constant 0 : i32
    %dma_wait3A_44 = tpu.memref_slice %arg7[%mul3A_17, %dma_wait3A_43] : memref<20480x32xf32, #tpu.memory_space<vmem_shared>> -> memref<1280x32xf32, #tpu.memory_space<vmem_shared>>
    %dma_wait3A_45 = arith.constant 0 : i32
    %dma_wait3A_46 = tpu.memref_slice %arg2[%mul3A_17, %dma_wait3A_45] : memref<20480x32xf32, #tpu.memory_space<hbm>> -> memref<1280x32xf32, #tpu.memory_space<hbm>>
    tpu.wait_dma2 semaphore(%arg14 : memref<!tpu.dma_semaphore, #tpu.memory_space<semaphore_mem>>) src(%dma_wait3A_46 : memref<1280x32xf32, #tpu.memory_space<hbm>>) dst(%dma_wait3A_44 : memref<1280x32xf32, #tpu.memory_space<vmem_shared>>)
    %mul3A_47 = arith.constant 1280 : i32
    %mul3A_48 = arith.muli %arg1, %mul3A_47 : i32
    %add3A_49 = arith.constant 0 : i32
    %add3A_50 = arith.addi %mul3A_48, %add3A_49 : i32
    %mul3A_51 = arith.constant 1280 : i32
    %mul3A_52 = arith.muli %arg1, %mul3A_51 : i32
    %add3A_53 = arith.constant 160 : i32
    %add3A_54 = arith.addi %mul3A_52, %add3A_53 : i32
    %mul3A_55 = arith.constant 1280 : i32
    %mul3A_56 = arith.muli %arg1, %mul3A_55 : i32
    %add3A_57 = arith.constant 320 : i32
    %add3A_58 = arith.addi %mul3A_56, %add3A_57 : i32
    %mul3A_59 = arith.constant 1280 : i32
    %mul3A_60 = arith.muli %arg1, %mul3A_59 : i32
    %add3A_61 = arith.constant 480 : i32
    %add3A_62 = arith.addi %mul3A_60, %add3A_61 : i32
    %mul3A_63 = arith.constant 1280 : i32
    %mul3A_64 = arith.muli %arg1, %mul3A_63 : i32
    %add3A_65 = arith.constant 640 : i32
    %add3A_66 = arith.addi %mul3A_64, %add3A_65 : i32
    %mul3A_67 = arith.constant 1280 : i32
    %mul3A_68 = arith.muli %arg1, %mul3A_67 : i32
    %add3A_69 = arith.constant 800 : i32
    %add3A_70 = arith.addi %mul3A_68, %add3A_69 : i32
    %mul3A_71 = arith.constant 1280 : i32
    %mul3A_72 = arith.muli %arg1, %mul3A_71 : i32
    %add3A_73 = arith.constant 960 : i32
    %add3A_74 = arith.addi %mul3A_72, %add3A_73 : i32
    %mul3A_75 = arith.constant 1280 : i32
    %mul3A_76 = arith.muli %arg1, %mul3A_75 : i32
    %add3A_77 = arith.constant 1120 : i32
    %add3A_78 = arith.addi %mul3A_76, %add3A_77 : i32
    %dma_start3A_79 = arith.constant 0 : i32
    %dma_start3A_80 = tpu.memref_slice %arg6[%add3A_50, %dma_start3A_79] : memref<20480x32xf32, #tpu.memory_space<vmem_shared>> -> memref<160x32xf32, #tpu.memory_space<vmem_shared>>
    %dma_start3A_81 = arith.constant 0 : i32
    %dma_start3A_82 = tpu.memref_slice %arg6[%add3A_50, %dma_start3A_81] : memref<20480x32xf32, #tpu.memory_space<vmem_shared>> -> memref<160x32xf32, #tpu.memory_space<vmem_shared>>
    tpu.enqueue_dma source(%arg11 : memref<160x32xf32, #tpu.memory_space<vmem>>) target(%dma_start3A_82 : memref<160x32xf32, #tpu.memory_space<vmem_shared>>) target_semaphore(%arg14 : memref<!tpu.dma_semaphore, #tpu.memory_space<semaphore_mem>>)
    %dma_start3A_83 = arith.constant 0 : i32
    %dma_start3A_84 = tpu.memref_slice %arg6[%add3A_54, %dma_start3A_83] : memref<20480x32xf32, #tpu.memory_space<vmem_shared>> -> memref<160x32xf32, #tpu.memory_space<vmem_shared>>
    %dma_start3A_85 = arith.constant 0 : i32
    %dma_start3A_86 = tpu.memref_slice %arg6[%add3A_54, %dma_start3A_85] : memref<20480x32xf32, #tpu.memory_space<vmem_shared>> -> memref<160x32xf32, #tpu.memory_space<vmem_shared>>
    tpu.enqueue_dma source(%arg11 : memref<160x32xf32, #tpu.memory_space<vmem>>) target(%dma_start3A_86 : memref<160x32xf32, #tpu.memory_space<vmem_shared>>) target_semaphore(%arg14 : memref<!tpu.dma_semaphore, #tpu.memory_space<semaphore_mem>>)
    %dma_start3A_87 = arith.constant 0 : i32
    %dma_start3A_88 = tpu.memref_slice %arg6[%add3A_58, %dma_start3A_87] : memref<20480x32xf32, #tpu.memory_space<vmem_shared>> -> memref<160x32xf32, #tpu.memory_space<vmem_shared>>
    %dma_start3A_89 = arith.constant 0 : i32
    %dma_start3A_90 = tpu.memref_slice %arg6[%add3A_58, %dma_start3A_89] : memref<20480x32xf32, #tpu.memory_space<vmem_shared>> -> memref<160x32xf32, #tpu.memory_space<vmem_shared>>
    tpu.enqueue_dma source(%arg11 : memref<160x32xf32, #tpu.memory_space<vmem>>) target(%dma_start3A_90 : memref<160x32xf32, #tpu.memory_space<vmem_shared>>) target_semaphore(%arg14 : memref<!tpu.dma_semaphore, #tpu.memory_space<semaphore_mem>>)
    %dma_start3A_91 = arith.constant 0 : i32
    %dma_start3A_92 = tpu.memref_slice %arg6[%add3A_62, %dma_start3A_91] : memref<20480x32xf32, #tpu.memory_space<vmem_shared>> -> memref<160x32xf32, #tpu.memory_space<vmem_shared>>
    %dma_start3A_93 = arith.constant 0 : i32
    %dma_start3A_94 = tpu.memref_slice %arg6[%add3A_62, %dma_start3A_93] : memref<20480x32xf32, #tpu.memory_space<vmem_shared>> -> memref<160x32xf32, #tpu.memory_space<vmem_shared>>
    tpu.enqueue_dma source(%arg11 : memref<160x32xf32, #tpu.memory_space<vmem>>) target(%dma_start3A_94 : memref<160x32xf32, #tpu.memory_space<vmem_shared>>) target_semaphore(%arg14 : memref<!tpu.dma_semaphore, #tpu.memory_space<semaphore_mem>>)
    %dma_start3A_95 = arith.constant 0 : i32
    %dma_start3A_96 = tpu.memref_slice %arg6[%add3A_66, %dma_start3A_95] : memref<20480x32xf32, #tpu.memory_space<vmem_shared>> -> memref<160x32xf32, #tpu.memory_space<vmem_shared>>
    %dma_start3A_97 = arith.constant 0 : i32
    %dma_start3A_98 = tpu.memref_slice %arg6[%add3A_66, %dma_start3A_97] : memref<20480x32xf32, #tpu.memory_space<vmem_shared>> -> memref<160x32xf32, #tpu.memory_space<vmem_shared>>
    tpu.enqueue_dma source(%arg11 : memref<160x32xf32, #tpu.memory_space<vmem>>) target(%dma_start3A_98 : memref<160x32xf32, #tpu.memory_space<vmem_shared>>) target_semaphore(%arg14 : memref<!tpu.dma_semaphore, #tpu.memory_space<semaphore_mem>>)
    %dma_start3A_99 = arith.constant 0 : i32
    %dma_start3A_100 = tpu.memref_slice %arg6[%add3A_70, %dma_start3A_99] : memref<20480x32xf32, #tpu.memory_space<vmem_shared>> -> memref<160x32xf32, #tpu.memory_space<vmem_shared>>
    %dma_start3A_101 = arith.constant 0 : i32
    %dma_start3A_102 = tpu.memref_slice %arg6[%add3A_70, %dma_start3A_101] : memref<20480x32xf32, #tpu.memory_space<vmem_shared>> -> memref<160x32xf32, #tpu.memory_space<vmem_shared>>
    tpu.enqueue_dma source(%arg11 : memref<160x32xf32, #tpu.memory_space<vmem>>) target(%dma_start3A_102 : memref<160x32xf32, #tpu.memory_space<vmem_shared>>) target_semaphore(%arg14 : memref<!tpu.dma_semaphore, #tpu.memory_space<semaphore_mem>>)
    %dma_start3A_103 = arith.constant 0 : i32
    %dma_start3A_104 = tpu.memref_slice %arg6[%add3A_74, %dma_start3A_103] : memref<20480x32xf32, #tpu.memory_space<vmem_shared>> -> memref<160x32xf32, #tpu.memory_space<vmem_shared>>
    %dma_start3A_105 = arith.constant 0 : i32
    %dma_start3A_106 = tpu.memref_slice %arg6[%add3A_74, %dma_start3A_105] : memref<20480x32xf32, #tpu.memory_space<vmem_shared>> -> memref<160x32xf32, #tpu.memory_space<vmem_shared>>
    tpu.enqueue_dma source(%arg11 : memref<160x32xf32, #tpu.memory_space<vmem>>) target(%dma_start3A_106 : memref<160x32xf32, #tpu.memory_space<vmem_shared>>) target_semaphore(%arg14 : memref<!tpu.dma_semaphore, #tpu.memory_space<semaphore_mem>>)
    %dma_start3A_107 = arith.constant 0 : i32
    %dma_start3A_108 = tpu.memref_slice %arg6[%add3A_78, %dma_start3A_107] : memref<20480x32xf32, #tpu.memory_space<vmem_shared>> -> memref<160x32xf32, #tpu.memory_space<vmem_shared>>
    %dma_start3A_109 = arith.constant 0 : i32
    %dma_start3A_110 = tpu.memref_slice %arg6[%add3A_78, %dma_start3A_109] : memref<20480x32xf32, #tpu.memory_space<vmem_shared>> -> memref<160x32xf32, #tpu.memory_space<vmem_shared>>
    tpu.enqueue_dma source(%arg11 : memref<160x32xf32, #tpu.memory_space<vmem>>) target(%dma_start3A_110 : memref<160x32xf32, #tpu.memory_space<vmem_shared>>) target_semaphore(%arg14 : memref<!tpu.dma_semaphore, #tpu.memory_space<semaphore_mem>>)
    %dma_wait3A_111 = arith.constant 0 : i32
    %dma_wait3A_112 = tpu.memref_slice %arg6[%add3A_50, %dma_wait3A_111] : memref<20480x32xf32, #tpu.memory_space<vmem_shared>> -> memref<160x32xf32, #tpu.memory_space<vmem_shared>>
    %dma_wait3A_113 = arith.constant 0 : i32
    %dma_wait3A_114 = tpu.memref_slice %arg6[%add3A_50, %dma_wait3A_113] : memref<20480x32xf32, #tpu.memory_space<vmem_shared>> -> memref<160x32xf32, #tpu.memory_space<vmem_shared>>
    tpu.wait_dma2 semaphore(%arg14 : memref<!tpu.dma_semaphore, #tpu.memory_space<semaphore_mem>>) src(%arg11 : memref<160x32xf32, #tpu.memory_space<vmem>>) dst(%dma_wait3A_114 : memref<160x32xf32, #tpu.memory_space<vmem_shared>>)
    %dma_wait3A_115 = arith.constant 0 : i32
    %dma_wait3A_116 = tpu.memref_slice %arg6[%add3A_54, %dma_wait3A_115] : memref<20480x32xf32, #tpu.memory_space<vmem_shared>> -> memref<160x32xf32, #tpu.memory_space<vmem_shared>>
    %dma_wait3A_117 = arith.constant 0 : i32
    %dma_wait3A_118 = tpu.memref_slice %arg6[%add3A_54, %dma_wait3A_117] : memref<20480x32xf32, #tpu.memory_space<vmem_shared>> -> memref<160x32xf32, #tpu.memory_space<vmem_shared>>
    tpu.wait_dma2 semaphore(%arg14 : memref<!tpu.dma_semaphore, #tpu.memory_space<semaphore_mem>>) src(%arg11 : memref<160x32xf32, #tpu.memory_space<vmem>>) dst(%dma_wait3A_118 : memref<160x32xf32, #tpu.memory_space<vmem_shared>>)
    %dma_wait3A_119 = arith.constant 0 : i32
    %dma_wait3A_120 = tpu.memref_slice %arg6[%add3A_58, %dma_wait3A_119] : memref<20480x32xf32, #tpu.memory_space<vmem_shared>> -> memref<160x32xf32, #tpu.memory_space<vmem_shared>>
    %dma_wait3A_121 = arith.constant 0 : i32
    %dma_wait3A_122 = tpu.memref_slice %arg6[%add3A_58, %dma_wait3A_121] : memref<20480x32xf32, #tpu.memory_space<vmem_shared>> -> memref<160x32xf32, #tpu.memory_space<vmem_shared>>
    tpu.wait_dma2 semaphore(%arg14 : memref<!tpu.dma_semaphore, #tpu.memory_space<semaphore_mem>>) src(%arg11 : memref<160x32xf32, #tpu.memory_space<vmem>>) dst(%dma_wait3A_122 : memref<160x32xf32, #tpu.memory_space<vmem_shared>>)
    %dma_wait3A_123 = arith.constant 0 : i32
    %dma_wait3A_124 = tpu.memref_slice %arg6[%add3A_62, %dma_wait3A_123] : memref<20480x32xf32, #tpu.memory_space<vmem_shared>> -> memref<160x32xf32, #tpu.memory_space<vmem_shared>>
    %dma_wait3A_125 = arith.constant 0 : i32
    %dma_wait3A_126 = tpu.memref_slice %arg6[%add3A_62, %dma_wait3A_125] : memref<20480x32xf32, #tpu.memory_space<vmem_shared>> -> memref<160x32xf32, #tpu.memory_space<vmem_shared>>
    tpu.wait_dma2 semaphore(%arg14 : memref<!tpu.dma_semaphore, #tpu.memory_space<semaphore_mem>>) src(%arg11 : memref<160x32xf32, #tpu.memory_space<vmem>>) dst(%dma_wait3A_126 : memref<160x32xf32, #tpu.memory_space<vmem_shared>>)
    %dma_wait3A_127 = arith.constant 0 : i32
    %dma_wait3A_128 = tpu.memref_slice %arg6[%add3A_66, %dma_wait3A_127] : memref<20480x32xf32, #tpu.memory_space<vmem_shared>> -> memref<160x32xf32, #tpu.memory_space<vmem_shared>>
    %dma_wait3A_129 = arith.constant 0 : i32
    %dma_wait3A_130 = tpu.memref_slice %arg6[%add3A_66, %dma_wait3A_129] : memref<20480x32xf32, #tpu.memory_space<vmem_shared>> -> memref<160x32xf32, #tpu.memory_space<vmem_shared>>
    tpu.wait_dma2 semaphore(%arg14 : memref<!tpu.dma_semaphore, #tpu.memory_space<semaphore_mem>>) src(%arg11 : memref<160x32xf32, #tpu.memory_space<vmem>>) dst(%dma_wait3A_130 : memref<160x32xf32, #tpu.memory_space<vmem_shared>>)
    %dma_wait3A_131 = arith.constant 0 : i32
    %dma_wait3A_132 = tpu.memref_slice %arg6[%add3A_70, %dma_wait3A_131] : memref<20480x32xf32, #tpu.memory_space<vmem_shared>> -> memref<160x32xf32, #tpu.memory_space<vmem_shared>>
    %dma_wait3A_133 = arith.constant 0 : i32
    %dma_wait3A_134 = tpu.memref_slice %arg6[%add3A_70, %dma_wait3A_133] : memref<20480x32xf32, #tpu.memory_space<vmem_shared>> -> memref<160x32xf32, #tpu.memory_space<vmem_shared>>
    tpu.wait_dma2 semaphore(%arg14 : memref<!tpu.dma_semaphore, #tpu.memory_space<semaphore_mem>>) src(%arg11 : memref<160x32xf32, #tpu.memory_space<vmem>>) dst(%dma_wait3A_134 : memref<160x32xf32, #tpu.memory_space<vmem_shared>>)
    %dma_wait3A_135 = arith.constant 0 : i32
    %dma_wait3A_136 = tpu.memref_slice %arg6[%add3A_74, %dma_wait3A_135] : memref<20480x32xf32, #tpu.memory_space<vmem_shared>> -> memref<160x32xf32, #tpu.memory_space<vmem_shared>>
    %dma_wait3A_137 = arith.constant 0 : i32
    %dma_wait3A_138 = tpu.memref_slice %arg6[%add3A_74, %dma_wait3A_137] : memref<20480x32xf32, #tpu.memory_space<vmem_shared>> -> memref<160x32xf32, #tpu.memory_space<vmem_shared>>
    tpu.wait_dma2 semaphore(%arg14 : memref<!tpu.dma_semaphore, #tpu.memory_space<semaphore_mem>>) src(%arg11 : memref<160x32xf32, #tpu.memory_space<vmem>>) dst(%dma_wait3A_138 : memref<160x32xf32, #tpu.memory_space<vmem_shared>>)
    %dma_wait3A_139 = arith.constant 0 : i32
    %dma_wait3A_140 = tpu.memref_slice %arg6[%add3A_78, %dma_wait3A_139] : memref<20480x32xf32, #tpu.memory_space<vmem_shared>> -> memref<160x32xf32, #tpu.memory_space<vmem_shared>>
    %dma_wait3A_141 = arith.constant 0 : i32
    %dma_wait3A_142 = tpu.memref_slice %arg6[%add3A_78, %dma_wait3A_141] : memref<20480x32xf32, #tpu.memory_space<vmem_shared>> -> memref<160x32xf32, #tpu.memory_space<vmem_shared>>
    tpu.wait_dma2 semaphore(%arg14 : memref<!tpu.dma_semaphore, #tpu.memory_space<semaphore_mem>>) src(%arg11 : memref<160x32xf32, #tpu.memory_space<vmem>>) dst(%dma_wait3A_142 : memref<160x32xf32, #tpu.memory_space<vmem_shared>>)
    %barrier3A = arith.constant 0 : index
    tpu.barrier barrier_id(%barrier3A)
    %dma_start3A_143 = arith.constant 0 : i32
    %dma_start3A_144 = arith.constant 0 : i32
    %dma_start3A_145 = arith.constant 0 : i32
    %dma_start3A_146 = arith.constant 0 : i32
    %dma_start3A_147 = tpu.memref_slice %arg10[%dma_start3A_144, %dma_start3A_145, %dma_start3A_146] : memref<3x128x32xf32, #tpu.memory_space<vmem>> -> memref<1x128x32xf32, #tpu.memory_space<vmem>>
    %dma_start3A_148 = tpu.memref_squeeze %dma_start3A_147 : memref<1x128x32xf32, #tpu.memory_space<vmem>> -> memref<128x32xf32, #tpu.memory_space<vmem>>
    %dma_start3A_149 = arith.constant 0 : i32
    %dma_start3A_150 = tpu.memref_slice %arg8[%dma_start3A_143, %dma_start3A_149] : memref<81x128xi32, #tpu.memory_space<vmem>> -> memref<1x128xi32, #tpu.memory_space<vmem>>
    %dma_start3A_151 = tpu.memref_squeeze %dma_start3A_150 : memref<1x128xi32, #tpu.memory_space<vmem>> -> memref<128xi32, #tpu.memory_space<vmem>>
    %dma_start3A_152 = arith.constant 0 : i32
    %dma_start3A_153 = arith.constant 0 : i32
    %dma_start3A_154 = tpu.memref_slice %arg7[%dma_start3A_152, %dma_start3A_153] : memref<20480x32xf32, #tpu.memory_space<vmem_shared>> -> memref<20480x32xf32, #tpu.memory_space<vmem_shared>>
    tpu.enqueue_indirect_dma source(%dma_start3A_154 : memref<20480x32xf32, #tpu.memory_space<vmem_shared>>) target(%dma_start3A_148 : memref<128x32xf32, #tpu.memory_space<vmem>>) offsets(%dma_start3A_151 : memref<128xi32, #tpu.memory_space<vmem>>) semaphore(%arg12 : memref<!tpu.dma_semaphore, #tpu.memory_space<semaphore_mem>>)
    %dma_start3A_155 = arith.constant 1 : i32
    %dma_start3A_156 = arith.constant 1 : i32
    %dma_start3A_157 = arith.constant 0 : i32
    %dma_start3A_158 = arith.constant 0 : i32
    %dma_start3A_159 = tpu.memref_slice %arg10[%dma_start3A_156, %dma_start3A_157, %dma_start3A_158] : memref<3x128x32xf32, #tpu.memory_space<vmem>> -> memref<1x128x32xf32, #tpu.memory_space<vmem>>
    %dma_start3A_160 = tpu.memref_squeeze %dma_start3A_159 : memref<1x128x32xf32, #tpu.memory_space<vmem>> -> memref<128x32xf32, #tpu.memory_space<vmem>>
    %dma_start3A_161 = arith.constant 0 : i32
    %dma_start3A_162 = tpu.memref_slice %arg8[%dma_start3A_155, %dma_start3A_161] : memref<81x128xi32, #tpu.memory_space<vmem>> -> memref<1x128xi32, #tpu.memory_space<vmem>>
    %dma_start3A_163 = tpu.memref_squeeze %dma_start3A_162 : memref<1x128xi32, #tpu.memory_space<vmem>> -> memref<128xi32, #tpu.memory_space<vmem>>
    %dma_start3A_164 = arith.constant 0 : i32
    %dma_start3A_165 = arith.constant 0 : i32
    %dma_start3A_166 = tpu.memref_slice %arg7[%dma_start3A_164, %dma_start3A_165] : memref<20480x32xf32, #tpu.memory_space<vmem_shared>> -> memref<20480x32xf32, #tpu.memory_space<vmem_shared>>
    tpu.enqueue_indirect_dma source(%dma_start3A_166 : memref<20480x32xf32, #tpu.memory_space<vmem_shared>>) target(%dma_start3A_160 : memref<128x32xf32, #tpu.memory_space<vmem>>) offsets(%dma_start3A_163 : memref<128xi32, #tpu.memory_space<vmem>>) semaphore(%arg13 : memref<!tpu.dma_semaphore, #tpu.memory_space<semaphore_mem>>)
    %dma_wait3A_167 = arith.constant 0 : i32
    %dma_wait3A_168 = arith.constant 0 : i32
    %dma_wait3A_169 = arith.constant 0 : i32
    %dma_wait3A_170 = arith.constant 0 : i32
    %dma_wait3A_171 = tpu.memref_slice %arg10[%dma_wait3A_168, %dma_wait3A_169, %dma_wait3A_170] : memref<3x128x32xf32, #tpu.memory_space<vmem>> -> memref<1x128x32xf32, #tpu.memory_space<vmem>>
    %dma_wait3A_172 = tpu.memref_squeeze %dma_wait3A_171 : memref<1x128x32xf32, #tpu.memory_space<vmem>> -> memref<128x32xf32, #tpu.memory_space<vmem>>
    %dma_wait3A_173 = arith.constant 0 : i32
    %dma_wait3A_174 = tpu.memref_slice %arg8[%dma_wait3A_167, %dma_wait3A_173] : memref<81x128xi32, #tpu.memory_space<vmem>> -> memref<1x128xi32, #tpu.memory_space<vmem>>
    %dma_wait3A_175 = tpu.memref_squeeze %dma_wait3A_174 : memref<1x128xi32, #tpu.memory_space<vmem>> -> memref<128xi32, #tpu.memory_space<vmem>>
    %dma_wait3A_176 = arith.constant 0 : i32
    %dma_wait3A_177 = arith.constant 0 : i32
    %dma_wait3A_178 = tpu.memref_slice %arg7[%dma_wait3A_176, %dma_wait3A_177] : memref<20480x32xf32, #tpu.memory_space<vmem_shared>> -> memref<20480x32xf32, #tpu.memory_space<vmem_shared>>
    tpu.wait_indirect_dma semaphore(%arg12 : memref<!tpu.dma_semaphore, #tpu.memory_space<semaphore_mem>>) src(%dma_wait3A_178 : memref<20480x32xf32, #tpu.memory_space<vmem_shared>>) dst(%dma_wait3A_172 : memref<128x32xf32, #tpu.memory_space<vmem>>)
    %dma_start3A_179 = arith.constant 2 : i32
    %dma_start3A_180 = arith.constant 2 : i32
    %dma_start3A_181 = arith.constant 0 : i32
    %dma_start3A_182 = arith.constant 0 : i32
    %dma_start3A_183 = tpu.memref_slice %arg10[%dma_start3A_180, %dma_start3A_181, %dma_start3A_182] : memref<3x128x32xf32, #tpu.memory_space<vmem>> -> memref<1x128x32xf32, #tpu.memory_space<vmem>>
    %dma_start3A_184 = tpu.memref_squeeze %dma_start3A_183 : memref<1x128x32xf32, #tpu.memory_space<vmem>> -> memref<128x32xf32, #tpu.memory_space<vmem>>
    %dma_start3A_185 = arith.constant 0 : i32
    %dma_start3A_186 = tpu.memref_slice %arg8[%dma_start3A_179, %dma_start3A_185] : memref<81x128xi32, #tpu.memory_space<vmem>> -> memref<1x128xi32, #tpu.memory_space<vmem>>
    %dma_start3A_187 = tpu.memref_squeeze %dma_start3A_186 : memref<1x128xi32, #tpu.memory_space<vmem>> -> memref<128xi32, #tpu.memory_space<vmem>>
    %dma_start3A_188 = arith.constant 0 : i32
    %dma_start3A_189 = arith.constant 0 : i32
    %dma_start3A_190 = tpu.memref_slice %arg7[%dma_start3A_188, %dma_start3A_189] : memref<20480x32xf32, #tpu.memory_space<vmem_shared>> -> memref<20480x32xf32, #tpu.memory_space<vmem_shared>>
    tpu.enqueue_indirect_dma source(%dma_start3A_190 : memref<20480x32xf32, #tpu.memory_space<vmem_shared>>) target(%dma_start3A_184 : memref<128x32xf32, #tpu.memory_space<vmem>>) offsets(%dma_start3A_187 : memref<128xi32, #tpu.memory_space<vmem>>) semaphore(%arg12 : memref<!tpu.dma_semaphore, #tpu.memory_space<semaphore_mem>>)
    %dma_start3A_191 = arith.constant 0 : i32
    %dma_start3A_192 = arith.constant 0 : i32
    %dma_start3A_193 = arith.constant 0 : i32
    %dma_start3A_194 = arith.constant 0 : i32
    %dma_start3A_195 = tpu.memref_slice %arg10[%dma_start3A_191, %dma_start3A_193, %dma_start3A_194] : memref<3x128x32xf32, #tpu.memory_space<vmem>> -> memref<1x128x32xf32, #tpu.memory_space<vmem>>
    %dma_start3A_196 = tpu.memref_squeeze %dma_start3A_195 : memref<1x128x32xf32, #tpu.memory_space<vmem>> -> memref<128x32xf32, #tpu.memory_space<vmem>>
    %dma_start3A_197 = arith.constant 0 : i32
    %dma_start3A_198 = tpu.memref_slice %arg9[%dma_start3A_192, %dma_start3A_197] : memref<81x128xi32, #tpu.memory_space<vmem>> -> memref<1x128xi32, #tpu.memory_space<vmem>>
    %dma_start3A_199 = tpu.memref_squeeze %dma_start3A_198 : memref<1x128xi32, #tpu.memory_space<vmem>> -> memref<128xi32, #tpu.memory_space<vmem>>
    %dma_start3A_200 = arith.constant 0 : i32
    %dma_start3A_201 = arith.constant 0 : i32
    %dma_start3A_202 = tpu.memref_slice %arg6[%dma_start3A_200, %dma_start3A_201] : memref<20480x32xf32, #tpu.memory_space<vmem_shared>> -> memref<20480x32xf32, #tpu.memory_space<vmem_shared>>
    tpu.enqueue_indirect_dma source(%dma_start3A_196 : memref<128x32xf32, #tpu.memory_space<vmem>>) target(%dma_start3A_202 : memref<20480x32xf32, #tpu.memory_space<vmem_shared>>) offsets(%dma_start3A_199 : memref<128xi32, #tpu.memory_space<vmem>>) semaphore(%arg15 : memref<!tpu.dma_semaphore, #tpu.memory_space<semaphore_mem>>) {add = true}
    %scan3A_203 = arith.constant 0 : i32
    %scan3A_204 = arith.constant 0 : i32
    %scan3A_205 = arith.constant 13 : i32
    %scan3A_206 = arith.addi %scan3A_204, %scan3A_205 : i32
    %scan3A_207 = arith.constant 1 : i32
    scf.for %scan3A_250 = %scan3A_204 to %scan3A_206 step %scan3A_207  : i32 {
      %mul3A_251 = arith.constant 6 : i32
      %mul3A_252 = arith.muli %mul3A_251, %scan3A_250 : i32
      %add3A_253 = arith.constant 1 : i32
      %add3A_254 = arith.addi %add3A_253, %mul3A_252 : i32
      %add3A_255 = arith.constant 0 : i32
      %add3A_256 = arith.addi %add3A_254, %add3A_255 : i32
      %dma_wait3A_257 = arith.constant 1 : i32
      %dma_wait3A_258 = arith.constant 0 : i32
      %dma_wait3A_259 = arith.constant 0 : i32
      %dma_wait3A_260 = tpu.memref_slice %arg10[%dma_wait3A_257, %dma_wait3A_258, %dma_wait3A_259] : memref<3x128x32xf32, #tpu.memory_space<vmem>> -> memref<1x128x32xf32, #tpu.memory_space<vmem>>
      %dma_wait3A_261 = tpu.memref_squeeze %dma_wait3A_260 : memref<1x128x32xf32, #tpu.memory_space<vmem>> -> memref<128x32xf32, #tpu.memory_space<vmem>>
      %dma_wait3A_262 = arith.constant 0 : i32
      %dma_wait3A_263 = tpu.memref_slice %arg8[%add3A_256, %dma_wait3A_262] : memref<81x128xi32, #tpu.memory_space<vmem>> -> memref<1x128xi32, #tpu.memory_space<vmem>>
      %dma_wait3A_264 = tpu.memref_squeeze %dma_wait3A_263 : memref<1x128xi32, #tpu.memory_space<vmem>> -> memref<128xi32, #tpu.memory_space<vmem>>
      %dma_wait3A_265 = arith.constant 0 : i32
      %dma_wait3A_266 = arith.constant 0 : i32
      %dma_wait3A_267 = tpu.memref_slice %arg7[%dma_wait3A_265, %dma_wait3A_266] : memref<20480x32xf32, #tpu.memory_space<vmem_shared>> -> memref<20480x32xf32, #tpu.memory_space<vmem_shared>>
      tpu.wait_indirect_dma semaphore(%arg13 : memref<!tpu.dma_semaphore, #tpu.memory_space<semaphore_mem>>) src(%dma_wait3A_267 : memref<20480x32xf32, #tpu.memory_space<vmem_shared>>) dst(%dma_wait3A_261 : memref<128x32xf32, #tpu.memory_space<vmem>>)
      %sub3A = arith.constant 1 : i32
      %sub3A_268 = arith.subi %add3A_256, %sub3A : i32
      %dma_wait3A_269 = arith.constant 0 : i32
      %dma_wait3A_270 = arith.constant 0 : i32
      %dma_wait3A_271 = arith.constant 0 : i32
      %dma_wait3A_272 = tpu.memref_slice %arg10[%dma_wait3A_269, %dma_wait3A_270, %dma_wait3A_271] : memref<3x128x32xf32, #tpu.memory_space<vmem>> -> memref<1x128x32xf32, #tpu.memory_space<vmem>>
      %dma_wait3A_273 = tpu.memref_squeeze %dma_wait3A_272 : memref<1x128x32xf32, #tpu.memory_space<vmem>> -> memref<128x32xf32, #tpu.memory_space<vmem>>
      %dma_wait3A_274 = arith.constant 0 : i32
      %dma_wait3A_275 = tpu.memref_slice %arg9[%sub3A_268, %dma_wait3A_274] : memref<81x128xi32, #tpu.memory_space<vmem>> -> memref<1x128xi32, #tpu.memory_space<vmem>>
      %dma_wait3A_276 = tpu.memref_squeeze %dma_wait3A_275 : memref<1x128xi32, #tpu.memory_space<vmem>> -> memref<128xi32, #tpu.memory_space<vmem>>
      %dma_wait3A_277 = arith.constant 0 : i32
      %dma_wait3A_278 = arith.constant 0 : i32
      %dma_wait3A_279 = tpu.memref_slice %arg6[%dma_wait3A_277, %dma_wait3A_278] : memref<20480x32xf32, #tpu.memory_space<vmem_shared>> -> memref<20480x32xf32, #tpu.memory_space<vmem_shared>>
      tpu.wait_indirect_dma semaphore(%arg15 : memref<!tpu.dma_semaphore, #tpu.memory_space<semaphore_mem>>) src(%dma_wait3A_273 : memref<128x32xf32, #tpu.memory_space<vmem>>) dst(%dma_wait3A_279 : memref<20480x32xf32, #tpu.memory_space<vmem_shared>>)
      %add3A_280 = arith.constant 2 : i32
      %add3A_281 = arith.addi %add3A_256, %add3A_280 : i32
      %dma_start3A_282 = arith.constant 0 : i32
      %dma_start3A_283 = arith.constant 0 : i32
      %dma_start3A_284 = arith.constant 0 : i32
      %dma_start3A_285 = tpu.memref_slice %arg10[%dma_start3A_282, %dma_start3A_283, %dma_start3A_284] : memref<3x128x32xf32, #tpu.memory_space<vmem>> -> memref<1x128x32xf32, #tpu.memory_space<vmem>>
      %dma_start3A_286 = tpu.memref_squeeze %dma_start3A_285 : memref<1x128x32xf32, #tpu.memory_space<vmem>> -> memref<128x32xf32, #tpu.memory_space<vmem>>
      %dma_start3A_287 = arith.constant 0 : i32
      %dma_start3A_288 = tpu.memref_slice %arg8[%add3A_281, %dma_start3A_287] : memref<81x128xi32, #tpu.memory_space<vmem>> -> memref<1x128xi32, #tpu.memory_space<vmem>>
      %dma_start3A_289 = tpu.memref_squeeze %dma_start3A_288 : memref<1x128xi32, #tpu.memory_space<vmem>> -> memref<128xi32, #tpu.memory_space<vmem>>
      %dma_start3A_290 = arith.constant 0 : i32
      %dma_start3A_291 = arith.constant 0 : i32
      %dma_start3A_292 = tpu.memref_slice %arg7[%dma_start3A_290, %dma_start3A_291] : memref<20480x32xf32, #tpu.memory_space<vmem_shared>> -> memref<20480x32xf32, #tpu.memory_space<vmem_shared>>
      tpu.enqueue_indirect_dma source(%dma_start3A_292 : memref<20480x32xf32, #tpu.memory_space<vmem_shared>>) target(%dma_start3A_286 : memref<128x32xf32, #tpu.memory_space<vmem>>) offsets(%dma_start3A_289 : memref<128xi32, #tpu.memory_space<vmem>>) semaphore(%arg13 : memref<!tpu.dma_semaphore, #tpu.memory_space<semaphore_mem>>)
      %dma_start3A_293 = arith.constant 1 : i32
      %dma_start3A_294 = arith.constant 0 : i32
      %dma_start3A_295 = arith.constant 0 : i32
      %dma_start3A_296 = tpu.memref_slice %arg10[%dma_start3A_293, %dma_start3A_294, %dma_start3A_295] : memref<3x128x32xf32, #tpu.memory_space<vmem>> -> memref<1x128x32xf32, #tpu.memory_space<vmem>>
      %dma_start3A_297 = tpu.memref_squeeze %dma_start3A_296 : memref<1x128x32xf32, #tpu.memory_space<vmem>> -> memref<128x32xf32, #tpu.memory_space<vmem>>
      %dma_start3A_298 = arith.constant 0 : i32
      %dma_start3A_299 = tpu.memref_slice %arg9[%add3A_256, %dma_start3A_298] : memref<81x128xi32, #tpu.memory_space<vmem>> -> memref<1x128xi32, #tpu.memory_space<vmem>>
      %dma_start3A_300 = tpu.memref_squeeze %dma_start3A_299 : memref<1x128xi32, #tpu.memory_space<vmem>> -> memref<128xi32, #tpu.memory_space<vmem>>
      %dma_start3A_301 = arith.constant 0 : i32
      %dma_start3A_302 = arith.constant 0 : i32
      %dma_start3A_303 = tpu.memref_slice %arg6[%dma_start3A_301, %dma_start3A_302] : memref<20480x32xf32, #tpu.memory_space<vmem_shared>> -> memref<20480x32xf32, #tpu.memory_space<vmem_shared>>
      tpu.enqueue_indirect_dma source(%dma_start3A_297 : memref<128x32xf32, #tpu.memory_space<vmem>>) target(%dma_start3A_303 : memref<20480x32xf32, #tpu.memory_space<vmem_shared>>) offsets(%dma_start3A_300 : memref<128xi32, #tpu.memory_space<vmem>>) semaphore(%arg15 : memref<!tpu.dma_semaphore, #tpu.memory_space<semaphore_mem>>) {add = true}
      %mul3A_304 = arith.constant 6 : i32
      %mul3A_305 = arith.muli %mul3A_304, %scan3A_250 : i32
      %add3A_306 = arith.constant 1 : i32
      %add3A_307 = arith.addi %add3A_306, %mul3A_305 : i32
      %add3A_308 = arith.constant 1 : i32
      %add3A_309 = arith.addi %add3A_307, %add3A_308 : i32
      %dma_wait3A_310 = arith.constant 2 : i32
      %dma_wait3A_311 = arith.constant 0 : i32
      %dma_wait3A_312 = arith.constant 0 : i32
      %dma_wait3A_313 = tpu.memref_slice %arg10[%dma_wait3A_310, %dma_wait3A_311, %dma_wait3A_312] : memref<3x128x32xf32, #tpu.memory_space<vmem>> -> memref<1x128x32xf32, #tpu.memory_space<vmem>>
      %dma_wait3A_314 = tpu.memref_squeeze %dma_wait3A_313 : memref<1x128x32xf32, #tpu.memory_space<vmem>> -> memref<128x32xf32, #tpu.memory_space<vmem>>
      %dma_wait3A_315 = arith.constant 0 : i32
      %dma_wait3A_316 = tpu.memref_slice %arg8[%add3A_309, %dma_wait3A_315] : memref<81x128xi32, #tpu.memory_space<vmem>> -> memref<1x128xi32, #tpu.memory_space<vmem>>
      %dma_wait3A_317 = tpu.memref_squeeze %dma_wait3A_316 : memref<1x128xi32, #tpu.memory_space<vmem>> -> memref<128xi32, #tpu.memory_space<vmem>>
      %dma_wait3A_318 = arith.constant 0 : i32
      %dma_wait3A_319 = arith.constant 0 : i32
      %dma_wait3A_320 = tpu.memref_slice %arg7[%dma_wait3A_318, %dma_wait3A_319] : memref<20480x32xf32, #tpu.memory_space<vmem_shared>> -> memref<20480x32xf32, #tpu.memory_space<vmem_shared>>
      tpu.wait_indirect_dma semaphore(%arg12 : memref<!tpu.dma_semaphore, #tpu.memory_space<semaphore_mem>>) src(%dma_wait3A_320 : memref<20480x32xf32, #tpu.memory_space<vmem_shared>>) dst(%dma_wait3A_314 : memref<128x32xf32, #tpu.memory_space<vmem>>)
      %sub3A_321 = arith.constant 1 : i32
      %sub3A_322 = arith.subi %add3A_309, %sub3A_321 : i32
      %dma_wait3A_323 = arith.constant 1 : i32
      %dma_wait3A_324 = arith.constant 0 : i32
      %dma_wait3A_325 = arith.constant 0 : i32
      %dma_wait3A_326 = tpu.memref_slice %arg10[%dma_wait3A_323, %dma_wait3A_324, %dma_wait3A_325] : memref<3x128x32xf32, #tpu.memory_space<vmem>> -> memref<1x128x32xf32, #tpu.memory_space<vmem>>
      %dma_wait3A_327 = tpu.memref_squeeze %dma_wait3A_326 : memref<1x128x32xf32, #tpu.memory_space<vmem>> -> memref<128x32xf32, #tpu.memory_space<vmem>>
      %dma_wait3A_328 = arith.constant 0 : i32
      %dma_wait3A_329 = tpu.memref_slice %arg9[%sub3A_322, %dma_wait3A_328] : memref<81x128xi32, #tpu.memory_space<vmem>> -> memref<1x128xi32, #tpu.memory_space<vmem>>
      %dma_wait3A_330 = tpu.memref_squeeze %dma_wait3A_329 : memref<1x128xi32, #tpu.memory_space<vmem>> -> memref<128xi32, #tpu.memory_space<vmem>>
      %dma_wait3A_331 = arith.constant 0 : i32
      %dma_wait3A_332 = arith.constant 0 : i32
      %dma_wait3A_333 = tpu.memref_slice %arg6[%dma_wait3A_331, %dma_wait3A_332] : memref<20480x32xf32, #tpu.memory_space<vmem_shared>> -> memref<20480x32xf32, #tpu.memory_space<vmem_shared>>
      tpu.wait_indirect_dma semaphore(%arg15 : memref<!tpu.dma_semaphore, #tpu.memory_space<semaphore_mem>>) src(%dma_wait3A_327 : memref<128x32xf32, #tpu.memory_space<vmem>>) dst(%dma_wait3A_333 : memref<20480x32xf32, #tpu.memory_space<vmem_shared>>)
      %add3A_334 = arith.constant 2 : i32
      %add3A_335 = arith.addi %add3A_309, %add3A_334 : i32
      %dma_start3A_336 = arith.constant 1 : i32
      %dma_start3A_337 = arith.constant 0 : i32
      %dma_start3A_338 = arith.constant 0 : i32
      %dma_start3A_339 = tpu.memref_slice %arg10[%dma_start3A_336, %dma_start3A_337, %dma_start3A_338] : memref<3x128x32xf32, #tpu.memory_space<vmem>> -> memref<1x128x32xf32, #tpu.memory_space<vmem>>
      %dma_start3A_340 = tpu.memref_squeeze %dma_start3A_339 : memref<1x128x32xf32, #tpu.memory_space<vmem>> -> memref<128x32xf32, #tpu.memory_space<vmem>>
      %dma_start3A_341 = arith.constant 0 : i32
      %dma_start3A_342 = tpu.memref_slice %arg8[%add3A_335, %dma_start3A_341] : memref<81x128xi32, #tpu.memory_space<vmem>> -> memref<1x128xi32, #tpu.memory_space<vmem>>
      %dma_start3A_343 = tpu.memref_squeeze %dma_start3A_342 : memref<1x128xi32, #tpu.memory_space<vmem>> -> memref<128xi32, #tpu.memory_space<vmem>>
      %dma_start3A_344 = arith.constant 0 : i32
      %dma_start3A_345 = arith.constant 0 : i32
      %dma_start3A_346 = tpu.memref_slice %arg7[%dma_start3A_344, %dma_start3A_345] : memref<20480x32xf32, #tpu.memory_space<vmem_shared>> -> memref<20480x32xf32, #tpu.memory_space<vmem_shared>>
      tpu.enqueue_indirect_dma source(%dma_start3A_346 : memref<20480x32xf32, #tpu.memory_space<vmem_shared>>) target(%dma_start3A_340 : memref<128x32xf32, #tpu.memory_space<vmem>>) offsets(%dma_start3A_343 : memref<128xi32, #tpu.memory_space<vmem>>) semaphore(%arg12 : memref<!tpu.dma_semaphore, #tpu.memory_space<semaphore_mem>>)
      %dma_start3A_347 = arith.constant 2 : i32
      %dma_start3A_348 = arith.constant 0 : i32
      %dma_start3A_349 = arith.constant 0 : i32
      %dma_start3A_350 = tpu.memref_slice %arg10[%dma_start3A_347, %dma_start3A_348, %dma_start3A_349] : memref<3x128x32xf32, #tpu.memory_space<vmem>> -> memref<1x128x32xf32, #tpu.memory_space<vmem>>
      %dma_start3A_351 = tpu.memref_squeeze %dma_start3A_350 : memref<1x128x32xf32, #tpu.memory_space<vmem>> -> memref<128x32xf32, #tpu.memory_space<vmem>>
      %dma_start3A_352 = arith.constant 0 : i32
      %dma_start3A_353 = tpu.memref_slice %arg9[%add3A_309, %dma_start3A_352] : memref<81x128xi32, #tpu.memory_space<vmem>> -> memref<1x128xi32, #tpu.memory_space<vmem>>
      %dma_start3A_354 = tpu.memref_squeeze %dma_start3A_353 : memref<1x128xi32, #tpu.memory_space<vmem>> -> memref<128xi32, #tpu.memory_space<vmem>>
      %dma_start3A_355 = arith.constant 0 : i32
      %dma_start3A_356 = arith.constant 0 : i32
      %dma_start3A_357 = tpu.memref_slice %arg6[%dma_start3A_355, %dma_start3A_356] : memref<20480x32xf32, #tpu.memory_space<vmem_shared>> -> memref<20480x32xf32, #tpu.memory_space<vmem_shared>>
      tpu.enqueue_indirect_dma source(%dma_start3A_351 : memref<128x32xf32, #tpu.memory_space<vmem>>) target(%dma_start3A_357 : memref<20480x32xf32, #tpu.memory_space<vmem_shared>>) offsets(%dma_start3A_354 : memref<128xi32, #tpu.memory_space<vmem>>) semaphore(%arg15 : memref<!tpu.dma_semaphore, #tpu.memory_space<semaphore_mem>>) {add = true}
      %mul3A_358 = arith.constant 6 : i32
      %mul3A_359 = arith.muli %mul3A_358, %scan3A_250 : i32
      %add3A_360 = arith.constant 1 : i32
      %add3A_361 = arith.addi %add3A_360, %mul3A_359 : i32
      %add3A_362 = arith.constant 2 : i32
      %add3A_363 = arith.addi %add3A_361, %add3A_362 : i32
      %dma_wait3A_364 = arith.constant 0 : i32
      %dma_wait3A_365 = arith.constant 0 : i32
      %dma_wait3A_366 = arith.constant 0 : i32
      %dma_wait3A_367 = tpu.memref_slice %arg10[%dma_wait3A_364, %dma_wait3A_365, %dma_wait3A_366] : memref<3x128x32xf32, #tpu.memory_space<vmem>> -> memref<1x128x32xf32, #tpu.memory_space<vmem>>
      %dma_wait3A_368 = tpu.memref_squeeze %dma_wait3A_367 : memref<1x128x32xf32, #tpu.memory_space<vmem>> -> memref<128x32xf32, #tpu.memory_space<vmem>>
      %dma_wait3A_369 = arith.constant 0 : i32
      %dma_wait3A_370 = tpu.memref_slice %arg8[%add3A_363, %dma_wait3A_369] : memref<81x128xi32, #tpu.memory_space<vmem>> -> memref<1x128xi32, #tpu.memory_space<vmem>>
      %dma_wait3A_371 = tpu.memref_squeeze %dma_wait3A_370 : memref<1x128xi32, #tpu.memory_space<vmem>> -> memref<128xi32, #tpu.memory_space<vmem>>
      %dma_wait3A_372 = arith.constant 0 : i32
      %dma_wait3A_373 = arith.constant 0 : i32
      %dma_wait3A_374 = tpu.memref_slice %arg7[%dma_wait3A_372, %dma_wait3A_373] : memref<20480x32xf32, #tpu.memory_space<vmem_shared>> -> memref<20480x32xf32, #tpu.memory_space<vmem_shared>>
      tpu.wait_indirect_dma semaphore(%arg13 : memref<!tpu.dma_semaphore, #tpu.memory_space<semaphore_mem>>) src(%dma_wait3A_374 : memref<20480x32xf32, #tpu.memory_space<vmem_shared>>) dst(%dma_wait3A_368 : memref<128x32xf32, #tpu.memory_space<vmem>>)
      %sub3A_375 = arith.constant 1 : i32
      %sub3A_376 = arith.subi %add3A_363, %sub3A_375 : i32
      %dma_wait3A_377 = arith.constant 2 : i32
      %dma_wait3A_378 = arith.constant 0 : i32
      %dma_wait3A_379 = arith.constant 0 : i32
      %dma_wait3A_380 = tpu.memref_slice %arg10[%dma_wait3A_377, %dma_wait3A_378, %dma_wait3A_379] : memref<3x128x32xf32, #tpu.memory_space<vmem>> -> memref<1x128x32xf32, #tpu.memory_space<vmem>>
      %dma_wait3A_381 = tpu.memref_squeeze %dma_wait3A_380 : memref<1x128x32xf32, #tpu.memory_space<vmem>> -> memref<128x32xf32, #tpu.memory_space<vmem>>
      %dma_wait3A_382 = arith.constant 0 : i32
      %dma_wait3A_383 = tpu.memref_slice %arg9[%sub3A_376, %dma_wait3A_382] : memref<81x128xi32, #tpu.memory_space<vmem>> -> memref<1x128xi32, #tpu.memory_space<vmem>>
      %dma_wait3A_384 = tpu.memref_squeeze %dma_wait3A_383 : memref<1x128xi32, #tpu.memory_space<vmem>> -> memref<128xi32, #tpu.memory_space<vmem>>
      %dma_wait3A_385 = arith.constant 0 : i32
      %dma_wait3A_386 = arith.constant 0 : i32
      %dma_wait3A_387 = tpu.memref_slice %arg6[%dma_wait3A_385, %dma_wait3A_386] : memref<20480x32xf32, #tpu.memory_space<vmem_shared>> -> memref<20480x32xf32, #tpu.memory_space<vmem_shared>>
      tpu.wait_indirect_dma semaphore(%arg15 : memref<!tpu.dma_semaphore, #tpu.memory_space<semaphore_mem>>) src(%dma_wait3A_381 : memref<128x32xf32, #tpu.memory_space<vmem>>) dst(%dma_wait3A_387 : memref<20480x32xf32, #tpu.memory_space<vmem_shared>>)
      %add3A_388 = arith.constant 2 : i32
      %add3A_389 = arith.addi %add3A_363, %add3A_388 : i32
      %dma_start3A_390 = arith.constant 2 : i32
      %dma_start3A_391 = arith.constant 0 : i32
      %dma_start3A_392 = arith.constant 0 : i32
      %dma_start3A_393 = tpu.memref_slice %arg10[%dma_start3A_390, %dma_start3A_391, %dma_start3A_392] : memref<3x128x32xf32, #tpu.memory_space<vmem>> -> memref<1x128x32xf32, #tpu.memory_space<vmem>>
      %dma_start3A_394 = tpu.memref_squeeze %dma_start3A_393 : memref<1x128x32xf32, #tpu.memory_space<vmem>> -> memref<128x32xf32, #tpu.memory_space<vmem>>
      %dma_start3A_395 = arith.constant 0 : i32
      %dma_start3A_396 = tpu.memref_slice %arg8[%add3A_389, %dma_start3A_395] : memref<81x128xi32, #tpu.memory_space<vmem>> -> memref<1x128xi32, #tpu.memory_space<vmem>>
      %dma_start3A_397 = tpu.memref_squeeze %dma_start3A_396 : memref<1x128xi32, #tpu.memory_space<vmem>> -> memref<128xi32, #tpu.memory_space<vmem>>
      %dma_start3A_398 = arith.constant 0 : i32
      %dma_start3A_399 = arith.constant 0 : i32
      %dma_start3A_400 = tpu.memref_slice %arg7[%dma_start3A_398, %dma_start3A_399] : memref<20480x32xf32, #tpu.memory_space<vmem_shared>> -> memref<20480x32xf32, #tpu.memory_space<vmem_shared>>
      tpu.enqueue_indirect_dma source(%dma_start3A_400 : memref<20480x32xf32, #tpu.memory_space<vmem_shared>>) target(%dma_start3A_394 : memref<128x32xf32, #tpu.memory_space<vmem>>) offsets(%dma_start3A_397 : memref<128xi32, #tpu.memory_space<vmem>>) semaphore(%arg13 : memref<!tpu.dma_semaphore, #tpu.memory_space<semaphore_mem>>)
      %dma_start3A_401 = arith.constant 0 : i32
      %dma_start3A_402 = arith.constant 0 : i32
      %dma_start3A_403 = arith.constant 0 : i32
      %dma_start3A_404 = tpu.memref_slice %arg10[%dma_start3A_401, %dma_start3A_402, %dma_start3A_403] : memref<3x128x32xf32, #tpu.memory_space<vmem>> -> memref<1x128x32xf32, #tpu.memory_space<vmem>>
      %dma_start3A_405 = tpu.memref_squeeze %dma_start3A_404 : memref<1x128x32xf32, #tpu.memory_space<vmem>> -> memref<128x32xf32, #tpu.memory_space<vmem>>
      %dma_start3A_406 = arith.constant 0 : i32
      %dma_start3A_407 = tpu.memref_slice %arg9[%add3A_363, %dma_start3A_406] : memref<81x128xi32, #tpu.memory_space<vmem>> -> memref<1x128xi32, #tpu.memory_space<vmem>>
      %dma_start3A_408 = tpu.memref_squeeze %dma_start3A_407 : memref<1x128xi32, #tpu.memory_space<vmem>> -> memref<128xi32, #tpu.memory_space<vmem>>
      %dma_start3A_409 = arith.constant 0 : i32
      %dma_start3A_410 = arith.constant 0 : i32
      %dma_start3A_411 = tpu.memref_slice %arg6[%dma_start3A_409, %dma_start3A_410] : memref<20480x32xf32, #tpu.memory_space<vmem_shared>> -> memref<20480x32xf32, #tpu.memory_space<vmem_shared>>
      tpu.enqueue_indirect_dma source(%dma_start3A_405 : memref<128x32xf32, #tpu.memory_space<vmem>>) target(%dma_start3A_411 : memref<20480x32xf32, #tpu.memory_space<vmem_shared>>) offsets(%dma_start3A_408 : memref<128xi32, #tpu.memory_space<vmem>>) semaphore(%arg15 : memref<!tpu.dma_semaphore, #tpu.memory_space<semaphore_mem>>) {add = true}
      %mul3A_412 = arith.constant 6 : i32
      %mul3A_413 = arith.muli %mul3A_412, %scan3A_250 : i32
      %add3A_414 = arith.constant 1 : i32
      %add3A_415 = arith.addi %add3A_414, %mul3A_413 : i32
      %add3A_416 = arith.constant 3 : i32
      %add3A_417 = arith.addi %add3A_415, %add3A_416 : i32
      %dma_wait3A_418 = arith.constant 1 : i32
      %dma_wait3A_419 = arith.constant 0 : i32
      %dma_wait3A_420 = arith.constant 0 : i32
      %dma_wait3A_421 = tpu.memref_slice %arg10[%dma_wait3A_418, %dma_wait3A_419, %dma_wait3A_420] : memref<3x128x32xf32, #tpu.memory_space<vmem>> -> memref<1x128x32xf32, #tpu.memory_space<vmem>>
      %dma_wait3A_422 = tpu.memref_squeeze %dma_wait3A_421 : memref<1x128x32xf32, #tpu.memory_space<vmem>> -> memref<128x32xf32, #tpu.memory_space<vmem>>
      %dma_wait3A_423 = arith.constant 0 : i32
      %dma_wait3A_424 = tpu.memref_slice %arg8[%add3A_417, %dma_wait3A_423] : memref<81x128xi32, #tpu.memory_space<vmem>> -> memref<1x128xi32, #tpu.memory_space<vmem>>
      %dma_wait3A_425 = tpu.memref_squeeze %dma_wait3A_424 : memref<1x128xi32, #tpu.memory_space<vmem>> -> memref<128xi32, #tpu.memory_space<vmem>>
      %dma_wait3A_426 = arith.constant 0 : i32
      %dma_wait3A_427 = arith.constant 0 : i32
      %dma_wait3A_428 = tpu.memref_slice %arg7[%dma_wait3A_426, %dma_wait3A_427] : memref<20480x32xf32, #tpu.memory_space<vmem_shared>> -> memref<20480x32xf32, #tpu.memory_space<vmem_shared>>
      tpu.wait_indirect_dma semaphore(%arg12 : memref<!tpu.dma_semaphore, #tpu.memory_space<semaphore_mem>>) src(%dma_wait3A_428 : memref<20480x32xf32, #tpu.memory_space<vmem_shared>>) dst(%dma_wait3A_422 : memref<128x32xf32, #tpu.memory_space<vmem>>)
      %sub3A_429 = arith.constant 1 : i32
      %sub3A_430 = arith.subi %add3A_417, %sub3A_429 : i32
      %dma_wait3A_431 = arith.constant 0 : i32
      %dma_wait3A_432 = arith.constant 0 : i32
      %dma_wait3A_433 = arith.constant 0 : i32
      %dma_wait3A_434 = tpu.memref_slice %arg10[%dma_wait3A_431, %dma_wait3A_432, %dma_wait3A_433] : memref<3x128x32xf32, #tpu.memory_space<vmem>> -> memref<1x128x32xf32, #tpu.memory_space<vmem>>
      %dma_wait3A_435 = tpu.memref_squeeze %dma_wait3A_434 : memref<1x128x32xf32, #tpu.memory_space<vmem>> -> memref<128x32xf32, #tpu.memory_space<vmem>>
      %dma_wait3A_436 = arith.constant 0 : i32
      %dma_wait3A_437 = tpu.memref_slice %arg9[%sub3A_430, %dma_wait3A_436] : memref<81x128xi32, #tpu.memory_space<vmem>> -> memref<1x128xi32, #tpu.memory_space<vmem>>
      %dma_wait3A_438 = tpu.memref_squeeze %dma_wait3A_437 : memref<1x128xi32, #tpu.memory_space<vmem>> -> memref<128xi32, #tpu.memory_space<vmem>>
      %dma_wait3A_439 = arith.constant 0 : i32
      %dma_wait3A_440 = arith.constant 0 : i32
      %dma_wait3A_441 = tpu.memref_slice %arg6[%dma_wait3A_439, %dma_wait3A_440] : memref<20480x32xf32, #tpu.memory_space<vmem_shared>> -> memref<20480x32xf32, #tpu.memory_space<vmem_shared>>
      tpu.wait_indirect_dma semaphore(%arg15 : memref<!tpu.dma_semaphore, #tpu.memory_space<semaphore_mem>>) src(%dma_wait3A_435 : memref<128x32xf32, #tpu.memory_space<vmem>>) dst(%dma_wait3A_441 : memref<20480x32xf32, #tpu.memory_space<vmem_shared>>)
      %add3A_442 = arith.constant 2 : i32
      %add3A_443 = arith.addi %add3A_417, %add3A_442 : i32
      %dma_start3A_444 = arith.constant 0 : i32
      %dma_start3A_445 = arith.constant 0 : i32
      %dma_start3A_446 = arith.constant 0 : i32
      %dma_start3A_447 = tpu.memref_slice %arg10[%dma_start3A_444, %dma_start3A_445, %dma_start3A_446] : memref<3x128x32xf32, #tpu.memory_space<vmem>> -> memref<1x128x32xf32, #tpu.memory_space<vmem>>
      %dma_start3A_448 = tpu.memref_squeeze %dma_start3A_447 : memref<1x128x32xf32, #tpu.memory_space<vmem>> -> memref<128x32xf32, #tpu.memory_space<vmem>>
      %dma_start3A_449 = arith.constant 0 : i32
      %dma_start3A_450 = tpu.memref_slice %arg8[%add3A_443, %dma_start3A_449] : memref<81x128xi32, #tpu.memory_space<vmem>> -> memref<1x128xi32, #tpu.memory_space<vmem>>
      %dma_start3A_451 = tpu.memref_squeeze %dma_start3A_450 : memref<1x128xi32, #tpu.memory_space<vmem>> -> memref<128xi32, #tpu.memory_space<vmem>>
      %dma_start3A_452 = arith.constant 0 : i32
      %dma_start3A_453 = arith.constant 0 : i32
      %dma_start3A_454 = tpu.memref_slice %arg7[%dma_start3A_452, %dma_start3A_453] : memref<20480x32xf32, #tpu.memory_space<vmem_shared>> -> memref<20480x32xf32, #tpu.memory_space<vmem_shared>>
      tpu.enqueue_indirect_dma source(%dma_start3A_454 : memref<20480x32xf32, #tpu.memory_space<vmem_shared>>) target(%dma_start3A_448 : memref<128x32xf32, #tpu.memory_space<vmem>>) offsets(%dma_start3A_451 : memref<128xi32, #tpu.memory_space<vmem>>) semaphore(%arg12 : memref<!tpu.dma_semaphore, #tpu.memory_space<semaphore_mem>>)
      %dma_start3A_455 = arith.constant 1 : i32
      %dma_start3A_456 = arith.constant 0 : i32
      %dma_start3A_457 = arith.constant 0 : i32
      %dma_start3A_458 = tpu.memref_slice %arg10[%dma_start3A_455, %dma_start3A_456, %dma_start3A_457] : memref<3x128x32xf32, #tpu.memory_space<vmem>> -> memref<1x128x32xf32, #tpu.memory_space<vmem>>
      %dma_start3A_459 = tpu.memref_squeeze %dma_start3A_458 : memref<1x128x32xf32, #tpu.memory_space<vmem>> -> memref<128x32xf32, #tpu.memory_space<vmem>>
      %dma_start3A_460 = arith.constant 0 : i32
      %dma_start3A_461 = tpu.memref_slice %arg9[%add3A_417, %dma_start3A_460] : memref<81x128xi32, #tpu.memory_space<vmem>> -> memref<1x128xi32, #tpu.memory_space<vmem>>
      %dma_start3A_462 = tpu.memref_squeeze %dma_start3A_461 : memref<1x128xi32, #tpu.memory_space<vmem>> -> memref<128xi32, #tpu.memory_space<vmem>>
      %dma_start3A_463 = arith.constant 0 : i32
      %dma_start3A_464 = arith.constant 0 : i32
      %dma_start3A_465 = tpu.memref_slice %arg6[%dma_start3A_463, %dma_start3A_464] : memref<20480x32xf32, #tpu.memory_space<vmem_shared>> -> memref<20480x32xf32, #tpu.memory_space<vmem_shared>>
      tpu.enqueue_indirect_dma source(%dma_start3A_459 : memref<128x32xf32, #tpu.memory_space<vmem>>) target(%dma_start3A_465 : memref<20480x32xf32, #tpu.memory_space<vmem_shared>>) offsets(%dma_start3A_462 : memref<128xi32, #tpu.memory_space<vmem>>) semaphore(%arg15 : memref<!tpu.dma_semaphore, #tpu.memory_space<semaphore_mem>>) {add = true}
      %mul3A_466 = arith.constant 6 : i32
      %mul3A_467 = arith.muli %mul3A_466, %scan3A_250 : i32
      %add3A_468 = arith.constant 1 : i32
      %add3A_469 = arith.addi %add3A_468, %mul3A_467 : i32
      %add3A_470 = arith.constant 4 : i32
      %add3A_471 = arith.addi %add3A_469, %add3A_470 : i32
      %dma_wait3A_472 = arith.constant 2 : i32
      %dma_wait3A_473 = arith.constant 0 : i32
      %dma_wait3A_474 = arith.constant 0 : i32
      %dma_wait3A_475 = tpu.memref_slice %arg10[%dma_wait3A_472, %dma_wait3A_473, %dma_wait3A_474] : memref<3x128x32xf32, #tpu.memory_space<vmem>> -> memref<1x128x32xf32, #tpu.memory_space<vmem>>
      %dma_wait3A_476 = tpu.memref_squeeze %dma_wait3A_475 : memref<1x128x32xf32, #tpu.memory_space<vmem>> -> memref<128x32xf32, #tpu.memory_space<vmem>>
      %dma_wait3A_477 = arith.constant 0 : i32
      %dma_wait3A_478 = tpu.memref_slice %arg8[%add3A_471, %dma_wait3A_477] : memref<81x128xi32, #tpu.memory_space<vmem>> -> memref<1x128xi32, #tpu.memory_space<vmem>>
      %dma_wait3A_479 = tpu.memref_squeeze %dma_wait3A_478 : memref<1x128xi32, #tpu.memory_space<vmem>> -> memref<128xi32, #tpu.memory_space<vmem>>
      %dma_wait3A_480 = arith.constant 0 : i32
      %dma_wait3A_481 = arith.constant 0 : i32
      %dma_wait3A_482 = tpu.memref_slice %arg7[%dma_wait3A_480, %dma_wait3A_481] : memref<20480x32xf32, #tpu.memory_space<vmem_shared>> -> memref<20480x32xf32, #tpu.memory_space<vmem_shared>>
      tpu.wait_indirect_dma semaphore(%arg13 : memref<!tpu.dma_semaphore, #tpu.memory_space<semaphore_mem>>) src(%dma_wait3A_482 : memref<20480x32xf32, #tpu.memory_space<vmem_shared>>) dst(%dma_wait3A_476 : memref<128x32xf32, #tpu.memory_space<vmem>>)
      %sub3A_483 = arith.constant 1 : i32
      %sub3A_484 = arith.subi %add3A_471, %sub3A_483 : i32
      %dma_wait3A_485 = arith.constant 1 : i32
      %dma_wait3A_486 = arith.constant 0 : i32
      %dma_wait3A_487 = arith.constant 0 : i32
      %dma_wait3A_488 = tpu.memref_slice %arg10[%dma_wait3A_485, %dma_wait3A_486, %dma_wait3A_487] : memref<3x128x32xf32, #tpu.memory_space<vmem>> -> memref<1x128x32xf32, #tpu.memory_space<vmem>>
      %dma_wait3A_489 = tpu.memref_squeeze %dma_wait3A_488 : memref<1x128x32xf32, #tpu.memory_space<vmem>> -> memref<128x32xf32, #tpu.memory_space<vmem>>
      %dma_wait3A_490 = arith.constant 0 : i32
      %dma_wait3A_491 = tpu.memref_slice %arg9[%sub3A_484, %dma_wait3A_490] : memref<81x128xi32, #tpu.memory_space<vmem>> -> memref<1x128xi32, #tpu.memory_space<vmem>>
      %dma_wait3A_492 = tpu.memref_squeeze %dma_wait3A_491 : memref<1x128xi32, #tpu.memory_space<vmem>> -> memref<128xi32, #tpu.memory_space<vmem>>
      %dma_wait3A_493 = arith.constant 0 : i32
      %dma_wait3A_494 = arith.constant 0 : i32
      %dma_wait3A_495 = tpu.memref_slice %arg6[%dma_wait3A_493, %dma_wait3A_494] : memref<20480x32xf32, #tpu.memory_space<vmem_shared>> -> memref<20480x32xf32, #tpu.memory_space<vmem_shared>>
      tpu.wait_indirect_dma semaphore(%arg15 : memref<!tpu.dma_semaphore, #tpu.memory_space<semaphore_mem>>) src(%dma_wait3A_489 : memref<128x32xf32, #tpu.memory_space<vmem>>) dst(%dma_wait3A_495 : memref<20480x32xf32, #tpu.memory_space<vmem_shared>>)
      %add3A_496 = arith.constant 2 : i32
      %add3A_497 = arith.addi %add3A_471, %add3A_496 : i32
      %dma_start3A_498 = arith.constant 1 : i32
      %dma_start3A_499 = arith.constant 0 : i32
      %dma_start3A_500 = arith.constant 0 : i32
      %dma_start3A_501 = tpu.memref_slice %arg10[%dma_start3A_498, %dma_start3A_499, %dma_start3A_500] : memref<3x128x32xf32, #tpu.memory_space<vmem>> -> memref<1x128x32xf32, #tpu.memory_space<vmem>>
      %dma_start3A_502 = tpu.memref_squeeze %dma_start3A_501 : memref<1x128x32xf32, #tpu.memory_space<vmem>> -> memref<128x32xf32, #tpu.memory_space<vmem>>
      %dma_start3A_503 = arith.constant 0 : i32
      %dma_start3A_504 = tpu.memref_slice %arg8[%add3A_497, %dma_start3A_503] : memref<81x128xi32, #tpu.memory_space<vmem>> -> memref<1x128xi32, #tpu.memory_space<vmem>>
      %dma_start3A_505 = tpu.memref_squeeze %dma_start3A_504 : memref<1x128xi32, #tpu.memory_space<vmem>> -> memref<128xi32, #tpu.memory_space<vmem>>
      %dma_start3A_506 = arith.constant 0 : i32
      %dma_start3A_507 = arith.constant 0 : i32
      %dma_start3A_508 = tpu.memref_slice %arg7[%dma_start3A_506, %dma_start3A_507] : memref<20480x32xf32, #tpu.memory_space<vmem_shared>> -> memref<20480x32xf32, #tpu.memory_space<vmem_shared>>
      tpu.enqueue_indirect_dma source(%dma_start3A_508 : memref<20480x32xf32, #tpu.memory_space<vmem_shared>>) target(%dma_start3A_502 : memref<128x32xf32, #tpu.memory_space<vmem>>) offsets(%dma_start3A_505 : memref<128xi32, #tpu.memory_space<vmem>>) semaphore(%arg13 : memref<!tpu.dma_semaphore, #tpu.memory_space<semaphore_mem>>)
      %dma_start3A_509 = arith.constant 2 : i32
      %dma_start3A_510 = arith.constant 0 : i32
      %dma_start3A_511 = arith.constant 0 : i32
      %dma_start3A_512 = tpu.memref_slice %arg10[%dma_start3A_509, %dma_start3A_510, %dma_start3A_511] : memref<3x128x32xf32, #tpu.memory_space<vmem>> -> memref<1x128x32xf32, #tpu.memory_space<vmem>>
      %dma_start3A_513 = tpu.memref_squeeze %dma_start3A_512 : memref<1x128x32xf32, #tpu.memory_space<vmem>> -> memref<128x32xf32, #tpu.memory_space<vmem>>
      %dma_start3A_514 = arith.constant 0 : i32
      %dma_start3A_515 = tpu.memref_slice %arg9[%add3A_471, %dma_start3A_514] : memref<81x128xi32, #tpu.memory_space<vmem>> -> memref<1x128xi32, #tpu.memory_space<vmem>>
      %dma_start3A_516 = tpu.memref_squeeze %dma_start3A_515 : memref<1x128xi32, #tpu.memory_space<vmem>> -> memref<128xi32, #tpu.memory_space<vmem>>
      %dma_start3A_517 = arith.constant 0 : i32
      %dma_start3A_518 = arith.constant 0 : i32
      %dma_start3A_519 = tpu.memref_slice %arg6[%dma_start3A_517, %dma_start3A_518] : memref<20480x32xf32, #tpu.memory_space<vmem_shared>> -> memref<20480x32xf32, #tpu.memory_space<vmem_shared>>
      tpu.enqueue_indirect_dma source(%dma_start3A_513 : memref<128x32xf32, #tpu.memory_space<vmem>>) target(%dma_start3A_519 : memref<20480x32xf32, #tpu.memory_space<vmem_shared>>) offsets(%dma_start3A_516 : memref<128xi32, #tpu.memory_space<vmem>>) semaphore(%arg15 : memref<!tpu.dma_semaphore, #tpu.memory_space<semaphore_mem>>) {add = true}
      %mul3A_520 = arith.constant 6 : i32
      %mul3A_521 = arith.muli %mul3A_520, %scan3A_250 : i32
      %add3A_522 = arith.constant 1 : i32
      %add3A_523 = arith.addi %add3A_522, %mul3A_521 : i32
      %add3A_524 = arith.constant 5 : i32
      %add3A_525 = arith.addi %add3A_523, %add3A_524 : i32
      %dma_wait3A_526 = arith.constant 0 : i32
      %dma_wait3A_527 = arith.constant 0 : i32
      %dma_wait3A_528 = arith.constant 0 : i32
      %dma_wait3A_529 = tpu.memref_slice %arg10[%dma_wait3A_526, %dma_wait3A_527, %dma_wait3A_528] : memref<3x128x32xf32, #tpu.memory_space<vmem>> -> memref<1x128x32xf32, #tpu.memory_space<vmem>>
      %dma_wait3A_530 = tpu.memref_squeeze %dma_wait3A_529 : memref<1x128x32xf32, #tpu.memory_space<vmem>> -> memref<128x32xf32, #tpu.memory_space<vmem>>
      %dma_wait3A_531 = arith.constant 0 : i32
      %dma_wait3A_532 = tpu.memref_slice %arg8[%add3A_525, %dma_wait3A_531] : memref<81x128xi32, #tpu.memory_space<vmem>> -> memref<1x128xi32, #tpu.memory_space<vmem>>
      %dma_wait3A_533 = tpu.memref_squeeze %dma_wait3A_532 : memref<1x128xi32, #tpu.memory_space<vmem>> -> memref<128xi32, #tpu.memory_space<vmem>>
      %dma_wait3A_534 = arith.constant 0 : i32
      %dma_wait3A_535 = arith.constant 0 : i32
      %dma_wait3A_536 = tpu.memref_slice %arg7[%dma_wait3A_534, %dma_wait3A_535] : memref<20480x32xf32, #tpu.memory_space<vmem_shared>> -> memref<20480x32xf32, #tpu.memory_space<vmem_shared>>
      tpu.wait_indirect_dma semaphore(%arg12 : memref<!tpu.dma_semaphore, #tpu.memory_space<semaphore_mem>>) src(%dma_wait3A_536 : memref<20480x32xf32, #tpu.memory_space<vmem_shared>>) dst(%dma_wait3A_530 : memref<128x32xf32, #tpu.memory_space<vmem>>)
      %sub3A_537 = arith.constant 1 : i32
      %sub3A_538 = arith.subi %add3A_525, %sub3A_537 : i32
      %dma_wait3A_539 = arith.constant 2 : i32
      %dma_wait3A_540 = arith.constant 0 : i32
      %dma_wait3A_541 = arith.constant 0 : i32
      %dma_wait3A_542 = tpu.memref_slice %arg10[%dma_wait3A_539, %dma_wait3A_540, %dma_wait3A_541] : memref<3x128x32xf32, #tpu.memory_space<vmem>> -> memref<1x128x32xf32, #tpu.memory_space<vmem>>
      %dma_wait3A_543 = tpu.memref_squeeze %dma_wait3A_542 : memref<1x128x32xf32, #tpu.memory_space<vmem>> -> memref<128x32xf32, #tpu.memory_space<vmem>>
      %dma_wait3A_544 = arith.constant 0 : i32
      %dma_wait3A_545 = tpu.memref_slice %arg9[%sub3A_538, %dma_wait3A_544] : memref<81x128xi32, #tpu.memory_space<vmem>> -> memref<1x128xi32, #tpu.memory_space<vmem>>
      %dma_wait3A_546 = tpu.memref_squeeze %dma_wait3A_545 : memref<1x128xi32, #tpu.memory_space<vmem>> -> memref<128xi32, #tpu.memory_space<vmem>>
      %dma_wait3A_547 = arith.constant 0 : i32
      %dma_wait3A_548 = arith.constant 0 : i32
      %dma_wait3A_549 = tpu.memref_slice %arg6[%dma_wait3A_547, %dma_wait3A_548] : memref<20480x32xf32, #tpu.memory_space<vmem_shared>> -> memref<20480x32xf32, #tpu.memory_space<vmem_shared>>
      tpu.wait_indirect_dma semaphore(%arg15 : memref<!tpu.dma_semaphore, #tpu.memory_space<semaphore_mem>>) src(%dma_wait3A_543 : memref<128x32xf32, #tpu.memory_space<vmem>>) dst(%dma_wait3A_549 : memref<20480x32xf32, #tpu.memory_space<vmem_shared>>)
      %add3A_550 = arith.constant 2 : i32
      %add3A_551 = arith.addi %add3A_525, %add3A_550 : i32
      %dma_start3A_552 = arith.constant 2 : i32
      %dma_start3A_553 = arith.constant 0 : i32
      %dma_start3A_554 = arith.constant 0 : i32
      %dma_start3A_555 = tpu.memref_slice %arg10[%dma_start3A_552, %dma_start3A_553, %dma_start3A_554] : memref<3x128x32xf32, #tpu.memory_space<vmem>> -> memref<1x128x32xf32, #tpu.memory_space<vmem>>
      %dma_start3A_556 = tpu.memref_squeeze %dma_start3A_555 : memref<1x128x32xf32, #tpu.memory_space<vmem>> -> memref<128x32xf32, #tpu.memory_space<vmem>>
      %dma_start3A_557 = arith.constant 0 : i32
      %dma_start3A_558 = tpu.memref_slice %arg8[%add3A_551, %dma_start3A_557] : memref<81x128xi32, #tpu.memory_space<vmem>> -> memref<1x128xi32, #tpu.memory_space<vmem>>
      %dma_start3A_559 = tpu.memref_squeeze %dma_start3A_558 : memref<1x128xi32, #tpu.memory_space<vmem>> -> memref<128xi32, #tpu.memory_space<vmem>>
      %dma_start3A_560 = arith.constant 0 : i32
      %dma_start3A_561 = arith.constant 0 : i32
      %dma_start3A_562 = tpu.memref_slice %arg7[%dma_start3A_560, %dma_start3A_561] : memref<20480x32xf32, #tpu.memory_space<vmem_shared>> -> memref<20480x32xf32, #tpu.memory_space<vmem_shared>>
      tpu.enqueue_indirect_dma source(%dma_start3A_562 : memref<20480x32xf32, #tpu.memory_space<vmem_shared>>) target(%dma_start3A_556 : memref<128x32xf32, #tpu.memory_space<vmem>>) offsets(%dma_start3A_559 : memref<128xi32, #tpu.memory_space<vmem>>) semaphore(%arg12 : memref<!tpu.dma_semaphore, #tpu.memory_space<semaphore_mem>>)
      %dma_start3A_563 = arith.constant 0 : i32
      %dma_start3A_564 = arith.constant 0 : i32
      %dma_start3A_565 = arith.constant 0 : i32
      %dma_start3A_566 = tpu.memref_slice %arg10[%dma_start3A_563, %dma_start3A_564, %dma_start3A_565] : memref<3x128x32xf32, #tpu.memory_space<vmem>> -> memref<1x128x32xf32, #tpu.memory_space<vmem>>
      %dma_start3A_567 = tpu.memref_squeeze %dma_start3A_566 : memref<1x128x32xf32, #tpu.memory_space<vmem>> -> memref<128x32xf32, #tpu.memory_space<vmem>>
      %dma_start3A_568 = arith.constant 0 : i32
      %dma_start3A_569 = tpu.memref_slice %arg9[%add3A_525, %dma_start3A_568] : memref<81x128xi32, #tpu.memory_space<vmem>> -> memref<1x128xi32, #tpu.memory_space<vmem>>
      %dma_start3A_570 = tpu.memref_squeeze %dma_start3A_569 : memref<1x128xi32, #tpu.memory_space<vmem>> -> memref<128xi32, #tpu.memory_space<vmem>>
      %dma_start3A_571 = arith.constant 0 : i32
      %dma_start3A_572 = arith.constant 0 : i32
      %dma_start3A_573 = tpu.memref_slice %arg6[%dma_start3A_571, %dma_start3A_572] : memref<20480x32xf32, #tpu.memory_space<vmem_shared>> -> memref<20480x32xf32, #tpu.memory_space<vmem_shared>>
      tpu.enqueue_indirect_dma source(%dma_start3A_567 : memref<128x32xf32, #tpu.memory_space<vmem>>) target(%dma_start3A_573 : memref<20480x32xf32, #tpu.memory_space<vmem_shared>>) offsets(%dma_start3A_570 : memref<128xi32, #tpu.memory_space<vmem>>) semaphore(%arg15 : memref<!tpu.dma_semaphore, #tpu.memory_space<semaphore_mem>>) {add = true}
    }
    %scan3A_208 = arith.constant 13 : i32
    %dma_wait3A_209 = arith.constant 0 : i32
    %dma_wait3A_210 = arith.constant 78 : i32
    %dma_wait3A_211 = arith.constant 0 : i32
    %dma_wait3A_212 = arith.constant 0 : i32
    %dma_wait3A_213 = tpu.memref_slice %arg10[%dma_wait3A_209, %dma_wait3A_211, %dma_wait3A_212] : memref<3x128x32xf32, #tpu.memory_space<vmem>> -> memref<1x128x32xf32, #tpu.memory_space<vmem>>
    %dma_wait3A_214 = tpu.memref_squeeze %dma_wait3A_213 : memref<1x128x32xf32, #tpu.memory_space<vmem>> -> memref<128x32xf32, #tpu.memory_space<vmem>>
    %dma_wait3A_215 = arith.constant 0 : i32
    %dma_wait3A_216 = tpu.memref_slice %arg9[%dma_wait3A_210, %dma_wait3A_215] : memref<81x128xi32, #tpu.memory_space<vmem>> -> memref<1x128xi32, #tpu.memory_space<vmem>>
    %dma_wait3A_217 = tpu.memref_squeeze %dma_wait3A_216 : memref<1x128xi32, #tpu.memory_space<vmem>> -> memref<128xi32, #tpu.memory_space<vmem>>
    %dma_wait3A_218 = arith.constant 0 : i32
    %dma_wait3A_219 = arith.constant 0 : i32
    %dma_wait3A_220 = tpu.memref_slice %arg6[%dma_wait3A_218, %dma_wait3A_219] : memref<20480x32xf32, #tpu.memory_space<vmem_shared>> -> memref<20480x32xf32, #tpu.memory_space<vmem_shared>>
    tpu.wait_indirect_dma semaphore(%arg15 : memref<!tpu.dma_semaphore, #tpu.memory_space<semaphore_mem>>) src(%dma_wait3A_214 : memref<128x32xf32, #tpu.memory_space<vmem>>) dst(%dma_wait3A_220 : memref<20480x32xf32, #tpu.memory_space<vmem_shared>>)
    %dma_wait3A_221 = arith.constant 79 : i32
    %dma_wait3A_222 = arith.constant 1 : i32
    %dma_wait3A_223 = arith.constant 0 : i32
    %dma_wait3A_224 = arith.constant 0 : i32
    %dma_wait3A_225 = tpu.memref_slice %arg10[%dma_wait3A_222, %dma_wait3A_223, %dma_wait3A_224] : memref<3x128x32xf32, #tpu.memory_space<vmem>> -> memref<1x128x32xf32, #tpu.memory_space<vmem>>
    %dma_wait3A_226 = tpu.memref_squeeze %dma_wait3A_225 : memref<1x128x32xf32, #tpu.memory_space<vmem>> -> memref<128x32xf32, #tpu.memory_space<vmem>>
    %dma_wait3A_227 = arith.constant 0 : i32
    %dma_wait3A_228 = tpu.memref_slice %arg8[%dma_wait3A_221, %dma_wait3A_227] : memref<81x128xi32, #tpu.memory_space<vmem>> -> memref<1x128xi32, #tpu.memory_space<vmem>>
    %dma_wait3A_229 = tpu.memref_squeeze %dma_wait3A_228 : memref<1x128xi32, #tpu.memory_space<vmem>> -> memref<128xi32, #tpu.memory_space<vmem>>
    %dma_wait3A_230 = arith.constant 0 : i32
    %dma_wait3A_231 = arith.constant 0 : i32
    %dma_wait3A_232 = tpu.memref_slice %arg7[%dma_wait3A_230, %dma_wait3A_231] : memref<20480x32xf32, #tpu.memory_space<vmem_shared>> -> memref<20480x32xf32, #tpu.memory_space<vmem_shared>>
    tpu.wait_indirect_dma semaphore(%arg13 : memref<!tpu.dma_semaphore, #tpu.memory_space<semaphore_mem>>) src(%dma_wait3A_232 : memref<20480x32xf32, #tpu.memory_space<vmem_shared>>) dst(%dma_wait3A_226 : memref<128x32xf32, #tpu.memory_space<vmem>>)
    %dma_wait3A_233 = arith.constant 80 : i32
    %dma_wait3A_234 = arith.constant 2 : i32
    %dma_wait3A_235 = arith.constant 0 : i32
    %dma_wait3A_236 = arith.constant 0 : i32
    %dma_wait3A_237 = tpu.memref_slice %arg10[%dma_wait3A_234, %dma_wait3A_235, %dma_wait3A_236] : memref<3x128x32xf32, #tpu.memory_space<vmem>> -> memref<1x128x32xf32, #tpu.memory_space<vmem>>
    %dma_wait3A_238 = tpu.memref_squeeze %dma_wait3A_237 : memref<1x128x32xf32, #tpu.memory_space<vmem>> -> memref<128x32xf32, #tpu.memory_space<vmem>>
    %dma_wait3A_239 = arith.constant 0 : i32
    %dma_wait3A_240 = tpu.memref_slice %arg8[%dma_wait3A_233, %dma_wait3A_239] : memref<81x128xi32, #tpu.memory_space<vmem>> -> memref<1x128xi32, #tpu.memory_space<vmem>>
    %dma_wait3A_241 = tpu.memref_squeeze %dma_wait3A_240 : memref<1x128xi32, #tpu.memory_space<vmem>> -> memref<128xi32, #tpu.memory_space<vmem>>
    %dma_wait3A_242 = arith.constant 0 : i32
    %dma_wait3A_243 = arith.constant 0 : i32
    %dma_wait3A_244 = tpu.memref_slice %arg7[%dma_wait3A_242, %dma_wait3A_243] : memref<20480x32xf32, #tpu.memory_space<vmem_shared>> -> memref<20480x32xf32, #tpu.memory_space<vmem_shared>>
    tpu.wait_indirect_dma semaphore(%arg12 : memref<!tpu.dma_semaphore, #tpu.memory_space<semaphore_mem>>) src(%dma_wait3A_244 : memref<20480x32xf32, #tpu.memory_space<vmem_shared>>) dst(%dma_wait3A_238 : memref<128x32xf32, #tpu.memory_space<vmem>>)
    %barrier3A_245 = arith.constant 0 : index
    tpu.barrier barrier_id(%barrier3A_245)
    %mul3A_246 = arith.constant 1280 : i32
    %mul3A_247 = arith.muli %arg1, %mul3A_246 : i32
    %mul3A_248 = arith.constant 1280 : i32
    %mul3A_249 = arith.muli %arg1, %mul3A_248 : i32
    "tpu.region"() ({
      %run_scoped3A = tpu.sem_alloc : memref<!tpu.dma_semaphore, #tpu.memory_space<semaphore_mem>>
      %dma_start3A_250 = arith.constant 0 : i32
      %dma_start3A_251 = tpu.memref_slice %arg5[%arg0, %mul3A_249, %dma_start3A_250] : memref<2x20480x32xf32, #tpu.memory_space<hbm>> -> memref<1x1280x32xf32, #tpu.memory_space<hbm>>
      %dma_start3A_252 = tpu.memref_squeeze %dma_start3A_251 : memref<1x1280x32xf32, #tpu.memory_space<hbm>> -> memref<1280x32xf32, #tpu.memory_space<hbm>>
      %dma_start3A_253 = arith.constant 0 : i32
      %dma_start3A_254 = tpu.memref_slice %arg6[%mul3A_247, %dma_start3A_253] : memref<20480x32xf32, #tpu.memory_space<vmem_shared>> -> memref<1280x32xf32, #tpu.memory_space<vmem_shared>>
      tpu.enqueue_dma source(%dma_start3A_254 : memref<1280x32xf32, #tpu.memory_space<vmem_shared>>) target(%dma_start3A_252 : memref<1280x32xf32, #tpu.memory_space<hbm>>) target_semaphore(%run_scoped3A : memref<!tpu.dma_semaphore, #tpu.memory_space<semaphore_mem>>)
      %dma_wait3A_255 = arith.constant 0 : i32
      %dma_wait3A_256 = tpu.memref_slice %arg5[%arg0, %mul3A_249, %dma_wait3A_255] : memref<2x20480x32xf32, #tpu.memory_space<hbm>> -> memref<1x1280x32xf32, #tpu.memory_space<hbm>>
      %dma_wait3A_257 = tpu.memref_squeeze %dma_wait3A_256 : memref<1x1280x32xf32, #tpu.memory_space<hbm>> -> memref<1280x32xf32, #tpu.memory_space<hbm>>
      %dma_wait3A_258 = arith.constant 0 : i32
      %dma_wait3A_259 = tpu.memref_slice %arg6[%mul3A_247, %dma_wait3A_258] : memref<20480x32xf32, #tpu.memory_space<vmem_shared>> -> memref<1280x32xf32, #tpu.memory_space<vmem_shared>>
      tpu.wait_dma2 semaphore(%run_scoped3A : memref<!tpu.dma_semaphore, #tpu.memory_space<semaphore_mem>>) src(%dma_wait3A_259 : memref<1280x32xf32, #tpu.memory_space<vmem_shared>>) dst(%dma_wait3A_257 : memref<1280x32xf32, #tpu.memory_space<hbm>>)
      tpu.yield
    }) : () -> ()
    return
  }
}

#map = affine_map<(d0, d1) -> (0, 0)>
#map1 = affine_map<(d0, d1) -> (0, 0, 0)>
module attributes {stable_mosaic.version = 14 : i64} {
  func.func @_seg_body(%arg0: i32, %arg1: i32, %arg2: memref<20480x32xf32, #tpu.memory_space<hbm>>, %arg3: memref<32x81x128xi32, #tpu.memory_space<hbm>>, %arg4: memref<32x81x128xi32, #tpu.memory_space<hbm>>, %arg5: memref<2x20480x32xf32, #tpu.memory_space<hbm>>, %arg6: memref<20480x32xf32, #tpu.memory_space<vmem_shared>>, %arg7: memref<20480x32xf32, #tpu.memory_space<vmem_shared>>, %arg8: memref<81x128xi32, #tpu.memory_space<vmem>>, %arg9: memref<81x128xi32, #tpu.memory_space<vmem>>, %arg10: memref<3x128x32xf32, #tpu.memory_space<vmem>>, %arg11: memref<160x32xf32, #tpu.memory_space<vmem>>, %arg12: memref<!tpu.dma_semaphore, #tpu.memory_space<semaphore_mem>>, %arg13: memref<!tpu.dma_semaphore, #tpu.memory_space<semaphore_mem>>, %arg14: memref<!tpu.dma_semaphore, #tpu.memory_space<semaphore_mem>>, %arg15: memref<!tpu.dma_semaphore, #tpu.memory_space<semaphore_mem>>) attributes {dimension_semantics = [#tpu.dimension_semantics<core_parallel>, #tpu.dimension_semantics<subcore_parallel>], iteration_bounds = array<i64: 2, 16>, scalar_prefetch = 0 : i64, scratch_operands = 10 : i64, tpu.core_type = #tpu.core_type<sc_vector_subcore>, window_params = [{transform_indices = #map}, {transform_indices = #map1}, {transform_indices = #map1}, {transform_indices = #map1}]} {
    %mul3A = arith.constant 16 : i32
    %mul3A_0 = arith.muli %arg0, %mul3A : i32
    %add3A = arith.addi %mul3A_0, %arg1 : i32
    %dma_start3A = arith.constant 0 : i32
    %dma_start3A_1 = arith.constant 0 : i32
    %dma_start3A_2 = tpu.memref_slice %arg3[%add3A, %dma_start3A, %dma_start3A_1] : memref<32x81x128xi32, #tpu.memory_space<hbm>> -> memref<1x81x128xi32, #tpu.memory_space<hbm>>
    %dma_start3A_3 = tpu.memref_squeeze %dma_start3A_2 : memref<1x81x128xi32, #tpu.memory_space<hbm>> -> memref<81x128xi32, #tpu.memory_space<hbm>>
    %dma_start3A_4 = arith.constant 0 : i32
    %dma_start3A_5 = arith.constant 0 : i32
    %dma_start3A_6 = tpu.memref_slice %arg3[%add3A, %dma_start3A_4, %dma_start3A_5] : memref<32x81x128xi32, #tpu.memory_space<hbm>> -> memref<1x81x128xi32, #tpu.memory_space<hbm>>
    %dma_start3A_7 = tpu.memref_squeeze %dma_start3A_6 : memref<1x81x128xi32, #tpu.memory_space<hbm>> -> memref<81x128xi32, #tpu.memory_space<hbm>>
    tpu.enqueue_dma source(%dma_start3A_7 : memref<81x128xi32, #tpu.memory_space<hbm>>) target(%arg8 : memref<81x128xi32, #tpu.memory_space<vmem>>) target_semaphore(%arg12 : memref<!tpu.dma_semaphore, #tpu.memory_space<semaphore_mem>>)
    %dma_start3A_8 = arith.constant 0 : i32
    %dma_start3A_9 = arith.constant 0 : i32
    %dma_start3A_10 = tpu.memref_slice %arg4[%add3A, %dma_start3A_8, %dma_start3A_9] : memref<32x81x128xi32, #tpu.memory_space<hbm>> -> memref<1x81x128xi32, #tpu.memory_space<hbm>>
    %dma_start3A_11 = tpu.memref_squeeze %dma_start3A_10 : memref<1x81x128xi32, #tpu.memory_space<hbm>> -> memref<81x128xi32, #tpu.memory_space<hbm>>
    %dma_start3A_12 = arith.constant 0 : i32
    %dma_start3A_13 = arith.constant 0 : i32
    %dma_start3A_14 = tpu.memref_slice %arg4[%add3A, %dma_start3A_12, %dma_start3A_13] : memref<32x81x128xi32, #tpu.memory_space<hbm>> -> memref<1x81x128xi32, #tpu.memory_space<hbm>>
    %dma_start3A_15 = tpu.memref_squeeze %dma_start3A_14 : memref<1x81x128xi32, #tpu.memory_space<hbm>> -> memref<81x128xi32, #tpu.memory_space<hbm>>
    tpu.enqueue_dma source(%dma_start3A_15 : memref<81x128xi32, #tpu.memory_space<hbm>>) target(%arg9 : memref<81x128xi32, #tpu.memory_space<vmem>>) target_semaphore(%arg13 : memref<!tpu.dma_semaphore, #tpu.memory_space<semaphore_mem>>)
    %mul3A_16 = arith.constant 1280 : i32
    %mul3A_17 = arith.muli %arg1, %mul3A_16 : i32
    %dma_start3A_18 = arith.constant 0 : i32
    %dma_start3A_19 = tpu.memref_slice %arg7[%mul3A_17, %dma_start3A_18] : memref<20480x32xf32, #tpu.memory_space<vmem_shared>> -> memref<1280x32xf32, #tpu.memory_space<vmem_shared>>
    %dma_start3A_20 = arith.constant 0 : i32
    %dma_start3A_21 = tpu.memref_slice %arg2[%mul3A_17, %dma_start3A_20] : memref<20480x32xf32, #tpu.memory_space<hbm>> -> memref<1280x32xf32, #tpu.memory_space<hbm>>
    tpu.enqueue_dma source(%dma_start3A_21 : memref<1280x32xf32, #tpu.memory_space<hbm>>) target(%dma_start3A_19 : memref<1280x32xf32, #tpu.memory_space<vmem_shared>>) target_semaphore(%arg14 : memref<!tpu.dma_semaphore, #tpu.memory_space<semaphore_mem>>)
    %broadcast_in_dim3A = arith.constant 0.000000e+00 : f32
    %broadcast_in_dim3A_22 = vector.broadcast %broadcast_in_dim3A : f32 to vector<16xf32>
    %scan3A = arith.constant 0 : i32
    %scan3A_23 = arith.constant 0 : i32
    %scan3A_24 = arith.constant 320 : i32
    %scan3A_25 = arith.addi %scan3A_23, %scan3A_24 : i32
    %scan3A_26 = arith.constant 1 : i32
    scf.for %scan3A_250 = %scan3A_23 to %scan3A_25 step %scan3A_26  : i32 {
      %jit3A = arith.constant 2 : i32
      %div3A = arith.divsi %scan3A_250, %jit3A : i32
      %sign3A = arith.constant 0 : i32
      %sign3A_251 = arith.cmpi sgt, %scan3A_250, %sign3A : i32
      %sign3A_252 = arith.extui %sign3A_251 : i1 to i32
      %sign3A_253 = arith.constant 0 : i32
      %sign3A_254 = arith.cmpi slt, %scan3A_250, %sign3A_253 : i32
      %sign3A_255 = arith.extui %sign3A_254 : i1 to i32
      %sign3A_256 = arith.subi %sign3A_252, %sign3A_255 : i32
      %sign3A_257 = arith.constant 0 : i32
      %sign3A_258 = arith.cmpi sgt, %jit3A, %sign3A_257 : i32
      %sign3A_259 = arith.extui %sign3A_258 : i1 to i32
      %sign3A_260 = arith.constant 0 : i32
      %sign3A_261 = arith.cmpi slt, %jit3A, %sign3A_260 : i32
      %sign3A_262 = arith.extui %sign3A_261 : i1 to i32
      %sign3A_263 = arith.subi %sign3A_259, %sign3A_262 : i32
      %ne3A = arith.cmpi ne, %sign3A_256, %sign3A_263 : i32
      %rem3A = arith.remsi %scan3A_250, %jit3A : i32
      %ne3A_264 = arith.constant 0 : i32
      %ne3A_265 = arith.cmpi ne, %rem3A, %ne3A_264 : i32
      %and3A = arith.andi %ne3A, %ne3A_265 : i1
      %sub3A = arith.constant 1 : i32
      %sub3A_266 = arith.subi %div3A, %sub3A : i32
      %select_n3A = arith.select %and3A, %sub3A_266, %div3A : i32
      %jit3A_267 = arith.constant 2 : i32
      %eq3A = arith.constant 0 : i32
      %eq3A_268 = arith.cmpi eq, %jit3A_267, %eq3A : i32
      %jit3A_269 = arith.constant 1 : i32
      %select_n3A_270 = arith.select %eq3A_268, %jit3A_269, %jit3A_267 : i32
      %rem3A_271 = arith.remsi %scan3A_250, %select_n3A_270 : i32
      %ne3A_272 = arith.constant 0 : i32
      %ne3A_273 = arith.cmpi ne, %rem3A_271, %ne3A_272 : i32
      %lt3A = arith.constant 0 : i32
      %lt3A_274 = arith.cmpi slt, %rem3A_271, %lt3A : i32
      %lt3A_275 = arith.constant 0 : i32
      %lt3A_276 = arith.cmpi slt, %select_n3A_270, %lt3A_275 : i32
      %ne3A_277 = arith.xori %lt3A_274, %lt3A_276 : i1
      %and3A_278 = arith.andi %ne3A_277, %ne3A_273 : i1
      %add3A_279 = arith.addi %rem3A_271, %select_n3A_270 : i32
      %select_n3A_280 = arith.select %and3A_278, %add3A_279, %rem3A_271 : i32
      %mul3A_281 = arith.constant 16 : i32
      %mul3A_282 = arith.muli %select_n3A_280, %mul3A_281 : i32
      %swap3A = arith.index_cast %select_n3A : i32 to index
      %swap3A_283 = arith.index_cast %mul3A_282 : i32 to index
      %swap3A_284 = tpu.vector_load %arg11[%swap3A, %swap3A_283] {strides = array<i32>} : memref<160x32xf32, #tpu.memory_space<vmem>>, vector<1x16xf32>,
      %swap3A_285 = vector.shape_cast %swap3A_284 : vector<1x16xf32> to vector<16xf32>
      %swap3A_286 = vector.shape_cast %broadcast_in_dim3A_22 : vector<16xf32> to vector<1x16xf32>
      tpu.vector_store %arg11[%swap3A, %swap3A_283], %swap3A_286 {strides = array<i32>} : memref<160x32xf32, #tpu.memory_space<vmem>>, vector<1x16xf32>,
    }
    %scan3A_27 = arith.constant 320 : i32
    %dma_wait3A = arith.constant 0 : i32
    %dma_wait3A_28 = arith.constant 0 : i32
    %dma_wait3A_29 = tpu.memref_slice %arg3[%add3A, %dma_wait3A, %dma_wait3A_28] : memref<32x81x128xi32, #tpu.memory_space<hbm>> -> memref<1x81x128xi32, #tpu.memory_space<hbm>>
    %dma_wait3A_30 = tpu.memref_squeeze %dma_wait3A_29 : memref<1x81x128xi32, #tpu.memory_space<hbm>> -> memref<81x128xi32, #tpu.memory_space<hbm>>
    %dma_wait3A_31 = arith.constant 0 : i32
    %dma_wait3A_32 = arith.constant 0 : i32
    %dma_wait3A_33 = tpu.memref_slice %arg3[%add3A, %dma_wait3A_31, %dma_wait3A_32] : memref<32x81x128xi32, #tpu.memory_space<hbm>> -> memref<1x81x128xi32, #tpu.memory_space<hbm>>
    %dma_wait3A_34 = tpu.memref_squeeze %dma_wait3A_33 : memref<1x81x128xi32, #tpu.memory_space<hbm>> -> memref<81x128xi32, #tpu.memory_space<hbm>>
    tpu.wait_dma2 semaphore(%arg12 : memref<!tpu.dma_semaphore, #tpu.memory_space<semaphore_mem>>) src(%dma_wait3A_34 : memref<81x128xi32, #tpu.memory_space<hbm>>) dst(%arg8 : memref<81x128xi32, #tpu.memory_space<vmem>>)
    %dma_wait3A_35 = arith.constant 0 : i32
    %dma_wait3A_36 = arith.constant 0 : i32
    %dma_wait3A_37 = tpu.memref_slice %arg4[%add3A, %dma_wait3A_35, %dma_wait3A_36] : memref<32x81x128xi32, #tpu.memory_space<hbm>> -> memref<1x81x128xi32, #tpu.memory_space<hbm>>
    %dma_wait3A_38 = tpu.memref_squeeze %dma_wait3A_37 : memref<1x81x128xi32, #tpu.memory_space<hbm>> -> memref<81x128xi32, #tpu.memory_space<hbm>>
    %dma_wait3A_39 = arith.constant 0 : i32
    %dma_wait3A_40 = arith.constant 0 : i32
    %dma_wait3A_41 = tpu.memref_slice %arg4[%add3A, %dma_wait3A_39, %dma_wait3A_40] : memref<32x81x128xi32, #tpu.memory_space<hbm>> -> memref<1x81x128xi32, #tpu.memory_space<hbm>>
    %dma_wait3A_42 = tpu.memref_squeeze %dma_wait3A_41 : memref<1x81x128xi32, #tpu.memory_space<hbm>> -> memref<81x128xi32, #tpu.memory_space<hbm>>
    tpu.wait_dma2 semaphore(%arg13 : memref<!tpu.dma_semaphore, #tpu.memory_space<semaphore_mem>>) src(%dma_wait3A_42 : memref<81x128xi32, #tpu.memory_space<hbm>>) dst(%arg9 : memref<81x128xi32, #tpu.memory_space<vmem>>)
    %dma_wait3A_43 = arith.constant 0 : i32
    %dma_wait3A_44 = tpu.memref_slice %arg7[%mul3A_17, %dma_wait3A_43] : memref<20480x32xf32, #tpu.memory_space<vmem_shared>> -> memref<1280x32xf32, #tpu.memory_space<vmem_shared>>
    %dma_wait3A_45 = arith.constant 0 : i32
    %dma_wait3A_46 = tpu.memref_slice %arg2[%mul3A_17, %dma_wait3A_45] : memref<20480x32xf32, #tpu.memory_space<hbm>> -> memref<1280x32xf32, #tpu.memory_space<hbm>>
    tpu.wait_dma2 semaphore(%arg14 : memref<!tpu.dma_semaphore, #tpu.memory_space<semaphore_mem>>) src(%dma_wait3A_46 : memref<1280x32xf32, #tpu.memory_space<hbm>>) dst(%dma_wait3A_44 : memref<1280x32xf32, #tpu.memory_space<vmem_shared>>)
    %mul3A_47 = arith.constant 1280 : i32
    %mul3A_48 = arith.muli %arg1, %mul3A_47 : i32
    %add3A_49 = arith.constant 0 : i32
    %add3A_50 = arith.addi %mul3A_48, %add3A_49 : i32
    %mul3A_51 = arith.constant 1280 : i32
    %mul3A_52 = arith.muli %arg1, %mul3A_51 : i32
    %add3A_53 = arith.constant 160 : i32
    %add3A_54 = arith.addi %mul3A_52, %add3A_53 : i32
    %mul3A_55 = arith.constant 1280 : i32
    %mul3A_56 = arith.muli %arg1, %mul3A_55 : i32
    %add3A_57 = arith.constant 320 : i32
    %add3A_58 = arith.addi %mul3A_56, %add3A_57 : i32
    %mul3A_59 = arith.constant 1280 : i32
    %mul3A_60 = arith.muli %arg1, %mul3A_59 : i32
    %add3A_61 = arith.constant 480 : i32
    %add3A_62 = arith.addi %mul3A_60, %add3A_61 : i32
    %mul3A_63 = arith.constant 1280 : i32
    %mul3A_64 = arith.muli %arg1, %mul3A_63 : i32
    %add3A_65 = arith.constant 640 : i32
    %add3A_66 = arith.addi %mul3A_64, %add3A_65 : i32
    %mul3A_67 = arith.constant 1280 : i32
    %mul3A_68 = arith.muli %arg1, %mul3A_67 : i32
    %add3A_69 = arith.constant 800 : i32
    %add3A_70 = arith.addi %mul3A_68, %add3A_69 : i32
    %mul3A_71 = arith.constant 1280 : i32
    %mul3A_72 = arith.muli %arg1, %mul3A_71 : i32
    %add3A_73 = arith.constant 960 : i32
    %add3A_74 = arith.addi %mul3A_72, %add3A_73 : i32
    %mul3A_75 = arith.constant 1280 : i32
    %mul3A_76 = arith.muli %arg1, %mul3A_75 : i32
    %add3A_77 = arith.constant 1120 : i32
    %add3A_78 = arith.addi %mul3A_76, %add3A_77 : i32
    %dma_start3A_79 = arith.constant 0 : i32
    %dma_start3A_80 = tpu.memref_slice %arg6[%add3A_50, %dma_start3A_79] : memref<20480x32xf32, #tpu.memory_space<vmem_shared>> -> memref<160x32xf32, #tpu.memory_space<vmem_shared>>
    %dma_start3A_81 = arith.constant 0 : i32
    %dma_start3A_82 = tpu.memref_slice %arg6[%add3A_50, %dma_start3A_81] : memref<20480x32xf32, #tpu.memory_space<vmem_shared>> -> memref<160x32xf32, #tpu.memory_space<vmem_shared>>
    tpu.enqueue_dma source(%arg11 : memref<160x32xf32, #tpu.memory_space<vmem>>) target(%dma_start3A_82 : memref<160x32xf32, #tpu.memory_space<vmem_shared>>) target_semaphore(%arg14 : memref<!tpu.dma_semaphore, #tpu.memory_space<semaphore_mem>>)
    %dma_start3A_83 = arith.constant 0 : i32
    %dma_start3A_84 = tpu.memref_slice %arg6[%add3A_54, %dma_start3A_83] : memref<20480x32xf32, #tpu.memory_space<vmem_shared>> -> memref<160x32xf32, #tpu.memory_space<vmem_shared>>
    %dma_start3A_85 = arith.constant 0 : i32
    %dma_start3A_86 = tpu.memref_slice %arg6[%add3A_54, %dma_start3A_85] : memref<20480x32xf32, #tpu.memory_space<vmem_shared>> -> memref<160x32xf32, #tpu.memory_space<vmem_shared>>
    tpu.enqueue_dma source(%arg11 : memref<160x32xf32, #tpu.memory_space<vmem>>) target(%dma_start3A_86 : memref<160x32xf32, #tpu.memory_space<vmem_shared>>) target_semaphore(%arg14 : memref<!tpu.dma_semaphore, #tpu.memory_space<semaphore_mem>>)
    %dma_start3A_87 = arith.constant 0 : i32
    %dma_start3A_88 = tpu.memref_slice %arg6[%add3A_58, %dma_start3A_87] : memref<20480x32xf32, #tpu.memory_space<vmem_shared>> -> memref<160x32xf32, #tpu.memory_space<vmem_shared>>
    %dma_start3A_89 = arith.constant 0 : i32
    %dma_start3A_90 = tpu.memref_slice %arg6[%add3A_58, %dma_start3A_89] : memref<20480x32xf32, #tpu.memory_space<vmem_shared>> -> memref<160x32xf32, #tpu.memory_space<vmem_shared>>
    tpu.enqueue_dma source(%arg11 : memref<160x32xf32, #tpu.memory_space<vmem>>) target(%dma_start3A_90 : memref<160x32xf32, #tpu.memory_space<vmem_shared>>) target_semaphore(%arg14 : memref<!tpu.dma_semaphore, #tpu.memory_space<semaphore_mem>>)
    %dma_start3A_91 = arith.constant 0 : i32
    %dma_start3A_92 = tpu.memref_slice %arg6[%add3A_62, %dma_start3A_91] : memref<20480x32xf32, #tpu.memory_space<vmem_shared>> -> memref<160x32xf32, #tpu.memory_space<vmem_shared>>
    %dma_start3A_93 = arith.constant 0 : i32
    %dma_start3A_94 = tpu.memref_slice %arg6[%add3A_62, %dma_start3A_93] : memref<20480x32xf32, #tpu.memory_space<vmem_shared>> -> memref<160x32xf32, #tpu.memory_space<vmem_shared>>
    tpu.enqueue_dma source(%arg11 : memref<160x32xf32, #tpu.memory_space<vmem>>) target(%dma_start3A_94 : memref<160x32xf32, #tpu.memory_space<vmem_shared>>) target_semaphore(%arg14 : memref<!tpu.dma_semaphore, #tpu.memory_space<semaphore_mem>>)
    %dma_start3A_95 = arith.constant 0 : i32
    %dma_start3A_96 = tpu.memref_slice %arg6[%add3A_66, %dma_start3A_95] : memref<20480x32xf32, #tpu.memory_space<vmem_shared>> -> memref<160x32xf32, #tpu.memory_space<vmem_shared>>
    %dma_start3A_97 = arith.constant 0 : i32
    %dma_start3A_98 = tpu.memref_slice %arg6[%add3A_66, %dma_start3A_97] : memref<20480x32xf32, #tpu.memory_space<vmem_shared>> -> memref<160x32xf32, #tpu.memory_space<vmem_shared>>
    tpu.enqueue_dma source(%arg11 : memref<160x32xf32, #tpu.memory_space<vmem>>) target(%dma_start3A_98 : memref<160x32xf32, #tpu.memory_space<vmem_shared>>) target_semaphore(%arg14 : memref<!tpu.dma_semaphore, #tpu.memory_space<semaphore_mem>>)
    %dma_start3A_99 = arith.constant 0 : i32
    %dma_start3A_100 = tpu.memref_slice %arg6[%add3A_70, %dma_start3A_99] : memref<20480x32xf32, #tpu.memory_space<vmem_shared>> -> memref<160x32xf32, #tpu.memory_space<vmem_shared>>
    %dma_start3A_101 = arith.constant 0 : i32
    %dma_start3A_102 = tpu.memref_slice %arg6[%add3A_70, %dma_start3A_101] : memref<20480x32xf32, #tpu.memory_space<vmem_shared>> -> memref<160x32xf32, #tpu.memory_space<vmem_shared>>
    tpu.enqueue_dma source(%arg11 : memref<160x32xf32, #tpu.memory_space<vmem>>) target(%dma_start3A_102 : memref<160x32xf32, #tpu.memory_space<vmem_shared>>) target_semaphore(%arg14 : memref<!tpu.dma_semaphore, #tpu.memory_space<semaphore_mem>>)
    %dma_start3A_103 = arith.constant 0 : i32
    %dma_start3A_104 = tpu.memref_slice %arg6[%add3A_74, %dma_start3A_103] : memref<20480x32xf32, #tpu.memory_space<vmem_shared>> -> memref<160x32xf32, #tpu.memory_space<vmem_shared>>
    %dma_start3A_105 = arith.constant 0 : i32
    %dma_start3A_106 = tpu.memref_slice %arg6[%add3A_74, %dma_start3A_105] : memref<20480x32xf32, #tpu.memory_space<vmem_shared>> -> memref<160x32xf32, #tpu.memory_space<vmem_shared>>
    tpu.enqueue_dma source(%arg11 : memref<160x32xf32, #tpu.memory_space<vmem>>) target(%dma_start3A_106 : memref<160x32xf32, #tpu.memory_space<vmem_shared>>) target_semaphore(%arg14 : memref<!tpu.dma_semaphore, #tpu.memory_space<semaphore_mem>>)
    %dma_start3A_107 = arith.constant 0 : i32
    %dma_start3A_108 = tpu.memref_slice %arg6[%add3A_78, %dma_start3A_107] : memref<20480x32xf32, #tpu.memory_space<vmem_shared>> -> memref<160x32xf32, #tpu.memory_space<vmem_shared>>
    %dma_start3A_109 = arith.constant 0 : i32
    %dma_start3A_110 = tpu.memref_slice %arg6[%add3A_78, %dma_start3A_109] : memref<20480x32xf32, #tpu.memory_space<vmem_shared>> -> memref<160x32xf32, #tpu.memory_space<vmem_shared>>
    tpu.enqueue_dma source(%arg11 : memref<160x32xf32, #tpu.memory_space<vmem>>) target(%dma_start3A_110 : memref<160x32xf32, #tpu.memory_space<vmem_shared>>) target_semaphore(%arg14 : memref<!tpu.dma_semaphore, #tpu.memory_space<semaphore_mem>>)
    %dma_wait3A_111 = arith.constant 0 : i32
    %dma_wait3A_112 = tpu.memref_slice %arg6[%add3A_50, %dma_wait3A_111] : memref<20480x32xf32, #tpu.memory_space<vmem_shared>> -> memref<160x32xf32, #tpu.memory_space<vmem_shared>>
    %dma_wait3A_113 = arith.constant 0 : i32
    %dma_wait3A_114 = tpu.memref_slice %arg6[%add3A_50, %dma_wait3A_113] : memref<20480x32xf32, #tpu.memory_space<vmem_shared>> -> memref<160x32xf32, #tpu.memory_space<vmem_shared>>
    tpu.wait_dma2 semaphore(%arg14 : memref<!tpu.dma_semaphore, #tpu.memory_space<semaphore_mem>>) src(%arg11 : memref<160x32xf32, #tpu.memory_space<vmem>>) dst(%dma_wait3A_114 : memref<160x32xf32, #tpu.memory_space<vmem_shared>>)
    %dma_wait3A_115 = arith.constant 0 : i32
    %dma_wait3A_116 = tpu.memref_slice %arg6[%add3A_54, %dma_wait3A_115] : memref<20480x32xf32, #tpu.memory_space<vmem_shared>> -> memref<160x32xf32, #tpu.memory_space<vmem_shared>>
    %dma_wait3A_117 = arith.constant 0 : i32
    %dma_wait3A_118 = tpu.memref_slice %arg6[%add3A_54, %dma_wait3A_117] : memref<20480x32xf32, #tpu.memory_space<vmem_shared>> -> memref<160x32xf32, #tpu.memory_space<vmem_shared>>
    tpu.wait_dma2 semaphore(%arg14 : memref<!tpu.dma_semaphore, #tpu.memory_space<semaphore_mem>>) src(%arg11 : memref<160x32xf32, #tpu.memory_space<vmem>>) dst(%dma_wait3A_118 : memref<160x32xf32, #tpu.memory_space<vmem_shared>>)
    %dma_wait3A_119 = arith.constant 0 : i32
    %dma_wait3A_120 = tpu.memref_slice %arg6[%add3A_58, %dma_wait3A_119] : memref<20480x32xf32, #tpu.memory_space<vmem_shared>> -> memref<160x32xf32, #tpu.memory_space<vmem_shared>>
    %dma_wait3A_121 = arith.constant 0 : i32
    %dma_wait3A_122 = tpu.memref_slice %arg6[%add3A_58, %dma_wait3A_121] : memref<20480x32xf32, #tpu.memory_space<vmem_shared>> -> memref<160x32xf32, #tpu.memory_space<vmem_shared>>
    tpu.wait_dma2 semaphore(%arg14 : memref<!tpu.dma_semaphore, #tpu.memory_space<semaphore_mem>>) src(%arg11 : memref<160x32xf32, #tpu.memory_space<vmem>>) dst(%dma_wait3A_122 : memref<160x32xf32, #tpu.memory_space<vmem_shared>>)
    %dma_wait3A_123 = arith.constant 0 : i32
    %dma_wait3A_124 = tpu.memref_slice %arg6[%add3A_62, %dma_wait3A_123] : memref<20480x32xf32, #tpu.memory_space<vmem_shared>> -> memref<160x32xf32, #tpu.memory_space<vmem_shared>>
    %dma_wait3A_125 = arith.constant 0 : i32
    %dma_wait3A_126 = tpu.memref_slice %arg6[%add3A_62, %dma_wait3A_125] : memref<20480x32xf32, #tpu.memory_space<vmem_shared>> -> memref<160x32xf32, #tpu.memory_space<vmem_shared>>
    tpu.wait_dma2 semaphore(%arg14 : memref<!tpu.dma_semaphore, #tpu.memory_space<semaphore_mem>>) src(%arg11 : memref<160x32xf32, #tpu.memory_space<vmem>>) dst(%dma_wait3A_126 : memref<160x32xf32, #tpu.memory_space<vmem_shared>>)
    %dma_wait3A_127 = arith.constant 0 : i32
    %dma_wait3A_128 = tpu.memref_slice %arg6[%add3A_66, %dma_wait3A_127] : memref<20480x32xf32, #tpu.memory_space<vmem_shared>> -> memref<160x32xf32, #tpu.memory_space<vmem_shared>>
    %dma_wait3A_129 = arith.constant 0 : i32
    %dma_wait3A_130 = tpu.memref_slice %arg6[%add3A_66, %dma_wait3A_129] : memref<20480x32xf32, #tpu.memory_space<vmem_shared>> -> memref<160x32xf32, #tpu.memory_space<vmem_shared>>
    tpu.wait_dma2 semaphore(%arg14 : memref<!tpu.dma_semaphore, #tpu.memory_space<semaphore_mem>>) src(%arg11 : memref<160x32xf32, #tpu.memory_space<vmem>>) dst(%dma_wait3A_130 : memref<160x32xf32, #tpu.memory_space<vmem_shared>>)
    %dma_wait3A_131 = arith.constant 0 : i32
    %dma_wait3A_132 = tpu.memref_slice %arg6[%add3A_70, %dma_wait3A_131] : memref<20480x32xf32, #tpu.memory_space<vmem_shared>> -> memref<160x32xf32, #tpu.memory_space<vmem_shared>>
    %dma_wait3A_133 = arith.constant 0 : i32
    %dma_wait3A_134 = tpu.memref_slice %arg6[%add3A_70, %dma_wait3A_133] : memref<20480x32xf32, #tpu.memory_space<vmem_shared>> -> memref<160x32xf32, #tpu.memory_space<vmem_shared>>
    tpu.wait_dma2 semaphore(%arg14 : memref<!tpu.dma_semaphore, #tpu.memory_space<semaphore_mem>>) src(%arg11 : memref<160x32xf32, #tpu.memory_space<vmem>>) dst(%dma_wait3A_134 : memref<160x32xf32, #tpu.memory_space<vmem_shared>>)
    %dma_wait3A_135 = arith.constant 0 : i32
    %dma_wait3A_136 = tpu.memref_slice %arg6[%add3A_74, %dma_wait3A_135] : memref<20480x32xf32, #tpu.memory_space<vmem_shared>> -> memref<160x32xf32, #tpu.memory_space<vmem_shared>>
    %dma_wait3A_137 = arith.constant 0 : i32
    %dma_wait3A_138 = tpu.memref_slice %arg6[%add3A_74, %dma_wait3A_137] : memref<20480x32xf32, #tpu.memory_space<vmem_shared>> -> memref<160x32xf32, #tpu.memory_space<vmem_shared>>
    tpu.wait_dma2 semaphore(%arg14 : memref<!tpu.dma_semaphore, #tpu.memory_space<semaphore_mem>>) src(%arg11 : memref<160x32xf32, #tpu.memory_space<vmem>>) dst(%dma_wait3A_138 : memref<160x32xf32, #tpu.memory_space<vmem_shared>>)
    %dma_wait3A_139 = arith.constant 0 : i32
    %dma_wait3A_140 = tpu.memref_slice %arg6[%add3A_78, %dma_wait3A_139] : memref<20480x32xf32, #tpu.memory_space<vmem_shared>> -> memref<160x32xf32, #tpu.memory_space<vmem_shared>>
    %dma_wait3A_141 = arith.constant 0 : i32
    %dma_wait3A_142 = tpu.memref_slice %arg6[%add3A_78, %dma_wait3A_141] : memref<20480x32xf32, #tpu.memory_space<vmem_shared>> -> memref<160x32xf32, #tpu.memory_space<vmem_shared>>
    tpu.wait_dma2 semaphore(%arg14 : memref<!tpu.dma_semaphore, #tpu.memory_space<semaphore_mem>>) src(%arg11 : memref<160x32xf32, #tpu.memory_space<vmem>>) dst(%dma_wait3A_142 : memref<160x32xf32, #tpu.memory_space<vmem_shared>>)
    %barrier3A = arith.constant 0 : index
    tpu.barrier barrier_id(%barrier3A)
    %dma_start3A_143 = arith.constant 0 : i32
    %dma_start3A_144 = arith.constant 0 : i32
    %dma_start3A_145 = arith.constant 0 : i32
    %dma_start3A_146 = arith.constant 0 : i32
    %dma_start3A_147 = tpu.memref_slice %arg10[%dma_start3A_144, %dma_start3A_145, %dma_start3A_146] : memref<3x128x32xf32, #tpu.memory_space<vmem>> -> memref<1x128x32xf32, #tpu.memory_space<vmem>>
    %dma_start3A_148 = tpu.memref_squeeze %dma_start3A_147 : memref<1x128x32xf32, #tpu.memory_space<vmem>> -> memref<128x32xf32, #tpu.memory_space<vmem>>
    %dma_start3A_149 = arith.constant 0 : i32
    %dma_start3A_150 = tpu.memref_slice %arg8[%dma_start3A_143, %dma_start3A_149] : memref<81x128xi32, #tpu.memory_space<vmem>> -> memref<1x128xi32, #tpu.memory_space<vmem>>
    %dma_start3A_151 = tpu.memref_squeeze %dma_start3A_150 : memref<1x128xi32, #tpu.memory_space<vmem>> -> memref<128xi32, #tpu.memory_space<vmem>>
    %dma_start3A_152 = arith.constant 0 : i32
    %dma_start3A_153 = arith.constant 0 : i32
    %dma_start3A_154 = tpu.memref_slice %arg7[%dma_start3A_152, %dma_start3A_153] : memref<20480x32xf32, #tpu.memory_space<vmem_shared>> -> memref<20480x32xf32, #tpu.memory_space<vmem_shared>>
    tpu.enqueue_indirect_dma source(%dma_start3A_154 : memref<20480x32xf32, #tpu.memory_space<vmem_shared>>) target(%dma_start3A_148 : memref<128x32xf32, #tpu.memory_space<vmem>>) offsets(%dma_start3A_151 : memref<128xi32, #tpu.memory_space<vmem>>) semaphore(%arg12 : memref<!tpu.dma_semaphore, #tpu.memory_space<semaphore_mem>>)
    %dma_start3A_155 = arith.constant 1 : i32
    %dma_start3A_156 = arith.constant 1 : i32
    %dma_start3A_157 = arith.constant 0 : i32
    %dma_start3A_158 = arith.constant 0 : i32
    %dma_start3A_159 = tpu.memref_slice %arg10[%dma_start3A_156, %dma_start3A_157, %dma_start3A_158] : memref<3x128x32xf32, #tpu.memory_space<vmem>> -> memref<1x128x32xf32, #tpu.memory_space<vmem>>
    %dma_start3A_160 = tpu.memref_squeeze %dma_start3A_159 : memref<1x128x32xf32, #tpu.memory_space<vmem>> -> memref<128x32xf32, #tpu.memory_space<vmem>>
    %dma_start3A_161 = arith.constant 0 : i32
    %dma_start3A_162 = tpu.memref_slice %arg8[%dma_start3A_155, %dma_start3A_161] : memref<81x128xi32, #tpu.memory_space<vmem>> -> memref<1x128xi32, #tpu.memory_space<vmem>>
    %dma_start3A_163 = tpu.memref_squeeze %dma_start3A_162 : memref<1x128xi32, #tpu.memory_space<vmem>> -> memref<128xi32, #tpu.memory_space<vmem>>
    %dma_start3A_164 = arith.constant 0 : i32
    %dma_start3A_165 = arith.constant 0 : i32
    %dma_start3A_166 = tpu.memref_slice %arg7[%dma_start3A_164, %dma_start3A_165] : memref<20480x32xf32, #tpu.memory_space<vmem_shared>> -> memref<20480x32xf32, #tpu.memory_space<vmem_shared>>
    tpu.enqueue_indirect_dma source(%dma_start3A_166 : memref<20480x32xf32, #tpu.memory_space<vmem_shared>>) target(%dma_start3A_160 : memref<128x32xf32, #tpu.memory_space<vmem>>) offsets(%dma_start3A_163 : memref<128xi32, #tpu.memory_space<vmem>>) semaphore(%arg13 : memref<!tpu.dma_semaphore, #tpu.memory_space<semaphore_mem>>)
    %dma_wait3A_167 = arith.constant 0 : i32
    %dma_wait3A_168 = arith.constant 0 : i32
    %dma_wait3A_169 = arith.constant 0 : i32
    %dma_wait3A_170 = arith.constant 0 : i32
    %dma_wait3A_171 = tpu.memref_slice %arg10[%dma_wait3A_168, %dma_wait3A_169, %dma_wait3A_170] : memref<3x128x32xf32, #tpu.memory_space<vmem>> -> memref<1x128x32xf32, #tpu.memory_space<vmem>>
    %dma_wait3A_172 = tpu.memref_squeeze %dma_wait3A_171 : memref<1x128x32xf32, #tpu.memory_space<vmem>> -> memref<128x32xf32, #tpu.memory_space<vmem>>
    %dma_wait3A_173 = arith.constant 0 : i32
    %dma_wait3A_174 = tpu.memref_slice %arg8[%dma_wait3A_167, %dma_wait3A_173] : memref<81x128xi32, #tpu.memory_space<vmem>> -> memref<1x128xi32, #tpu.memory_space<vmem>>
    %dma_wait3A_175 = tpu.memref_squeeze %dma_wait3A_174 : memref<1x128xi32, #tpu.memory_space<vmem>> -> memref<128xi32, #tpu.memory_space<vmem>>
    %dma_wait3A_176 = arith.constant 0 : i32
    %dma_wait3A_177 = arith.constant 0 : i32
    %dma_wait3A_178 = tpu.memref_slice %arg7[%dma_wait3A_176, %dma_wait3A_177] : memref<20480x32xf32, #tpu.memory_space<vmem_shared>> -> memref<20480x32xf32, #tpu.memory_space<vmem_shared>>
    tpu.wait_indirect_dma semaphore(%arg12 : memref<!tpu.dma_semaphore, #tpu.memory_space<semaphore_mem>>) src(%dma_wait3A_178 : memref<20480x32xf32, #tpu.memory_space<vmem_shared>>) dst(%dma_wait3A_172 : memref<128x32xf32, #tpu.memory_space<vmem>>)
    %dma_start3A_179 = arith.constant 2 : i32
    %dma_start3A_180 = arith.constant 2 : i32
    %dma_start3A_181 = arith.constant 0 : i32
    %dma_start3A_182 = arith.constant 0 : i32
    %dma_start3A_183 = tpu.memref_slice %arg10[%dma_start3A_180, %dma_start3A_181, %dma_start3A_182] : memref<3x128x32xf32, #tpu.memory_space<vmem>> -> memref<1x128x32xf32, #tpu.memory_space<vmem>>
    %dma_start3A_184 = tpu.memref_squeeze %dma_start3A_183 : memref<1x128x32xf32, #tpu.memory_space<vmem>> -> memref<128x32xf32, #tpu.memory_space<vmem>>
    %dma_start3A_185 = arith.constant 0 : i32
    %dma_start3A_186 = tpu.memref_slice %arg8[%dma_start3A_179, %dma_start3A_185] : memref<81x128xi32, #tpu.memory_space<vmem>> -> memref<1x128xi32, #tpu.memory_space<vmem>>
    %dma_start3A_187 = tpu.memref_squeeze %dma_start3A_186 : memref<1x128xi32, #tpu.memory_space<vmem>> -> memref<128xi32, #tpu.memory_space<vmem>>
    %dma_start3A_188 = arith.constant 0 : i32
    %dma_start3A_189 = arith.constant 0 : i32
    %dma_start3A_190 = tpu.memref_slice %arg7[%dma_start3A_188, %dma_start3A_189] : memref<20480x32xf32, #tpu.memory_space<vmem_shared>> -> memref<20480x32xf32, #tpu.memory_space<vmem_shared>>
    tpu.enqueue_indirect_dma source(%dma_start3A_190 : memref<20480x32xf32, #tpu.memory_space<vmem_shared>>) target(%dma_start3A_184 : memref<128x32xf32, #tpu.memory_space<vmem>>) offsets(%dma_start3A_187 : memref<128xi32, #tpu.memory_space<vmem>>) semaphore(%arg12 : memref<!tpu.dma_semaphore, #tpu.memory_space<semaphore_mem>>)
    %dma_start3A_191 = arith.constant 0 : i32
    %dma_start3A_192 = arith.constant 0 : i32
    %dma_start3A_193 = arith.constant 0 : i32
    %dma_start3A_194 = arith.constant 0 : i32
    %dma_start3A_195 = tpu.memref_slice %arg10[%dma_start3A_191, %dma_start3A_193, %dma_start3A_194] : memref<3x128x32xf32, #tpu.memory_space<vmem>> -> memref<1x128x32xf32, #tpu.memory_space<vmem>>
    %dma_start3A_196 = tpu.memref_squeeze %dma_start3A_195 : memref<1x128x32xf32, #tpu.memory_space<vmem>> -> memref<128x32xf32, #tpu.memory_space<vmem>>
    %dma_start3A_197 = arith.constant 0 : i32
    %dma_start3A_198 = tpu.memref_slice %arg9[%dma_start3A_192, %dma_start3A_197] : memref<81x128xi32, #tpu.memory_space<vmem>> -> memref<1x128xi32, #tpu.memory_space<vmem>>
    %dma_start3A_199 = tpu.memref_squeeze %dma_start3A_198 : memref<1x128xi32, #tpu.memory_space<vmem>> -> memref<128xi32, #tpu.memory_space<vmem>>
    %dma_start3A_200 = arith.constant 0 : i32
    %dma_start3A_201 = arith.constant 0 : i32
    %dma_start3A_202 = tpu.memref_slice %arg6[%dma_start3A_200, %dma_start3A_201] : memref<20480x32xf32, #tpu.memory_space<vmem_shared>> -> memref<20480x32xf32, #tpu.memory_space<vmem_shared>>
    tpu.enqueue_indirect_dma source(%dma_start3A_196 : memref<128x32xf32, #tpu.memory_space<vmem>>) target(%dma_start3A_202 : memref<20480x32xf32, #tpu.memory_space<vmem_shared>>) offsets(%dma_start3A_199 : memref<128xi32, #tpu.memory_space<vmem>>) semaphore(%arg15 : memref<!tpu.dma_semaphore, #tpu.memory_space<semaphore_mem>>) {add = true}
    %scan3A_203 = arith.constant 0 : i32
    %scan3A_204 = arith.constant 0 : i32
    %scan3A_205 = arith.constant 13 : i32
    %scan3A_206 = arith.addi %scan3A_204, %scan3A_205 : i32
    %scan3A_207 = arith.constant 1 : i32
    scf.for %scan3A_250 = %scan3A_204 to %scan3A_206 step %scan3A_207  : i32 {
      %mul3A_251 = arith.constant 6 : i32
      %mul3A_252 = arith.muli %mul3A_251, %scan3A_250 : i32
      %add3A_253 = arith.constant 1 : i32
      %add3A_254 = arith.addi %add3A_253, %mul3A_252 : i32
      %add3A_255 = arith.constant 0 : i32
      %add3A_256 = arith.addi %add3A_254, %add3A_255 : i32
      %dma_wait3A_257 = arith.constant 1 : i32
      %dma_wait3A_258 = arith.constant 0 : i32
      %dma_wait3A_259 = arith.constant 0 : i32
      %dma_wait3A_260 = tpu.memref_slice %arg10[%dma_wait3A_257, %dma_wait3A_258, %dma_wait3A_259] : memref<3x128x32xf32, #tpu.memory_space<vmem>> -> memref<1x128x32xf32, #tpu.memory_space<vmem>>
      %dma_wait3A_261 = tpu.memref_squeeze %dma_wait3A_260 : memref<1x128x32xf32, #tpu.memory_space<vmem>> -> memref<128x32xf32, #tpu.memory_space<vmem>>
      %dma_wait3A_262 = arith.constant 0 : i32
      %dma_wait3A_263 = tpu.memref_slice %arg8[%add3A_256, %dma_wait3A_262] : memref<81x128xi32, #tpu.memory_space<vmem>> -> memref<1x128xi32, #tpu.memory_space<vmem>>
      %dma_wait3A_264 = tpu.memref_squeeze %dma_wait3A_263 : memref<1x128xi32, #tpu.memory_space<vmem>> -> memref<128xi32, #tpu.memory_space<vmem>>
      %dma_wait3A_265 = arith.constant 0 : i32
      %dma_wait3A_266 = arith.constant 0 : i32
      %dma_wait3A_267 = tpu.memref_slice %arg7[%dma_wait3A_265, %dma_wait3A_266] : memref<20480x32xf32, #tpu.memory_space<vmem_shared>> -> memref<20480x32xf32, #tpu.memory_space<vmem_shared>>
      tpu.wait_indirect_dma semaphore(%arg13 : memref<!tpu.dma_semaphore, #tpu.memory_space<semaphore_mem>>) src(%dma_wait3A_267 : memref<20480x32xf32, #tpu.memory_space<vmem_shared>>) dst(%dma_wait3A_261 : memref<128x32xf32, #tpu.memory_space<vmem>>)
      %sub3A = arith.constant 1 : i32
      %sub3A_268 = arith.subi %add3A_256, %sub3A : i32
      %dma_wait3A_269 = arith.constant 0 : i32
      %dma_wait3A_270 = arith.constant 0 : i32
      %dma_wait3A_271 = arith.constant 0 : i32
      %dma_wait3A_272 = tpu.memref_slice %arg10[%dma_wait3A_269, %dma_wait3A_270, %dma_wait3A_271] : memref<3x128x32xf32, #tpu.memory_space<vmem>> -> memref<1x128x32xf32, #tpu.memory_space<vmem>>
      %dma_wait3A_273 = tpu.memref_squeeze %dma_wait3A_272 : memref<1x128x32xf32, #tpu.memory_space<vmem>> -> memref<128x32xf32, #tpu.memory_space<vmem>>
      %dma_wait3A_274 = arith.constant 0 : i32
      %dma_wait3A_275 = tpu.memref_slice %arg9[%sub3A_268, %dma_wait3A_274] : memref<81x128xi32, #tpu.memory_space<vmem>> -> memref<1x128xi32, #tpu.memory_space<vmem>>
      %dma_wait3A_276 = tpu.memref_squeeze %dma_wait3A_275 : memref<1x128xi32, #tpu.memory_space<vmem>> -> memref<128xi32, #tpu.memory_space<vmem>>
      %dma_wait3A_277 = arith.constant 0 : i32
      %dma_wait3A_278 = arith.constant 0 : i32
      %dma_wait3A_279 = tpu.memref_slice %arg6[%dma_wait3A_277, %dma_wait3A_278] : memref<20480x32xf32, #tpu.memory_space<vmem_shared>> -> memref<20480x32xf32, #tpu.memory_space<vmem_shared>>
      tpu.wait_indirect_dma semaphore(%arg15 : memref<!tpu.dma_semaphore, #tpu.memory_space<semaphore_mem>>) src(%dma_wait3A_273 : memref<128x32xf32, #tpu.memory_space<vmem>>) dst(%dma_wait3A_279 : memref<20480x32xf32, #tpu.memory_space<vmem_shared>>)
      %add3A_280 = arith.constant 2 : i32
      %add3A_281 = arith.addi %add3A_256, %add3A_280 : i32
      %dma_start3A_282 = arith.constant 0 : i32
      %dma_start3A_283 = arith.constant 0 : i32
      %dma_start3A_284 = arith.constant 0 : i32
      %dma_start3A_285 = tpu.memref_slice %arg10[%dma_start3A_282, %dma_start3A_283, %dma_start3A_284] : memref<3x128x32xf32, #tpu.memory_space<vmem>> -> memref<1x128x32xf32, #tpu.memory_space<vmem>>
      %dma_start3A_286 = tpu.memref_squeeze %dma_start3A_285 : memref<1x128x32xf32, #tpu.memory_space<vmem>> -> memref<128x32xf32, #tpu.memory_space<vmem>>
      %dma_start3A_287 = arith.constant 0 : i32
      %dma_start3A_288 = tpu.memref_slice %arg8[%add3A_281, %dma_start3A_287] : memref<81x128xi32, #tpu.memory_space<vmem>> -> memref<1x128xi32, #tpu.memory_space<vmem>>
      %dma_start3A_289 = tpu.memref_squeeze %dma_start3A_288 : memref<1x128xi32, #tpu.memory_space<vmem>> -> memref<128xi32, #tpu.memory_space<vmem>>
      %dma_start3A_290 = arith.constant 0 : i32
      %dma_start3A_291 = arith.constant 0 : i32
      %dma_start3A_292 = tpu.memref_slice %arg7[%dma_start3A_290, %dma_start3A_291] : memref<20480x32xf32, #tpu.memory_space<vmem_shared>> -> memref<20480x32xf32, #tpu.memory_space<vmem_shared>>
      tpu.enqueue_indirect_dma source(%dma_start3A_292 : memref<20480x32xf32, #tpu.memory_space<vmem_shared>>) target(%dma_start3A_286 : memref<128x32xf32, #tpu.memory_space<vmem>>) offsets(%dma_start3A_289 : memref<128xi32, #tpu.memory_space<vmem>>) semaphore(%arg13 : memref<!tpu.dma_semaphore, #tpu.memory_space<semaphore_mem>>)
      %dma_start3A_293 = arith.constant 1 : i32
      %dma_start3A_294 = arith.constant 0 : i32
      %dma_start3A_295 = arith.constant 0 : i32
      %dma_start3A_296 = tpu.memref_slice %arg10[%dma_start3A_293, %dma_start3A_294, %dma_start3A_295] : memref<3x128x32xf32, #tpu.memory_space<vmem>> -> memref<1x128x32xf32, #tpu.memory_space<vmem>>
      %dma_start3A_297 = tpu.memref_squeeze %dma_start3A_296 : memref<1x128x32xf32, #tpu.memory_space<vmem>> -> memref<128x32xf32, #tpu.memory_space<vmem>>
      %dma_start3A_298 = arith.constant 0 : i32
      %dma_start3A_299 = tpu.memref_slice %arg9[%add3A_256, %dma_start3A_298] : memref<81x128xi32, #tpu.memory_space<vmem>> -> memref<1x128xi32, #tpu.memory_space<vmem>>
      %dma_start3A_300 = tpu.memref_squeeze %dma_start3A_299 : memref<1x128xi32, #tpu.memory_space<vmem>> -> memref<128xi32, #tpu.memory_space<vmem>>
      %dma_start3A_301 = arith.constant 0 : i32
      %dma_start3A_302 = arith.constant 0 : i32
      %dma_start3A_303 = tpu.memref_slice %arg6[%dma_start3A_301, %dma_start3A_302] : memref<20480x32xf32, #tpu.memory_space<vmem_shared>> -> memref<20480x32xf32, #tpu.memory_space<vmem_shared>>
      tpu.enqueue_indirect_dma source(%dma_start3A_297 : memref<128x32xf32, #tpu.memory_space<vmem>>) target(%dma_start3A_303 : memref<20480x32xf32, #tpu.memory_space<vmem_shared>>) offsets(%dma_start3A_300 : memref<128xi32, #tpu.memory_space<vmem>>) semaphore(%arg15 : memref<!tpu.dma_semaphore, #tpu.memory_space<semaphore_mem>>) {add = true}
      %mul3A_304 = arith.constant 6 : i32
      %mul3A_305 = arith.muli %mul3A_304, %scan3A_250 : i32
      %add3A_306 = arith.constant 1 : i32
      %add3A_307 = arith.addi %add3A_306, %mul3A_305 : i32
      %add3A_308 = arith.constant 1 : i32
      %add3A_309 = arith.addi %add3A_307, %add3A_308 : i32
      %dma_wait3A_310 = arith.constant 2 : i32
      %dma_wait3A_311 = arith.constant 0 : i32
      %dma_wait3A_312 = arith.constant 0 : i32
      %dma_wait3A_313 = tpu.memref_slice %arg10[%dma_wait3A_310, %dma_wait3A_311, %dma_wait3A_312] : memref<3x128x32xf32, #tpu.memory_space<vmem>> -> memref<1x128x32xf32, #tpu.memory_space<vmem>>
      %dma_wait3A_314 = tpu.memref_squeeze %dma_wait3A_313 : memref<1x128x32xf32, #tpu.memory_space<vmem>> -> memref<128x32xf32, #tpu.memory_space<vmem>>
      %dma_wait3A_315 = arith.constant 0 : i32
      %dma_wait3A_316 = tpu.memref_slice %arg8[%add3A_309, %dma_wait3A_315] : memref<81x128xi32, #tpu.memory_space<vmem>> -> memref<1x128xi32, #tpu.memory_space<vmem>>
      %dma_wait3A_317 = tpu.memref_squeeze %dma_wait3A_316 : memref<1x128xi32, #tpu.memory_space<vmem>> -> memref<128xi32, #tpu.memory_space<vmem>>
      %dma_wait3A_318 = arith.constant 0 : i32
      %dma_wait3A_319 = arith.constant 0 : i32
      %dma_wait3A_320 = tpu.memref_slice %arg7[%dma_wait3A_318, %dma_wait3A_319] : memref<20480x32xf32, #tpu.memory_space<vmem_shared>> -> memref<20480x32xf32, #tpu.memory_space<vmem_shared>>
      tpu.wait_indirect_dma semaphore(%arg12 : memref<!tpu.dma_semaphore, #tpu.memory_space<semaphore_mem>>) src(%dma_wait3A_320 : memref<20480x32xf32, #tpu.memory_space<vmem_shared>>) dst(%dma_wait3A_314 : memref<128x32xf32, #tpu.memory_space<vmem>>)
      %sub3A_321 = arith.constant 1 : i32
      %sub3A_322 = arith.subi %add3A_309, %sub3A_321 : i32
      %dma_wait3A_323 = arith.constant 1 : i32
      %dma_wait3A_324 = arith.constant 0 : i32
      %dma_wait3A_325 = arith.constant 0 : i32
      %dma_wait3A_326 = tpu.memref_slice %arg10[%dma_wait3A_323, %dma_wait3A_324, %dma_wait3A_325] : memref<3x128x32xf32, #tpu.memory_space<vmem>> -> memref<1x128x32xf32, #tpu.memory_space<vmem>>
      %dma_wait3A_327 = tpu.memref_squeeze %dma_wait3A_326 : memref<1x128x32xf32, #tpu.memory_space<vmem>> -> memref<128x32xf32, #tpu.memory_space<vmem>>
      %dma_wait3A_328 = arith.constant 0 : i32
      %dma_wait3A_329 = tpu.memref_slice %arg9[%sub3A_322, %dma_wait3A_328] : memref<81x128xi32, #tpu.memory_space<vmem>> -> memref<1x128xi32, #tpu.memory_space<vmem>>
      %dma_wait3A_330 = tpu.memref_squeeze %dma_wait3A_329 : memref<1x128xi32, #tpu.memory_space<vmem>> -> memref<128xi32, #tpu.memory_space<vmem>>
      %dma_wait3A_331 = arith.constant 0 : i32
      %dma_wait3A_332 = arith.constant 0 : i32
      %dma_wait3A_333 = tpu.memref_slice %arg6[%dma_wait3A_331, %dma_wait3A_332] : memref<20480x32xf32, #tpu.memory_space<vmem_shared>> -> memref<20480x32xf32, #tpu.memory_space<vmem_shared>>
      tpu.wait_indirect_dma semaphore(%arg15 : memref<!tpu.dma_semaphore, #tpu.memory_space<semaphore_mem>>) src(%dma_wait3A_327 : memref<128x32xf32, #tpu.memory_space<vmem>>) dst(%dma_wait3A_333 : memref<20480x32xf32, #tpu.memory_space<vmem_shared>>)
      %add3A_334 = arith.constant 2 : i32
      %add3A_335 = arith.addi %add3A_309, %add3A_334 : i32
      %dma_start3A_336 = arith.constant 1 : i32
      %dma_start3A_337 = arith.constant 0 : i32
      %dma_start3A_338 = arith.constant 0 : i32
      %dma_start3A_339 = tpu.memref_slice %arg10[%dma_start3A_336, %dma_start3A_337, %dma_start3A_338] : memref<3x128x32xf32, #tpu.memory_space<vmem>> -> memref<1x128x32xf32, #tpu.memory_space<vmem>>
      %dma_start3A_340 = tpu.memref_squeeze %dma_start3A_339 : memref<1x128x32xf32, #tpu.memory_space<vmem>> -> memref<128x32xf32, #tpu.memory_space<vmem>>
      %dma_start3A_341 = arith.constant 0 : i32
      %dma_start3A_342 = tpu.memref_slice %arg8[%add3A_335, %dma_start3A_341] : memref<81x128xi32, #tpu.memory_space<vmem>> -> memref<1x128xi32, #tpu.memory_space<vmem>>
      %dma_start3A_343 = tpu.memref_squeeze %dma_start3A_342 : memref<1x128xi32, #tpu.memory_space<vmem>> -> memref<128xi32, #tpu.memory_space<vmem>>
      %dma_start3A_344 = arith.constant 0 : i32
      %dma_start3A_345 = arith.constant 0 : i32
      %dma_start3A_346 = tpu.memref_slice %arg7[%dma_start3A_344, %dma_start3A_345] : memref<20480x32xf32, #tpu.memory_space<vmem_shared>> -> memref<20480x32xf32, #tpu.memory_space<vmem_shared>>
      tpu.enqueue_indirect_dma source(%dma_start3A_346 : memref<20480x32xf32, #tpu.memory_space<vmem_shared>>) target(%dma_start3A_340 : memref<128x32xf32, #tpu.memory_space<vmem>>) offsets(%dma_start3A_343 : memref<128xi32, #tpu.memory_space<vmem>>) semaphore(%arg12 : memref<!tpu.dma_semaphore, #tpu.memory_space<semaphore_mem>>)
      %dma_start3A_347 = arith.constant 2 : i32
      %dma_start3A_348 = arith.constant 0 : i32
      %dma_start3A_349 = arith.constant 0 : i32
      %dma_start3A_350 = tpu.memref_slice %arg10[%dma_start3A_347, %dma_start3A_348, %dma_start3A_349] : memref<3x128x32xf32, #tpu.memory_space<vmem>> -> memref<1x128x32xf32, #tpu.memory_space<vmem>>
      %dma_start3A_351 = tpu.memref_squeeze %dma_start3A_350 : memref<1x128x32xf32, #tpu.memory_space<vmem>> -> memref<128x32xf32, #tpu.memory_space<vmem>>
      %dma_start3A_352 = arith.constant 0 : i32
      %dma_start3A_353 = tpu.memref_slice %arg9[%add3A_309, %dma_start3A_352] : memref<81x128xi32, #tpu.memory_space<vmem>> -> memref<1x128xi32, #tpu.memory_space<vmem>>
      %dma_start3A_354 = tpu.memref_squeeze %dma_start3A_353 : memref<1x128xi32, #tpu.memory_space<vmem>> -> memref<128xi32, #tpu.memory_space<vmem>>
      %dma_start3A_355 = arith.constant 0 : i32
      %dma_start3A_356 = arith.constant 0 : i32
      %dma_start3A_357 = tpu.memref_slice %arg6[%dma_start3A_355, %dma_start3A_356] : memref<20480x32xf32, #tpu.memory_space<vmem_shared>> -> memref<20480x32xf32, #tpu.memory_space<vmem_shared>>
      tpu.enqueue_indirect_dma source(%dma_start3A_351 : memref<128x32xf32, #tpu.memory_space<vmem>>) target(%dma_start3A_357 : memref<20480x32xf32, #tpu.memory_space<vmem_shared>>) offsets(%dma_start3A_354 : memref<128xi32, #tpu.memory_space<vmem>>) semaphore(%arg15 : memref<!tpu.dma_semaphore, #tpu.memory_space<semaphore_mem>>) {add = true}
      %mul3A_358 = arith.constant 6 : i32
      %mul3A_359 = arith.muli %mul3A_358, %scan3A_250 : i32
      %add3A_360 = arith.constant 1 : i32
      %add3A_361 = arith.addi %add3A_360, %mul3A_359 : i32
      %add3A_362 = arith.constant 2 : i32
      %add3A_363 = arith.addi %add3A_361, %add3A_362 : i32
      %dma_wait3A_364 = arith.constant 0 : i32
      %dma_wait3A_365 = arith.constant 0 : i32
      %dma_wait3A_366 = arith.constant 0 : i32
      %dma_wait3A_367 = tpu.memref_slice %arg10[%dma_wait3A_364, %dma_wait3A_365, %dma_wait3A_366] : memref<3x128x32xf32, #tpu.memory_space<vmem>> -> memref<1x128x32xf32, #tpu.memory_space<vmem>>
      %dma_wait3A_368 = tpu.memref_squeeze %dma_wait3A_367 : memref<1x128x32xf32, #tpu.memory_space<vmem>> -> memref<128x32xf32, #tpu.memory_space<vmem>>
      %dma_wait3A_369 = arith.constant 0 : i32
      %dma_wait3A_370 = tpu.memref_slice %arg8[%add3A_363, %dma_wait3A_369] : memref<81x128xi32, #tpu.memory_space<vmem>> -> memref<1x128xi32, #tpu.memory_space<vmem>>
      %dma_wait3A_371 = tpu.memref_squeeze %dma_wait3A_370 : memref<1x128xi32, #tpu.memory_space<vmem>> -> memref<128xi32, #tpu.memory_space<vmem>>
      %dma_wait3A_372 = arith.constant 0 : i32
      %dma_wait3A_373 = arith.constant 0 : i32
      %dma_wait3A_374 = tpu.memref_slice %arg7[%dma_wait3A_372, %dma_wait3A_373] : memref<20480x32xf32, #tpu.memory_space<vmem_shared>> -> memref<20480x32xf32, #tpu.memory_space<vmem_shared>>
      tpu.wait_indirect_dma semaphore(%arg13 : memref<!tpu.dma_semaphore, #tpu.memory_space<semaphore_mem>>) src(%dma_wait3A_374 : memref<20480x32xf32, #tpu.memory_space<vmem_shared>>) dst(%dma_wait3A_368 : memref<128x32xf32, #tpu.memory_space<vmem>>)
      %sub3A_375 = arith.constant 1 : i32
      %sub3A_376 = arith.subi %add3A_363, %sub3A_375 : i32
      %dma_wait3A_377 = arith.constant 2 : i32
      %dma_wait3A_378 = arith.constant 0 : i32
      %dma_wait3A_379 = arith.constant 0 : i32
      %dma_wait3A_380 = tpu.memref_slice %arg10[%dma_wait3A_377, %dma_wait3A_378, %dma_wait3A_379] : memref<3x128x32xf32, #tpu.memory_space<vmem>> -> memref<1x128x32xf32, #tpu.memory_space<vmem>>
      %dma_wait3A_381 = tpu.memref_squeeze %dma_wait3A_380 : memref<1x128x32xf32, #tpu.memory_space<vmem>> -> memref<128x32xf32, #tpu.memory_space<vmem>>
      %dma_wait3A_382 = arith.constant 0 : i32
      %dma_wait3A_383 = tpu.memref_slice %arg9[%sub3A_376, %dma_wait3A_382] : memref<81x128xi32, #tpu.memory_space<vmem>> -> memref<1x128xi32, #tpu.memory_space<vmem>>
      %dma_wait3A_384 = tpu.memref_squeeze %dma_wait3A_383 : memref<1x128xi32, #tpu.memory_space<vmem>> -> memref<128xi32, #tpu.memory_space<vmem>>
      %dma_wait3A_385 = arith.constant 0 : i32
      %dma_wait3A_386 = arith.constant 0 : i32
      %dma_wait3A_387 = tpu.memref_slice %arg6[%dma_wait3A_385, %dma_wait3A_386] : memref<20480x32xf32, #tpu.memory_space<vmem_shared>> -> memref<20480x32xf32, #tpu.memory_space<vmem_shared>>
      tpu.wait_indirect_dma semaphore(%arg15 : memref<!tpu.dma_semaphore, #tpu.memory_space<semaphore_mem>>) src(%dma_wait3A_381 : memref<128x32xf32, #tpu.memory_space<vmem>>) dst(%dma_wait3A_387 : memref<20480x32xf32, #tpu.memory_space<vmem_shared>>)
      %add3A_388 = arith.constant 2 : i32
      %add3A_389 = arith.addi %add3A_363, %add3A_388 : i32
      %dma_start3A_390 = arith.constant 2 : i32
      %dma_start3A_391 = arith.constant 0 : i32
      %dma_start3A_392 = arith.constant 0 : i32
      %dma_start3A_393 = tpu.memref_slice %arg10[%dma_start3A_390, %dma_start3A_391, %dma_start3A_392] : memref<3x128x32xf32, #tpu.memory_space<vmem>> -> memref<1x128x32xf32, #tpu.memory_space<vmem>>
      %dma_start3A_394 = tpu.memref_squeeze %dma_start3A_393 : memref<1x128x32xf32, #tpu.memory_space<vmem>> -> memref<128x32xf32, #tpu.memory_space<vmem>>
      %dma_start3A_395 = arith.constant 0 : i32
      %dma_start3A_396 = tpu.memref_slice %arg8[%add3A_389, %dma_start3A_395] : memref<81x128xi32, #tpu.memory_space<vmem>> -> memref<1x128xi32, #tpu.memory_space<vmem>>
      %dma_start3A_397 = tpu.memref_squeeze %dma_start3A_396 : memref<1x128xi32, #tpu.memory_space<vmem>> -> memref<128xi32, #tpu.memory_space<vmem>>
      %dma_start3A_398 = arith.constant 0 : i32
      %dma_start3A_399 = arith.constant 0 : i32
      %dma_start3A_400 = tpu.memref_slice %arg7[%dma_start3A_398, %dma_start3A_399] : memref<20480x32xf32, #tpu.memory_space<vmem_shared>> -> memref<20480x32xf32, #tpu.memory_space<vmem_shared>>
      tpu.enqueue_indirect_dma source(%dma_start3A_400 : memref<20480x32xf32, #tpu.memory_space<vmem_shared>>) target(%dma_start3A_394 : memref<128x32xf32, #tpu.memory_space<vmem>>) offsets(%dma_start3A_397 : memref<128xi32, #tpu.memory_space<vmem>>) semaphore(%arg13 : memref<!tpu.dma_semaphore, #tpu.memory_space<semaphore_mem>>)
      %dma_start3A_401 = arith.constant 0 : i32
      %dma_start3A_402 = arith.constant 0 : i32
      %dma_start3A_403 = arith.constant 0 : i32
      %dma_start3A_404 = tpu.memref_slice %arg10[%dma_start3A_401, %dma_start3A_402, %dma_start3A_403] : memref<3x128x32xf32, #tpu.memory_space<vmem>> -> memref<1x128x32xf32, #tpu.memory_space<vmem>>
      %dma_start3A_405 = tpu.memref_squeeze %dma_start3A_404 : memref<1x128x32xf32, #tpu.memory_space<vmem>> -> memref<128x32xf32, #tpu.memory_space<vmem>>
      %dma_start3A_406 = arith.constant 0 : i32
      %dma_start3A_407 = tpu.memref_slice %arg9[%add3A_363, %dma_start3A_406] : memref<81x128xi32, #tpu.memory_space<vmem>> -> memref<1x128xi32, #tpu.memory_space<vmem>>
      %dma_start3A_408 = tpu.memref_squeeze %dma_start3A_407 : memref<1x128xi32, #tpu.memory_space<vmem>> -> memref<128xi32, #tpu.memory_space<vmem>>
      %dma_start3A_409 = arith.constant 0 : i32
      %dma_start3A_410 = arith.constant 0 : i32
      %dma_start3A_411 = tpu.memref_slice %arg6[%dma_start3A_409, %dma_start3A_410] : memref<20480x32xf32, #tpu.memory_space<vmem_shared>> -> memref<20480x32xf32, #tpu.memory_space<vmem_shared>>
      tpu.enqueue_indirect_dma source(%dma_start3A_405 : memref<128x32xf32, #tpu.memory_space<vmem>>) target(%dma_start3A_411 : memref<20480x32xf32, #tpu.memory_space<vmem_shared>>) offsets(%dma_start3A_408 : memref<128xi32, #tpu.memory_space<vmem>>) semaphore(%arg15 : memref<!tpu.dma_semaphore, #tpu.memory_space<semaphore_mem>>) {add = true}
      %mul3A_412 = arith.constant 6 : i32
      %mul3A_413 = arith.muli %mul3A_412, %scan3A_250 : i32
      %add3A_414 = arith.constant 1 : i32
      %add3A_415 = arith.addi %add3A_414, %mul3A_413 : i32
      %add3A_416 = arith.constant 3 : i32
      %add3A_417 = arith.addi %add3A_415, %add3A_416 : i32
      %dma_wait3A_418 = arith.constant 1 : i32
      %dma_wait3A_419 = arith.constant 0 : i32
      %dma_wait3A_420 = arith.constant 0 : i32
      %dma_wait3A_421 = tpu.memref_slice %arg10[%dma_wait3A_418, %dma_wait3A_419, %dma_wait3A_420] : memref<3x128x32xf32, #tpu.memory_space<vmem>> -> memref<1x128x32xf32, #tpu.memory_space<vmem>>
      %dma_wait3A_422 = tpu.memref_squeeze %dma_wait3A_421 : memref<1x128x32xf32, #tpu.memory_space<vmem>> -> memref<128x32xf32, #tpu.memory_space<vmem>>
      %dma_wait3A_423 = arith.constant 0 : i32
      %dma_wait3A_424 = tpu.memref_slice %arg8[%add3A_417, %dma_wait3A_423] : memref<81x128xi32, #tpu.memory_space<vmem>> -> memref<1x128xi32, #tpu.memory_space<vmem>>
      %dma_wait3A_425 = tpu.memref_squeeze %dma_wait3A_424 : memref<1x128xi32, #tpu.memory_space<vmem>> -> memref<128xi32, #tpu.memory_space<vmem>>
      %dma_wait3A_426 = arith.constant 0 : i32
      %dma_wait3A_427 = arith.constant 0 : i32
      %dma_wait3A_428 = tpu.memref_slice %arg7[%dma_wait3A_426, %dma_wait3A_427] : memref<20480x32xf32, #tpu.memory_space<vmem_shared>> -> memref<20480x32xf32, #tpu.memory_space<vmem_shared>>
      tpu.wait_indirect_dma semaphore(%arg12 : memref<!tpu.dma_semaphore, #tpu.memory_space<semaphore_mem>>) src(%dma_wait3A_428 : memref<20480x32xf32, #tpu.memory_space<vmem_shared>>) dst(%dma_wait3A_422 : memref<128x32xf32, #tpu.memory_space<vmem>>)
      %sub3A_429 = arith.constant 1 : i32
      %sub3A_430 = arith.subi %add3A_417, %sub3A_429 : i32
      %dma_wait3A_431 = arith.constant 0 : i32
      %dma_wait3A_432 = arith.constant 0 : i32
      %dma_wait3A_433 = arith.constant 0 : i32
      %dma_wait3A_434 = tpu.memref_slice %arg10[%dma_wait3A_431, %dma_wait3A_432, %dma_wait3A_433] : memref<3x128x32xf32, #tpu.memory_space<vmem>> -> memref<1x128x32xf32, #tpu.memory_space<vmem>>
      %dma_wait3A_435 = tpu.memref_squeeze %dma_wait3A_434 : memref<1x128x32xf32, #tpu.memory_space<vmem>> -> memref<128x32xf32, #tpu.memory_space<vmem>>
      %dma_wait3A_436 = arith.constant 0 : i32
      %dma_wait3A_437 = tpu.memref_slice %arg9[%sub3A_430, %dma_wait3A_436] : memref<81x128xi32, #tpu.memory_space<vmem>> -> memref<1x128xi32, #tpu.memory_space<vmem>>
      %dma_wait3A_438 = tpu.memref_squeeze %dma_wait3A_437 : memref<1x128xi32, #tpu.memory_space<vmem>> -> memref<128xi32, #tpu.memory_space<vmem>>
      %dma_wait3A_439 = arith.constant 0 : i32
      %dma_wait3A_440 = arith.constant 0 : i32
      %dma_wait3A_441 = tpu.memref_slice %arg6[%dma_wait3A_439, %dma_wait3A_440] : memref<20480x32xf32, #tpu.memory_space<vmem_shared>> -> memref<20480x32xf32, #tpu.memory_space<vmem_shared>>
      tpu.wait_indirect_dma semaphore(%arg15 : memref<!tpu.dma_semaphore, #tpu.memory_space<semaphore_mem>>) src(%dma_wait3A_435 : memref<128x32xf32, #tpu.memory_space<vmem>>) dst(%dma_wait3A_441 : memref<20480x32xf32, #tpu.memory_space<vmem_shared>>)
      %add3A_442 = arith.constant 2 : i32
      %add3A_443 = arith.addi %add3A_417, %add3A_442 : i32
      %dma_start3A_444 = arith.constant 0 : i32
      %dma_start3A_445 = arith.constant 0 : i32
      %dma_start3A_446 = arith.constant 0 : i32
      %dma_start3A_447 = tpu.memref_slice %arg10[%dma_start3A_444, %dma_start3A_445, %dma_start3A_446] : memref<3x128x32xf32, #tpu.memory_space<vmem>> -> memref<1x128x32xf32, #tpu.memory_space<vmem>>
      %dma_start3A_448 = tpu.memref_squeeze %dma_start3A_447 : memref<1x128x32xf32, #tpu.memory_space<vmem>> -> memref<128x32xf32, #tpu.memory_space<vmem>>
      %dma_start3A_449 = arith.constant 0 : i32
      %dma_start3A_450 = tpu.memref_slice %arg8[%add3A_443, %dma_start3A_449] : memref<81x128xi32, #tpu.memory_space<vmem>> -> memref<1x128xi32, #tpu.memory_space<vmem>>
      %dma_start3A_451 = tpu.memref_squeeze %dma_start3A_450 : memref<1x128xi32, #tpu.memory_space<vmem>> -> memref<128xi32, #tpu.memory_space<vmem>>
      %dma_start3A_452 = arith.constant 0 : i32
      %dma_start3A_453 = arith.constant 0 : i32
      %dma_start3A_454 = tpu.memref_slice %arg7[%dma_start3A_452, %dma_start3A_453] : memref<20480x32xf32, #tpu.memory_space<vmem_shared>> -> memref<20480x32xf32, #tpu.memory_space<vmem_shared>>
      tpu.enqueue_indirect_dma source(%dma_start3A_454 : memref<20480x32xf32, #tpu.memory_space<vmem_shared>>) target(%dma_start3A_448 : memref<128x32xf32, #tpu.memory_space<vmem>>) offsets(%dma_start3A_451 : memref<128xi32, #tpu.memory_space<vmem>>) semaphore(%arg12 : memref<!tpu.dma_semaphore, #tpu.memory_space<semaphore_mem>>)
      %dma_start3A_455 = arith.constant 1 : i32
      %dma_start3A_456 = arith.constant 0 : i32
      %dma_start3A_457 = arith.constant 0 : i32
      %dma_start3A_458 = tpu.memref_slice %arg10[%dma_start3A_455, %dma_start3A_456, %dma_start3A_457] : memref<3x128x32xf32, #tpu.memory_space<vmem>> -> memref<1x128x32xf32, #tpu.memory_space<vmem>>
      %dma_start3A_459 = tpu.memref_squeeze %dma_start3A_458 : memref<1x128x32xf32, #tpu.memory_space<vmem>> -> memref<128x32xf32, #tpu.memory_space<vmem>>
      %dma_start3A_460 = arith.constant 0 : i32
      %dma_start3A_461 = tpu.memref_slice %arg9[%add3A_417, %dma_start3A_460] : memref<81x128xi32, #tpu.memory_space<vmem>> -> memref<1x128xi32, #tpu.memory_space<vmem>>
      %dma_start3A_462 = tpu.memref_squeeze %dma_start3A_461 : memref<1x128xi32, #tpu.memory_space<vmem>> -> memref<128xi32, #tpu.memory_space<vmem>>
      %dma_start3A_463 = arith.constant 0 : i32
      %dma_start3A_464 = arith.constant 0 : i32
      %dma_start3A_465 = tpu.memref_slice %arg6[%dma_start3A_463, %dma_start3A_464] : memref<20480x32xf32, #tpu.memory_space<vmem_shared>> -> memref<20480x32xf32, #tpu.memory_space<vmem_shared>>
      tpu.enqueue_indirect_dma source(%dma_start3A_459 : memref<128x32xf32, #tpu.memory_space<vmem>>) target(%dma_start3A_465 : memref<20480x32xf32, #tpu.memory_space<vmem_shared>>) offsets(%dma_start3A_462 : memref<128xi32, #tpu.memory_space<vmem>>) semaphore(%arg15 : memref<!tpu.dma_semaphore, #tpu.memory_space<semaphore_mem>>) {add = true}
      %mul3A_466 = arith.constant 6 : i32
      %mul3A_467 = arith.muli %mul3A_466, %scan3A_250 : i32
      %add3A_468 = arith.constant 1 : i32
      %add3A_469 = arith.addi %add3A_468, %mul3A_467 : i32
      %add3A_470 = arith.constant 4 : i32
      %add3A_471 = arith.addi %add3A_469, %add3A_470 : i32
      %dma_wait3A_472 = arith.constant 2 : i32
      %dma_wait3A_473 = arith.constant 0 : i32
      %dma_wait3A_474 = arith.constant 0 : i32
      %dma_wait3A_475 = tpu.memref_slice %arg10[%dma_wait3A_472, %dma_wait3A_473, %dma_wait3A_474] : memref<3x128x32xf32, #tpu.memory_space<vmem>> -> memref<1x128x32xf32, #tpu.memory_space<vmem>>
      %dma_wait3A_476 = tpu.memref_squeeze %dma_wait3A_475 : memref<1x128x32xf32, #tpu.memory_space<vmem>> -> memref<128x32xf32, #tpu.memory_space<vmem>>
      %dma_wait3A_477 = arith.constant 0 : i32
      %dma_wait3A_478 = tpu.memref_slice %arg8[%add3A_471, %dma_wait3A_477] : memref<81x128xi32, #tpu.memory_space<vmem>> -> memref<1x128xi32, #tpu.memory_space<vmem>>
      %dma_wait3A_479 = tpu.memref_squeeze %dma_wait3A_478 : memref<1x128xi32, #tpu.memory_space<vmem>> -> memref<128xi32, #tpu.memory_space<vmem>>
      %dma_wait3A_480 = arith.constant 0 : i32
      %dma_wait3A_481 = arith.constant 0 : i32
      %dma_wait3A_482 = tpu.memref_slice %arg7[%dma_wait3A_480, %dma_wait3A_481] : memref<20480x32xf32, #tpu.memory_space<vmem_shared>> -> memref<20480x32xf32, #tpu.memory_space<vmem_shared>>
      tpu.wait_indirect_dma semaphore(%arg13 : memref<!tpu.dma_semaphore, #tpu.memory_space<semaphore_mem>>) src(%dma_wait3A_482 : memref<20480x32xf32, #tpu.memory_space<vmem_shared>>) dst(%dma_wait3A_476 : memref<128x32xf32, #tpu.memory_space<vmem>>)
      %sub3A_483 = arith.constant 1 : i32
      %sub3A_484 = arith.subi %add3A_471, %sub3A_483 : i32
      %dma_wait3A_485 = arith.constant 1 : i32
      %dma_wait3A_486 = arith.constant 0 : i32
      %dma_wait3A_487 = arith.constant 0 : i32
      %dma_wait3A_488 = tpu.memref_slice %arg10[%dma_wait3A_485, %dma_wait3A_486, %dma_wait3A_487] : memref<3x128x32xf32, #tpu.memory_space<vmem>> -> memref<1x128x32xf32, #tpu.memory_space<vmem>>
      %dma_wait3A_489 = tpu.memref_squeeze %dma_wait3A_488 : memref<1x128x32xf32, #tpu.memory_space<vmem>> -> memref<128x32xf32, #tpu.memory_space<vmem>>
      %dma_wait3A_490 = arith.constant 0 : i32
      %dma_wait3A_491 = tpu.memref_slice %arg9[%sub3A_484, %dma_wait3A_490] : memref<81x128xi32, #tpu.memory_space<vmem>> -> memref<1x128xi32, #tpu.memory_space<vmem>>
      %dma_wait3A_492 = tpu.memref_squeeze %dma_wait3A_491 : memref<1x128xi32, #tpu.memory_space<vmem>> -> memref<128xi32, #tpu.memory_space<vmem>>
      %dma_wait3A_493 = arith.constant 0 : i32
      %dma_wait3A_494 = arith.constant 0 : i32
      %dma_wait3A_495 = tpu.memref_slice %arg6[%dma_wait3A_493, %dma_wait3A_494] : memref<20480x32xf32, #tpu.memory_space<vmem_shared>> -> memref<20480x32xf32, #tpu.memory_space<vmem_shared>>
      tpu.wait_indirect_dma semaphore(%arg15 : memref<!tpu.dma_semaphore, #tpu.memory_space<semaphore_mem>>) src(%dma_wait3A_489 : memref<128x32xf32, #tpu.memory_space<vmem>>) dst(%dma_wait3A_495 : memref<20480x32xf32, #tpu.memory_space<vmem_shared>>)
      %add3A_496 = arith.constant 2 : i32
      %add3A_497 = arith.addi %add3A_471, %add3A_496 : i32
      %dma_start3A_498 = arith.constant 1 : i32
      %dma_start3A_499 = arith.constant 0 : i32
      %dma_start3A_500 = arith.constant 0 : i32
      %dma_start3A_501 = tpu.memref_slice %arg10[%dma_start3A_498, %dma_start3A_499, %dma_start3A_500] : memref<3x128x32xf32, #tpu.memory_space<vmem>> -> memref<1x128x32xf32, #tpu.memory_space<vmem>>
      %dma_start3A_502 = tpu.memref_squeeze %dma_start3A_501 : memref<1x128x32xf32, #tpu.memory_space<vmem>> -> memref<128x32xf32, #tpu.memory_space<vmem>>
      %dma_start3A_503 = arith.constant 0 : i32
      %dma_start3A_504 = tpu.memref_slice %arg8[%add3A_497, %dma_start3A_503] : memref<81x128xi32, #tpu.memory_space<vmem>> -> memref<1x128xi32, #tpu.memory_space<vmem>>
      %dma_start3A_505 = tpu.memref_squeeze %dma_start3A_504 : memref<1x128xi32, #tpu.memory_space<vmem>> -> memref<128xi32, #tpu.memory_space<vmem>>
      %dma_start3A_506 = arith.constant 0 : i32
      %dma_start3A_507 = arith.constant 0 : i32
      %dma_start3A_508 = tpu.memref_slice %arg7[%dma_start3A_506, %dma_start3A_507] : memref<20480x32xf32, #tpu.memory_space<vmem_shared>> -> memref<20480x32xf32, #tpu.memory_space<vmem_shared>>
      tpu.enqueue_indirect_dma source(%dma_start3A_508 : memref<20480x32xf32, #tpu.memory_space<vmem_shared>>) target(%dma_start3A_502 : memref<128x32xf32, #tpu.memory_space<vmem>>) offsets(%dma_start3A_505 : memref<128xi32, #tpu.memory_space<vmem>>) semaphore(%arg13 : memref<!tpu.dma_semaphore, #tpu.memory_space<semaphore_mem>>)
      %dma_start3A_509 = arith.constant 2 : i32
      %dma_start3A_510 = arith.constant 0 : i32
      %dma_start3A_511 = arith.constant 0 : i32
      %dma_start3A_512 = tpu.memref_slice %arg10[%dma_start3A_509, %dma_start3A_510, %dma_start3A_511] : memref<3x128x32xf32, #tpu.memory_space<vmem>> -> memref<1x128x32xf32, #tpu.memory_space<vmem>>
      %dma_start3A_513 = tpu.memref_squeeze %dma_start3A_512 : memref<1x128x32xf32, #tpu.memory_space<vmem>> -> memref<128x32xf32, #tpu.memory_space<vmem>>
      %dma_start3A_514 = arith.constant 0 : i32
      %dma_start3A_515 = tpu.memref_slice %arg9[%add3A_471, %dma_start3A_514] : memref<81x128xi32, #tpu.memory_space<vmem>> -> memref<1x128xi32, #tpu.memory_space<vmem>>
      %dma_start3A_516 = tpu.memref_squeeze %dma_start3A_515 : memref<1x128xi32, #tpu.memory_space<vmem>> -> memref<128xi32, #tpu.memory_space<vmem>>
      %dma_start3A_517 = arith.constant 0 : i32
      %dma_start3A_518 = arith.constant 0 : i32
      %dma_start3A_519 = tpu.memref_slice %arg6[%dma_start3A_517, %dma_start3A_518] : memref<20480x32xf32, #tpu.memory_space<vmem_shared>> -> memref<20480x32xf32, #tpu.memory_space<vmem_shared>>
      tpu.enqueue_indirect_dma source(%dma_start3A_513 : memref<128x32xf32, #tpu.memory_space<vmem>>) target(%dma_start3A_519 : memref<20480x32xf32, #tpu.memory_space<vmem_shared>>) offsets(%dma_start3A_516 : memref<128xi32, #tpu.memory_space<vmem>>) semaphore(%arg15 : memref<!tpu.dma_semaphore, #tpu.memory_space<semaphore_mem>>) {add = true}
      %mul3A_520 = arith.constant 6 : i32
      %mul3A_521 = arith.muli %mul3A_520, %scan3A_250 : i32
      %add3A_522 = arith.constant 1 : i32
      %add3A_523 = arith.addi %add3A_522, %mul3A_521 : i32
      %add3A_524 = arith.constant 5 : i32
      %add3A_525 = arith.addi %add3A_523, %add3A_524 : i32
      %dma_wait3A_526 = arith.constant 0 : i32
      %dma_wait3A_527 = arith.constant 0 : i32
      %dma_wait3A_528 = arith.constant 0 : i32
      %dma_wait3A_529 = tpu.memref_slice %arg10[%dma_wait3A_526, %dma_wait3A_527, %dma_wait3A_528] : memref<3x128x32xf32, #tpu.memory_space<vmem>> -> memref<1x128x32xf32, #tpu.memory_space<vmem>>
      %dma_wait3A_530 = tpu.memref_squeeze %dma_wait3A_529 : memref<1x128x32xf32, #tpu.memory_space<vmem>> -> memref<128x32xf32, #tpu.memory_space<vmem>>
      %dma_wait3A_531 = arith.constant 0 : i32
      %dma_wait3A_532 = tpu.memref_slice %arg8[%add3A_525, %dma_wait3A_531] : memref<81x128xi32, #tpu.memory_space<vmem>> -> memref<1x128xi32, #tpu.memory_space<vmem>>
      %dma_wait3A_533 = tpu.memref_squeeze %dma_wait3A_532 : memref<1x128xi32, #tpu.memory_space<vmem>> -> memref<128xi32, #tpu.memory_space<vmem>>
      %dma_wait3A_534 = arith.constant 0 : i32
      %dma_wait3A_535 = arith.constant 0 : i32
      %dma_wait3A_536 = tpu.memref_slice %arg7[%dma_wait3A_534, %dma_wait3A_535] : memref<20480x32xf32, #tpu.memory_space<vmem_shared>> -> memref<20480x32xf32, #tpu.memory_space<vmem_shared>>
      tpu.wait_indirect_dma semaphore(%arg12 : memref<!tpu.dma_semaphore, #tpu.memory_space<semaphore_mem>>) src(%dma_wait3A_536 : memref<20480x32xf32, #tpu.memory_space<vmem_shared>>) dst(%dma_wait3A_530 : memref<128x32xf32, #tpu.memory_space<vmem>>)
      %sub3A_537 = arith.constant 1 : i32
      %sub3A_538 = arith.subi %add3A_525, %sub3A_537 : i32
      %dma_wait3A_539 = arith.constant 2 : i32
      %dma_wait3A_540 = arith.constant 0 : i32
      %dma_wait3A_541 = arith.constant 0 : i32
      %dma_wait3A_542 = tpu.memref_slice %arg10[%dma_wait3A_539, %dma_wait3A_540, %dma_wait3A_541] : memref<3x128x32xf32, #tpu.memory_space<vmem>> -> memref<1x128x32xf32, #tpu.memory_space<vmem>>
      %dma_wait3A_543 = tpu.memref_squeeze %dma_wait3A_542 : memref<1x128x32xf32, #tpu.memory_space<vmem>> -> memref<128x32xf32, #tpu.memory_space<vmem>>
      %dma_wait3A_544 = arith.constant 0 : i32
      %dma_wait3A_545 = tpu.memref_slice %arg9[%sub3A_538, %dma_wait3A_544] : memref<81x128xi32, #tpu.memory_space<vmem>> -> memref<1x128xi32, #tpu.memory_space<vmem>>
      %dma_wait3A_546 = tpu.memref_squeeze %dma_wait3A_545 : memref<1x128xi32, #tpu.memory_space<vmem>> -> memref<128xi32, #tpu.memory_space<vmem>>
      %dma_wait3A_547 = arith.constant 0 : i32
      %dma_wait3A_548 = arith.constant 0 : i32
      %dma_wait3A_549 = tpu.memref_slice %arg6[%dma_wait3A_547, %dma_wait3A_548] : memref<20480x32xf32, #tpu.memory_space<vmem_shared>> -> memref<20480x32xf32, #tpu.memory_space<vmem_shared>>
      tpu.wait_indirect_dma semaphore(%arg15 : memref<!tpu.dma_semaphore, #tpu.memory_space<semaphore_mem>>) src(%dma_wait3A_543 : memref<128x32xf32, #tpu.memory_space<vmem>>) dst(%dma_wait3A_549 : memref<20480x32xf32, #tpu.memory_space<vmem_shared>>)
      %add3A_550 = arith.constant 2 : i32
      %add3A_551 = arith.addi %add3A_525, %add3A_550 : i32
      %dma_start3A_552 = arith.constant 2 : i32
      %dma_start3A_553 = arith.constant 0 : i32
      %dma_start3A_554 = arith.constant 0 : i32
      %dma_start3A_555 = tpu.memref_slice %arg10[%dma_start3A_552, %dma_start3A_553, %dma_start3A_554] : memref<3x128x32xf32, #tpu.memory_space<vmem>> -> memref<1x128x32xf32, #tpu.memory_space<vmem>>
      %dma_start3A_556 = tpu.memref_squeeze %dma_start3A_555 : memref<1x128x32xf32, #tpu.memory_space<vmem>> -> memref<128x32xf32, #tpu.memory_space<vmem>>
      %dma_start3A_557 = arith.constant 0 : i32
      %dma_start3A_558 = tpu.memref_slice %arg8[%add3A_551, %dma_start3A_557] : memref<81x128xi32, #tpu.memory_space<vmem>> -> memref<1x128xi32, #tpu.memory_space<vmem>>
      %dma_start3A_559 = tpu.memref_squeeze %dma_start3A_558 : memref<1x128xi32, #tpu.memory_space<vmem>> -> memref<128xi32, #tpu.memory_space<vmem>>
      %dma_start3A_560 = arith.constant 0 : i32
      %dma_start3A_561 = arith.constant 0 : i32
      %dma_start3A_562 = tpu.memref_slice %arg7[%dma_start3A_560, %dma_start3A_561] : memref<20480x32xf32, #tpu.memory_space<vmem_shared>> -> memref<20480x32xf32, #tpu.memory_space<vmem_shared>>
      tpu.enqueue_indirect_dma source(%dma_start3A_562 : memref<20480x32xf32, #tpu.memory_space<vmem_shared>>) target(%dma_start3A_556 : memref<128x32xf32, #tpu.memory_space<vmem>>) offsets(%dma_start3A_559 : memref<128xi32, #tpu.memory_space<vmem>>) semaphore(%arg12 : memref<!tpu.dma_semaphore, #tpu.memory_space<semaphore_mem>>)
      %dma_start3A_563 = arith.constant 0 : i32
      %dma_start3A_564 = arith.constant 0 : i32
      %dma_start3A_565 = arith.constant 0 : i32
      %dma_start3A_566 = tpu.memref_slice %arg10[%dma_start3A_563, %dma_start3A_564, %dma_start3A_565] : memref<3x128x32xf32, #tpu.memory_space<vmem>> -> memref<1x128x32xf32, #tpu.memory_space<vmem>>
      %dma_start3A_567 = tpu.memref_squeeze %dma_start3A_566 : memref<1x128x32xf32, #tpu.memory_space<vmem>> -> memref<128x32xf32, #tpu.memory_space<vmem>>
      %dma_start3A_568 = arith.constant 0 : i32
      %dma_start3A_569 = tpu.memref_slice %arg9[%add3A_525, %dma_start3A_568] : memref<81x128xi32, #tpu.memory_space<vmem>> -> memref<1x128xi32, #tpu.memory_space<vmem>>
      %dma_start3A_570 = tpu.memref_squeeze %dma_start3A_569 : memref<1x128xi32, #tpu.memory_space<vmem>> -> memref<128xi32, #tpu.memory_space<vmem>>
      %dma_start3A_571 = arith.constant 0 : i32
      %dma_start3A_572 = arith.constant 0 : i32
      %dma_start3A_573 = tpu.memref_slice %arg6[%dma_start3A_571, %dma_start3A_572] : memref<20480x32xf32, #tpu.memory_space<vmem_shared>> -> memref<20480x32xf32, #tpu.memory_space<vmem_shared>>
      tpu.enqueue_indirect_dma source(%dma_start3A_567 : memref<128x32xf32, #tpu.memory_space<vmem>>) target(%dma_start3A_573 : memref<20480x32xf32, #tpu.memory_space<vmem_shared>>) offsets(%dma_start3A_570 : memref<128xi32, #tpu.memory_space<vmem>>) semaphore(%arg15 : memref<!tpu.dma_semaphore, #tpu.memory_space<semaphore_mem>>) {add = true}
    }
    %scan3A_208 = arith.constant 13 : i32
    %dma_wait3A_209 = arith.constant 0 : i32
    %dma_wait3A_210 = arith.constant 78 : i32
    %dma_wait3A_211 = arith.constant 0 : i32
    %dma_wait3A_212 = arith.constant 0 : i32
    %dma_wait3A_213 = tpu.memref_slice %arg10[%dma_wait3A_209, %dma_wait3A_211, %dma_wait3A_212] : memref<3x128x32xf32, #tpu.memory_space<vmem>> -> memref<1x128x32xf32, #tpu.memory_space<vmem>>
    %dma_wait3A_214 = tpu.memref_squeeze %dma_wait3A_213 : memref<1x128x32xf32, #tpu.memory_space<vmem>> -> memref<128x32xf32, #tpu.memory_space<vmem>>
    %dma_wait3A_215 = arith.constant 0 : i32
    %dma_wait3A_216 = tpu.memref_slice %arg9[%dma_wait3A_210, %dma_wait3A_215] : memref<81x128xi32, #tpu.memory_space<vmem>> -> memref<1x128xi32, #tpu.memory_space<vmem>>
    %dma_wait3A_217 = tpu.memref_squeeze %dma_wait3A_216 : memref<1x128xi32, #tpu.memory_space<vmem>> -> memref<128xi32, #tpu.memory_space<vmem>>
    %dma_wait3A_218 = arith.constant 0 : i32
    %dma_wait3A_219 = arith.constant 0 : i32
    %dma_wait3A_220 = tpu.memref_slice %arg6[%dma_wait3A_218, %dma_wait3A_219] : memref<20480x32xf32, #tpu.memory_space<vmem_shared>> -> memref<20480x32xf32, #tpu.memory_space<vmem_shared>>
    tpu.wait_indirect_dma semaphore(%arg15 : memref<!tpu.dma_semaphore, #tpu.memory_space<semaphore_mem>>) src(%dma_wait3A_214 : memref<128x32xf32, #tpu.memory_space<vmem>>) dst(%dma_wait3A_220 : memref<20480x32xf32, #tpu.memory_space<vmem_shared>>)
    %dma_wait3A_221 = arith.constant 79 : i32
    %dma_wait3A_222 = arith.constant 1 : i32
    %dma_wait3A_223 = arith.constant 0 : i32
    %dma_wait3A_224 = arith.constant 0 : i32
    %dma_wait3A_225 = tpu.memref_slice %arg10[%dma_wait3A_222, %dma_wait3A_223, %dma_wait3A_224] : memref<3x128x32xf32, #tpu.memory_space<vmem>> -> memref<1x128x32xf32, #tpu.memory_space<vmem>>
    %dma_wait3A_226 = tpu.memref_squeeze %dma_wait3A_225 : memref<1x128x32xf32, #tpu.memory_space<vmem>> -> memref<128x32xf32, #tpu.memory_space<vmem>>
    %dma_wait3A_227 = arith.constant 0 : i32
    %dma_wait3A_228 = tpu.memref_slice %arg8[%dma_wait3A_221, %dma_wait3A_227] : memref<81x128xi32, #tpu.memory_space<vmem>> -> memref<1x128xi32, #tpu.memory_space<vmem>>
    %dma_wait3A_229 = tpu.memref_squeeze %dma_wait3A_228 : memref<1x128xi32, #tpu.memory_space<vmem>> -> memref<128xi32, #tpu.memory_space<vmem>>
    %dma_wait3A_230 = arith.constant 0 : i32
    %dma_wait3A_231 = arith.constant 0 : i32
    %dma_wait3A_232 = tpu.memref_slice %arg7[%dma_wait3A_230, %dma_wait3A_231] : memref<20480x32xf32, #tpu.memory_space<vmem_shared>> -> memref<20480x32xf32, #tpu.memory_space<vmem_shared>>
    tpu.wait_indirect_dma semaphore(%arg13 : memref<!tpu.dma_semaphore, #tpu.memory_space<semaphore_mem>>) src(%dma_wait3A_232 : memref<20480x32xf32, #tpu.memory_space<vmem_shared>>) dst(%dma_wait3A_226 : memref<128x32xf32, #tpu.memory_space<vmem>>)
    %dma_wait3A_233 = arith.constant 80 : i32
    %dma_wait3A_234 = arith.constant 2 : i32
    %dma_wait3A_235 = arith.constant 0 : i32
    %dma_wait3A_236 = arith.constant 0 : i32
    %dma_wait3A_237 = tpu.memref_slice %arg10[%dma_wait3A_234, %dma_wait3A_235, %dma_wait3A_236] : memref<3x128x32xf32, #tpu.memory_space<vmem>> -> memref<1x128x32xf32, #tpu.memory_space<vmem>>
    %dma_wait3A_238 = tpu.memref_squeeze %dma_wait3A_237 : memref<1x128x32xf32, #tpu.memory_space<vmem>> -> memref<128x32xf32, #tpu.memory_space<vmem>>
    %dma_wait3A_239 = arith.constant 0 : i32
    %dma_wait3A_240 = tpu.memref_slice %arg8[%dma_wait3A_233, %dma_wait3A_239] : memref<81x128xi32, #tpu.memory_space<vmem>> -> memref<1x128xi32, #tpu.memory_space<vmem>>
    %dma_wait3A_241 = tpu.memref_squeeze %dma_wait3A_240 : memref<1x128xi32, #tpu.memory_space<vmem>> -> memref<128xi32, #tpu.memory_space<vmem>>
    %dma_wait3A_242 = arith.constant 0 : i32
    %dma_wait3A_243 = arith.constant 0 : i32
    %dma_wait3A_244 = tpu.memref_slice %arg7[%dma_wait3A_242, %dma_wait3A_243] : memref<20480x32xf32, #tpu.memory_space<vmem_shared>> -> memref<20480x32xf32, #tpu.memory_space<vmem_shared>>
    tpu.wait_indirect_dma semaphore(%arg12 : memref<!tpu.dma_semaphore, #tpu.memory_space<semaphore_mem>>) src(%dma_wait3A_244 : memref<20480x32xf32, #tpu.memory_space<vmem_shared>>) dst(%dma_wait3A_238 : memref<128x32xf32, #tpu.memory_space<vmem>>)
    %barrier3A_245 = arith.constant 0 : index
    tpu.barrier barrier_id(%barrier3A_245)
    %mul3A_246 = arith.constant 1280 : i32
    %mul3A_247 = arith.muli %arg1, %mul3A_246 : i32
    %mul3A_248 = arith.constant 1280 : i32
    %mul3A_249 = arith.muli %arg1, %mul3A_248 : i32
    "tpu.region"() ({
      %run_scoped3A = tpu.sem_alloc : memref<!tpu.dma_semaphore, #tpu.memory_space<semaphore_mem>>
      %dma_start3A_250 = arith.constant 0 : i32
      %dma_start3A_251 = tpu.memref_slice %arg5[%arg0, %mul3A_249, %dma_start3A_250] : memref<2x20480x32xf32, #tpu.memory_space<hbm>> -> memref<1x1280x32xf32, #tpu.memory_space<hbm>>
      %dma_start3A_252 = tpu.memref_squeeze %dma_start3A_251 : memref<1x1280x32xf32, #tpu.memory_space<hbm>> -> memref<1280x32xf32, #tpu.memory_space<hbm>>
      %dma_start3A_253 = arith.constant 0 : i32
      %dma_start3A_254 = tpu.memref_slice %arg6[%mul3A_247, %dma_start3A_253] : memref<20480x32xf32, #tpu.memory_space<vmem_shared>> -> memref<1280x32xf32, #tpu.memory_space<vmem_shared>>
      tpu.enqueue_dma source(%dma_start3A_254 : memref<1280x32xf32, #tpu.memory_space<vmem_shared>>) target(%dma_start3A_252 : memref<1280x32xf32, #tpu.memory_space<hbm>>) target_semaphore(%run_scoped3A : memref<!tpu.dma_semaphore, #tpu.memory_space<semaphore_mem>>)
      %dma_wait3A_255 = arith.constant 0 : i32
      %dma_wait3A_256 = tpu.memref_slice %arg5[%arg0, %mul3A_249, %dma_wait3A_255] : memref<2x20480x32xf32, #tpu.memory_space<hbm>> -> memref<1x1280x32xf32, #tpu.memory_space<hbm>>
      %dma_wait3A_257 = tpu.memref_squeeze %dma_wait3A_256 : memref<1x1280x32xf32, #tpu.memory_space<hbm>> -> memref<1280x32xf32, #tpu.memory_space<hbm>>
      %dma_wait3A_258 = arith.constant 0 : i32
      %dma_wait3A_259 = tpu.memref_slice %arg6[%mul3A_247, %dma_wait3A_258] : memref<20480x32xf32, #tpu.memory_space<vmem_shared>> -> memref<1280x32xf32, #tpu.memory_space<vmem_shared>>
      tpu.wait_dma2 semaphore(%run_scoped3A : memref<!tpu.dma_semaphore, #tpu.memory_space<semaphore_mem>>) src(%dma_wait3A_259 : memref<1280x32xf32, #tpu.memory_space<vmem_shared>>) dst(%dma_wait3A_257 : memref<1280x32xf32, #tpu.memory_space<hbm>>)
      tpu.yield
    }) : () -> ()
    return
  }
}

#map = affine_map<(d0, d1) -> (0, 0)>
#map1 = affine_map<(d0, d1) -> (0, 0, 0)>
module attributes {stable_mosaic.version = 14 : i64} {
  func.func @_seg_body(%arg0: i32, %arg1: i32, %arg2: memref<20480x32xf32, #tpu.memory_space<hbm>>, %arg3: memref<32x81x128xi32, #tpu.memory_space<hbm>>, %arg4: memref<32x81x128xi32, #tpu.memory_space<hbm>>, %arg5: memref<2x20480x32xf32, #tpu.memory_space<hbm>>, %arg6: memref<20480x32xf32, #tpu.memory_space<vmem_shared>>, %arg7: memref<20480x32xf32, #tpu.memory_space<vmem_shared>>, %arg8: memref<81x128xi32, #tpu.memory_space<vmem>>, %arg9: memref<81x128xi32, #tpu.memory_space<vmem>>, %arg10: memref<3x128x32xf32, #tpu.memory_space<vmem>>, %arg11: memref<160x32xf32, #tpu.memory_space<vmem>>, %arg12: memref<!tpu.dma_semaphore, #tpu.memory_space<semaphore_mem>>, %arg13: memref<!tpu.dma_semaphore, #tpu.memory_space<semaphore_mem>>, %arg14: memref<!tpu.dma_semaphore, #tpu.memory_space<semaphore_mem>>, %arg15: memref<!tpu.dma_semaphore, #tpu.memory_space<semaphore_mem>>) attributes {dimension_semantics = [#tpu.dimension_semantics<core_parallel>, #tpu.dimension_semantics<subcore_parallel>], iteration_bounds = array<i64: 2, 16>, scalar_prefetch = 0 : i64, scratch_operands = 10 : i64, tpu.core_type = #tpu.core_type<sc_vector_subcore>, window_params = [{transform_indices = #map}, {transform_indices = #map1}, {transform_indices = #map1}, {transform_indices = #map1}]} {
    %mul3A = arith.constant 16 : i32
    %mul3A_0 = arith.muli %arg0, %mul3A : i32
    %add3A = arith.addi %mul3A_0, %arg1 : i32
    %dma_start3A = arith.constant 0 : i32
    %dma_start3A_1 = arith.constant 0 : i32
    %dma_start3A_2 = tpu.memref_slice %arg3[%add3A, %dma_start3A, %dma_start3A_1] : memref<32x81x128xi32, #tpu.memory_space<hbm>> -> memref<1x81x128xi32, #tpu.memory_space<hbm>>
    %dma_start3A_3 = tpu.memref_squeeze %dma_start3A_2 : memref<1x81x128xi32, #tpu.memory_space<hbm>> -> memref<81x128xi32, #tpu.memory_space<hbm>>
    %dma_start3A_4 = arith.constant 0 : i32
    %dma_start3A_5 = arith.constant 0 : i32
    %dma_start3A_6 = tpu.memref_slice %arg3[%add3A, %dma_start3A_4, %dma_start3A_5] : memref<32x81x128xi32, #tpu.memory_space<hbm>> -> memref<1x81x128xi32, #tpu.memory_space<hbm>>
    %dma_start3A_7 = tpu.memref_squeeze %dma_start3A_6 : memref<1x81x128xi32, #tpu.memory_space<hbm>> -> memref<81x128xi32, #tpu.memory_space<hbm>>
    tpu.enqueue_dma source(%dma_start3A_7 : memref<81x128xi32, #tpu.memory_space<hbm>>) target(%arg8 : memref<81x128xi32, #tpu.memory_space<vmem>>) target_semaphore(%arg12 : memref<!tpu.dma_semaphore, #tpu.memory_space<semaphore_mem>>)
    %dma_start3A_8 = arith.constant 0 : i32
    %dma_start3A_9 = arith.constant 0 : i32
    %dma_start3A_10 = tpu.memref_slice %arg4[%add3A, %dma_start3A_8, %dma_start3A_9] : memref<32x81x128xi32, #tpu.memory_space<hbm>> -> memref<1x81x128xi32, #tpu.memory_space<hbm>>
    %dma_start3A_11 = tpu.memref_squeeze %dma_start3A_10 : memref<1x81x128xi32, #tpu.memory_space<hbm>> -> memref<81x128xi32, #tpu.memory_space<hbm>>
    %dma_start3A_12 = arith.constant 0 : i32
    %dma_start3A_13 = arith.constant 0 : i32
    %dma_start3A_14 = tpu.memref_slice %arg4[%add3A, %dma_start3A_12, %dma_start3A_13] : memref<32x81x128xi32, #tpu.memory_space<hbm>> -> memref<1x81x128xi32, #tpu.memory_space<hbm>>
    %dma_start3A_15 = tpu.memref_squeeze %dma_start3A_14 : memref<1x81x128xi32, #tpu.memory_space<hbm>> -> memref<81x128xi32, #tpu.memory_space<hbm>>
    tpu.enqueue_dma source(%dma_start3A_15 : memref<81x128xi32, #tpu.memory_space<hbm>>) target(%arg9 : memref<81x128xi32, #tpu.memory_space<vmem>>) target_semaphore(%arg13 : memref<!tpu.dma_semaphore, #tpu.memory_space<semaphore_mem>>)
    %mul3A_16 = arith.constant 1280 : i32
    %mul3A_17 = arith.muli %arg1, %mul3A_16 : i32
    %dma_start3A_18 = arith.constant 0 : i32
    %dma_start3A_19 = tpu.memref_slice %arg7[%mul3A_17, %dma_start3A_18] : memref<20480x32xf32, #tpu.memory_space<vmem_shared>> -> memref<1280x32xf32, #tpu.memory_space<vmem_shared>>
    %dma_start3A_20 = arith.constant 0 : i32
    %dma_start3A_21 = tpu.memref_slice %arg2[%mul3A_17, %dma_start3A_20] : memref<20480x32xf32, #tpu.memory_space<hbm>> -> memref<1280x32xf32, #tpu.memory_space<hbm>>
    tpu.enqueue_dma source(%dma_start3A_21 : memref<1280x32xf32, #tpu.memory_space<hbm>>) target(%dma_start3A_19 : memref<1280x32xf32, #tpu.memory_space<vmem_shared>>) target_semaphore(%arg14 : memref<!tpu.dma_semaphore, #tpu.memory_space<semaphore_mem>>)
    %broadcast_in_dim3A = arith.constant 0.000000e+00 : f32
    %broadcast_in_dim3A_22 = vector.broadcast %broadcast_in_dim3A : f32 to vector<16xf32>
    %scan3A = arith.constant 0 : i32
    %scan3A_23 = arith.constant 0 : i32
    %scan3A_24 = arith.constant 320 : i32
    %scan3A_25 = arith.addi %scan3A_23, %scan3A_24 : i32
    %scan3A_26 = arith.constant 1 : i32
    scf.for %scan3A_250 = %scan3A_23 to %scan3A_25 step %scan3A_26  : i32 {
      %jit3A = arith.constant 2 : i32
      %div3A = arith.divsi %scan3A_250, %jit3A : i32
      %sign3A = arith.constant 0 : i32
      %sign3A_251 = arith.cmpi sgt, %scan3A_250, %sign3A : i32
      %sign3A_252 = arith.extui %sign3A_251 : i1 to i32
      %sign3A_253 = arith.constant 0 : i32
      %sign3A_254 = arith.cmpi slt, %scan3A_250, %sign3A_253 : i32
      %sign3A_255 = arith.extui %sign3A_254 : i1 to i32
      %sign3A_256 = arith.subi %sign3A_252, %sign3A_255 : i32
      %sign3A_257 = arith.constant 0 : i32
      %sign3A_258 = arith.cmpi sgt, %jit3A, %sign3A_257 : i32
      %sign3A_259 = arith.extui %sign3A_258 : i1 to i32
      %sign3A_260 = arith.constant 0 : i32
      %sign3A_261 = arith.cmpi slt, %jit3A, %sign3A_260 : i32
      %sign3A_262 = arith.extui %sign3A_261 : i1 to i32
      %sign3A_263 = arith.subi %sign3A_259, %sign3A_262 : i32
      %ne3A = arith.cmpi ne, %sign3A_256, %sign3A_263 : i32
      %rem3A = arith.remsi %scan3A_250, %jit3A : i32
      %ne3A_264 = arith.constant 0 : i32
      %ne3A_265 = arith.cmpi ne, %rem3A, %ne3A_264 : i32
      %and3A = arith.andi %ne3A, %ne3A_265 : i1
      %sub3A = arith.constant 1 : i32
      %sub3A_266 = arith.subi %div3A, %sub3A : i32
      %select_n3A = arith.select %and3A, %sub3A_266, %div3A : i32
      %jit3A_267 = arith.constant 2 : i32
      %eq3A = arith.constant 0 : i32
      %eq3A_268 = arith.cmpi eq, %jit3A_267, %eq3A : i32
      %jit3A_269 = arith.constant 1 : i32
      %select_n3A_270 = arith.select %eq3A_268, %jit3A_269, %jit3A_267 : i32
      %rem3A_271 = arith.remsi %scan3A_250, %select_n3A_270 : i32
      %ne3A_272 = arith.constant 0 : i32
      %ne3A_273 = arith.cmpi ne, %rem3A_271, %ne3A_272 : i32
      %lt3A = arith.constant 0 : i32
      %lt3A_274 = arith.cmpi slt, %rem3A_271, %lt3A : i32
      %lt3A_275 = arith.constant 0 : i32
      %lt3A_276 = arith.cmpi slt, %select_n3A_270, %lt3A_275 : i32
      %ne3A_277 = arith.xori %lt3A_274, %lt3A_276 : i1
      %and3A_278 = arith.andi %ne3A_277, %ne3A_273 : i1
      %add3A_279 = arith.addi %rem3A_271, %select_n3A_270 : i32
      %select_n3A_280 = arith.select %and3A_278, %add3A_279, %rem3A_271 : i32
      %mul3A_281 = arith.constant 16 : i32
      %mul3A_282 = arith.muli %select_n3A_280, %mul3A_281 : i32
      %swap3A = arith.index_cast %select_n3A : i32 to index
      %swap3A_283 = arith.index_cast %mul3A_282 : i32 to index
      %swap3A_284 = tpu.vector_load %arg11[%swap3A, %swap3A_283] {strides = array<i32>} : memref<160x32xf32, #tpu.memory_space<vmem>>, vector<1x16xf32>,
      %swap3A_285 = vector.shape_cast %swap3A_284 : vector<1x16xf32> to vector<16xf32>
      %swap3A_286 = vector.shape_cast %broadcast_in_dim3A_22 : vector<16xf32> to vector<1x16xf32>
      tpu.vector_store %arg11[%swap3A, %swap3A_283], %swap3A_286 {strides = array<i32>} : memref<160x32xf32, #tpu.memory_space<vmem>>, vector<1x16xf32>,
    }
    %scan3A_27 = arith.constant 320 : i32
    %dma_wait3A = arith.constant 0 : i32
    %dma_wait3A_28 = arith.constant 0 : i32
    %dma_wait3A_29 = tpu.memref_slice %arg3[%add3A, %dma_wait3A, %dma_wait3A_28] : memref<32x81x128xi32, #tpu.memory_space<hbm>> -> memref<1x81x128xi32, #tpu.memory_space<hbm>>
    %dma_wait3A_30 = tpu.memref_squeeze %dma_wait3A_29 : memref<1x81x128xi32, #tpu.memory_space<hbm>> -> memref<81x128xi32, #tpu.memory_space<hbm>>
    %dma_wait3A_31 = arith.constant 0 : i32
    %dma_wait3A_32 = arith.constant 0 : i32
    %dma_wait3A_33 = tpu.memref_slice %arg3[%add3A, %dma_wait3A_31, %dma_wait3A_32] : memref<32x81x128xi32, #tpu.memory_space<hbm>> -> memref<1x81x128xi32, #tpu.memory_space<hbm>>
    %dma_wait3A_34 = tpu.memref_squeeze %dma_wait3A_33 : memref<1x81x128xi32, #tpu.memory_space<hbm>> -> memref<81x128xi32, #tpu.memory_space<hbm>>
    tpu.wait_dma2 semaphore(%arg12 : memref<!tpu.dma_semaphore, #tpu.memory_space<semaphore_mem>>) src(%dma_wait3A_34 : memref<81x128xi32, #tpu.memory_space<hbm>>) dst(%arg8 : memref<81x128xi32, #tpu.memory_space<vmem>>)
    %dma_wait3A_35 = arith.constant 0 : i32
    %dma_wait3A_36 = arith.constant 0 : i32
    %dma_wait3A_37 = tpu.memref_slice %arg4[%add3A, %dma_wait3A_35, %dma_wait3A_36] : memref<32x81x128xi32, #tpu.memory_space<hbm>> -> memref<1x81x128xi32, #tpu.memory_space<hbm>>
    %dma_wait3A_38 = tpu.memref_squeeze %dma_wait3A_37 : memref<1x81x128xi32, #tpu.memory_space<hbm>> -> memref<81x128xi32, #tpu.memory_space<hbm>>
    %dma_wait3A_39 = arith.constant 0 : i32
    %dma_wait3A_40 = arith.constant 0 : i32
    %dma_wait3A_41 = tpu.memref_slice %arg4[%add3A, %dma_wait3A_39, %dma_wait3A_40] : memref<32x81x128xi32, #tpu.memory_space<hbm>> -> memref<1x81x128xi32, #tpu.memory_space<hbm>>
    %dma_wait3A_42 = tpu.memref_squeeze %dma_wait3A_41 : memref<1x81x128xi32, #tpu.memory_space<hbm>> -> memref<81x128xi32, #tpu.memory_space<hbm>>
    tpu.wait_dma2 semaphore(%arg13 : memref<!tpu.dma_semaphore, #tpu.memory_space<semaphore_mem>>) src(%dma_wait3A_42 : memref<81x128xi32, #tpu.memory_space<hbm>>) dst(%arg9 : memref<81x128xi32, #tpu.memory_space<vmem>>)
    %dma_wait3A_43 = arith.constant 0 : i32
    %dma_wait3A_44 = tpu.memref_slice %arg7[%mul3A_17, %dma_wait3A_43] : memref<20480x32xf32, #tpu.memory_space<vmem_shared>> -> memref<1280x32xf32, #tpu.memory_space<vmem_shared>>
    %dma_wait3A_45 = arith.constant 0 : i32
    %dma_wait3A_46 = tpu.memref_slice %arg2[%mul3A_17, %dma_wait3A_45] : memref<20480x32xf32, #tpu.memory_space<hbm>> -> memref<1280x32xf32, #tpu.memory_space<hbm>>
    tpu.wait_dma2 semaphore(%arg14 : memref<!tpu.dma_semaphore, #tpu.memory_space<semaphore_mem>>) src(%dma_wait3A_46 : memref<1280x32xf32, #tpu.memory_space<hbm>>) dst(%dma_wait3A_44 : memref<1280x32xf32, #tpu.memory_space<vmem_shared>>)
    %mul3A_47 = arith.constant 1280 : i32
    %mul3A_48 = arith.muli %arg1, %mul3A_47 : i32
    %add3A_49 = arith.constant 0 : i32
    %add3A_50 = arith.addi %mul3A_48, %add3A_49 : i32
    %mul3A_51 = arith.constant 1280 : i32
    %mul3A_52 = arith.muli %arg1, %mul3A_51 : i32
    %add3A_53 = arith.constant 160 : i32
    %add3A_54 = arith.addi %mul3A_52, %add3A_53 : i32
    %mul3A_55 = arith.constant 1280 : i32
    %mul3A_56 = arith.muli %arg1, %mul3A_55 : i32
    %add3A_57 = arith.constant 320 : i32
    %add3A_58 = arith.addi %mul3A_56, %add3A_57 : i32
    %mul3A_59 = arith.constant 1280 : i32
    %mul3A_60 = arith.muli %arg1, %mul3A_59 : i32
    %add3A_61 = arith.constant 480 : i32
    %add3A_62 = arith.addi %mul3A_60, %add3A_61 : i32
    %mul3A_63 = arith.constant 1280 : i32
    %mul3A_64 = arith.muli %arg1, %mul3A_63 : i32
    %add3A_65 = arith.constant 640 : i32
    %add3A_66 = arith.addi %mul3A_64, %add3A_65 : i32
    %mul3A_67 = arith.constant 1280 : i32
    %mul3A_68 = arith.muli %arg1, %mul3A_67 : i32
    %add3A_69 = arith.constant 800 : i32
    %add3A_70 = arith.addi %mul3A_68, %add3A_69 : i32
    %mul3A_71 = arith.constant 1280 : i32
    %mul3A_72 = arith.muli %arg1, %mul3A_71 : i32
    %add3A_73 = arith.constant 960 : i32
    %add3A_74 = arith.addi %mul3A_72, %add3A_73 : i32
    %mul3A_75 = arith.constant 1280 : i32
    %mul3A_76 = arith.muli %arg1, %mul3A_75 : i32
    %add3A_77 = arith.constant 1120 : i32
    %add3A_78 = arith.addi %mul3A_76, %add3A_77 : i32
    %dma_start3A_79 = arith.constant 0 : i32
    %dma_start3A_80 = tpu.memref_slice %arg6[%add3A_50, %dma_start3A_79] : memref<20480x32xf32, #tpu.memory_space<vmem_shared>> -> memref<160x32xf32, #tpu.memory_space<vmem_shared>>
    %dma_start3A_81 = arith.constant 0 : i32
    %dma_start3A_82 = tpu.memref_slice %arg6[%add3A_50, %dma_start3A_81] : memref<20480x32xf32, #tpu.memory_space<vmem_shared>> -> memref<160x32xf32, #tpu.memory_space<vmem_shared>>
    tpu.enqueue_dma source(%arg11 : memref<160x32xf32, #tpu.memory_space<vmem>>) target(%dma_start3A_82 : memref<160x32xf32, #tpu.memory_space<vmem_shared>>) target_semaphore(%arg14 : memref<!tpu.dma_semaphore, #tpu.memory_space<semaphore_mem>>)
    %dma_start3A_83 = arith.constant 0 : i32
    %dma_start3A_84 = tpu.memref_slice %arg6[%add3A_54, %dma_start3A_83] : memref<20480x32xf32, #tpu.memory_space<vmem_shared>> -> memref<160x32xf32, #tpu.memory_space<vmem_shared>>
    %dma_start3A_85 = arith.constant 0 : i32
    %dma_start3A_86 = tpu.memref_slice %arg6[%add3A_54, %dma_start3A_85] : memref<20480x32xf32, #tpu.memory_space<vmem_shared>> -> memref<160x32xf32, #tpu.memory_space<vmem_shared>>
    tpu.enqueue_dma source(%arg11 : memref<160x32xf32, #tpu.memory_space<vmem>>) target(%dma_start3A_86 : memref<160x32xf32, #tpu.memory_space<vmem_shared>>) target_semaphore(%arg14 : memref<!tpu.dma_semaphore, #tpu.memory_space<semaphore_mem>>)
    %dma_start3A_87 = arith.constant 0 : i32
    %dma_start3A_88 = tpu.memref_slice %arg6[%add3A_58, %dma_start3A_87] : memref<20480x32xf32, #tpu.memory_space<vmem_shared>> -> memref<160x32xf32, #tpu.memory_space<vmem_shared>>
    %dma_start3A_89 = arith.constant 0 : i32
    %dma_start3A_90 = tpu.memref_slice %arg6[%add3A_58, %dma_start3A_89] : memref<20480x32xf32, #tpu.memory_space<vmem_shared>> -> memref<160x32xf32, #tpu.memory_space<vmem_shared>>
    tpu.enqueue_dma source(%arg11 : memref<160x32xf32, #tpu.memory_space<vmem>>) target(%dma_start3A_90 : memref<160x32xf32, #tpu.memory_space<vmem_shared>>) target_semaphore(%arg14 : memref<!tpu.dma_semaphore, #tpu.memory_space<semaphore_mem>>)
    %dma_start3A_91 = arith.constant 0 : i32
    %dma_start3A_92 = tpu.memref_slice %arg6[%add3A_62, %dma_start3A_91] : memref<20480x32xf32, #tpu.memory_space<vmem_shared>> -> memref<160x32xf32, #tpu.memory_space<vmem_shared>>
    %dma_start3A_93 = arith.constant 0 : i32
    %dma_start3A_94 = tpu.memref_slice %arg6[%add3A_62, %dma_start3A_93] : memref<20480x32xf32, #tpu.memory_space<vmem_shared>> -> memref<160x32xf32, #tpu.memory_space<vmem_shared>>
    tpu.enqueue_dma source(%arg11 : memref<160x32xf32, #tpu.memory_space<vmem>>) target(%dma_start3A_94 : memref<160x32xf32, #tpu.memory_space<vmem_shared>>) target_semaphore(%arg14 : memref<!tpu.dma_semaphore, #tpu.memory_space<semaphore_mem>>)
    %dma_start3A_95 = arith.constant 0 : i32
    %dma_start3A_96 = tpu.memref_slice %arg6[%add3A_66, %dma_start3A_95] : memref<20480x32xf32, #tpu.memory_space<vmem_shared>> -> memref<160x32xf32, #tpu.memory_space<vmem_shared>>
    %dma_start3A_97 = arith.constant 0 : i32
    %dma_start3A_98 = tpu.memref_slice %arg6[%add3A_66, %dma_start3A_97] : memref<20480x32xf32, #tpu.memory_space<vmem_shared>> -> memref<160x32xf32, #tpu.memory_space<vmem_shared>>
    tpu.enqueue_dma source(%arg11 : memref<160x32xf32, #tpu.memory_space<vmem>>) target(%dma_start3A_98 : memref<160x32xf32, #tpu.memory_space<vmem_shared>>) target_semaphore(%arg14 : memref<!tpu.dma_semaphore, #tpu.memory_space<semaphore_mem>>)
    %dma_start3A_99 = arith.constant 0 : i32
    %dma_start3A_100 = tpu.memref_slice %arg6[%add3A_70, %dma_start3A_99] : memref<20480x32xf32, #tpu.memory_space<vmem_shared>> -> memref<160x32xf32, #tpu.memory_space<vmem_shared>>
    %dma_start3A_101 = arith.constant 0 : i32
    %dma_start3A_102 = tpu.memref_slice %arg6[%add3A_70, %dma_start3A_101] : memref<20480x32xf32, #tpu.memory_space<vmem_shared>> -> memref<160x32xf32, #tpu.memory_space<vmem_shared>>
    tpu.enqueue_dma source(%arg11 : memref<160x32xf32, #tpu.memory_space<vmem>>) target(%dma_start3A_102 : memref<160x32xf32, #tpu.memory_space<vmem_shared>>) target_semaphore(%arg14 : memref<!tpu.dma_semaphore, #tpu.memory_space<semaphore_mem>>)
    %dma_start3A_103 = arith.constant 0 : i32
    %dma_start3A_104 = tpu.memref_slice %arg6[%add3A_74, %dma_start3A_103] : memref<20480x32xf32, #tpu.memory_space<vmem_shared>> -> memref<160x32xf32, #tpu.memory_space<vmem_shared>>
    %dma_start3A_105 = arith.constant 0 : i32
    %dma_start3A_106 = tpu.memref_slice %arg6[%add3A_74, %dma_start3A_105] : memref<20480x32xf32, #tpu.memory_space<vmem_shared>> -> memref<160x32xf32, #tpu.memory_space<vmem_shared>>
    tpu.enqueue_dma source(%arg11 : memref<160x32xf32, #tpu.memory_space<vmem>>) target(%dma_start3A_106 : memref<160x32xf32, #tpu.memory_space<vmem_shared>>) target_semaphore(%arg14 : memref<!tpu.dma_semaphore, #tpu.memory_space<semaphore_mem>>)
    %dma_start3A_107 = arith.constant 0 : i32
    %dma_start3A_108 = tpu.memref_slice %arg6[%add3A_78, %dma_start3A_107] : memref<20480x32xf32, #tpu.memory_space<vmem_shared>> -> memref<160x32xf32, #tpu.memory_space<vmem_shared>>
    %dma_start3A_109 = arith.constant 0 : i32
    %dma_start3A_110 = tpu.memref_slice %arg6[%add3A_78, %dma_start3A_109] : memref<20480x32xf32, #tpu.memory_space<vmem_shared>> -> memref<160x32xf32, #tpu.memory_space<vmem_shared>>
    tpu.enqueue_dma source(%arg11 : memref<160x32xf32, #tpu.memory_space<vmem>>) target(%dma_start3A_110 : memref<160x32xf32, #tpu.memory_space<vmem_shared>>) target_semaphore(%arg14 : memref<!tpu.dma_semaphore, #tpu.memory_space<semaphore_mem>>)
    %dma_wait3A_111 = arith.constant 0 : i32
    %dma_wait3A_112 = tpu.memref_slice %arg6[%add3A_50, %dma_wait3A_111] : memref<20480x32xf32, #tpu.memory_space<vmem_shared>> -> memref<160x32xf32, #tpu.memory_space<vmem_shared>>
    %dma_wait3A_113 = arith.constant 0 : i32
    %dma_wait3A_114 = tpu.memref_slice %arg6[%add3A_50, %dma_wait3A_113] : memref<20480x32xf32, #tpu.memory_space<vmem_shared>> -> memref<160x32xf32, #tpu.memory_space<vmem_shared>>
    tpu.wait_dma2 semaphore(%arg14 : memref<!tpu.dma_semaphore, #tpu.memory_space<semaphore_mem>>) src(%arg11 : memref<160x32xf32, #tpu.memory_space<vmem>>) dst(%dma_wait3A_114 : memref<160x32xf32, #tpu.memory_space<vmem_shared>>)
    %dma_wait3A_115 = arith.constant 0 : i32
    %dma_wait3A_116 = tpu.memref_slice %arg6[%add3A_54, %dma_wait3A_115] : memref<20480x32xf32, #tpu.memory_space<vmem_shared>> -> memref<160x32xf32, #tpu.memory_space<vmem_shared>>
    %dma_wait3A_117 = arith.constant 0 : i32
    %dma_wait3A_118 = tpu.memref_slice %arg6[%add3A_54, %dma_wait3A_117] : memref<20480x32xf32, #tpu.memory_space<vmem_shared>> -> memref<160x32xf32, #tpu.memory_space<vmem_shared>>
    tpu.wait_dma2 semaphore(%arg14 : memref<!tpu.dma_semaphore, #tpu.memory_space<semaphore_mem>>) src(%arg11 : memref<160x32xf32, #tpu.memory_space<vmem>>) dst(%dma_wait3A_118 : memref<160x32xf32, #tpu.memory_space<vmem_shared>>)
    %dma_wait3A_119 = arith.constant 0 : i32
    %dma_wait3A_120 = tpu.memref_slice %arg6[%add3A_58, %dma_wait3A_119] : memref<20480x32xf32, #tpu.memory_space<vmem_shared>> -> memref<160x32xf32, #tpu.memory_space<vmem_shared>>
    %dma_wait3A_121 = arith.constant 0 : i32
    %dma_wait3A_122 = tpu.memref_slice %arg6[%add3A_58, %dma_wait3A_121] : memref<20480x32xf32, #tpu.memory_space<vmem_shared>> -> memref<160x32xf32, #tpu.memory_space<vmem_shared>>
    tpu.wait_dma2 semaphore(%arg14 : memref<!tpu.dma_semaphore, #tpu.memory_space<semaphore_mem>>) src(%arg11 : memref<160x32xf32, #tpu.memory_space<vmem>>) dst(%dma_wait3A_122 : memref<160x32xf32, #tpu.memory_space<vmem_shared>>)
    %dma_wait3A_123 = arith.constant 0 : i32
    %dma_wait3A_124 = tpu.memref_slice %arg6[%add3A_62, %dma_wait3A_123] : memref<20480x32xf32, #tpu.memory_space<vmem_shared>> -> memref<160x32xf32, #tpu.memory_space<vmem_shared>>
    %dma_wait3A_125 = arith.constant 0 : i32
    %dma_wait3A_126 = tpu.memref_slice %arg6[%add3A_62, %dma_wait3A_125] : memref<20480x32xf32, #tpu.memory_space<vmem_shared>> -> memref<160x32xf32, #tpu.memory_space<vmem_shared>>
    tpu.wait_dma2 semaphore(%arg14 : memref<!tpu.dma_semaphore, #tpu.memory_space<semaphore_mem>>) src(%arg11 : memref<160x32xf32, #tpu.memory_space<vmem>>) dst(%dma_wait3A_126 : memref<160x32xf32, #tpu.memory_space<vmem_shared>>)
    %dma_wait3A_127 = arith.constant 0 : i32
    %dma_wait3A_128 = tpu.memref_slice %arg6[%add3A_66, %dma_wait3A_127] : memref<20480x32xf32, #tpu.memory_space<vmem_shared>> -> memref<160x32xf32, #tpu.memory_space<vmem_shared>>
    %dma_wait3A_129 = arith.constant 0 : i32
    %dma_wait3A_130 = tpu.memref_slice %arg6[%add3A_66, %dma_wait3A_129] : memref<20480x32xf32, #tpu.memory_space<vmem_shared>> -> memref<160x32xf32, #tpu.memory_space<vmem_shared>>
    tpu.wait_dma2 semaphore(%arg14 : memref<!tpu.dma_semaphore, #tpu.memory_space<semaphore_mem>>) src(%arg11 : memref<160x32xf32, #tpu.memory_space<vmem>>) dst(%dma_wait3A_130 : memref<160x32xf32, #tpu.memory_space<vmem_shared>>)
    %dma_wait3A_131 = arith.constant 0 : i32
    %dma_wait3A_132 = tpu.memref_slice %arg6[%add3A_70, %dma_wait3A_131] : memref<20480x32xf32, #tpu.memory_space<vmem_shared>> -> memref<160x32xf32, #tpu.memory_space<vmem_shared>>
    %dma_wait3A_133 = arith.constant 0 : i32
    %dma_wait3A_134 = tpu.memref_slice %arg6[%add3A_70, %dma_wait3A_133] : memref<20480x32xf32, #tpu.memory_space<vmem_shared>> -> memref<160x32xf32, #tpu.memory_space<vmem_shared>>
    tpu.wait_dma2 semaphore(%arg14 : memref<!tpu.dma_semaphore, #tpu.memory_space<semaphore_mem>>) src(%arg11 : memref<160x32xf32, #tpu.memory_space<vmem>>) dst(%dma_wait3A_134 : memref<160x32xf32, #tpu.memory_space<vmem_shared>>)
    %dma_wait3A_135 = arith.constant 0 : i32
    %dma_wait3A_136 = tpu.memref_slice %arg6[%add3A_74, %dma_wait3A_135] : memref<20480x32xf32, #tpu.memory_space<vmem_shared>> -> memref<160x32xf32, #tpu.memory_space<vmem_shared>>
    %dma_wait3A_137 = arith.constant 0 : i32
    %dma_wait3A_138 = tpu.memref_slice %arg6[%add3A_74, %dma_wait3A_137] : memref<20480x32xf32, #tpu.memory_space<vmem_shared>> -> memref<160x32xf32, #tpu.memory_space<vmem_shared>>
    tpu.wait_dma2 semaphore(%arg14 : memref<!tpu.dma_semaphore, #tpu.memory_space<semaphore_mem>>) src(%arg11 : memref<160x32xf32, #tpu.memory_space<vmem>>) dst(%dma_wait3A_138 : memref<160x32xf32, #tpu.memory_space<vmem_shared>>)
    %dma_wait3A_139 = arith.constant 0 : i32
    %dma_wait3A_140 = tpu.memref_slice %arg6[%add3A_78, %dma_wait3A_139] : memref<20480x32xf32, #tpu.memory_space<vmem_shared>> -> memref<160x32xf32, #tpu.memory_space<vmem_shared>>
    %dma_wait3A_141 = arith.constant 0 : i32
    %dma_wait3A_142 = tpu.memref_slice %arg6[%add3A_78, %dma_wait3A_141] : memref<20480x32xf32, #tpu.memory_space<vmem_shared>> -> memref<160x32xf32, #tpu.memory_space<vmem_shared>>
    tpu.wait_dma2 semaphore(%arg14 : memref<!tpu.dma_semaphore, #tpu.memory_space<semaphore_mem>>) src(%arg11 : memref<160x32xf32, #tpu.memory_space<vmem>>) dst(%dma_wait3A_142 : memref<160x32xf32, #tpu.memory_space<vmem_shared>>)
    %barrier3A = arith.constant 0 : index
    tpu.barrier barrier_id(%barrier3A)
    %dma_start3A_143 = arith.constant 0 : i32
    %dma_start3A_144 = arith.constant 0 : i32
    %dma_start3A_145 = arith.constant 0 : i32
    %dma_start3A_146 = arith.constant 0 : i32
    %dma_start3A_147 = tpu.memref_slice %arg10[%dma_start3A_144, %dma_start3A_145, %dma_start3A_146] : memref<3x128x32xf32, #tpu.memory_space<vmem>> -> memref<1x128x32xf32, #tpu.memory_space<vmem>>
    %dma_start3A_148 = tpu.memref_squeeze %dma_start3A_147 : memref<1x128x32xf32, #tpu.memory_space<vmem>> -> memref<128x32xf32, #tpu.memory_space<vmem>>
    %dma_start3A_149 = arith.constant 0 : i32
    %dma_start3A_150 = tpu.memref_slice %arg8[%dma_start3A_143, %dma_start3A_149] : memref<81x128xi32, #tpu.memory_space<vmem>> -> memref<1x128xi32, #tpu.memory_space<vmem>>
    %dma_start3A_151 = tpu.memref_squeeze %dma_start3A_150 : memref<1x128xi32, #tpu.memory_space<vmem>> -> memref<128xi32, #tpu.memory_space<vmem>>
    %dma_start3A_152 = arith.constant 0 : i32
    %dma_start3A_153 = arith.constant 0 : i32
    %dma_start3A_154 = tpu.memref_slice %arg7[%dma_start3A_152, %dma_start3A_153] : memref<20480x32xf32, #tpu.memory_space<vmem_shared>> -> memref<20480x32xf32, #tpu.memory_space<vmem_shared>>
    tpu.enqueue_indirect_dma source(%dma_start3A_154 : memref<20480x32xf32, #tpu.memory_space<vmem_shared>>) target(%dma_start3A_148 : memref<128x32xf32, #tpu.memory_space<vmem>>) offsets(%dma_start3A_151 : memref<128xi32, #tpu.memory_space<vmem>>) semaphore(%arg12 : memref<!tpu.dma_semaphore, #tpu.memory_space<semaphore_mem>>)
    %dma_start3A_155 = arith.constant 1 : i32
    %dma_start3A_156 = arith.constant 1 : i32
    %dma_start3A_157 = arith.constant 0 : i32
    %dma_start3A_158 = arith.constant 0 : i32
    %dma_start3A_159 = tpu.memref_slice %arg10[%dma_start3A_156, %dma_start3A_157, %dma_start3A_158] : memref<3x128x32xf32, #tpu.memory_space<vmem>> -> memref<1x128x32xf32, #tpu.memory_space<vmem>>
    %dma_start3A_160 = tpu.memref_squeeze %dma_start3A_159 : memref<1x128x32xf32, #tpu.memory_space<vmem>> -> memref<128x32xf32, #tpu.memory_space<vmem>>
    %dma_start3A_161 = arith.constant 0 : i32
    %dma_start3A_162 = tpu.memref_slice %arg8[%dma_start3A_155, %dma_start3A_161] : memref<81x128xi32, #tpu.memory_space<vmem>> -> memref<1x128xi32, #tpu.memory_space<vmem>>
    %dma_start3A_163 = tpu.memref_squeeze %dma_start3A_162 : memref<1x128xi32, #tpu.memory_space<vmem>> -> memref<128xi32, #tpu.memory_space<vmem>>
    %dma_start3A_164 = arith.constant 0 : i32
    %dma_start3A_165 = arith.constant 0 : i32
    %dma_start3A_166 = tpu.memref_slice %arg7[%dma_start3A_164, %dma_start3A_165] : memref<20480x32xf32, #tpu.memory_space<vmem_shared>> -> memref<20480x32xf32, #tpu.memory_space<vmem_shared>>
    tpu.enqueue_indirect_dma source(%dma_start3A_166 : memref<20480x32xf32, #tpu.memory_space<vmem_shared>>) target(%dma_start3A_160 : memref<128x32xf32, #tpu.memory_space<vmem>>) offsets(%dma_start3A_163 : memref<128xi32, #tpu.memory_space<vmem>>) semaphore(%arg13 : memref<!tpu.dma_semaphore, #tpu.memory_space<semaphore_mem>>)
    %dma_wait3A_167 = arith.constant 0 : i32
    %dma_wait3A_168 = arith.constant 0 : i32
    %dma_wait3A_169 = arith.constant 0 : i32
    %dma_wait3A_170 = arith.constant 0 : i32
    %dma_wait3A_171 = tpu.memref_slice %arg10[%dma_wait3A_168, %dma_wait3A_169, %dma_wait3A_170] : memref<3x128x32xf32, #tpu.memory_space<vmem>> -> memref<1x128x32xf32, #tpu.memory_space<vmem>>
    %dma_wait3A_172 = tpu.memref_squeeze %dma_wait3A_171 : memref<1x128x32xf32, #tpu.memory_space<vmem>> -> memref<128x32xf32, #tpu.memory_space<vmem>>
    %dma_wait3A_173 = arith.constant 0 : i32
    %dma_wait3A_174 = tpu.memref_slice %arg8[%dma_wait3A_167, %dma_wait3A_173] : memref<81x128xi32, #tpu.memory_space<vmem>> -> memref<1x128xi32, #tpu.memory_space<vmem>>
    %dma_wait3A_175 = tpu.memref_squeeze %dma_wait3A_174 : memref<1x128xi32, #tpu.memory_space<vmem>> -> memref<128xi32, #tpu.memory_space<vmem>>
    %dma_wait3A_176 = arith.constant 0 : i32
    %dma_wait3A_177 = arith.constant 0 : i32
    %dma_wait3A_178 = tpu.memref_slice %arg7[%dma_wait3A_176, %dma_wait3A_177] : memref<20480x32xf32, #tpu.memory_space<vmem_shared>> -> memref<20480x32xf32, #tpu.memory_space<vmem_shared>>
    tpu.wait_indirect_dma semaphore(%arg12 : memref<!tpu.dma_semaphore, #tpu.memory_space<semaphore_mem>>) src(%dma_wait3A_178 : memref<20480x32xf32, #tpu.memory_space<vmem_shared>>) dst(%dma_wait3A_172 : memref<128x32xf32, #tpu.memory_space<vmem>>)
    %dma_start3A_179 = arith.constant 2 : i32
    %dma_start3A_180 = arith.constant 2 : i32
    %dma_start3A_181 = arith.constant 0 : i32
    %dma_start3A_182 = arith.constant 0 : i32
    %dma_start3A_183 = tpu.memref_slice %arg10[%dma_start3A_180, %dma_start3A_181, %dma_start3A_182] : memref<3x128x32xf32, #tpu.memory_space<vmem>> -> memref<1x128x32xf32, #tpu.memory_space<vmem>>
    %dma_start3A_184 = tpu.memref_squeeze %dma_start3A_183 : memref<1x128x32xf32, #tpu.memory_space<vmem>> -> memref<128x32xf32, #tpu.memory_space<vmem>>
    %dma_start3A_185 = arith.constant 0 : i32
    %dma_start3A_186 = tpu.memref_slice %arg8[%dma_start3A_179, %dma_start3A_185] : memref<81x128xi32, #tpu.memory_space<vmem>> -> memref<1x128xi32, #tpu.memory_space<vmem>>
    %dma_start3A_187 = tpu.memref_squeeze %dma_start3A_186 : memref<1x128xi32, #tpu.memory_space<vmem>> -> memref<128xi32, #tpu.memory_space<vmem>>
    %dma_start3A_188 = arith.constant 0 : i32
    %dma_start3A_189 = arith.constant 0 : i32
    %dma_start3A_190 = tpu.memref_slice %arg7[%dma_start3A_188, %dma_start3A_189] : memref<20480x32xf32, #tpu.memory_space<vmem_shared>> -> memref<20480x32xf32, #tpu.memory_space<vmem_shared>>
    tpu.enqueue_indirect_dma source(%dma_start3A_190 : memref<20480x32xf32, #tpu.memory_space<vmem_shared>>) target(%dma_start3A_184 : memref<128x32xf32, #tpu.memory_space<vmem>>) offsets(%dma_start3A_187 : memref<128xi32, #tpu.memory_space<vmem>>) semaphore(%arg12 : memref<!tpu.dma_semaphore, #tpu.memory_space<semaphore_mem>>)
    %dma_start3A_191 = arith.constant 0 : i32
    %dma_start3A_192 = arith.constant 0 : i32
    %dma_start3A_193 = arith.constant 0 : i32
    %dma_start3A_194 = arith.constant 0 : i32
    %dma_start3A_195 = tpu.memref_slice %arg10[%dma_start3A_191, %dma_start3A_193, %dma_start3A_194] : memref<3x128x32xf32, #tpu.memory_space<vmem>> -> memref<1x128x32xf32, #tpu.memory_space<vmem>>
    %dma_start3A_196 = tpu.memref_squeeze %dma_start3A_195 : memref<1x128x32xf32, #tpu.memory_space<vmem>> -> memref<128x32xf32, #tpu.memory_space<vmem>>
    %dma_start3A_197 = arith.constant 0 : i32
    %dma_start3A_198 = tpu.memref_slice %arg9[%dma_start3A_192, %dma_start3A_197] : memref<81x128xi32, #tpu.memory_space<vmem>> -> memref<1x128xi32, #tpu.memory_space<vmem>>
    %dma_start3A_199 = tpu.memref_squeeze %dma_start3A_198 : memref<1x128xi32, #tpu.memory_space<vmem>> -> memref<128xi32, #tpu.memory_space<vmem>>
    %dma_start3A_200 = arith.constant 0 : i32
    %dma_start3A_201 = arith.constant 0 : i32
    %dma_start3A_202 = tpu.memref_slice %arg6[%dma_start3A_200, %dma_start3A_201] : memref<20480x32xf32, #tpu.memory_space<vmem_shared>> -> memref<20480x32xf32, #tpu.memory_space<vmem_shared>>
    tpu.enqueue_indirect_dma source(%dma_start3A_196 : memref<128x32xf32, #tpu.memory_space<vmem>>) target(%dma_start3A_202 : memref<20480x32xf32, #tpu.memory_space<vmem_shared>>) offsets(%dma_start3A_199 : memref<128xi32, #tpu.memory_space<vmem>>) semaphore(%arg15 : memref<!tpu.dma_semaphore, #tpu.memory_space<semaphore_mem>>) {add = true}
    %scan3A_203 = arith.constant 0 : i32
    %scan3A_204 = arith.constant 0 : i32
    %scan3A_205 = arith.constant 13 : i32
    %scan3A_206 = arith.addi %scan3A_204, %scan3A_205 : i32
    %scan3A_207 = arith.constant 1 : i32
    scf.for %scan3A_250 = %scan3A_204 to %scan3A_206 step %scan3A_207  : i32 {
      %mul3A_251 = arith.constant 6 : i32
      %mul3A_252 = arith.muli %mul3A_251, %scan3A_250 : i32
      %add3A_253 = arith.constant 1 : i32
      %add3A_254 = arith.addi %add3A_253, %mul3A_252 : i32
      %add3A_255 = arith.constant 0 : i32
      %add3A_256 = arith.addi %add3A_254, %add3A_255 : i32
      %dma_wait3A_257 = arith.constant 1 : i32
      %dma_wait3A_258 = arith.constant 0 : i32
      %dma_wait3A_259 = arith.constant 0 : i32
      %dma_wait3A_260 = tpu.memref_slice %arg10[%dma_wait3A_257, %dma_wait3A_258, %dma_wait3A_259] : memref<3x128x32xf32, #tpu.memory_space<vmem>> -> memref<1x128x32xf32, #tpu.memory_space<vmem>>
      %dma_wait3A_261 = tpu.memref_squeeze %dma_wait3A_260 : memref<1x128x32xf32, #tpu.memory_space<vmem>> -> memref<128x32xf32, #tpu.memory_space<vmem>>
      %dma_wait3A_262 = arith.constant 0 : i32
      %dma_wait3A_263 = tpu.memref_slice %arg8[%add3A_256, %dma_wait3A_262] : memref<81x128xi32, #tpu.memory_space<vmem>> -> memref<1x128xi32, #tpu.memory_space<vmem>>
      %dma_wait3A_264 = tpu.memref_squeeze %dma_wait3A_263 : memref<1x128xi32, #tpu.memory_space<vmem>> -> memref<128xi32, #tpu.memory_space<vmem>>
      %dma_wait3A_265 = arith.constant 0 : i32
      %dma_wait3A_266 = arith.constant 0 : i32
      %dma_wait3A_267 = tpu.memref_slice %arg7[%dma_wait3A_265, %dma_wait3A_266] : memref<20480x32xf32, #tpu.memory_space<vmem_shared>> -> memref<20480x32xf32, #tpu.memory_space<vmem_shared>>
      tpu.wait_indirect_dma semaphore(%arg13 : memref<!tpu.dma_semaphore, #tpu.memory_space<semaphore_mem>>) src(%dma_wait3A_267 : memref<20480x32xf32, #tpu.memory_space<vmem_shared>>) dst(%dma_wait3A_261 : memref<128x32xf32, #tpu.memory_space<vmem>>)
      %sub3A = arith.constant 1 : i32
      %sub3A_268 = arith.subi %add3A_256, %sub3A : i32
      %dma_wait3A_269 = arith.constant 0 : i32
      %dma_wait3A_270 = arith.constant 0 : i32
      %dma_wait3A_271 = arith.constant 0 : i32
      %dma_wait3A_272 = tpu.memref_slice %arg10[%dma_wait3A_269, %dma_wait3A_270, %dma_wait3A_271] : memref<3x128x32xf32, #tpu.memory_space<vmem>> -> memref<1x128x32xf32, #tpu.memory_space<vmem>>
      %dma_wait3A_273 = tpu.memref_squeeze %dma_wait3A_272 : memref<1x128x32xf32, #tpu.memory_space<vmem>> -> memref<128x32xf32, #tpu.memory_space<vmem>>
      %dma_wait3A_274 = arith.constant 0 : i32
      %dma_wait3A_275 = tpu.memref_slice %arg9[%sub3A_268, %dma_wait3A_274] : memref<81x128xi32, #tpu.memory_space<vmem>> -> memref<1x128xi32, #tpu.memory_space<vmem>>
      %dma_wait3A_276 = tpu.memref_squeeze %dma_wait3A_275 : memref<1x128xi32, #tpu.memory_space<vmem>> -> memref<128xi32, #tpu.memory_space<vmem>>
      %dma_wait3A_277 = arith.constant 0 : i32
      %dma_wait3A_278 = arith.constant 0 : i32
      %dma_wait3A_279 = tpu.memref_slice %arg6[%dma_wait3A_277, %dma_wait3A_278] : memref<20480x32xf32, #tpu.memory_space<vmem_shared>> -> memref<20480x32xf32, #tpu.memory_space<vmem_shared>>
      tpu.wait_indirect_dma semaphore(%arg15 : memref<!tpu.dma_semaphore, #tpu.memory_space<semaphore_mem>>) src(%dma_wait3A_273 : memref<128x32xf32, #tpu.memory_space<vmem>>) dst(%dma_wait3A_279 : memref<20480x32xf32, #tpu.memory_space<vmem_shared>>)
      %add3A_280 = arith.constant 2 : i32
      %add3A_281 = arith.addi %add3A_256, %add3A_280 : i32
      %dma_start3A_282 = arith.constant 0 : i32
      %dma_start3A_283 = arith.constant 0 : i32
      %dma_start3A_284 = arith.constant 0 : i32
      %dma_start3A_285 = tpu.memref_slice %arg10[%dma_start3A_282, %dma_start3A_283, %dma_start3A_284] : memref<3x128x32xf32, #tpu.memory_space<vmem>> -> memref<1x128x32xf32, #tpu.memory_space<vmem>>
      %dma_start3A_286 = tpu.memref_squeeze %dma_start3A_285 : memref<1x128x32xf32, #tpu.memory_space<vmem>> -> memref<128x32xf32, #tpu.memory_space<vmem>>
      %dma_start3A_287 = arith.constant 0 : i32
      %dma_start3A_288 = tpu.memref_slice %arg8[%add3A_281, %dma_start3A_287] : memref<81x128xi32, #tpu.memory_space<vmem>> -> memref<1x128xi32, #tpu.memory_space<vmem>>
      %dma_start3A_289 = tpu.memref_squeeze %dma_start3A_288 : memref<1x128xi32, #tpu.memory_space<vmem>> -> memref<128xi32, #tpu.memory_space<vmem>>
      %dma_start3A_290 = arith.constant 0 : i32
      %dma_start3A_291 = arith.constant 0 : i32
      %dma_start3A_292 = tpu.memref_slice %arg7[%dma_start3A_290, %dma_start3A_291] : memref<20480x32xf32, #tpu.memory_space<vmem_shared>> -> memref<20480x32xf32, #tpu.memory_space<vmem_shared>>
      tpu.enqueue_indirect_dma source(%dma_start3A_292 : memref<20480x32xf32, #tpu.memory_space<vmem_shared>>) target(%dma_start3A_286 : memref<128x32xf32, #tpu.memory_space<vmem>>) offsets(%dma_start3A_289 : memref<128xi32, #tpu.memory_space<vmem>>) semaphore(%arg13 : memref<!tpu.dma_semaphore, #tpu.memory_space<semaphore_mem>>)
      %dma_start3A_293 = arith.constant 1 : i32
      %dma_start3A_294 = arith.constant 0 : i32
      %dma_start3A_295 = arith.constant 0 : i32
      %dma_start3A_296 = tpu.memref_slice %arg10[%dma_start3A_293, %dma_start3A_294, %dma_start3A_295] : memref<3x128x32xf32, #tpu.memory_space<vmem>> -> memref<1x128x32xf32, #tpu.memory_space<vmem>>
      %dma_start3A_297 = tpu.memref_squeeze %dma_start3A_296 : memref<1x128x32xf32, #tpu.memory_space<vmem>> -> memref<128x32xf32, #tpu.memory_space<vmem>>
      %dma_start3A_298 = arith.constant 0 : i32
      %dma_start3A_299 = tpu.memref_slice %arg9[%add3A_256, %dma_start3A_298] : memref<81x128xi32, #tpu.memory_space<vmem>> -> memref<1x128xi32, #tpu.memory_space<vmem>>
      %dma_start3A_300 = tpu.memref_squeeze %dma_start3A_299 : memref<1x128xi32, #tpu.memory_space<vmem>> -> memref<128xi32, #tpu.memory_space<vmem>>
      %dma_start3A_301 = arith.constant 0 : i32
      %dma_start3A_302 = arith.constant 0 : i32
      %dma_start3A_303 = tpu.memref_slice %arg6[%dma_start3A_301, %dma_start3A_302] : memref<20480x32xf32, #tpu.memory_space<vmem_shared>> -> memref<20480x32xf32, #tpu.memory_space<vmem_shared>>
      tpu.enqueue_indirect_dma source(%dma_start3A_297 : memref<128x32xf32, #tpu.memory_space<vmem>>) target(%dma_start3A_303 : memref<20480x32xf32, #tpu.memory_space<vmem_shared>>) offsets(%dma_start3A_300 : memref<128xi32, #tpu.memory_space<vmem>>) semaphore(%arg15 : memref<!tpu.dma_semaphore, #tpu.memory_space<semaphore_mem>>) {add = true}
      %mul3A_304 = arith.constant 6 : i32
      %mul3A_305 = arith.muli %mul3A_304, %scan3A_250 : i32
      %add3A_306 = arith.constant 1 : i32
      %add3A_307 = arith.addi %add3A_306, %mul3A_305 : i32
      %add3A_308 = arith.constant 1 : i32
      %add3A_309 = arith.addi %add3A_307, %add3A_308 : i32
      %dma_wait3A_310 = arith.constant 2 : i32
      %dma_wait3A_311 = arith.constant 0 : i32
      %dma_wait3A_312 = arith.constant 0 : i32
      %dma_wait3A_313 = tpu.memref_slice %arg10[%dma_wait3A_310, %dma_wait3A_311, %dma_wait3A_312] : memref<3x128x32xf32, #tpu.memory_space<vmem>> -> memref<1x128x32xf32, #tpu.memory_space<vmem>>
      %dma_wait3A_314 = tpu.memref_squeeze %dma_wait3A_313 : memref<1x128x32xf32, #tpu.memory_space<vmem>> -> memref<128x32xf32, #tpu.memory_space<vmem>>
      %dma_wait3A_315 = arith.constant 0 : i32
      %dma_wait3A_316 = tpu.memref_slice %arg8[%add3A_309, %dma_wait3A_315] : memref<81x128xi32, #tpu.memory_space<vmem>> -> memref<1x128xi32, #tpu.memory_space<vmem>>
      %dma_wait3A_317 = tpu.memref_squeeze %dma_wait3A_316 : memref<1x128xi32, #tpu.memory_space<vmem>> -> memref<128xi32, #tpu.memory_space<vmem>>
      %dma_wait3A_318 = arith.constant 0 : i32
      %dma_wait3A_319 = arith.constant 0 : i32
      %dma_wait3A_320 = tpu.memref_slice %arg7[%dma_wait3A_318, %dma_wait3A_319] : memref<20480x32xf32, #tpu.memory_space<vmem_shared>> -> memref<20480x32xf32, #tpu.memory_space<vmem_shared>>
      tpu.wait_indirect_dma semaphore(%arg12 : memref<!tpu.dma_semaphore, #tpu.memory_space<semaphore_mem>>) src(%dma_wait3A_320 : memref<20480x32xf32, #tpu.memory_space<vmem_shared>>) dst(%dma_wait3A_314 : memref<128x32xf32, #tpu.memory_space<vmem>>)
      %sub3A_321 = arith.constant 1 : i32
      %sub3A_322 = arith.subi %add3A_309, %sub3A_321 : i32
      %dma_wait3A_323 = arith.constant 1 : i32
      %dma_wait3A_324 = arith.constant 0 : i32
      %dma_wait3A_325 = arith.constant 0 : i32
      %dma_wait3A_326 = tpu.memref_slice %arg10[%dma_wait3A_323, %dma_wait3A_324, %dma_wait3A_325] : memref<3x128x32xf32, #tpu.memory_space<vmem>> -> memref<1x128x32xf32, #tpu.memory_space<vmem>>
      %dma_wait3A_327 = tpu.memref_squeeze %dma_wait3A_326 : memref<1x128x32xf32, #tpu.memory_space<vmem>> -> memref<128x32xf32, #tpu.memory_space<vmem>>
      %dma_wait3A_328 = arith.constant 0 : i32
      %dma_wait3A_329 = tpu.memref_slice %arg9[%sub3A_322, %dma_wait3A_328] : memref<81x128xi32, #tpu.memory_space<vmem>> -> memref<1x128xi32, #tpu.memory_space<vmem>>
      %dma_wait3A_330 = tpu.memref_squeeze %dma_wait3A_329 : memref<1x128xi32, #tpu.memory_space<vmem>> -> memref<128xi32, #tpu.memory_space<vmem>>
      %dma_wait3A_331 = arith.constant 0 : i32
      %dma_wait3A_332 = arith.constant 0 : i32
      %dma_wait3A_333 = tpu.memref_slice %arg6[%dma_wait3A_331, %dma_wait3A_332] : memref<20480x32xf32, #tpu.memory_space<vmem_shared>> -> memref<20480x32xf32, #tpu.memory_space<vmem_shared>>
      tpu.wait_indirect_dma semaphore(%arg15 : memref<!tpu.dma_semaphore, #tpu.memory_space<semaphore_mem>>) src(%dma_wait3A_327 : memref<128x32xf32, #tpu.memory_space<vmem>>) dst(%dma_wait3A_333 : memref<20480x32xf32, #tpu.memory_space<vmem_shared>>)
      %add3A_334 = arith.constant 2 : i32
      %add3A_335 = arith.addi %add3A_309, %add3A_334 : i32
      %dma_start3A_336 = arith.constant 1 : i32
      %dma_start3A_337 = arith.constant 0 : i32
      %dma_start3A_338 = arith.constant 0 : i32
      %dma_start3A_339 = tpu.memref_slice %arg10[%dma_start3A_336, %dma_start3A_337, %dma_start3A_338] : memref<3x128x32xf32, #tpu.memory_space<vmem>> -> memref<1x128x32xf32, #tpu.memory_space<vmem>>
      %dma_start3A_340 = tpu.memref_squeeze %dma_start3A_339 : memref<1x128x32xf32, #tpu.memory_space<vmem>> -> memref<128x32xf32, #tpu.memory_space<vmem>>
      %dma_start3A_341 = arith.constant 0 : i32
      %dma_start3A_342 = tpu.memref_slice %arg8[%add3A_335, %dma_start3A_341] : memref<81x128xi32, #tpu.memory_space<vmem>> -> memref<1x128xi32, #tpu.memory_space<vmem>>
      %dma_start3A_343 = tpu.memref_squeeze %dma_start3A_342 : memref<1x128xi32, #tpu.memory_space<vmem>> -> memref<128xi32, #tpu.memory_space<vmem>>
      %dma_start3A_344 = arith.constant 0 : i32
      %dma_start3A_345 = arith.constant 0 : i32
      %dma_start3A_346 = tpu.memref_slice %arg7[%dma_start3A_344, %dma_start3A_345] : memref<20480x32xf32, #tpu.memory_space<vmem_shared>> -> memref<20480x32xf32, #tpu.memory_space<vmem_shared>>
      tpu.enqueue_indirect_dma source(%dma_start3A_346 : memref<20480x32xf32, #tpu.memory_space<vmem_shared>>) target(%dma_start3A_340 : memref<128x32xf32, #tpu.memory_space<vmem>>) offsets(%dma_start3A_343 : memref<128xi32, #tpu.memory_space<vmem>>) semaphore(%arg12 : memref<!tpu.dma_semaphore, #tpu.memory_space<semaphore_mem>>)
      %dma_start3A_347 = arith.constant 2 : i32
      %dma_start3A_348 = arith.constant 0 : i32
      %dma_start3A_349 = arith.constant 0 : i32
      %dma_start3A_350 = tpu.memref_slice %arg10[%dma_start3A_347, %dma_start3A_348, %dma_start3A_349] : memref<3x128x32xf32, #tpu.memory_space<vmem>> -> memref<1x128x32xf32, #tpu.memory_space<vmem>>
      %dma_start3A_351 = tpu.memref_squeeze %dma_start3A_350 : memref<1x128x32xf32, #tpu.memory_space<vmem>> -> memref<128x32xf32, #tpu.memory_space<vmem>>
      %dma_start3A_352 = arith.constant 0 : i32
      %dma_start3A_353 = tpu.memref_slice %arg9[%add3A_309, %dma_start3A_352] : memref<81x128xi32, #tpu.memory_space<vmem>> -> memref<1x128xi32, #tpu.memory_space<vmem>>
      %dma_start3A_354 = tpu.memref_squeeze %dma_start3A_353 : memref<1x128xi32, #tpu.memory_space<vmem>> -> memref<128xi32, #tpu.memory_space<vmem>>
      %dma_start3A_355 = arith.constant 0 : i32
      %dma_start3A_356 = arith.constant 0 : i32
      %dma_start3A_357 = tpu.memref_slice %arg6[%dma_start3A_355, %dma_start3A_356] : memref<20480x32xf32, #tpu.memory_space<vmem_shared>> -> memref<20480x32xf32, #tpu.memory_space<vmem_shared>>
      tpu.enqueue_indirect_dma source(%dma_start3A_351 : memref<128x32xf32, #tpu.memory_space<vmem>>) target(%dma_start3A_357 : memref<20480x32xf32, #tpu.memory_space<vmem_shared>>) offsets(%dma_start3A_354 : memref<128xi32, #tpu.memory_space<vmem>>) semaphore(%arg15 : memref<!tpu.dma_semaphore, #tpu.memory_space<semaphore_mem>>) {add = true}
      %mul3A_358 = arith.constant 6 : i32
      %mul3A_359 = arith.muli %mul3A_358, %scan3A_250 : i32
      %add3A_360 = arith.constant 1 : i32
      %add3A_361 = arith.addi %add3A_360, %mul3A_359 : i32
      %add3A_362 = arith.constant 2 : i32
      %add3A_363 = arith.addi %add3A_361, %add3A_362 : i32
      %dma_wait3A_364 = arith.constant 0 : i32
      %dma_wait3A_365 = arith.constant 0 : i32
      %dma_wait3A_366 = arith.constant 0 : i32
      %dma_wait3A_367 = tpu.memref_slice %arg10[%dma_wait3A_364, %dma_wait3A_365, %dma_wait3A_366] : memref<3x128x32xf32, #tpu.memory_space<vmem>> -> memref<1x128x32xf32, #tpu.memory_space<vmem>>
      %dma_wait3A_368 = tpu.memref_squeeze %dma_wait3A_367 : memref<1x128x32xf32, #tpu.memory_space<vmem>> -> memref<128x32xf32, #tpu.memory_space<vmem>>
      %dma_wait3A_369 = arith.constant 0 : i32
      %dma_wait3A_370 = tpu.memref_slice %arg8[%add3A_363, %dma_wait3A_369] : memref<81x128xi32, #tpu.memory_space<vmem>> -> memref<1x128xi32, #tpu.memory_space<vmem>>
      %dma_wait3A_371 = tpu.memref_squeeze %dma_wait3A_370 : memref<1x128xi32, #tpu.memory_space<vmem>> -> memref<128xi32, #tpu.memory_space<vmem>>
      %dma_wait3A_372 = arith.constant 0 : i32
      %dma_wait3A_373 = arith.constant 0 : i32
      %dma_wait3A_374 = tpu.memref_slice %arg7[%dma_wait3A_372, %dma_wait3A_373] : memref<20480x32xf32, #tpu.memory_space<vmem_shared>> -> memref<20480x32xf32, #tpu.memory_space<vmem_shared>>
      tpu.wait_indirect_dma semaphore(%arg13 : memref<!tpu.dma_semaphore, #tpu.memory_space<semaphore_mem>>) src(%dma_wait3A_374 : memref<20480x32xf32, #tpu.memory_space<vmem_shared>>) dst(%dma_wait3A_368 : memref<128x32xf32, #tpu.memory_space<vmem>>)
      %sub3A_375 = arith.constant 1 : i32
      %sub3A_376 = arith.subi %add3A_363, %sub3A_375 : i32
      %dma_wait3A_377 = arith.constant 2 : i32
      %dma_wait3A_378 = arith.constant 0 : i32
      %dma_wait3A_379 = arith.constant 0 : i32
      %dma_wait3A_380 = tpu.memref_slice %arg10[%dma_wait3A_377, %dma_wait3A_378, %dma_wait3A_379] : memref<3x128x32xf32, #tpu.memory_space<vmem>> -> memref<1x128x32xf32, #tpu.memory_space<vmem>>
      %dma_wait3A_381 = tpu.memref_squeeze %dma_wait3A_380 : memref<1x128x32xf32, #tpu.memory_space<vmem>> -> memref<128x32xf32, #tpu.memory_space<vmem>>
      %dma_wait3A_382 = arith.constant 0 : i32
      %dma_wait3A_383 = tpu.memref_slice %arg9[%sub3A_376, %dma_wait3A_382] : memref<81x128xi32, #tpu.memory_space<vmem>> -> memref<1x128xi32, #tpu.memory_space<vmem>>
      %dma_wait3A_384 = tpu.memref_squeeze %dma_wait3A_383 : memref<1x128xi32, #tpu.memory_space<vmem>> -> memref<128xi32, #tpu.memory_space<vmem>>
      %dma_wait3A_385 = arith.constant 0 : i32
      %dma_wait3A_386 = arith.constant 0 : i32
      %dma_wait3A_387 = tpu.memref_slice %arg6[%dma_wait3A_385, %dma_wait3A_386] : memref<20480x32xf32, #tpu.memory_space<vmem_shared>> -> memref<20480x32xf32, #tpu.memory_space<vmem_shared>>
      tpu.wait_indirect_dma semaphore(%arg15 : memref<!tpu.dma_semaphore, #tpu.memory_space<semaphore_mem>>) src(%dma_wait3A_381 : memref<128x32xf32, #tpu.memory_space<vmem>>) dst(%dma_wait3A_387 : memref<20480x32xf32, #tpu.memory_space<vmem_shared>>)
      %add3A_388 = arith.constant 2 : i32
      %add3A_389 = arith.addi %add3A_363, %add3A_388 : i32
      %dma_start3A_390 = arith.constant 2 : i32
      %dma_start3A_391 = arith.constant 0 : i32
      %dma_start3A_392 = arith.constant 0 : i32
      %dma_start3A_393 = tpu.memref_slice %arg10[%dma_start3A_390, %dma_start3A_391, %dma_start3A_392] : memref<3x128x32xf32, #tpu.memory_space<vmem>> -> memref<1x128x32xf32, #tpu.memory_space<vmem>>
      %dma_start3A_394 = tpu.memref_squeeze %dma_start3A_393 : memref<1x128x32xf32, #tpu.memory_space<vmem>> -> memref<128x32xf32, #tpu.memory_space<vmem>>
      %dma_start3A_395 = arith.constant 0 : i32
      %dma_start3A_396 = tpu.memref_slice %arg8[%add3A_389, %dma_start3A_395] : memref<81x128xi32, #tpu.memory_space<vmem>> -> memref<1x128xi32, #tpu.memory_space<vmem>>
      %dma_start3A_397 = tpu.memref_squeeze %dma_start3A_396 : memref<1x128xi32, #tpu.memory_space<vmem>> -> memref<128xi32, #tpu.memory_space<vmem>>
      %dma_start3A_398 = arith.constant 0 : i32
      %dma_start3A_399 = arith.constant 0 : i32
      %dma_start3A_400 = tpu.memref_slice %arg7[%dma_start3A_398, %dma_start3A_399] : memref<20480x32xf32, #tpu.memory_space<vmem_shared>> -> memref<20480x32xf32, #tpu.memory_space<vmem_shared>>
      tpu.enqueue_indirect_dma source(%dma_start3A_400 : memref<20480x32xf32, #tpu.memory_space<vmem_shared>>) target(%dma_start3A_394 : memref<128x32xf32, #tpu.memory_space<vmem>>) offsets(%dma_start3A_397 : memref<128xi32, #tpu.memory_space<vmem>>) semaphore(%arg13 : memref<!tpu.dma_semaphore, #tpu.memory_space<semaphore_mem>>)
      %dma_start3A_401 = arith.constant 0 : i32
      %dma_start3A_402 = arith.constant 0 : i32
      %dma_start3A_403 = arith.constant 0 : i32
      %dma_start3A_404 = tpu.memref_slice %arg10[%dma_start3A_401, %dma_start3A_402, %dma_start3A_403] : memref<3x128x32xf32, #tpu.memory_space<vmem>> -> memref<1x128x32xf32, #tpu.memory_space<vmem>>
      %dma_start3A_405 = tpu.memref_squeeze %dma_start3A_404 : memref<1x128x32xf32, #tpu.memory_space<vmem>> -> memref<128x32xf32, #tpu.memory_space<vmem>>
      %dma_start3A_406 = arith.constant 0 : i32
      %dma_start3A_407 = tpu.memref_slice %arg9[%add3A_363, %dma_start3A_406] : memref<81x128xi32, #tpu.memory_space<vmem>> -> memref<1x128xi32, #tpu.memory_space<vmem>>
      %dma_start3A_408 = tpu.memref_squeeze %dma_start3A_407 : memref<1x128xi32, #tpu.memory_space<vmem>> -> memref<128xi32, #tpu.memory_space<vmem>>
      %dma_start3A_409 = arith.constant 0 : i32
      %dma_start3A_410 = arith.constant 0 : i32
      %dma_start3A_411 = tpu.memref_slice %arg6[%dma_start3A_409, %dma_start3A_410] : memref<20480x32xf32, #tpu.memory_space<vmem_shared>> -> memref<20480x32xf32, #tpu.memory_space<vmem_shared>>
      tpu.enqueue_indirect_dma source(%dma_start3A_405 : memref<128x32xf32, #tpu.memory_space<vmem>>) target(%dma_start3A_411 : memref<20480x32xf32, #tpu.memory_space<vmem_shared>>) offsets(%dma_start3A_408 : memref<128xi32, #tpu.memory_space<vmem>>) semaphore(%arg15 : memref<!tpu.dma_semaphore, #tpu.memory_space<semaphore_mem>>) {add = true}
      %mul3A_412 = arith.constant 6 : i32
      %mul3A_413 = arith.muli %mul3A_412, %scan3A_250 : i32
      %add3A_414 = arith.constant 1 : i32
      %add3A_415 = arith.addi %add3A_414, %mul3A_413 : i32
      %add3A_416 = arith.constant 3 : i32
      %add3A_417 = arith.addi %add3A_415, %add3A_416 : i32
      %dma_wait3A_418 = arith.constant 1 : i32
      %dma_wait3A_419 = arith.constant 0 : i32
      %dma_wait3A_420 = arith.constant 0 : i32
      %dma_wait3A_421 = tpu.memref_slice %arg10[%dma_wait3A_418, %dma_wait3A_419, %dma_wait3A_420] : memref<3x128x32xf32, #tpu.memory_space<vmem>> -> memref<1x128x32xf32, #tpu.memory_space<vmem>>
      %dma_wait3A_422 = tpu.memref_squeeze %dma_wait3A_421 : memref<1x128x32xf32, #tpu.memory_space<vmem>> -> memref<128x32xf32, #tpu.memory_space<vmem>>
      %dma_wait3A_423 = arith.constant 0 : i32
      %dma_wait3A_424 = tpu.memref_slice %arg8[%add3A_417, %dma_wait3A_423] : memref<81x128xi32, #tpu.memory_space<vmem>> -> memref<1x128xi32, #tpu.memory_space<vmem>>
      %dma_wait3A_425 = tpu.memref_squeeze %dma_wait3A_424 : memref<1x128xi32, #tpu.memory_space<vmem>> -> memref<128xi32, #tpu.memory_space<vmem>>
      %dma_wait3A_426 = arith.constant 0 : i32
      %dma_wait3A_427 = arith.constant 0 : i32
      %dma_wait3A_428 = tpu.memref_slice %arg7[%dma_wait3A_426, %dma_wait3A_427] : memref<20480x32xf32, #tpu.memory_space<vmem_shared>> -> memref<20480x32xf32, #tpu.memory_space<vmem_shared>>
      tpu.wait_indirect_dma semaphore(%arg12 : memref<!tpu.dma_semaphore, #tpu.memory_space<semaphore_mem>>) src(%dma_wait3A_428 : memref<20480x32xf32, #tpu.memory_space<vmem_shared>>) dst(%dma_wait3A_422 : memref<128x32xf32, #tpu.memory_space<vmem>>)
      %sub3A_429 = arith.constant 1 : i32
      %sub3A_430 = arith.subi %add3A_417, %sub3A_429 : i32
      %dma_wait3A_431 = arith.constant 0 : i32
      %dma_wait3A_432 = arith.constant 0 : i32
      %dma_wait3A_433 = arith.constant 0 : i32
      %dma_wait3A_434 = tpu.memref_slice %arg10[%dma_wait3A_431, %dma_wait3A_432, %dma_wait3A_433] : memref<3x128x32xf32, #tpu.memory_space<vmem>> -> memref<1x128x32xf32, #tpu.memory_space<vmem>>
      %dma_wait3A_435 = tpu.memref_squeeze %dma_wait3A_434 : memref<1x128x32xf32, #tpu.memory_space<vmem>> -> memref<128x32xf32, #tpu.memory_space<vmem>>
      %dma_wait3A_436 = arith.constant 0 : i32
      %dma_wait3A_437 = tpu.memref_slice %arg9[%sub3A_430, %dma_wait3A_436] : memref<81x128xi32, #tpu.memory_space<vmem>> -> memref<1x128xi32, #tpu.memory_space<vmem>>
      %dma_wait3A_438 = tpu.memref_squeeze %dma_wait3A_437 : memref<1x128xi32, #tpu.memory_space<vmem>> -> memref<128xi32, #tpu.memory_space<vmem>>
      %dma_wait3A_439 = arith.constant 0 : i32
      %dma_wait3A_440 = arith.constant 0 : i32
      %dma_wait3A_441 = tpu.memref_slice %arg6[%dma_wait3A_439, %dma_wait3A_440] : memref<20480x32xf32, #tpu.memory_space<vmem_shared>> -> memref<20480x32xf32, #tpu.memory_space<vmem_shared>>
      tpu.wait_indirect_dma semaphore(%arg15 : memref<!tpu.dma_semaphore, #tpu.memory_space<semaphore_mem>>) src(%dma_wait3A_435 : memref<128x32xf32, #tpu.memory_space<vmem>>) dst(%dma_wait3A_441 : memref<20480x32xf32, #tpu.memory_space<vmem_shared>>)
      %add3A_442 = arith.constant 2 : i32
      %add3A_443 = arith.addi %add3A_417, %add3A_442 : i32
      %dma_start3A_444 = arith.constant 0 : i32
      %dma_start3A_445 = arith.constant 0 : i32
      %dma_start3A_446 = arith.constant 0 : i32
      %dma_start3A_447 = tpu.memref_slice %arg10[%dma_start3A_444, %dma_start3A_445, %dma_start3A_446] : memref<3x128x32xf32, #tpu.memory_space<vmem>> -> memref<1x128x32xf32, #tpu.memory_space<vmem>>
      %dma_start3A_448 = tpu.memref_squeeze %dma_start3A_447 : memref<1x128x32xf32, #tpu.memory_space<vmem>> -> memref<128x32xf32, #tpu.memory_space<vmem>>
      %dma_start3A_449 = arith.constant 0 : i32
      %dma_start3A_450 = tpu.memref_slice %arg8[%add3A_443, %dma_start3A_449] : memref<81x128xi32, #tpu.memory_space<vmem>> -> memref<1x128xi32, #tpu.memory_space<vmem>>
      %dma_start3A_451 = tpu.memref_squeeze %dma_start3A_450 : memref<1x128xi32, #tpu.memory_space<vmem>> -> memref<128xi32, #tpu.memory_space<vmem>>
      %dma_start3A_452 = arith.constant 0 : i32
      %dma_start3A_453 = arith.constant 0 : i32
      %dma_start3A_454 = tpu.memref_slice %arg7[%dma_start3A_452, %dma_start3A_453] : memref<20480x32xf32, #tpu.memory_space<vmem_shared>> -> memref<20480x32xf32, #tpu.memory_space<vmem_shared>>
      tpu.enqueue_indirect_dma source(%dma_start3A_454 : memref<20480x32xf32, #tpu.memory_space<vmem_shared>>) target(%dma_start3A_448 : memref<128x32xf32, #tpu.memory_space<vmem>>) offsets(%dma_start3A_451 : memref<128xi32, #tpu.memory_space<vmem>>) semaphore(%arg12 : memref<!tpu.dma_semaphore, #tpu.memory_space<semaphore_mem>>)
      %dma_start3A_455 = arith.constant 1 : i32
      %dma_start3A_456 = arith.constant 0 : i32
      %dma_start3A_457 = arith.constant 0 : i32
      %dma_start3A_458 = tpu.memref_slice %arg10[%dma_start3A_455, %dma_start3A_456, %dma_start3A_457] : memref<3x128x32xf32, #tpu.memory_space<vmem>> -> memref<1x128x32xf32, #tpu.memory_space<vmem>>
      %dma_start3A_459 = tpu.memref_squeeze %dma_start3A_458 : memref<1x128x32xf32, #tpu.memory_space<vmem>> -> memref<128x32xf32, #tpu.memory_space<vmem>>
      %dma_start3A_460 = arith.constant 0 : i32
      %dma_start3A_461 = tpu.memref_slice %arg9[%add3A_417, %dma_start3A_460] : memref<81x128xi32, #tpu.memory_space<vmem>> -> memref<1x128xi32, #tpu.memory_space<vmem>>
      %dma_start3A_462 = tpu.memref_squeeze %dma_start3A_461 : memref<1x128xi32, #tpu.memory_space<vmem>> -> memref<128xi32, #tpu.memory_space<vmem>>
      %dma_start3A_463 = arith.constant 0 : i32
      %dma_start3A_464 = arith.constant 0 : i32
      %dma_start3A_465 = tpu.memref_slice %arg6[%dma_start3A_463, %dma_start3A_464] : memref<20480x32xf32, #tpu.memory_space<vmem_shared>> -> memref<20480x32xf32, #tpu.memory_space<vmem_shared>>
      tpu.enqueue_indirect_dma source(%dma_start3A_459 : memref<128x32xf32, #tpu.memory_space<vmem>>) target(%dma_start3A_465 : memref<20480x32xf32, #tpu.memory_space<vmem_shared>>) offsets(%dma_start3A_462 : memref<128xi32, #tpu.memory_space<vmem>>) semaphore(%arg15 : memref<!tpu.dma_semaphore, #tpu.memory_space<semaphore_mem>>) {add = true}
      %mul3A_466 = arith.constant 6 : i32
      %mul3A_467 = arith.muli %mul3A_466, %scan3A_250 : i32
      %add3A_468 = arith.constant 1 : i32
      %add3A_469 = arith.addi %add3A_468, %mul3A_467 : i32
      %add3A_470 = arith.constant 4 : i32
      %add3A_471 = arith.addi %add3A_469, %add3A_470 : i32
      %dma_wait3A_472 = arith.constant 2 : i32
      %dma_wait3A_473 = arith.constant 0 : i32
      %dma_wait3A_474 = arith.constant 0 : i32
      %dma_wait3A_475 = tpu.memref_slice %arg10[%dma_wait3A_472, %dma_wait3A_473, %dma_wait3A_474] : memref<3x128x32xf32, #tpu.memory_space<vmem>> -> memref<1x128x32xf32, #tpu.memory_space<vmem>>
      %dma_wait3A_476 = tpu.memref_squeeze %dma_wait3A_475 : memref<1x128x32xf32, #tpu.memory_space<vmem>> -> memref<128x32xf32, #tpu.memory_space<vmem>>
      %dma_wait3A_477 = arith.constant 0 : i32
      %dma_wait3A_478 = tpu.memref_slice %arg8[%add3A_471, %dma_wait3A_477] : memref<81x128xi32, #tpu.memory_space<vmem>> -> memref<1x128xi32, #tpu.memory_space<vmem>>
      %dma_wait3A_479 = tpu.memref_squeeze %dma_wait3A_478 : memref<1x128xi32, #tpu.memory_space<vmem>> -> memref<128xi32, #tpu.memory_space<vmem>>
      %dma_wait3A_480 = arith.constant 0 : i32
      %dma_wait3A_481 = arith.constant 0 : i32
      %dma_wait3A_482 = tpu.memref_slice %arg7[%dma_wait3A_480, %dma_wait3A_481] : memref<20480x32xf32, #tpu.memory_space<vmem_shared>> -> memref<20480x32xf32, #tpu.memory_space<vmem_shared>>
      tpu.wait_indirect_dma semaphore(%arg13 : memref<!tpu.dma_semaphore, #tpu.memory_space<semaphore_mem>>) src(%dma_wait3A_482 : memref<20480x32xf32, #tpu.memory_space<vmem_shared>>) dst(%dma_wait3A_476 : memref<128x32xf32, #tpu.memory_space<vmem>>)
      %sub3A_483 = arith.constant 1 : i32
      %sub3A_484 = arith.subi %add3A_471, %sub3A_483 : i32
      %dma_wait3A_485 = arith.constant 1 : i32
      %dma_wait3A_486 = arith.constant 0 : i32
      %dma_wait3A_487 = arith.constant 0 : i32
      %dma_wait3A_488 = tpu.memref_slice %arg10[%dma_wait3A_485, %dma_wait3A_486, %dma_wait3A_487] : memref<3x128x32xf32, #tpu.memory_space<vmem>> -> memref<1x128x32xf32, #tpu.memory_space<vmem>>
      %dma_wait3A_489 = tpu.memref_squeeze %dma_wait3A_488 : memref<1x128x32xf32, #tpu.memory_space<vmem>> -> memref<128x32xf32, #tpu.memory_space<vmem>>
      %dma_wait3A_490 = arith.constant 0 : i32
      %dma_wait3A_491 = tpu.memref_slice %arg9[%sub3A_484, %dma_wait3A_490] : memref<81x128xi32, #tpu.memory_space<vmem>> -> memref<1x128xi32, #tpu.memory_space<vmem>>
      %dma_wait3A_492 = tpu.memref_squeeze %dma_wait3A_491 : memref<1x128xi32, #tpu.memory_space<vmem>> -> memref<128xi32, #tpu.memory_space<vmem>>
      %dma_wait3A_493 = arith.constant 0 : i32
      %dma_wait3A_494 = arith.constant 0 : i32
      %dma_wait3A_495 = tpu.memref_slice %arg6[%dma_wait3A_493, %dma_wait3A_494] : memref<20480x32xf32, #tpu.memory_space<vmem_shared>> -> memref<20480x32xf32, #tpu.memory_space<vmem_shared>>
      tpu.wait_indirect_dma semaphore(%arg15 : memref<!tpu.dma_semaphore, #tpu.memory_space<semaphore_mem>>) src(%dma_wait3A_489 : memref<128x32xf32, #tpu.memory_space<vmem>>) dst(%dma_wait3A_495 : memref<20480x32xf32, #tpu.memory_space<vmem_shared>>)
      %add3A_496 = arith.constant 2 : i32
      %add3A_497 = arith.addi %add3A_471, %add3A_496 : i32
      %dma_start3A_498 = arith.constant 1 : i32
      %dma_start3A_499 = arith.constant 0 : i32
      %dma_start3A_500 = arith.constant 0 : i32
      %dma_start3A_501 = tpu.memref_slice %arg10[%dma_start3A_498, %dma_start3A_499, %dma_start3A_500] : memref<3x128x32xf32, #tpu.memory_space<vmem>> -> memref<1x128x32xf32, #tpu.memory_space<vmem>>
      %dma_start3A_502 = tpu.memref_squeeze %dma_start3A_501 : memref<1x128x32xf32, #tpu.memory_space<vmem>> -> memref<128x32xf32, #tpu.memory_space<vmem>>
      %dma_start3A_503 = arith.constant 0 : i32
      %dma_start3A_504 = tpu.memref_slice %arg8[%add3A_497, %dma_start3A_503] : memref<81x128xi32, #tpu.memory_space<vmem>> -> memref<1x128xi32, #tpu.memory_space<vmem>>
      %dma_start3A_505 = tpu.memref_squeeze %dma_start3A_504 : memref<1x128xi32, #tpu.memory_space<vmem>> -> memref<128xi32, #tpu.memory_space<vmem>>
      %dma_start3A_506 = arith.constant 0 : i32
      %dma_start3A_507 = arith.constant 0 : i32
      %dma_start3A_508 = tpu.memref_slice %arg7[%dma_start3A_506, %dma_start3A_507] : memref<20480x32xf32, #tpu.memory_space<vmem_shared>> -> memref<20480x32xf32, #tpu.memory_space<vmem_shared>>
      tpu.enqueue_indirect_dma source(%dma_start3A_508 : memref<20480x32xf32, #tpu.memory_space<vmem_shared>>) target(%dma_start3A_502 : memref<128x32xf32, #tpu.memory_space<vmem>>) offsets(%dma_start3A_505 : memref<128xi32, #tpu.memory_space<vmem>>) semaphore(%arg13 : memref<!tpu.dma_semaphore, #tpu.memory_space<semaphore_mem>>)
      %dma_start3A_509 = arith.constant 2 : i32
      %dma_start3A_510 = arith.constant 0 : i32
      %dma_start3A_511 = arith.constant 0 : i32
      %dma_start3A_512 = tpu.memref_slice %arg10[%dma_start3A_509, %dma_start3A_510, %dma_start3A_511] : memref<3x128x32xf32, #tpu.memory_space<vmem>> -> memref<1x128x32xf32, #tpu.memory_space<vmem>>
      %dma_start3A_513 = tpu.memref_squeeze %dma_start3A_512 : memref<1x128x32xf32, #tpu.memory_space<vmem>> -> memref<128x32xf32, #tpu.memory_space<vmem>>
      %dma_start3A_514 = arith.constant 0 : i32
      %dma_start3A_515 = tpu.memref_slice %arg9[%add3A_471, %dma_start3A_514] : memref<81x128xi32, #tpu.memory_space<vmem>> -> memref<1x128xi32, #tpu.memory_space<vmem>>
      %dma_start3A_516 = tpu.memref_squeeze %dma_start3A_515 : memref<1x128xi32, #tpu.memory_space<vmem>> -> memref<128xi32, #tpu.memory_space<vmem>>
      %dma_start3A_517 = arith.constant 0 : i32
      %dma_start3A_518 = arith.constant 0 : i32
      %dma_start3A_519 = tpu.memref_slice %arg6[%dma_start3A_517, %dma_start3A_518] : memref<20480x32xf32, #tpu.memory_space<vmem_shared>> -> memref<20480x32xf32, #tpu.memory_space<vmem_shared>>
      tpu.enqueue_indirect_dma source(%dma_start3A_513 : memref<128x32xf32, #tpu.memory_space<vmem>>) target(%dma_start3A_519 : memref<20480x32xf32, #tpu.memory_space<vmem_shared>>) offsets(%dma_start3A_516 : memref<128xi32, #tpu.memory_space<vmem>>) semaphore(%arg15 : memref<!tpu.dma_semaphore, #tpu.memory_space<semaphore_mem>>) {add = true}
      %mul3A_520 = arith.constant 6 : i32
      %mul3A_521 = arith.muli %mul3A_520, %scan3A_250 : i32
      %add3A_522 = arith.constant 1 : i32
      %add3A_523 = arith.addi %add3A_522, %mul3A_521 : i32
      %add3A_524 = arith.constant 5 : i32
      %add3A_525 = arith.addi %add3A_523, %add3A_524 : i32
      %dma_wait3A_526 = arith.constant 0 : i32
      %dma_wait3A_527 = arith.constant 0 : i32
      %dma_wait3A_528 = arith.constant 0 : i32
      %dma_wait3A_529 = tpu.memref_slice %arg10[%dma_wait3A_526, %dma_wait3A_527, %dma_wait3A_528] : memref<3x128x32xf32, #tpu.memory_space<vmem>> -> memref<1x128x32xf32, #tpu.memory_space<vmem>>
      %dma_wait3A_530 = tpu.memref_squeeze %dma_wait3A_529 : memref<1x128x32xf32, #tpu.memory_space<vmem>> -> memref<128x32xf32, #tpu.memory_space<vmem>>
      %dma_wait3A_531 = arith.constant 0 : i32
      %dma_wait3A_532 = tpu.memref_slice %arg8[%add3A_525, %dma_wait3A_531] : memref<81x128xi32, #tpu.memory_space<vmem>> -> memref<1x128xi32, #tpu.memory_space<vmem>>
      %dma_wait3A_533 = tpu.memref_squeeze %dma_wait3A_532 : memref<1x128xi32, #tpu.memory_space<vmem>> -> memref<128xi32, #tpu.memory_space<vmem>>
      %dma_wait3A_534 = arith.constant 0 : i32
      %dma_wait3A_535 = arith.constant 0 : i32
      %dma_wait3A_536 = tpu.memref_slice %arg7[%dma_wait3A_534, %dma_wait3A_535] : memref<20480x32xf32, #tpu.memory_space<vmem_shared>> -> memref<20480x32xf32, #tpu.memory_space<vmem_shared>>
      tpu.wait_indirect_dma semaphore(%arg12 : memref<!tpu.dma_semaphore, #tpu.memory_space<semaphore_mem>>) src(%dma_wait3A_536 : memref<20480x32xf32, #tpu.memory_space<vmem_shared>>) dst(%dma_wait3A_530 : memref<128x32xf32, #tpu.memory_space<vmem>>)
      %sub3A_537 = arith.constant 1 : i32
      %sub3A_538 = arith.subi %add3A_525, %sub3A_537 : i32
      %dma_wait3A_539 = arith.constant 2 : i32
      %dma_wait3A_540 = arith.constant 0 : i32
      %dma_wait3A_541 = arith.constant 0 : i32
      %dma_wait3A_542 = tpu.memref_slice %arg10[%dma_wait3A_539, %dma_wait3A_540, %dma_wait3A_541] : memref<3x128x32xf32, #tpu.memory_space<vmem>> -> memref<1x128x32xf32, #tpu.memory_space<vmem>>
      %dma_wait3A_543 = tpu.memref_squeeze %dma_wait3A_542 : memref<1x128x32xf32, #tpu.memory_space<vmem>> -> memref<128x32xf32, #tpu.memory_space<vmem>>
      %dma_wait3A_544 = arith.constant 0 : i32
      %dma_wait3A_545 = tpu.memref_slice %arg9[%sub3A_538, %dma_wait3A_544] : memref<81x128xi32, #tpu.memory_space<vmem>> -> memref<1x128xi32, #tpu.memory_space<vmem>>
      %dma_wait3A_546 = tpu.memref_squeeze %dma_wait3A_545 : memref<1x128xi32, #tpu.memory_space<vmem>> -> memref<128xi32, #tpu.memory_space<vmem>>
      %dma_wait3A_547 = arith.constant 0 : i32
      %dma_wait3A_548 = arith.constant 0 : i32
      %dma_wait3A_549 = tpu.memref_slice %arg6[%dma_wait3A_547, %dma_wait3A_548] : memref<20480x32xf32, #tpu.memory_space<vmem_shared>> -> memref<20480x32xf32, #tpu.memory_space<vmem_shared>>
      tpu.wait_indirect_dma semaphore(%arg15 : memref<!tpu.dma_semaphore, #tpu.memory_space<semaphore_mem>>) src(%dma_wait3A_543 : memref<128x32xf32, #tpu.memory_space<vmem>>) dst(%dma_wait3A_549 : memref<20480x32xf32, #tpu.memory_space<vmem_shared>>)
      %add3A_550 = arith.constant 2 : i32
      %add3A_551 = arith.addi %add3A_525, %add3A_550 : i32
      %dma_start3A_552 = arith.constant 2 : i32
      %dma_start3A_553 = arith.constant 0 : i32
      %dma_start3A_554 = arith.constant 0 : i32
      %dma_start3A_555 = tpu.memref_slice %arg10[%dma_start3A_552, %dma_start3A_553, %dma_start3A_554] : memref<3x128x32xf32, #tpu.memory_space<vmem>> -> memref<1x128x32xf32, #tpu.memory_space<vmem>>
      %dma_start3A_556 = tpu.memref_squeeze %dma_start3A_555 : memref<1x128x32xf32, #tpu.memory_space<vmem>> -> memref<128x32xf32, #tpu.memory_space<vmem>>
      %dma_start3A_557 = arith.constant 0 : i32
      %dma_start3A_558 = tpu.memref_slice %arg8[%add3A_551, %dma_start3A_557] : memref<81x128xi32, #tpu.memory_space<vmem>> -> memref<1x128xi32, #tpu.memory_space<vmem>>
      %dma_start3A_559 = tpu.memref_squeeze %dma_start3A_558 : memref<1x128xi32, #tpu.memory_space<vmem>> -> memref<128xi32, #tpu.memory_space<vmem>>
      %dma_start3A_560 = arith.constant 0 : i32
      %dma_start3A_561 = arith.constant 0 : i32
      %dma_start3A_562 = tpu.memref_slice %arg7[%dma_start3A_560, %dma_start3A_561] : memref<20480x32xf32, #tpu.memory_space<vmem_shared>> -> memref<20480x32xf32, #tpu.memory_space<vmem_shared>>
      tpu.enqueue_indirect_dma source(%dma_start3A_562 : memref<20480x32xf32, #tpu.memory_space<vmem_shared>>) target(%dma_start3A_556 : memref<128x32xf32, #tpu.memory_space<vmem>>) offsets(%dma_start3A_559 : memref<128xi32, #tpu.memory_space<vmem>>) semaphore(%arg12 : memref<!tpu.dma_semaphore, #tpu.memory_space<semaphore_mem>>)
      %dma_start3A_563 = arith.constant 0 : i32
      %dma_start3A_564 = arith.constant 0 : i32
      %dma_start3A_565 = arith.constant 0 : i32
      %dma_start3A_566 = tpu.memref_slice %arg10[%dma_start3A_563, %dma_start3A_564, %dma_start3A_565] : memref<3x128x32xf32, #tpu.memory_space<vmem>> -> memref<1x128x32xf32, #tpu.memory_space<vmem>>
      %dma_start3A_567 = tpu.memref_squeeze %dma_start3A_566 : memref<1x128x32xf32, #tpu.memory_space<vmem>> -> memref<128x32xf32, #tpu.memory_space<vmem>>
      %dma_start3A_568 = arith.constant 0 : i32
      %dma_start3A_569 = tpu.memref_slice %arg9[%add3A_525, %dma_start3A_568] : memref<81x128xi32, #tpu.memory_space<vmem>> -> memref<1x128xi32, #tpu.memory_space<vmem>>
      %dma_start3A_570 = tpu.memref_squeeze %dma_start3A_569 : memref<1x128xi32, #tpu.memory_space<vmem>> -> memref<128xi32, #tpu.memory_space<vmem>>
      %dma_start3A_571 = arith.constant 0 : i32
      %dma_start3A_572 = arith.constant 0 : i32
      %dma_start3A_573 = tpu.memref_slice %arg6[%dma_start3A_571, %dma_start3A_572] : memref<20480x32xf32, #tpu.memory_space<vmem_shared>> -> memref<20480x32xf32, #tpu.memory_space<vmem_shared>>
      tpu.enqueue_indirect_dma source(%dma_start3A_567 : memref<128x32xf32, #tpu.memory_space<vmem>>) target(%dma_start3A_573 : memref<20480x32xf32, #tpu.memory_space<vmem_shared>>) offsets(%dma_start3A_570 : memref<128xi32, #tpu.memory_space<vmem>>) semaphore(%arg15 : memref<!tpu.dma_semaphore, #tpu.memory_space<semaphore_mem>>) {add = true}
    }
    %scan3A_208 = arith.constant 13 : i32
    %dma_wait3A_209 = arith.constant 0 : i32
    %dma_wait3A_210 = arith.constant 78 : i32
    %dma_wait3A_211 = arith.constant 0 : i32
    %dma_wait3A_212 = arith.constant 0 : i32
    %dma_wait3A_213 = tpu.memref_slice %arg10[%dma_wait3A_209, %dma_wait3A_211, %dma_wait3A_212] : memref<3x128x32xf32, #tpu.memory_space<vmem>> -> memref<1x128x32xf32, #tpu.memory_space<vmem>>
    %dma_wait3A_214 = tpu.memref_squeeze %dma_wait3A_213 : memref<1x128x32xf32, #tpu.memory_space<vmem>> -> memref<128x32xf32, #tpu.memory_space<vmem>>
    %dma_wait3A_215 = arith.constant 0 : i32
    %dma_wait3A_216 = tpu.memref_slice %arg9[%dma_wait3A_210, %dma_wait3A_215] : memref<81x128xi32, #tpu.memory_space<vmem>> -> memref<1x128xi32, #tpu.memory_space<vmem>>
    %dma_wait3A_217 = tpu.memref_squeeze %dma_wait3A_216 : memref<1x128xi32, #tpu.memory_space<vmem>> -> memref<128xi32, #tpu.memory_space<vmem>>
    %dma_wait3A_218 = arith.constant 0 : i32
    %dma_wait3A_219 = arith.constant 0 : i32
    %dma_wait3A_220 = tpu.memref_slice %arg6[%dma_wait3A_218, %dma_wait3A_219] : memref<20480x32xf32, #tpu.memory_space<vmem_shared>> -> memref<20480x32xf32, #tpu.memory_space<vmem_shared>>
    tpu.wait_indirect_dma semaphore(%arg15 : memref<!tpu.dma_semaphore, #tpu.memory_space<semaphore_mem>>) src(%dma_wait3A_214 : memref<128x32xf32, #tpu.memory_space<vmem>>) dst(%dma_wait3A_220 : memref<20480x32xf32, #tpu.memory_space<vmem_shared>>)
    %dma_wait3A_221 = arith.constant 79 : i32
    %dma_wait3A_222 = arith.constant 1 : i32
    %dma_wait3A_223 = arith.constant 0 : i32
    %dma_wait3A_224 = arith.constant 0 : i32
    %dma_wait3A_225 = tpu.memref_slice %arg10[%dma_wait3A_222, %dma_wait3A_223, %dma_wait3A_224] : memref<3x128x32xf32, #tpu.memory_space<vmem>> -> memref<1x128x32xf32, #tpu.memory_space<vmem>>
    %dma_wait3A_226 = tpu.memref_squeeze %dma_wait3A_225 : memref<1x128x32xf32, #tpu.memory_space<vmem>> -> memref<128x32xf32, #tpu.memory_space<vmem>>
    %dma_wait3A_227 = arith.constant 0 : i32
    %dma_wait3A_228 = tpu.memref_slice %arg8[%dma_wait3A_221, %dma_wait3A_227] : memref<81x128xi32, #tpu.memory_space<vmem>> -> memref<1x128xi32, #tpu.memory_space<vmem>>
    %dma_wait3A_229 = tpu.memref_squeeze %dma_wait3A_228 : memref<1x128xi32, #tpu.memory_space<vmem>> -> memref<128xi32, #tpu.memory_space<vmem>>
    %dma_wait3A_230 = arith.constant 0 : i32
    %dma_wait3A_231 = arith.constant 0 : i32
    %dma_wait3A_232 = tpu.memref_slice %arg7[%dma_wait3A_230, %dma_wait3A_231] : memref<20480x32xf32, #tpu.memory_space<vmem_shared>> -> memref<20480x32xf32, #tpu.memory_space<vmem_shared>>
    tpu.wait_indirect_dma semaphore(%arg13 : memref<!tpu.dma_semaphore, #tpu.memory_space<semaphore_mem>>) src(%dma_wait3A_232 : memref<20480x32xf32, #tpu.memory_space<vmem_shared>>) dst(%dma_wait3A_226 : memref<128x32xf32, #tpu.memory_space<vmem>>)
    %dma_wait3A_233 = arith.constant 80 : i32
    %dma_wait3A_234 = arith.constant 2 : i32
    %dma_wait3A_235 = arith.constant 0 : i32
    %dma_wait3A_236 = arith.constant 0 : i32
    %dma_wait3A_237 = tpu.memref_slice %arg10[%dma_wait3A_234, %dma_wait3A_235, %dma_wait3A_236] : memref<3x128x32xf32, #tpu.memory_space<vmem>> -> memref<1x128x32xf32, #tpu.memory_space<vmem>>
    %dma_wait3A_238 = tpu.memref_squeeze %dma_wait3A_237 : memref<1x128x32xf32, #tpu.memory_space<vmem>> -> memref<128x32xf32, #tpu.memory_space<vmem>>
    %dma_wait3A_239 = arith.constant 0 : i32
    %dma_wait3A_240 = tpu.memref_slice %arg8[%dma_wait3A_233, %dma_wait3A_239] : memref<81x128xi32, #tpu.memory_space<vmem>> -> memref<1x128xi32, #tpu.memory_space<vmem>>
    %dma_wait3A_241 = tpu.memref_squeeze %dma_wait3A_240 : memref<1x128xi32, #tpu.memory_space<vmem>> -> memref<128xi32, #tpu.memory_space<vmem>>
    %dma_wait3A_242 = arith.constant 0 : i32
    %dma_wait3A_243 = arith.constant 0 : i32
    %dma_wait3A_244 = tpu.memref_slice %arg7[%dma_wait3A_242, %dma_wait3A_243] : memref<20480x32xf32, #tpu.memory_space<vmem_shared>> -> memref<20480x32xf32, #tpu.memory_space<vmem_shared>>
    tpu.wait_indirect_dma semaphore(%arg12 : memref<!tpu.dma_semaphore, #tpu.memory_space<semaphore_mem>>) src(%dma_wait3A_244 : memref<20480x32xf32, #tpu.memory_space<vmem_shared>>) dst(%dma_wait3A_238 : memref<128x32xf32, #tpu.memory_space<vmem>>)
    %barrier3A_245 = arith.constant 0 : index
    tpu.barrier barrier_id(%barrier3A_245)
    %mul3A_246 = arith.constant 1280 : i32
    %mul3A_247 = arith.muli %arg1, %mul3A_246 : i32
    %mul3A_248 = arith.constant 1280 : i32
    %mul3A_249 = arith.muli %arg1, %mul3A_248 : i32
    "tpu.region"() ({
      %run_scoped3A = tpu.sem_alloc : memref<!tpu.dma_semaphore, #tpu.memory_space<semaphore_mem>>
      %dma_start3A_250 = arith.constant 0 : i32
      %dma_start3A_251 = tpu.memref_slice %arg5[%arg0, %mul3A_249, %dma_start3A_250] : memref<2x20480x32xf32, #tpu.memory_space<hbm>> -> memref<1x1280x32xf32, #tpu.memory_space<hbm>>
      %dma_start3A_252 = tpu.memref_squeeze %dma_start3A_251 : memref<1x1280x32xf32, #tpu.memory_space<hbm>> -> memref<1280x32xf32, #tpu.memory_space<hbm>>
      %dma_start3A_253 = arith.constant 0 : i32
      %dma_start3A_254 = tpu.memref_slice %arg6[%mul3A_247, %dma_start3A_253] : memref<20480x32xf32, #tpu.memory_space<vmem_shared>> -> memref<1280x32xf32, #tpu.memory_space<vmem_shared>>
      tpu.enqueue_dma source(%dma_start3A_254 : memref<1280x32xf32, #tpu.memory_space<vmem_shared>>) target(%dma_start3A_252 : memref<1280x32xf32, #tpu.memory_space<hbm>>) target_semaphore(%run_scoped3A : memref<!tpu.dma_semaphore, #tpu.memory_space<semaphore_mem>>)
      %dma_wait3A_255 = arith.constant 0 : i32
      %dma_wait3A_256 = tpu.memref_slice %arg5[%arg0, %mul3A_249, %dma_wait3A_255] : memref<2x20480x32xf32, #tpu.memory_space<hbm>> -> memref<1x1280x32xf32, #tpu.memory_space<hbm>>
      %dma_wait3A_257 = tpu.memref_squeeze %dma_wait3A_256 : memref<1x1280x32xf32, #tpu.memory_space<hbm>> -> memref<1280x32xf32, #tpu.memory_space<hbm>>
      %dma_wait3A_258 = arith.constant 0 : i32
      %dma_wait3A_259 = tpu.memref_slice %arg6[%mul3A_247, %dma_wait3A_258] : memref<20480x32xf32, #tpu.memory_space<vmem_shared>> -> memref<1280x32xf32, #tpu.memory_space<vmem_shared>>
      tpu.wait_dma2 semaphore(%run_scoped3A : memref<!tpu.dma_semaphore, #tpu.memory_space<semaphore_mem>>) src(%dma_wait3A_259 : memref<1280x32xf32, #tpu.memory_space<vmem_shared>>) dst(%dma_wait3A_257 : memref<1280x32xf32, #tpu.memory_space<hbm>>)
      tpu.yield
    }) : () -> ()
    return
  }
}

#map = affine_map<(d0, d1) -> (0, 0)>
#map1 = affine_map<(d0, d1) -> (0, 0, 0)>
module attributes {stable_mosaic.version = 14 : i64} {
  func.func @_seg_body(%arg0: i32, %arg1: i32, %arg2: memref<20480x32xf32, #tpu.memory_space<hbm>>, %arg3: memref<32x81x128xi32, #tpu.memory_space<hbm>>, %arg4: memref<32x81x128xi32, #tpu.memory_space<hbm>>, %arg5: memref<2x20480x32xf32, #tpu.memory_space<hbm>>, %arg6: memref<20480x32xf32, #tpu.memory_space<vmem_shared>>, %arg7: memref<20480x32xf32, #tpu.memory_space<vmem_shared>>, %arg8: memref<81x128xi32, #tpu.memory_space<vmem>>, %arg9: memref<81x128xi32, #tpu.memory_space<vmem>>, %arg10: memref<3x128x32xf32, #tpu.memory_space<vmem>>, %arg11: memref<160x32xf32, #tpu.memory_space<vmem>>, %arg12: memref<!tpu.dma_semaphore, #tpu.memory_space<semaphore_mem>>, %arg13: memref<!tpu.dma_semaphore, #tpu.memory_space<semaphore_mem>>, %arg14: memref<!tpu.dma_semaphore, #tpu.memory_space<semaphore_mem>>, %arg15: memref<!tpu.dma_semaphore, #tpu.memory_space<semaphore_mem>>) attributes {dimension_semantics = [#tpu.dimension_semantics<core_parallel>, #tpu.dimension_semantics<subcore_parallel>], iteration_bounds = array<i64: 2, 16>, scalar_prefetch = 0 : i64, scratch_operands = 10 : i64, tpu.core_type = #tpu.core_type<sc_vector_subcore>, window_params = [{transform_indices = #map}, {transform_indices = #map1}, {transform_indices = #map1}, {transform_indices = #map1}]} {
    %mul3A = arith.constant 16 : i32
    %mul3A_0 = arith.muli %arg0, %mul3A : i32
    %add3A = arith.addi %mul3A_0, %arg1 : i32
    %dma_start3A = arith.constant 0 : i32
    %dma_start3A_1 = arith.constant 0 : i32
    %dma_start3A_2 = tpu.memref_slice %arg3[%add3A, %dma_start3A, %dma_start3A_1] : memref<32x81x128xi32, #tpu.memory_space<hbm>> -> memref<1x81x128xi32, #tpu.memory_space<hbm>>
    %dma_start3A_3 = tpu.memref_squeeze %dma_start3A_2 : memref<1x81x128xi32, #tpu.memory_space<hbm>> -> memref<81x128xi32, #tpu.memory_space<hbm>>
    %dma_start3A_4 = arith.constant 0 : i32
    %dma_start3A_5 = arith.constant 0 : i32
    %dma_start3A_6 = tpu.memref_slice %arg3[%add3A, %dma_start3A_4, %dma_start3A_5] : memref<32x81x128xi32, #tpu.memory_space<hbm>> -> memref<1x81x128xi32, #tpu.memory_space<hbm>>
    %dma_start3A_7 = tpu.memref_squeeze %dma_start3A_6 : memref<1x81x128xi32, #tpu.memory_space<hbm>> -> memref<81x128xi32, #tpu.memory_space<hbm>>
    tpu.enqueue_dma source(%dma_start3A_7 : memref<81x128xi32, #tpu.memory_space<hbm>>) target(%arg8 : memref<81x128xi32, #tpu.memory_space<vmem>>) target_semaphore(%arg12 : memref<!tpu.dma_semaphore, #tpu.memory_space<semaphore_mem>>)
    %dma_start3A_8 = arith.constant 0 : i32
    %dma_start3A_9 = arith.constant 0 : i32
    %dma_start3A_10 = tpu.memref_slice %arg4[%add3A, %dma_start3A_8, %dma_start3A_9] : memref<32x81x128xi32, #tpu.memory_space<hbm>> -> memref<1x81x128xi32, #tpu.memory_space<hbm>>
    %dma_start3A_11 = tpu.memref_squeeze %dma_start3A_10 : memref<1x81x128xi32, #tpu.memory_space<hbm>> -> memref<81x128xi32, #tpu.memory_space<hbm>>
    %dma_start3A_12 = arith.constant 0 : i32
    %dma_start3A_13 = arith.constant 0 : i32
    %dma_start3A_14 = tpu.memref_slice %arg4[%add3A, %dma_start3A_12, %dma_start3A_13] : memref<32x81x128xi32, #tpu.memory_space<hbm>> -> memref<1x81x128xi32, #tpu.memory_space<hbm>>
    %dma_start3A_15 = tpu.memref_squeeze %dma_start3A_14 : memref<1x81x128xi32, #tpu.memory_space<hbm>> -> memref<81x128xi32, #tpu.memory_space<hbm>>
    tpu.enqueue_dma source(%dma_start3A_15 : memref<81x128xi32, #tpu.memory_space<hbm>>) target(%arg9 : memref<81x128xi32, #tpu.memory_space<vmem>>) target_semaphore(%arg13 : memref<!tpu.dma_semaphore, #tpu.memory_space<semaphore_mem>>)
    %mul3A_16 = arith.constant 1280 : i32
    %mul3A_17 = arith.muli %arg1, %mul3A_16 : i32
    %dma_start3A_18 = arith.constant 0 : i32
    %dma_start3A_19 = tpu.memref_slice %arg7[%mul3A_17, %dma_start3A_18] : memref<20480x32xf32, #tpu.memory_space<vmem_shared>> -> memref<1280x32xf32, #tpu.memory_space<vmem_shared>>
    %dma_start3A_20 = arith.constant 0 : i32
    %dma_start3A_21 = tpu.memref_slice %arg2[%mul3A_17, %dma_start3A_20] : memref<20480x32xf32, #tpu.memory_space<hbm>> -> memref<1280x32xf32, #tpu.memory_space<hbm>>
    tpu.enqueue_dma source(%dma_start3A_21 : memref<1280x32xf32, #tpu.memory_space<hbm>>) target(%dma_start3A_19 : memref<1280x32xf32, #tpu.memory_space<vmem_shared>>) target_semaphore(%arg14 : memref<!tpu.dma_semaphore, #tpu.memory_space<semaphore_mem>>)
    %broadcast_in_dim3A = arith.constant 0.000000e+00 : f32
    %broadcast_in_dim3A_22 = vector.broadcast %broadcast_in_dim3A : f32 to vector<16xf32>
    %scan3A = arith.constant 0 : i32
    %scan3A_23 = arith.constant 0 : i32
    %scan3A_24 = arith.constant 320 : i32
    %scan3A_25 = arith.addi %scan3A_23, %scan3A_24 : i32
    %scan3A_26 = arith.constant 1 : i32
    scf.for %scan3A_250 = %scan3A_23 to %scan3A_25 step %scan3A_26  : i32 {
      %jit3A = arith.constant 2 : i32
      %div3A = arith.divsi %scan3A_250, %jit3A : i32
      %sign3A = arith.constant 0 : i32
      %sign3A_251 = arith.cmpi sgt, %scan3A_250, %sign3A : i32
      %sign3A_252 = arith.extui %sign3A_251 : i1 to i32
      %sign3A_253 = arith.constant 0 : i32
      %sign3A_254 = arith.cmpi slt, %scan3A_250, %sign3A_253 : i32
      %sign3A_255 = arith.extui %sign3A_254 : i1 to i32
      %sign3A_256 = arith.subi %sign3A_252, %sign3A_255 : i32
      %sign3A_257 = arith.constant 0 : i32
      %sign3A_258 = arith.cmpi sgt, %jit3A, %sign3A_257 : i32
      %sign3A_259 = arith.extui %sign3A_258 : i1 to i32
      %sign3A_260 = arith.constant 0 : i32
      %sign3A_261 = arith.cmpi slt, %jit3A, %sign3A_260 : i32
      %sign3A_262 = arith.extui %sign3A_261 : i1 to i32
      %sign3A_263 = arith.subi %sign3A_259, %sign3A_262 : i32
      %ne3A = arith.cmpi ne, %sign3A_256, %sign3A_263 : i32
      %rem3A = arith.remsi %scan3A_250, %jit3A : i32
      %ne3A_264 = arith.constant 0 : i32
      %ne3A_265 = arith.cmpi ne, %rem3A, %ne3A_264 : i32
      %and3A = arith.andi %ne3A, %ne3A_265 : i1
      %sub3A = arith.constant 1 : i32
      %sub3A_266 = arith.subi %div3A, %sub3A : i32
      %select_n3A = arith.select %and3A, %sub3A_266, %div3A : i32
      %jit3A_267 = arith.constant 2 : i32
      %eq3A = arith.constant 0 : i32
      %eq3A_268 = arith.cmpi eq, %jit3A_267, %eq3A : i32
      %jit3A_269 = arith.constant 1 : i32
      %select_n3A_270 = arith.select %eq3A_268, %jit3A_269, %jit3A_267 : i32
      %rem3A_271 = arith.remsi %scan3A_250, %select_n3A_270 : i32
      %ne3A_272 = arith.constant 0 : i32
      %ne3A_273 = arith.cmpi ne, %rem3A_271, %ne3A_272 : i32
      %lt3A = arith.constant 0 : i32
      %lt3A_274 = arith.cmpi slt, %rem3A_271, %lt3A : i32
      %lt3A_275 = arith.constant 0 : i32
      %lt3A_276 = arith.cmpi slt, %select_n3A_270, %lt3A_275 : i32
      %ne3A_277 = arith.xori %lt3A_274, %lt3A_276 : i1
      %and3A_278 = arith.andi %ne3A_277, %ne3A_273 : i1
      %add3A_279 = arith.addi %rem3A_271, %select_n3A_270 : i32
      %select_n3A_280 = arith.select %and3A_278, %add3A_279, %rem3A_271 : i32
      %mul3A_281 = arith.constant 16 : i32
      %mul3A_282 = arith.muli %select_n3A_280, %mul3A_281 : i32
      %swap3A = arith.index_cast %select_n3A : i32 to index
      %swap3A_283 = arith.index_cast %mul3A_282 : i32 to index
      %swap3A_284 = tpu.vector_load %arg11[%swap3A, %swap3A_283] {strides = array<i32>} : memref<160x32xf32, #tpu.memory_space<vmem>>, vector<1x16xf32>,
      %swap3A_285 = vector.shape_cast %swap3A_284 : vector<1x16xf32> to vector<16xf32>
      %swap3A_286 = vector.shape_cast %broadcast_in_dim3A_22 : vector<16xf32> to vector<1x16xf32>
      tpu.vector_store %arg11[%swap3A, %swap3A_283], %swap3A_286 {strides = array<i32>} : memref<160x32xf32, #tpu.memory_space<vmem>>, vector<1x16xf32>,
    }
    %scan3A_27 = arith.constant 320 : i32
    %dma_wait3A = arith.constant 0 : i32
    %dma_wait3A_28 = arith.constant 0 : i32
    %dma_wait3A_29 = tpu.memref_slice %arg3[%add3A, %dma_wait3A, %dma_wait3A_28] : memref<32x81x128xi32, #tpu.memory_space<hbm>> -> memref<1x81x128xi32, #tpu.memory_space<hbm>>
    %dma_wait3A_30 = tpu.memref_squeeze %dma_wait3A_29 : memref<1x81x128xi32, #tpu.memory_space<hbm>> -> memref<81x128xi32, #tpu.memory_space<hbm>>
    %dma_wait3A_31 = arith.constant 0 : i32
    %dma_wait3A_32 = arith.constant 0 : i32
    %dma_wait3A_33 = tpu.memref_slice %arg3[%add3A, %dma_wait3A_31, %dma_wait3A_32] : memref<32x81x128xi32, #tpu.memory_space<hbm>> -> memref<1x81x128xi32, #tpu.memory_space<hbm>>
    %dma_wait3A_34 = tpu.memref_squeeze %dma_wait3A_33 : memref<1x81x128xi32, #tpu.memory_space<hbm>> -> memref<81x128xi32, #tpu.memory_space<hbm>>
    tpu.wait_dma2 semaphore(%arg12 : memref<!tpu.dma_semaphore, #tpu.memory_space<semaphore_mem>>) src(%dma_wait3A_34 : memref<81x128xi32, #tpu.memory_space<hbm>>) dst(%arg8 : memref<81x128xi32, #tpu.memory_space<vmem>>)
    %dma_wait3A_35 = arith.constant 0 : i32
    %dma_wait3A_36 = arith.constant 0 : i32
    %dma_wait3A_37 = tpu.memref_slice %arg4[%add3A, %dma_wait3A_35, %dma_wait3A_36] : memref<32x81x128xi32, #tpu.memory_space<hbm>> -> memref<1x81x128xi32, #tpu.memory_space<hbm>>
    %dma_wait3A_38 = tpu.memref_squeeze %dma_wait3A_37 : memref<1x81x128xi32, #tpu.memory_space<hbm>> -> memref<81x128xi32, #tpu.memory_space<hbm>>
    %dma_wait3A_39 = arith.constant 0 : i32
    %dma_wait3A_40 = arith.constant 0 : i32
    %dma_wait3A_41 = tpu.memref_slice %arg4[%add3A, %dma_wait3A_39, %dma_wait3A_40] : memref<32x81x128xi32, #tpu.memory_space<hbm>> -> memref<1x81x128xi32, #tpu.memory_space<hbm>>
    %dma_wait3A_42 = tpu.memref_squeeze %dma_wait3A_41 : memref<1x81x128xi32, #tpu.memory_space<hbm>> -> memref<81x128xi32, #tpu.memory_space<hbm>>
    tpu.wait_dma2 semaphore(%arg13 : memref<!tpu.dma_semaphore, #tpu.memory_space<semaphore_mem>>) src(%dma_wait3A_42 : memref<81x128xi32, #tpu.memory_space<hbm>>) dst(%arg9 : memref<81x128xi32, #tpu.memory_space<vmem>>)
    %dma_wait3A_43 = arith.constant 0 : i32
    %dma_wait3A_44 = tpu.memref_slice %arg7[%mul3A_17, %dma_wait3A_43] : memref<20480x32xf32, #tpu.memory_space<vmem_shared>> -> memref<1280x32xf32, #tpu.memory_space<vmem_shared>>
    %dma_wait3A_45 = arith.constant 0 : i32
    %dma_wait3A_46 = tpu.memref_slice %arg2[%mul3A_17, %dma_wait3A_45] : memref<20480x32xf32, #tpu.memory_space<hbm>> -> memref<1280x32xf32, #tpu.memory_space<hbm>>
    tpu.wait_dma2 semaphore(%arg14 : memref<!tpu.dma_semaphore, #tpu.memory_space<semaphore_mem>>) src(%dma_wait3A_46 : memref<1280x32xf32, #tpu.memory_space<hbm>>) dst(%dma_wait3A_44 : memref<1280x32xf32, #tpu.memory_space<vmem_shared>>)
    %mul3A_47 = arith.constant 1280 : i32
    %mul3A_48 = arith.muli %arg1, %mul3A_47 : i32
    %add3A_49 = arith.constant 0 : i32
    %add3A_50 = arith.addi %mul3A_48, %add3A_49 : i32
    %mul3A_51 = arith.constant 1280 : i32
    %mul3A_52 = arith.muli %arg1, %mul3A_51 : i32
    %add3A_53 = arith.constant 160 : i32
    %add3A_54 = arith.addi %mul3A_52, %add3A_53 : i32
    %mul3A_55 = arith.constant 1280 : i32
    %mul3A_56 = arith.muli %arg1, %mul3A_55 : i32
    %add3A_57 = arith.constant 320 : i32
    %add3A_58 = arith.addi %mul3A_56, %add3A_57 : i32
    %mul3A_59 = arith.constant 1280 : i32
    %mul3A_60 = arith.muli %arg1, %mul3A_59 : i32
    %add3A_61 = arith.constant 480 : i32
    %add3A_62 = arith.addi %mul3A_60, %add3A_61 : i32
    %mul3A_63 = arith.constant 1280 : i32
    %mul3A_64 = arith.muli %arg1, %mul3A_63 : i32
    %add3A_65 = arith.constant 640 : i32
    %add3A_66 = arith.addi %mul3A_64, %add3A_65 : i32
    %mul3A_67 = arith.constant 1280 : i32
    %mul3A_68 = arith.muli %arg1, %mul3A_67 : i32
    %add3A_69 = arith.constant 800 : i32
    %add3A_70 = arith.addi %mul3A_68, %add3A_69 : i32
    %mul3A_71 = arith.constant 1280 : i32
    %mul3A_72 = arith.muli %arg1, %mul3A_71 : i32
    %add3A_73 = arith.constant 960 : i32
    %add3A_74 = arith.addi %mul3A_72, %add3A_73 : i32
    %mul3A_75 = arith.constant 1280 : i32
    %mul3A_76 = arith.muli %arg1, %mul3A_75 : i32
    %add3A_77 = arith.constant 1120 : i32
    %add3A_78 = arith.addi %mul3A_76, %add3A_77 : i32
    %dma_start3A_79 = arith.constant 0 : i32
    %dma_start3A_80 = tpu.memref_slice %arg6[%add3A_50, %dma_start3A_79] : memref<20480x32xf32, #tpu.memory_space<vmem_shared>> -> memref<160x32xf32, #tpu.memory_space<vmem_shared>>
    %dma_start3A_81 = arith.constant 0 : i32
    %dma_start3A_82 = tpu.memref_slice %arg6[%add3A_50, %dma_start3A_81] : memref<20480x32xf32, #tpu.memory_space<vmem_shared>> -> memref<160x32xf32, #tpu.memory_space<vmem_shared>>
    tpu.enqueue_dma source(%arg11 : memref<160x32xf32, #tpu.memory_space<vmem>>) target(%dma_start3A_82 : memref<160x32xf32, #tpu.memory_space<vmem_shared>>) target_semaphore(%arg14 : memref<!tpu.dma_semaphore, #tpu.memory_space<semaphore_mem>>)
    %dma_start3A_83 = arith.constant 0 : i32
    %dma_start3A_84 = tpu.memref_slice %arg6[%add3A_54, %dma_start3A_83] : memref<20480x32xf32, #tpu.memory_space<vmem_shared>> -> memref<160x32xf32, #tpu.memory_space<vmem_shared>>
    %dma_start3A_85 = arith.constant 0 : i32
    %dma_start3A_86 = tpu.memref_slice %arg6[%add3A_54, %dma_start3A_85] : memref<20480x32xf32, #tpu.memory_space<vmem_shared>> -> memref<160x32xf32, #tpu.memory_space<vmem_shared>>
    tpu.enqueue_dma source(%arg11 : memref<160x32xf32, #tpu.memory_space<vmem>>) target(%dma_start3A_86 : memref<160x32xf32, #tpu.memory_space<vmem_shared>>) target_semaphore(%arg14 : memref<!tpu.dma_semaphore, #tpu.memory_space<semaphore_mem>>)
    %dma_start3A_87 = arith.constant 0 : i32
    %dma_start3A_88 = tpu.memref_slice %arg6[%add3A_58, %dma_start3A_87] : memref<20480x32xf32, #tpu.memory_space<vmem_shared>> -> memref<160x32xf32, #tpu.memory_space<vmem_shared>>
    %dma_start3A_89 = arith.constant 0 : i32
    %dma_start3A_90 = tpu.memref_slice %arg6[%add3A_58, %dma_start3A_89] : memref<20480x32xf32, #tpu.memory_space<vmem_shared>> -> memref<160x32xf32, #tpu.memory_space<vmem_shared>>
    tpu.enqueue_dma source(%arg11 : memref<160x32xf32, #tpu.memory_space<vmem>>) target(%dma_start3A_90 : memref<160x32xf32, #tpu.memory_space<vmem_shared>>) target_semaphore(%arg14 : memref<!tpu.dma_semaphore, #tpu.memory_space<semaphore_mem>>)
    %dma_start3A_91 = arith.constant 0 : i32
    %dma_start3A_92 = tpu.memref_slice %arg6[%add3A_62, %dma_start3A_91] : memref<20480x32xf32, #tpu.memory_space<vmem_shared>> -> memref<160x32xf32, #tpu.memory_space<vmem_shared>>
    %dma_start3A_93 = arith.constant 0 : i32
    %dma_start3A_94 = tpu.memref_slice %arg6[%add3A_62, %dma_start3A_93] : memref<20480x32xf32, #tpu.memory_space<vmem_shared>> -> memref<160x32xf32, #tpu.memory_space<vmem_shared>>
    tpu.enqueue_dma source(%arg11 : memref<160x32xf32, #tpu.memory_space<vmem>>) target(%dma_start3A_94 : memref<160x32xf32, #tpu.memory_space<vmem_shared>>) target_semaphore(%arg14 : memref<!tpu.dma_semaphore, #tpu.memory_space<semaphore_mem>>)
    %dma_start3A_95 = arith.constant 0 : i32
    %dma_start3A_96 = tpu.memref_slice %arg6[%add3A_66, %dma_start3A_95] : memref<20480x32xf32, #tpu.memory_space<vmem_shared>> -> memref<160x32xf32, #tpu.memory_space<vmem_shared>>
    %dma_start3A_97 = arith.constant 0 : i32
    %dma_start3A_98 = tpu.memref_slice %arg6[%add3A_66, %dma_start3A_97] : memref<20480x32xf32, #tpu.memory_space<vmem_shared>> -> memref<160x32xf32, #tpu.memory_space<vmem_shared>>
    tpu.enqueue_dma source(%arg11 : memref<160x32xf32, #tpu.memory_space<vmem>>) target(%dma_start3A_98 : memref<160x32xf32, #tpu.memory_space<vmem_shared>>) target_semaphore(%arg14 : memref<!tpu.dma_semaphore, #tpu.memory_space<semaphore_mem>>)
    %dma_start3A_99 = arith.constant 0 : i32
    %dma_start3A_100 = tpu.memref_slice %arg6[%add3A_70, %dma_start3A_99] : memref<20480x32xf32, #tpu.memory_space<vmem_shared>> -> memref<160x32xf32, #tpu.memory_space<vmem_shared>>
    %dma_start3A_101 = arith.constant 0 : i32
    %dma_start3A_102 = tpu.memref_slice %arg6[%add3A_70, %dma_start3A_101] : memref<20480x32xf32, #tpu.memory_space<vmem_shared>> -> memref<160x32xf32, #tpu.memory_space<vmem_shared>>
    tpu.enqueue_dma source(%arg11 : memref<160x32xf32, #tpu.memory_space<vmem>>) target(%dma_start3A_102 : memref<160x32xf32, #tpu.memory_space<vmem_shared>>) target_semaphore(%arg14 : memref<!tpu.dma_semaphore, #tpu.memory_space<semaphore_mem>>)
    %dma_start3A_103 = arith.constant 0 : i32
    %dma_start3A_104 = tpu.memref_slice %arg6[%add3A_74, %dma_start3A_103] : memref<20480x32xf32, #tpu.memory_space<vmem_shared>> -> memref<160x32xf32, #tpu.memory_space<vmem_shared>>
    %dma_start3A_105 = arith.constant 0 : i32
    %dma_start3A_106 = tpu.memref_slice %arg6[%add3A_74, %dma_start3A_105] : memref<20480x32xf32, #tpu.memory_space<vmem_shared>> -> memref<160x32xf32, #tpu.memory_space<vmem_shared>>
    tpu.enqueue_dma source(%arg11 : memref<160x32xf32, #tpu.memory_space<vmem>>) target(%dma_start3A_106 : memref<160x32xf32, #tpu.memory_space<vmem_shared>>) target_semaphore(%arg14 : memref<!tpu.dma_semaphore, #tpu.memory_space<semaphore_mem>>)
    %dma_start3A_107 = arith.constant 0 : i32
    %dma_start3A_108 = tpu.memref_slice %arg6[%add3A_78, %dma_start3A_107] : memref<20480x32xf32, #tpu.memory_space<vmem_shared>> -> memref<160x32xf32, #tpu.memory_space<vmem_shared>>
    %dma_start3A_109 = arith.constant 0 : i32
    %dma_start3A_110 = tpu.memref_slice %arg6[%add3A_78, %dma_start3A_109] : memref<20480x32xf32, #tpu.memory_space<vmem_shared>> -> memref<160x32xf32, #tpu.memory_space<vmem_shared>>
    tpu.enqueue_dma source(%arg11 : memref<160x32xf32, #tpu.memory_space<vmem>>) target(%dma_start3A_110 : memref<160x32xf32, #tpu.memory_space<vmem_shared>>) target_semaphore(%arg14 : memref<!tpu.dma_semaphore, #tpu.memory_space<semaphore_mem>>)
    %dma_wait3A_111 = arith.constant 0 : i32
    %dma_wait3A_112 = tpu.memref_slice %arg6[%add3A_50, %dma_wait3A_111] : memref<20480x32xf32, #tpu.memory_space<vmem_shared>> -> memref<160x32xf32, #tpu.memory_space<vmem_shared>>
    %dma_wait3A_113 = arith.constant 0 : i32
    %dma_wait3A_114 = tpu.memref_slice %arg6[%add3A_50, %dma_wait3A_113] : memref<20480x32xf32, #tpu.memory_space<vmem_shared>> -> memref<160x32xf32, #tpu.memory_space<vmem_shared>>
    tpu.wait_dma2 semaphore(%arg14 : memref<!tpu.dma_semaphore, #tpu.memory_space<semaphore_mem>>) src(%arg11 : memref<160x32xf32, #tpu.memory_space<vmem>>) dst(%dma_wait3A_114 : memref<160x32xf32, #tpu.memory_space<vmem_shared>>)
    %dma_wait3A_115 = arith.constant 0 : i32
    %dma_wait3A_116 = tpu.memref_slice %arg6[%add3A_54, %dma_wait3A_115] : memref<20480x32xf32, #tpu.memory_space<vmem_shared>> -> memref<160x32xf32, #tpu.memory_space<vmem_shared>>
    %dma_wait3A_117 = arith.constant 0 : i32
    %dma_wait3A_118 = tpu.memref_slice %arg6[%add3A_54, %dma_wait3A_117] : memref<20480x32xf32, #tpu.memory_space<vmem_shared>> -> memref<160x32xf32, #tpu.memory_space<vmem_shared>>
    tpu.wait_dma2 semaphore(%arg14 : memref<!tpu.dma_semaphore, #tpu.memory_space<semaphore_mem>>) src(%arg11 : memref<160x32xf32, #tpu.memory_space<vmem>>) dst(%dma_wait3A_118 : memref<160x32xf32, #tpu.memory_space<vmem_shared>>)
    %dma_wait3A_119 = arith.constant 0 : i32
    %dma_wait3A_120 = tpu.memref_slice %arg6[%add3A_58, %dma_wait3A_119] : memref<20480x32xf32, #tpu.memory_space<vmem_shared>> -> memref<160x32xf32, #tpu.memory_space<vmem_shared>>
    %dma_wait3A_121 = arith.constant 0 : i32
    %dma_wait3A_122 = tpu.memref_slice %arg6[%add3A_58, %dma_wait3A_121] : memref<20480x32xf32, #tpu.memory_space<vmem_shared>> -> memref<160x32xf32, #tpu.memory_space<vmem_shared>>
    tpu.wait_dma2 semaphore(%arg14 : memref<!tpu.dma_semaphore, #tpu.memory_space<semaphore_mem>>) src(%arg11 : memref<160x32xf32, #tpu.memory_space<vmem>>) dst(%dma_wait3A_122 : memref<160x32xf32, #tpu.memory_space<vmem_shared>>)
    %dma_wait3A_123 = arith.constant 0 : i32
    %dma_wait3A_124 = tpu.memref_slice %arg6[%add3A_62, %dma_wait3A_123] : memref<20480x32xf32, #tpu.memory_space<vmem_shared>> -> memref<160x32xf32, #tpu.memory_space<vmem_shared>>
    %dma_wait3A_125 = arith.constant 0 : i32
    %dma_wait3A_126 = tpu.memref_slice %arg6[%add3A_62, %dma_wait3A_125] : memref<20480x32xf32, #tpu.memory_space<vmem_shared>> -> memref<160x32xf32, #tpu.memory_space<vmem_shared>>
    tpu.wait_dma2 semaphore(%arg14 : memref<!tpu.dma_semaphore, #tpu.memory_space<semaphore_mem>>) src(%arg11 : memref<160x32xf32, #tpu.memory_space<vmem>>) dst(%dma_wait3A_126 : memref<160x32xf32, #tpu.memory_space<vmem_shared>>)
    %dma_wait3A_127 = arith.constant 0 : i32
    %dma_wait3A_128 = tpu.memref_slice %arg6[%add3A_66, %dma_wait3A_127] : memref<20480x32xf32, #tpu.memory_space<vmem_shared>> -> memref<160x32xf32, #tpu.memory_space<vmem_shared>>
    %dma_wait3A_129 = arith.constant 0 : i32
    %dma_wait3A_130 = tpu.memref_slice %arg6[%add3A_66, %dma_wait3A_129] : memref<20480x32xf32, #tpu.memory_space<vmem_shared>> -> memref<160x32xf32, #tpu.memory_space<vmem_shared>>
    tpu.wait_dma2 semaphore(%arg14 : memref<!tpu.dma_semaphore, #tpu.memory_space<semaphore_mem>>) src(%arg11 : memref<160x32xf32, #tpu.memory_space<vmem>>) dst(%dma_wait3A_130 : memref<160x32xf32, #tpu.memory_space<vmem_shared>>)
    %dma_wait3A_131 = arith.constant 0 : i32
    %dma_wait3A_132 = tpu.memref_slice %arg6[%add3A_70, %dma_wait3A_131] : memref<20480x32xf32, #tpu.memory_space<vmem_shared>> -> memref<160x32xf32, #tpu.memory_space<vmem_shared>>
    %dma_wait3A_133 = arith.constant 0 : i32
    %dma_wait3A_134 = tpu.memref_slice %arg6[%add3A_70, %dma_wait3A_133] : memref<20480x32xf32, #tpu.memory_space<vmem_shared>> -> memref<160x32xf32, #tpu.memory_space<vmem_shared>>
    tpu.wait_dma2 semaphore(%arg14 : memref<!tpu.dma_semaphore, #tpu.memory_space<semaphore_mem>>) src(%arg11 : memref<160x32xf32, #tpu.memory_space<vmem>>) dst(%dma_wait3A_134 : memref<160x32xf32, #tpu.memory_space<vmem_shared>>)
    %dma_wait3A_135 = arith.constant 0 : i32
    %dma_wait3A_136 = tpu.memref_slice %arg6[%add3A_74, %dma_wait3A_135] : memref<20480x32xf32, #tpu.memory_space<vmem_shared>> -> memref<160x32xf32, #tpu.memory_space<vmem_shared>>
    %dma_wait3A_137 = arith.constant 0 : i32
    %dma_wait3A_138 = tpu.memref_slice %arg6[%add3A_74, %dma_wait3A_137] : memref<20480x32xf32, #tpu.memory_space<vmem_shared>> -> memref<160x32xf32, #tpu.memory_space<vmem_shared>>
    tpu.wait_dma2 semaphore(%arg14 : memref<!tpu.dma_semaphore, #tpu.memory_space<semaphore_mem>>) src(%arg11 : memref<160x32xf32, #tpu.memory_space<vmem>>) dst(%dma_wait3A_138 : memref<160x32xf32, #tpu.memory_space<vmem_shared>>)
    %dma_wait3A_139 = arith.constant 0 : i32
    %dma_wait3A_140 = tpu.memref_slice %arg6[%add3A_78, %dma_wait3A_139] : memref<20480x32xf32, #tpu.memory_space<vmem_shared>> -> memref<160x32xf32, #tpu.memory_space<vmem_shared>>
    %dma_wait3A_141 = arith.constant 0 : i32
    %dma_wait3A_142 = tpu.memref_slice %arg6[%add3A_78, %dma_wait3A_141] : memref<20480x32xf32, #tpu.memory_space<vmem_shared>> -> memref<160x32xf32, #tpu.memory_space<vmem_shared>>
    tpu.wait_dma2 semaphore(%arg14 : memref<!tpu.dma_semaphore, #tpu.memory_space<semaphore_mem>>) src(%arg11 : memref<160x32xf32, #tpu.memory_space<vmem>>) dst(%dma_wait3A_142 : memref<160x32xf32, #tpu.memory_space<vmem_shared>>)
    %barrier3A = arith.constant 0 : index
    tpu.barrier barrier_id(%barrier3A)
    %dma_start3A_143 = arith.constant 0 : i32
    %dma_start3A_144 = arith.constant 0 : i32
    %dma_start3A_145 = arith.constant 0 : i32
    %dma_start3A_146 = arith.constant 0 : i32
    %dma_start3A_147 = tpu.memref_slice %arg10[%dma_start3A_144, %dma_start3A_145, %dma_start3A_146] : memref<3x128x32xf32, #tpu.memory_space<vmem>> -> memref<1x128x32xf32, #tpu.memory_space<vmem>>
    %dma_start3A_148 = tpu.memref_squeeze %dma_start3A_147 : memref<1x128x32xf32, #tpu.memory_space<vmem>> -> memref<128x32xf32, #tpu.memory_space<vmem>>
    %dma_start3A_149 = arith.constant 0 : i32
    %dma_start3A_150 = tpu.memref_slice %arg8[%dma_start3A_143, %dma_start3A_149] : memref<81x128xi32, #tpu.memory_space<vmem>> -> memref<1x128xi32, #tpu.memory_space<vmem>>
    %dma_start3A_151 = tpu.memref_squeeze %dma_start3A_150 : memref<1x128xi32, #tpu.memory_space<vmem>> -> memref<128xi32, #tpu.memory_space<vmem>>
    %dma_start3A_152 = arith.constant 0 : i32
    %dma_start3A_153 = arith.constant 0 : i32
    %dma_start3A_154 = tpu.memref_slice %arg7[%dma_start3A_152, %dma_start3A_153] : memref<20480x32xf32, #tpu.memory_space<vmem_shared>> -> memref<20480x32xf32, #tpu.memory_space<vmem_shared>>
    tpu.enqueue_indirect_dma source(%dma_start3A_154 : memref<20480x32xf32, #tpu.memory_space<vmem_shared>>) target(%dma_start3A_148 : memref<128x32xf32, #tpu.memory_space<vmem>>) offsets(%dma_start3A_151 : memref<128xi32, #tpu.memory_space<vmem>>) semaphore(%arg12 : memref<!tpu.dma_semaphore, #tpu.memory_space<semaphore_mem>>)
    %dma_start3A_155 = arith.constant 1 : i32
    %dma_start3A_156 = arith.constant 1 : i32
    %dma_start3A_157 = arith.constant 0 : i32
    %dma_start3A_158 = arith.constant 0 : i32
    %dma_start3A_159 = tpu.memref_slice %arg10[%dma_start3A_156, %dma_start3A_157, %dma_start3A_158] : memref<3x128x32xf32, #tpu.memory_space<vmem>> -> memref<1x128x32xf32, #tpu.memory_space<vmem>>
    %dma_start3A_160 = tpu.memref_squeeze %dma_start3A_159 : memref<1x128x32xf32, #tpu.memory_space<vmem>> -> memref<128x32xf32, #tpu.memory_space<vmem>>
    %dma_start3A_161 = arith.constant 0 : i32
    %dma_start3A_162 = tpu.memref_slice %arg8[%dma_start3A_155, %dma_start3A_161] : memref<81x128xi32, #tpu.memory_space<vmem>> -> memref<1x128xi32, #tpu.memory_space<vmem>>
    %dma_start3A_163 = tpu.memref_squeeze %dma_start3A_162 : memref<1x128xi32, #tpu.memory_space<vmem>> -> memref<128xi32, #tpu.memory_space<vmem>>
    %dma_start3A_164 = arith.constant 0 : i32
    %dma_start3A_165 = arith.constant 0 : i32
    %dma_start3A_166 = tpu.memref_slice %arg7[%dma_start3A_164, %dma_start3A_165] : memref<20480x32xf32, #tpu.memory_space<vmem_shared>> -> memref<20480x32xf32, #tpu.memory_space<vmem_shared>>
    tpu.enqueue_indirect_dma source(%dma_start3A_166 : memref<20480x32xf32, #tpu.memory_space<vmem_shared>>) target(%dma_start3A_160 : memref<128x32xf32, #tpu.memory_space<vmem>>) offsets(%dma_start3A_163 : memref<128xi32, #tpu.memory_space<vmem>>) semaphore(%arg13 : memref<!tpu.dma_semaphore, #tpu.memory_space<semaphore_mem>>)
    %dma_wait3A_167 = arith.constant 0 : i32
    %dma_wait3A_168 = arith.constant 0 : i32
    %dma_wait3A_169 = arith.constant 0 : i32
    %dma_wait3A_170 = arith.constant 0 : i32
    %dma_wait3A_171 = tpu.memref_slice %arg10[%dma_wait3A_168, %dma_wait3A_169, %dma_wait3A_170] : memref<3x128x32xf32, #tpu.memory_space<vmem>> -> memref<1x128x32xf32, #tpu.memory_space<vmem>>
    %dma_wait3A_172 = tpu.memref_squeeze %dma_wait3A_171 : memref<1x128x32xf32, #tpu.memory_space<vmem>> -> memref<128x32xf32, #tpu.memory_space<vmem>>
    %dma_wait3A_173 = arith.constant 0 : i32
    %dma_wait3A_174 = tpu.memref_slice %arg8[%dma_wait3A_167, %dma_wait3A_173] : memref<81x128xi32, #tpu.memory_space<vmem>> -> memref<1x128xi32, #tpu.memory_space<vmem>>
    %dma_wait3A_175 = tpu.memref_squeeze %dma_wait3A_174 : memref<1x128xi32, #tpu.memory_space<vmem>> -> memref<128xi32, #tpu.memory_space<vmem>>
    %dma_wait3A_176 = arith.constant 0 : i32
    %dma_wait3A_177 = arith.constant 0 : i32
    %dma_wait3A_178 = tpu.memref_slice %arg7[%dma_wait3A_176, %dma_wait3A_177] : memref<20480x32xf32, #tpu.memory_space<vmem_shared>> -> memref<20480x32xf32, #tpu.memory_space<vmem_shared>>
    tpu.wait_indirect_dma semaphore(%arg12 : memref<!tpu.dma_semaphore, #tpu.memory_space<semaphore_mem>>) src(%dma_wait3A_178 : memref<20480x32xf32, #tpu.memory_space<vmem_shared>>) dst(%dma_wait3A_172 : memref<128x32xf32, #tpu.memory_space<vmem>>)
    %dma_start3A_179 = arith.constant 2 : i32
    %dma_start3A_180 = arith.constant 2 : i32
    %dma_start3A_181 = arith.constant 0 : i32
    %dma_start3A_182 = arith.constant 0 : i32
    %dma_start3A_183 = tpu.memref_slice %arg10[%dma_start3A_180, %dma_start3A_181, %dma_start3A_182] : memref<3x128x32xf32, #tpu.memory_space<vmem>> -> memref<1x128x32xf32, #tpu.memory_space<vmem>>
    %dma_start3A_184 = tpu.memref_squeeze %dma_start3A_183 : memref<1x128x32xf32, #tpu.memory_space<vmem>> -> memref<128x32xf32, #tpu.memory_space<vmem>>
    %dma_start3A_185 = arith.constant 0 : i32
    %dma_start3A_186 = tpu.memref_slice %arg8[%dma_start3A_179, %dma_start3A_185] : memref<81x128xi32, #tpu.memory_space<vmem>> -> memref<1x128xi32, #tpu.memory_space<vmem>>
    %dma_start3A_187 = tpu.memref_squeeze %dma_start3A_186 : memref<1x128xi32, #tpu.memory_space<vmem>> -> memref<128xi32, #tpu.memory_space<vmem>>
    %dma_start3A_188 = arith.constant 0 : i32
    %dma_start3A_189 = arith.constant 0 : i32
    %dma_start3A_190 = tpu.memref_slice %arg7[%dma_start3A_188, %dma_start3A_189] : memref<20480x32xf32, #tpu.memory_space<vmem_shared>> -> memref<20480x32xf32, #tpu.memory_space<vmem_shared>>
    tpu.enqueue_indirect_dma source(%dma_start3A_190 : memref<20480x32xf32, #tpu.memory_space<vmem_shared>>) target(%dma_start3A_184 : memref<128x32xf32, #tpu.memory_space<vmem>>) offsets(%dma_start3A_187 : memref<128xi32, #tpu.memory_space<vmem>>) semaphore(%arg12 : memref<!tpu.dma_semaphore, #tpu.memory_space<semaphore_mem>>)
    %dma_start3A_191 = arith.constant 0 : i32
    %dma_start3A_192 = arith.constant 0 : i32
    %dma_start3A_193 = arith.constant 0 : i32
    %dma_start3A_194 = arith.constant 0 : i32
    %dma_start3A_195 = tpu.memref_slice %arg10[%dma_start3A_191, %dma_start3A_193, %dma_start3A_194] : memref<3x128x32xf32, #tpu.memory_space<vmem>> -> memref<1x128x32xf32, #tpu.memory_space<vmem>>
    %dma_start3A_196 = tpu.memref_squeeze %dma_start3A_195 : memref<1x128x32xf32, #tpu.memory_space<vmem>> -> memref<128x32xf32, #tpu.memory_space<vmem>>
    %dma_start3A_197 = arith.constant 0 : i32
    %dma_start3A_198 = tpu.memref_slice %arg9[%dma_start3A_192, %dma_start3A_197] : memref<81x128xi32, #tpu.memory_space<vmem>> -> memref<1x128xi32, #tpu.memory_space<vmem>>
    %dma_start3A_199 = tpu.memref_squeeze %dma_start3A_198 : memref<1x128xi32, #tpu.memory_space<vmem>> -> memref<128xi32, #tpu.memory_space<vmem>>
    %dma_start3A_200 = arith.constant 0 : i32
    %dma_start3A_201 = arith.constant 0 : i32
    %dma_start3A_202 = tpu.memref_slice %arg6[%dma_start3A_200, %dma_start3A_201] : memref<20480x32xf32, #tpu.memory_space<vmem_shared>> -> memref<20480x32xf32, #tpu.memory_space<vmem_shared>>
    tpu.enqueue_indirect_dma source(%dma_start3A_196 : memref<128x32xf32, #tpu.memory_space<vmem>>) target(%dma_start3A_202 : memref<20480x32xf32, #tpu.memory_space<vmem_shared>>) offsets(%dma_start3A_199 : memref<128xi32, #tpu.memory_space<vmem>>) semaphore(%arg15 : memref<!tpu.dma_semaphore, #tpu.memory_space<semaphore_mem>>) {add = true}
    %scan3A_203 = arith.constant 0 : i32
    %scan3A_204 = arith.constant 0 : i32
    %scan3A_205 = arith.constant 13 : i32
    %scan3A_206 = arith.addi %scan3A_204, %scan3A_205 : i32
    %scan3A_207 = arith.constant 1 : i32
    scf.for %scan3A_250 = %scan3A_204 to %scan3A_206 step %scan3A_207  : i32 {
      %mul3A_251 = arith.constant 6 : i32
      %mul3A_252 = arith.muli %mul3A_251, %scan3A_250 : i32
      %add3A_253 = arith.constant 1 : i32
      %add3A_254 = arith.addi %add3A_253, %mul3A_252 : i32
      %add3A_255 = arith.constant 0 : i32
      %add3A_256 = arith.addi %add3A_254, %add3A_255 : i32
      %dma_wait3A_257 = arith.constant 1 : i32
      %dma_wait3A_258 = arith.constant 0 : i32
      %dma_wait3A_259 = arith.constant 0 : i32
      %dma_wait3A_260 = tpu.memref_slice %arg10[%dma_wait3A_257, %dma_wait3A_258, %dma_wait3A_259] : memref<3x128x32xf32, #tpu.memory_space<vmem>> -> memref<1x128x32xf32, #tpu.memory_space<vmem>>
      %dma_wait3A_261 = tpu.memref_squeeze %dma_wait3A_260 : memref<1x128x32xf32, #tpu.memory_space<vmem>> -> memref<128x32xf32, #tpu.memory_space<vmem>>
      %dma_wait3A_262 = arith.constant 0 : i32
      %dma_wait3A_263 = tpu.memref_slice %arg8[%add3A_256, %dma_wait3A_262] : memref<81x128xi32, #tpu.memory_space<vmem>> -> memref<1x128xi32, #tpu.memory_space<vmem>>
      %dma_wait3A_264 = tpu.memref_squeeze %dma_wait3A_263 : memref<1x128xi32, #tpu.memory_space<vmem>> -> memref<128xi32, #tpu.memory_space<vmem>>
      %dma_wait3A_265 = arith.constant 0 : i32
      %dma_wait3A_266 = arith.constant 0 : i32
      %dma_wait3A_267 = tpu.memref_slice %arg7[%dma_wait3A_265, %dma_wait3A_266] : memref<20480x32xf32, #tpu.memory_space<vmem_shared>> -> memref<20480x32xf32, #tpu.memory_space<vmem_shared>>
      tpu.wait_indirect_dma semaphore(%arg13 : memref<!tpu.dma_semaphore, #tpu.memory_space<semaphore_mem>>) src(%dma_wait3A_267 : memref<20480x32xf32, #tpu.memory_space<vmem_shared>>) dst(%dma_wait3A_261 : memref<128x32xf32, #tpu.memory_space<vmem>>)
      %sub3A = arith.constant 1 : i32
      %sub3A_268 = arith.subi %add3A_256, %sub3A : i32
      %dma_wait3A_269 = arith.constant 0 : i32
      %dma_wait3A_270 = arith.constant 0 : i32
      %dma_wait3A_271 = arith.constant 0 : i32
      %dma_wait3A_272 = tpu.memref_slice %arg10[%dma_wait3A_269, %dma_wait3A_270, %dma_wait3A_271] : memref<3x128x32xf32, #tpu.memory_space<vmem>> -> memref<1x128x32xf32, #tpu.memory_space<vmem>>
      %dma_wait3A_273 = tpu.memref_squeeze %dma_wait3A_272 : memref<1x128x32xf32, #tpu.memory_space<vmem>> -> memref<128x32xf32, #tpu.memory_space<vmem>>
      %dma_wait3A_274 = arith.constant 0 : i32
      %dma_wait3A_275 = tpu.memref_slice %arg9[%sub3A_268, %dma_wait3A_274] : memref<81x128xi32, #tpu.memory_space<vmem>> -> memref<1x128xi32, #tpu.memory_space<vmem>>
      %dma_wait3A_276 = tpu.memref_squeeze %dma_wait3A_275 : memref<1x128xi32, #tpu.memory_space<vmem>> -> memref<128xi32, #tpu.memory_space<vmem>>
      %dma_wait3A_277 = arith.constant 0 : i32
      %dma_wait3A_278 = arith.constant 0 : i32
      %dma_wait3A_279 = tpu.memref_slice %arg6[%dma_wait3A_277, %dma_wait3A_278] : memref<20480x32xf32, #tpu.memory_space<vmem_shared>> -> memref<20480x32xf32, #tpu.memory_space<vmem_shared>>
      tpu.wait_indirect_dma semaphore(%arg15 : memref<!tpu.dma_semaphore, #tpu.memory_space<semaphore_mem>>) src(%dma_wait3A_273 : memref<128x32xf32, #tpu.memory_space<vmem>>) dst(%dma_wait3A_279 : memref<20480x32xf32, #tpu.memory_space<vmem_shared>>)
      %add3A_280 = arith.constant 2 : i32
      %add3A_281 = arith.addi %add3A_256, %add3A_280 : i32
      %dma_start3A_282 = arith.constant 0 : i32
      %dma_start3A_283 = arith.constant 0 : i32
      %dma_start3A_284 = arith.constant 0 : i32
      %dma_start3A_285 = tpu.memref_slice %arg10[%dma_start3A_282, %dma_start3A_283, %dma_start3A_284] : memref<3x128x32xf32, #tpu.memory_space<vmem>> -> memref<1x128x32xf32, #tpu.memory_space<vmem>>
      %dma_start3A_286 = tpu.memref_squeeze %dma_start3A_285 : memref<1x128x32xf32, #tpu.memory_space<vmem>> -> memref<128x32xf32, #tpu.memory_space<vmem>>
      %dma_start3A_287 = arith.constant 0 : i32
      %dma_start3A_288 = tpu.memref_slice %arg8[%add3A_281, %dma_start3A_287] : memref<81x128xi32, #tpu.memory_space<vmem>> -> memref<1x128xi32, #tpu.memory_space<vmem>>
      %dma_start3A_289 = tpu.memref_squeeze %dma_start3A_288 : memref<1x128xi32, #tpu.memory_space<vmem>> -> memref<128xi32, #tpu.memory_space<vmem>>
      %dma_start3A_290 = arith.constant 0 : i32
      %dma_start3A_291 = arith.constant 0 : i32
      %dma_start3A_292 = tpu.memref_slice %arg7[%dma_start3A_290, %dma_start3A_291] : memref<20480x32xf32, #tpu.memory_space<vmem_shared>> -> memref<20480x32xf32, #tpu.memory_space<vmem_shared>>
      tpu.enqueue_indirect_dma source(%dma_start3A_292 : memref<20480x32xf32, #tpu.memory_space<vmem_shared>>) target(%dma_start3A_286 : memref<128x32xf32, #tpu.memory_space<vmem>>) offsets(%dma_start3A_289 : memref<128xi32, #tpu.memory_space<vmem>>) semaphore(%arg13 : memref<!tpu.dma_semaphore, #tpu.memory_space<semaphore_mem>>)
      %dma_start3A_293 = arith.constant 1 : i32
      %dma_start3A_294 = arith.constant 0 : i32
      %dma_start3A_295 = arith.constant 0 : i32
      %dma_start3A_296 = tpu.memref_slice %arg10[%dma_start3A_293, %dma_start3A_294, %dma_start3A_295] : memref<3x128x32xf32, #tpu.memory_space<vmem>> -> memref<1x128x32xf32, #tpu.memory_space<vmem>>
      %dma_start3A_297 = tpu.memref_squeeze %dma_start3A_296 : memref<1x128x32xf32, #tpu.memory_space<vmem>> -> memref<128x32xf32, #tpu.memory_space<vmem>>
      %dma_start3A_298 = arith.constant 0 : i32
      %dma_start3A_299 = tpu.memref_slice %arg9[%add3A_256, %dma_start3A_298] : memref<81x128xi32, #tpu.memory_space<vmem>> -> memref<1x128xi32, #tpu.memory_space<vmem>>
      %dma_start3A_300 = tpu.memref_squeeze %dma_start3A_299 : memref<1x128xi32, #tpu.memory_space<vmem>> -> memref<128xi32, #tpu.memory_space<vmem>>
      %dma_start3A_301 = arith.constant 0 : i32
      %dma_start3A_302 = arith.constant 0 : i32
      %dma_start3A_303 = tpu.memref_slice %arg6[%dma_start3A_301, %dma_start3A_302] : memref<20480x32xf32, #tpu.memory_space<vmem_shared>> -> memref<20480x32xf32, #tpu.memory_space<vmem_shared>>
      tpu.enqueue_indirect_dma source(%dma_start3A_297 : memref<128x32xf32, #tpu.memory_space<vmem>>) target(%dma_start3A_303 : memref<20480x32xf32, #tpu.memory_space<vmem_shared>>) offsets(%dma_start3A_300 : memref<128xi32, #tpu.memory_space<vmem>>) semaphore(%arg15 : memref<!tpu.dma_semaphore, #tpu.memory_space<semaphore_mem>>) {add = true}
      %mul3A_304 = arith.constant 6 : i32
      %mul3A_305 = arith.muli %mul3A_304, %scan3A_250 : i32
      %add3A_306 = arith.constant 1 : i32
      %add3A_307 = arith.addi %add3A_306, %mul3A_305 : i32
      %add3A_308 = arith.constant 1 : i32
      %add3A_309 = arith.addi %add3A_307, %add3A_308 : i32
      %dma_wait3A_310 = arith.constant 2 : i32
      %dma_wait3A_311 = arith.constant 0 : i32
      %dma_wait3A_312 = arith.constant 0 : i32
      %dma_wait3A_313 = tpu.memref_slice %arg10[%dma_wait3A_310, %dma_wait3A_311, %dma_wait3A_312] : memref<3x128x32xf32, #tpu.memory_space<vmem>> -> memref<1x128x32xf32, #tpu.memory_space<vmem>>
      %dma_wait3A_314 = tpu.memref_squeeze %dma_wait3A_313 : memref<1x128x32xf32, #tpu.memory_space<vmem>> -> memref<128x32xf32, #tpu.memory_space<vmem>>
      %dma_wait3A_315 = arith.constant 0 : i32
      %dma_wait3A_316 = tpu.memref_slice %arg8[%add3A_309, %dma_wait3A_315] : memref<81x128xi32, #tpu.memory_space<vmem>> -> memref<1x128xi32, #tpu.memory_space<vmem>>
      %dma_wait3A_317 = tpu.memref_squeeze %dma_wait3A_316 : memref<1x128xi32, #tpu.memory_space<vmem>> -> memref<128xi32, #tpu.memory_space<vmem>>
      %dma_wait3A_318 = arith.constant 0 : i32
      %dma_wait3A_319 = arith.constant 0 : i32
      %dma_wait3A_320 = tpu.memref_slice %arg7[%dma_wait3A_318, %dma_wait3A_319] : memref<20480x32xf32, #tpu.memory_space<vmem_shared>> -> memref<20480x32xf32, #tpu.memory_space<vmem_shared>>
      tpu.wait_indirect_dma semaphore(%arg12 : memref<!tpu.dma_semaphore, #tpu.memory_space<semaphore_mem>>) src(%dma_wait3A_320 : memref<20480x32xf32, #tpu.memory_space<vmem_shared>>) dst(%dma_wait3A_314 : memref<128x32xf32, #tpu.memory_space<vmem>>)
      %sub3A_321 = arith.constant 1 : i32
      %sub3A_322 = arith.subi %add3A_309, %sub3A_321 : i32
      %dma_wait3A_323 = arith.constant 1 : i32
      %dma_wait3A_324 = arith.constant 0 : i32
      %dma_wait3A_325 = arith.constant 0 : i32
      %dma_wait3A_326 = tpu.memref_slice %arg10[%dma_wait3A_323, %dma_wait3A_324, %dma_wait3A_325] : memref<3x128x32xf32, #tpu.memory_space<vmem>> -> memref<1x128x32xf32, #tpu.memory_space<vmem>>
      %dma_wait3A_327 = tpu.memref_squeeze %dma_wait3A_326 : memref<1x128x32xf32, #tpu.memory_space<vmem>> -> memref<128x32xf32, #tpu.memory_space<vmem>>
      %dma_wait3A_328 = arith.constant 0 : i32
      %dma_wait3A_329 = tpu.memref_slice %arg9[%sub3A_322, %dma_wait3A_328] : memref<81x128xi32, #tpu.memory_space<vmem>> -> memref<1x128xi32, #tpu.memory_space<vmem>>
      %dma_wait3A_330 = tpu.memref_squeeze %dma_wait3A_329 : memref<1x128xi32, #tpu.memory_space<vmem>> -> memref<128xi32, #tpu.memory_space<vmem>>
      %dma_wait3A_331 = arith.constant 0 : i32
      %dma_wait3A_332 = arith.constant 0 : i32
      %dma_wait3A_333 = tpu.memref_slice %arg6[%dma_wait3A_331, %dma_wait3A_332] : memref<20480x32xf32, #tpu.memory_space<vmem_shared>> -> memref<20480x32xf32, #tpu.memory_space<vmem_shared>>
      tpu.wait_indirect_dma semaphore(%arg15 : memref<!tpu.dma_semaphore, #tpu.memory_space<semaphore_mem>>) src(%dma_wait3A_327 : memref<128x32xf32, #tpu.memory_space<vmem>>) dst(%dma_wait3A_333 : memref<20480x32xf32, #tpu.memory_space<vmem_shared>>)
      %add3A_334 = arith.constant 2 : i32
      %add3A_335 = arith.addi %add3A_309, %add3A_334 : i32
      %dma_start3A_336 = arith.constant 1 : i32
      %dma_start3A_337 = arith.constant 0 : i32
      %dma_start3A_338 = arith.constant 0 : i32
      %dma_start3A_339 = tpu.memref_slice %arg10[%dma_start3A_336, %dma_start3A_337, %dma_start3A_338] : memref<3x128x32xf32, #tpu.memory_space<vmem>> -> memref<1x128x32xf32, #tpu.memory_space<vmem>>
      %dma_start3A_340 = tpu.memref_squeeze %dma_start3A_339 : memref<1x128x32xf32, #tpu.memory_space<vmem>> -> memref<128x32xf32, #tpu.memory_space<vmem>>
      %dma_start3A_341 = arith.constant 0 : i32
      %dma_start3A_342 = tpu.memref_slice %arg8[%add3A_335, %dma_start3A_341] : memref<81x128xi32, #tpu.memory_space<vmem>> -> memref<1x128xi32, #tpu.memory_space<vmem>>
      %dma_start3A_343 = tpu.memref_squeeze %dma_start3A_342 : memref<1x128xi32, #tpu.memory_space<vmem>> -> memref<128xi32, #tpu.memory_space<vmem>>
      %dma_start3A_344 = arith.constant 0 : i32
      %dma_start3A_345 = arith.constant 0 : i32
      %dma_start3A_346 = tpu.memref_slice %arg7[%dma_start3A_344, %dma_start3A_345] : memref<20480x32xf32, #tpu.memory_space<vmem_shared>> -> memref<20480x32xf32, #tpu.memory_space<vmem_shared>>
      tpu.enqueue_indirect_dma source(%dma_start3A_346 : memref<20480x32xf32, #tpu.memory_space<vmem_shared>>) target(%dma_start3A_340 : memref<128x32xf32, #tpu.memory_space<vmem>>) offsets(%dma_start3A_343 : memref<128xi32, #tpu.memory_space<vmem>>) semaphore(%arg12 : memref<!tpu.dma_semaphore, #tpu.memory_space<semaphore_mem>>)
      %dma_start3A_347 = arith.constant 2 : i32
      %dma_start3A_348 = arith.constant 0 : i32
      %dma_start3A_349 = arith.constant 0 : i32
      %dma_start3A_350 = tpu.memref_slice %arg10[%dma_start3A_347, %dma_start3A_348, %dma_start3A_349] : memref<3x128x32xf32, #tpu.memory_space<vmem>> -> memref<1x128x32xf32, #tpu.memory_space<vmem>>
      %dma_start3A_351 = tpu.memref_squeeze %dma_start3A_350 : memref<1x128x32xf32, #tpu.memory_space<vmem>> -> memref<128x32xf32, #tpu.memory_space<vmem>>
      %dma_start3A_352 = arith.constant 0 : i32
      %dma_start3A_353 = tpu.memref_slice %arg9[%add3A_309, %dma_start3A_352] : memref<81x128xi32, #tpu.memory_space<vmem>> -> memref<1x128xi32, #tpu.memory_space<vmem>>
      %dma_start3A_354 = tpu.memref_squeeze %dma_start3A_353 : memref<1x128xi32, #tpu.memory_space<vmem>> -> memref<128xi32, #tpu.memory_space<vmem>>
      %dma_start3A_355 = arith.constant 0 : i32
      %dma_start3A_356 = arith.constant 0 : i32
      %dma_start3A_357 = tpu.memref_slice %arg6[%dma_start3A_355, %dma_start3A_356] : memref<20480x32xf32, #tpu.memory_space<vmem_shared>> -> memref<20480x32xf32, #tpu.memory_space<vmem_shared>>
      tpu.enqueue_indirect_dma source(%dma_start3A_351 : memref<128x32xf32, #tpu.memory_space<vmem>>) target(%dma_start3A_357 : memref<20480x32xf32, #tpu.memory_space<vmem_shared>>) offsets(%dma_start3A_354 : memref<128xi32, #tpu.memory_space<vmem>>) semaphore(%arg15 : memref<!tpu.dma_semaphore, #tpu.memory_space<semaphore_mem>>) {add = true}
      %mul3A_358 = arith.constant 6 : i32
      %mul3A_359 = arith.muli %mul3A_358, %scan3A_250 : i32
      %add3A_360 = arith.constant 1 : i32
      %add3A_361 = arith.addi %add3A_360, %mul3A_359 : i32
      %add3A_362 = arith.constant 2 : i32
      %add3A_363 = arith.addi %add3A_361, %add3A_362 : i32
      %dma_wait3A_364 = arith.constant 0 : i32
      %dma_wait3A_365 = arith.constant 0 : i32
      %dma_wait3A_366 = arith.constant 0 : i32
      %dma_wait3A_367 = tpu.memref_slice %arg10[%dma_wait3A_364, %dma_wait3A_365, %dma_wait3A_366] : memref<3x128x32xf32, #tpu.memory_space<vmem>> -> memref<1x128x32xf32, #tpu.memory_space<vmem>>
      %dma_wait3A_368 = tpu.memref_squeeze %dma_wait3A_367 : memref<1x128x32xf32, #tpu.memory_space<vmem>> -> memref<128x32xf32, #tpu.memory_space<vmem>>
      %dma_wait3A_369 = arith.constant 0 : i32
      %dma_wait3A_370 = tpu.memref_slice %arg8[%add3A_363, %dma_wait3A_369] : memref<81x128xi32, #tpu.memory_space<vmem>> -> memref<1x128xi32, #tpu.memory_space<vmem>>
      %dma_wait3A_371 = tpu.memref_squeeze %dma_wait3A_370 : memref<1x128xi32, #tpu.memory_space<vmem>> -> memref<128xi32, #tpu.memory_space<vmem>>
      %dma_wait3A_372 = arith.constant 0 : i32
      %dma_wait3A_373 = arith.constant 0 : i32
      %dma_wait3A_374 = tpu.memref_slice %arg7[%dma_wait3A_372, %dma_wait3A_373] : memref<20480x32xf32, #tpu.memory_space<vmem_shared>> -> memref<20480x32xf32, #tpu.memory_space<vmem_shared>>
      tpu.wait_indirect_dma semaphore(%arg13 : memref<!tpu.dma_semaphore, #tpu.memory_space<semaphore_mem>>) src(%dma_wait3A_374 : memref<20480x32xf32, #tpu.memory_space<vmem_shared>>) dst(%dma_wait3A_368 : memref<128x32xf32, #tpu.memory_space<vmem>>)
      %sub3A_375 = arith.constant 1 : i32
      %sub3A_376 = arith.subi %add3A_363, %sub3A_375 : i32
      %dma_wait3A_377 = arith.constant 2 : i32
      %dma_wait3A_378 = arith.constant 0 : i32
      %dma_wait3A_379 = arith.constant 0 : i32
      %dma_wait3A_380 = tpu.memref_slice %arg10[%dma_wait3A_377, %dma_wait3A_378, %dma_wait3A_379] : memref<3x128x32xf32, #tpu.memory_space<vmem>> -> memref<1x128x32xf32, #tpu.memory_space<vmem>>
      %dma_wait3A_381 = tpu.memref_squeeze %dma_wait3A_380 : memref<1x128x32xf32, #tpu.memory_space<vmem>> -> memref<128x32xf32, #tpu.memory_space<vmem>>
      %dma_wait3A_382 = arith.constant 0 : i32
      %dma_wait3A_383 = tpu.memref_slice %arg9[%sub3A_376, %dma_wait3A_382] : memref<81x128xi32, #tpu.memory_space<vmem>> -> memref<1x128xi32, #tpu.memory_space<vmem>>
      %dma_wait3A_384 = tpu.memref_squeeze %dma_wait3A_383 : memref<1x128xi32, #tpu.memory_space<vmem>> -> memref<128xi32, #tpu.memory_space<vmem>>
      %dma_wait3A_385 = arith.constant 0 : i32
      %dma_wait3A_386 = arith.constant 0 : i32
      %dma_wait3A_387 = tpu.memref_slice %arg6[%dma_wait3A_385, %dma_wait3A_386] : memref<20480x32xf32, #tpu.memory_space<vmem_shared>> -> memref<20480x32xf32, #tpu.memory_space<vmem_shared>>
      tpu.wait_indirect_dma semaphore(%arg15 : memref<!tpu.dma_semaphore, #tpu.memory_space<semaphore_mem>>) src(%dma_wait3A_381 : memref<128x32xf32, #tpu.memory_space<vmem>>) dst(%dma_wait3A_387 : memref<20480x32xf32, #tpu.memory_space<vmem_shared>>)
      %add3A_388 = arith.constant 2 : i32
      %add3A_389 = arith.addi %add3A_363, %add3A_388 : i32
      %dma_start3A_390 = arith.constant 2 : i32
      %dma_start3A_391 = arith.constant 0 : i32
      %dma_start3A_392 = arith.constant 0 : i32
      %dma_start3A_393 = tpu.memref_slice %arg10[%dma_start3A_390, %dma_start3A_391, %dma_start3A_392] : memref<3x128x32xf32, #tpu.memory_space<vmem>> -> memref<1x128x32xf32, #tpu.memory_space<vmem>>
      %dma_start3A_394 = tpu.memref_squeeze %dma_start3A_393 : memref<1x128x32xf32, #tpu.memory_space<vmem>> -> memref<128x32xf32, #tpu.memory_space<vmem>>
      %dma_start3A_395 = arith.constant 0 : i32
      %dma_start3A_396 = tpu.memref_slice %arg8[%add3A_389, %dma_start3A_395] : memref<81x128xi32, #tpu.memory_space<vmem>> -> memref<1x128xi32, #tpu.memory_space<vmem>>
      %dma_start3A_397 = tpu.memref_squeeze %dma_start3A_396 : memref<1x128xi32, #tpu.memory_space<vmem>> -> memref<128xi32, #tpu.memory_space<vmem>>
      %dma_start3A_398 = arith.constant 0 : i32
      %dma_start3A_399 = arith.constant 0 : i32
      %dma_start3A_400 = tpu.memref_slice %arg7[%dma_start3A_398, %dma_start3A_399] : memref<20480x32xf32, #tpu.memory_space<vmem_shared>> -> memref<20480x32xf32, #tpu.memory_space<vmem_shared>>
      tpu.enqueue_indirect_dma source(%dma_start3A_400 : memref<20480x32xf32, #tpu.memory_space<vmem_shared>>) target(%dma_start3A_394 : memref<128x32xf32, #tpu.memory_space<vmem>>) offsets(%dma_start3A_397 : memref<128xi32, #tpu.memory_space<vmem>>) semaphore(%arg13 : memref<!tpu.dma_semaphore, #tpu.memory_space<semaphore_mem>>)
      %dma_start3A_401 = arith.constant 0 : i32
      %dma_start3A_402 = arith.constant 0 : i32
      %dma_start3A_403 = arith.constant 0 : i32
      %dma_start3A_404 = tpu.memref_slice %arg10[%dma_start3A_401, %dma_start3A_402, %dma_start3A_403] : memref<3x128x32xf32, #tpu.memory_space<vmem>> -> memref<1x128x32xf32, #tpu.memory_space<vmem>>
      %dma_start3A_405 = tpu.memref_squeeze %dma_start3A_404 : memref<1x128x32xf32, #tpu.memory_space<vmem>> -> memref<128x32xf32, #tpu.memory_space<vmem>>
      %dma_start3A_406 = arith.constant 0 : i32
      %dma_start3A_407 = tpu.memref_slice %arg9[%add3A_363, %dma_start3A_406] : memref<81x128xi32, #tpu.memory_space<vmem>> -> memref<1x128xi32, #tpu.memory_space<vmem>>
      %dma_start3A_408 = tpu.memref_squeeze %dma_start3A_407 : memref<1x128xi32, #tpu.memory_space<vmem>> -> memref<128xi32, #tpu.memory_space<vmem>>
      %dma_start3A_409 = arith.constant 0 : i32
      %dma_start3A_410 = arith.constant 0 : i32
      %dma_start3A_411 = tpu.memref_slice %arg6[%dma_start3A_409, %dma_start3A_410] : memref<20480x32xf32, #tpu.memory_space<vmem_shared>> -> memref<20480x32xf32, #tpu.memory_space<vmem_shared>>
      tpu.enqueue_indirect_dma source(%dma_start3A_405 : memref<128x32xf32, #tpu.memory_space<vmem>>) target(%dma_start3A_411 : memref<20480x32xf32, #tpu.memory_space<vmem_shared>>) offsets(%dma_start3A_408 : memref<128xi32, #tpu.memory_space<vmem>>) semaphore(%arg15 : memref<!tpu.dma_semaphore, #tpu.memory_space<semaphore_mem>>) {add = true}
      %mul3A_412 = arith.constant 6 : i32
      %mul3A_413 = arith.muli %mul3A_412, %scan3A_250 : i32
      %add3A_414 = arith.constant 1 : i32
      %add3A_415 = arith.addi %add3A_414, %mul3A_413 : i32
      %add3A_416 = arith.constant 3 : i32
      %add3A_417 = arith.addi %add3A_415, %add3A_416 : i32
      %dma_wait3A_418 = arith.constant 1 : i32
      %dma_wait3A_419 = arith.constant 0 : i32
      %dma_wait3A_420 = arith.constant 0 : i32
      %dma_wait3A_421 = tpu.memref_slice %arg10[%dma_wait3A_418, %dma_wait3A_419, %dma_wait3A_420] : memref<3x128x32xf32, #tpu.memory_space<vmem>> -> memref<1x128x32xf32, #tpu.memory_space<vmem>>
      %dma_wait3A_422 = tpu.memref_squeeze %dma_wait3A_421 : memref<1x128x32xf32, #tpu.memory_space<vmem>> -> memref<128x32xf32, #tpu.memory_space<vmem>>
      %dma_wait3A_423 = arith.constant 0 : i32
      %dma_wait3A_424 = tpu.memref_slice %arg8[%add3A_417, %dma_wait3A_423] : memref<81x128xi32, #tpu.memory_space<vmem>> -> memref<1x128xi32, #tpu.memory_space<vmem>>
      %dma_wait3A_425 = tpu.memref_squeeze %dma_wait3A_424 : memref<1x128xi32, #tpu.memory_space<vmem>> -> memref<128xi32, #tpu.memory_space<vmem>>
      %dma_wait3A_426 = arith.constant 0 : i32
      %dma_wait3A_427 = arith.constant 0 : i32
      %dma_wait3A_428 = tpu.memref_slice %arg7[%dma_wait3A_426, %dma_wait3A_427] : memref<20480x32xf32, #tpu.memory_space<vmem_shared>> -> memref<20480x32xf32, #tpu.memory_space<vmem_shared>>
      tpu.wait_indirect_dma semaphore(%arg12 : memref<!tpu.dma_semaphore, #tpu.memory_space<semaphore_mem>>) src(%dma_wait3A_428 : memref<20480x32xf32, #tpu.memory_space<vmem_shared>>) dst(%dma_wait3A_422 : memref<128x32xf32, #tpu.memory_space<vmem>>)
      %sub3A_429 = arith.constant 1 : i32
      %sub3A_430 = arith.subi %add3A_417, %sub3A_429 : i32
      %dma_wait3A_431 = arith.constant 0 : i32
      %dma_wait3A_432 = arith.constant 0 : i32
      %dma_wait3A_433 = arith.constant 0 : i32
      %dma_wait3A_434 = tpu.memref_slice %arg10[%dma_wait3A_431, %dma_wait3A_432, %dma_wait3A_433] : memref<3x128x32xf32, #tpu.memory_space<vmem>> -> memref<1x128x32xf32, #tpu.memory_space<vmem>>
      %dma_wait3A_435 = tpu.memref_squeeze %dma_wait3A_434 : memref<1x128x32xf32, #tpu.memory_space<vmem>> -> memref<128x32xf32, #tpu.memory_space<vmem>>
      %dma_wait3A_436 = arith.constant 0 : i32
      %dma_wait3A_437 = tpu.memref_slice %arg9[%sub3A_430, %dma_wait3A_436] : memref<81x128xi32, #tpu.memory_space<vmem>> -> memref<1x128xi32, #tpu.memory_space<vmem>>
      %dma_wait3A_438 = tpu.memref_squeeze %dma_wait3A_437 : memref<1x128xi32, #tpu.memory_space<vmem>> -> memref<128xi32, #tpu.memory_space<vmem>>
      %dma_wait3A_439 = arith.constant 0 : i32
      %dma_wait3A_440 = arith.constant 0 : i32
      %dma_wait3A_441 = tpu.memref_slice %arg6[%dma_wait3A_439, %dma_wait3A_440] : memref<20480x32xf32, #tpu.memory_space<vmem_shared>> -> memref<20480x32xf32, #tpu.memory_space<vmem_shared>>
      tpu.wait_indirect_dma semaphore(%arg15 : memref<!tpu.dma_semaphore, #tpu.memory_space<semaphore_mem>>) src(%dma_wait3A_435 : memref<128x32xf32, #tpu.memory_space<vmem>>) dst(%dma_wait3A_441 : memref<20480x32xf32, #tpu.memory_space<vmem_shared>>)
      %add3A_442 = arith.constant 2 : i32
      %add3A_443 = arith.addi %add3A_417, %add3A_442 : i32
      %dma_start3A_444 = arith.constant 0 : i32
      %dma_start3A_445 = arith.constant 0 : i32
      %dma_start3A_446 = arith.constant 0 : i32
      %dma_start3A_447 = tpu.memref_slice %arg10[%dma_start3A_444, %dma_start3A_445, %dma_start3A_446] : memref<3x128x32xf32, #tpu.memory_space<vmem>> -> memref<1x128x32xf32, #tpu.memory_space<vmem>>
      %dma_start3A_448 = tpu.memref_squeeze %dma_start3A_447 : memref<1x128x32xf32, #tpu.memory_space<vmem>> -> memref<128x32xf32, #tpu.memory_space<vmem>>
      %dma_start3A_449 = arith.constant 0 : i32
      %dma_start3A_450 = tpu.memref_slice %arg8[%add3A_443, %dma_start3A_449] : memref<81x128xi32, #tpu.memory_space<vmem>> -> memref<1x128xi32, #tpu.memory_space<vmem>>
      %dma_start3A_451 = tpu.memref_squeeze %dma_start3A_450 : memref<1x128xi32, #tpu.memory_space<vmem>> -> memref<128xi32, #tpu.memory_space<vmem>>
      %dma_start3A_452 = arith.constant 0 : i32
      %dma_start3A_453 = arith.constant 0 : i32
      %dma_start3A_454 = tpu.memref_slice %arg7[%dma_start3A_452, %dma_start3A_453] : memref<20480x32xf32, #tpu.memory_space<vmem_shared>> -> memref<20480x32xf32, #tpu.memory_space<vmem_shared>>
      tpu.enqueue_indirect_dma source(%dma_start3A_454 : memref<20480x32xf32, #tpu.memory_space<vmem_shared>>) target(%dma_start3A_448 : memref<128x32xf32, #tpu.memory_space<vmem>>) offsets(%dma_start3A_451 : memref<128xi32, #tpu.memory_space<vmem>>) semaphore(%arg12 : memref<!tpu.dma_semaphore, #tpu.memory_space<semaphore_mem>>)
      %dma_start3A_455 = arith.constant 1 : i32
      %dma_start3A_456 = arith.constant 0 : i32
      %dma_start3A_457 = arith.constant 0 : i32
      %dma_start3A_458 = tpu.memref_slice %arg10[%dma_start3A_455, %dma_start3A_456, %dma_start3A_457] : memref<3x128x32xf32, #tpu.memory_space<vmem>> -> memref<1x128x32xf32, #tpu.memory_space<vmem>>
      %dma_start3A_459 = tpu.memref_squeeze %dma_start3A_458 : memref<1x128x32xf32, #tpu.memory_space<vmem>> -> memref<128x32xf32, #tpu.memory_space<vmem>>
      %dma_start3A_460 = arith.constant 0 : i32
      %dma_start3A_461 = tpu.memref_slice %arg9[%add3A_417, %dma_start3A_460] : memref<81x128xi32, #tpu.memory_space<vmem>> -> memref<1x128xi32, #tpu.memory_space<vmem>>
      %dma_start3A_462 = tpu.memref_squeeze %dma_start3A_461 : memref<1x128xi32, #tpu.memory_space<vmem>> -> memref<128xi32, #tpu.memory_space<vmem>>
      %dma_start3A_463 = arith.constant 0 : i32
      %dma_start3A_464 = arith.constant 0 : i32
      %dma_start3A_465 = tpu.memref_slice %arg6[%dma_start3A_463, %dma_start3A_464] : memref<20480x32xf32, #tpu.memory_space<vmem_shared>> -> memref<20480x32xf32, #tpu.memory_space<vmem_shared>>
      tpu.enqueue_indirect_dma source(%dma_start3A_459 : memref<128x32xf32, #tpu.memory_space<vmem>>) target(%dma_start3A_465 : memref<20480x32xf32, #tpu.memory_space<vmem_shared>>) offsets(%dma_start3A_462 : memref<128xi32, #tpu.memory_space<vmem>>) semaphore(%arg15 : memref<!tpu.dma_semaphore, #tpu.memory_space<semaphore_mem>>) {add = true}
      %mul3A_466 = arith.constant 6 : i32
      %mul3A_467 = arith.muli %mul3A_466, %scan3A_250 : i32
      %add3A_468 = arith.constant 1 : i32
      %add3A_469 = arith.addi %add3A_468, %mul3A_467 : i32
      %add3A_470 = arith.constant 4 : i32
      %add3A_471 = arith.addi %add3A_469, %add3A_470 : i32
      %dma_wait3A_472 = arith.constant 2 : i32
      %dma_wait3A_473 = arith.constant 0 : i32
      %dma_wait3A_474 = arith.constant 0 : i32
      %dma_wait3A_475 = tpu.memref_slice %arg10[%dma_wait3A_472, %dma_wait3A_473, %dma_wait3A_474] : memref<3x128x32xf32, #tpu.memory_space<vmem>> -> memref<1x128x32xf32, #tpu.memory_space<vmem>>
      %dma_wait3A_476 = tpu.memref_squeeze %dma_wait3A_475 : memref<1x128x32xf32, #tpu.memory_space<vmem>> -> memref<128x32xf32, #tpu.memory_space<vmem>>
      %dma_wait3A_477 = arith.constant 0 : i32
      %dma_wait3A_478 = tpu.memref_slice %arg8[%add3A_471, %dma_wait3A_477] : memref<81x128xi32, #tpu.memory_space<vmem>> -> memref<1x128xi32, #tpu.memory_space<vmem>>
      %dma_wait3A_479 = tpu.memref_squeeze %dma_wait3A_478 : memref<1x128xi32, #tpu.memory_space<vmem>> -> memref<128xi32, #tpu.memory_space<vmem>>
      %dma_wait3A_480 = arith.constant 0 : i32
      %dma_wait3A_481 = arith.constant 0 : i32
      %dma_wait3A_482 = tpu.memref_slice %arg7[%dma_wait3A_480, %dma_wait3A_481] : memref<20480x32xf32, #tpu.memory_space<vmem_shared>> -> memref<20480x32xf32, #tpu.memory_space<vmem_shared>>
      tpu.wait_indirect_dma semaphore(%arg13 : memref<!tpu.dma_semaphore, #tpu.memory_space<semaphore_mem>>) src(%dma_wait3A_482 : memref<20480x32xf32, #tpu.memory_space<vmem_shared>>) dst(%dma_wait3A_476 : memref<128x32xf32, #tpu.memory_space<vmem>>)
      %sub3A_483 = arith.constant 1 : i32
      %sub3A_484 = arith.subi %add3A_471, %sub3A_483 : i32
      %dma_wait3A_485 = arith.constant 1 : i32
      %dma_wait3A_486 = arith.constant 0 : i32
      %dma_wait3A_487 = arith.constant 0 : i32
      %dma_wait3A_488 = tpu.memref_slice %arg10[%dma_wait3A_485, %dma_wait3A_486, %dma_wait3A_487] : memref<3x128x32xf32, #tpu.memory_space<vmem>> -> memref<1x128x32xf32, #tpu.memory_space<vmem>>
      %dma_wait3A_489 = tpu.memref_squeeze %dma_wait3A_488 : memref<1x128x32xf32, #tpu.memory_space<vmem>> -> memref<128x32xf32, #tpu.memory_space<vmem>>
      %dma_wait3A_490 = arith.constant 0 : i32
      %dma_wait3A_491 = tpu.memref_slice %arg9[%sub3A_484, %dma_wait3A_490] : memref<81x128xi32, #tpu.memory_space<vmem>> -> memref<1x128xi32, #tpu.memory_space<vmem>>
      %dma_wait3A_492 = tpu.memref_squeeze %dma_wait3A_491 : memref<1x128xi32, #tpu.memory_space<vmem>> -> memref<128xi32, #tpu.memory_space<vmem>>
      %dma_wait3A_493 = arith.constant 0 : i32
      %dma_wait3A_494 = arith.constant 0 : i32
      %dma_wait3A_495 = tpu.memref_slice %arg6[%dma_wait3A_493, %dma_wait3A_494] : memref<20480x32xf32, #tpu.memory_space<vmem_shared>> -> memref<20480x32xf32, #tpu.memory_space<vmem_shared>>
      tpu.wait_indirect_dma semaphore(%arg15 : memref<!tpu.dma_semaphore, #tpu.memory_space<semaphore_mem>>) src(%dma_wait3A_489 : memref<128x32xf32, #tpu.memory_space<vmem>>) dst(%dma_wait3A_495 : memref<20480x32xf32, #tpu.memory_space<vmem_shared>>)
      %add3A_496 = arith.constant 2 : i32
      %add3A_497 = arith.addi %add3A_471, %add3A_496 : i32
      %dma_start3A_498 = arith.constant 1 : i32
      %dma_start3A_499 = arith.constant 0 : i32
      %dma_start3A_500 = arith.constant 0 : i32
      %dma_start3A_501 = tpu.memref_slice %arg10[%dma_start3A_498, %dma_start3A_499, %dma_start3A_500] : memref<3x128x32xf32, #tpu.memory_space<vmem>> -> memref<1x128x32xf32, #tpu.memory_space<vmem>>
      %dma_start3A_502 = tpu.memref_squeeze %dma_start3A_501 : memref<1x128x32xf32, #tpu.memory_space<vmem>> -> memref<128x32xf32, #tpu.memory_space<vmem>>
      %dma_start3A_503 = arith.constant 0 : i32
      %dma_start3A_504 = tpu.memref_slice %arg8[%add3A_497, %dma_start3A_503] : memref<81x128xi32, #tpu.memory_space<vmem>> -> memref<1x128xi32, #tpu.memory_space<vmem>>
      %dma_start3A_505 = tpu.memref_squeeze %dma_start3A_504 : memref<1x128xi32, #tpu.memory_space<vmem>> -> memref<128xi32, #tpu.memory_space<vmem>>
      %dma_start3A_506 = arith.constant 0 : i32
      %dma_start3A_507 = arith.constant 0 : i32
      %dma_start3A_508 = tpu.memref_slice %arg7[%dma_start3A_506, %dma_start3A_507] : memref<20480x32xf32, #tpu.memory_space<vmem_shared>> -> memref<20480x32xf32, #tpu.memory_space<vmem_shared>>
      tpu.enqueue_indirect_dma source(%dma_start3A_508 : memref<20480x32xf32, #tpu.memory_space<vmem_shared>>) target(%dma_start3A_502 : memref<128x32xf32, #tpu.memory_space<vmem>>) offsets(%dma_start3A_505 : memref<128xi32, #tpu.memory_space<vmem>>) semaphore(%arg13 : memref<!tpu.dma_semaphore, #tpu.memory_space<semaphore_mem>>)
      %dma_start3A_509 = arith.constant 2 : i32
      %dma_start3A_510 = arith.constant 0 : i32
      %dma_start3A_511 = arith.constant 0 : i32
      %dma_start3A_512 = tpu.memref_slice %arg10[%dma_start3A_509, %dma_start3A_510, %dma_start3A_511] : memref<3x128x32xf32, #tpu.memory_space<vmem>> -> memref<1x128x32xf32, #tpu.memory_space<vmem>>
      %dma_start3A_513 = tpu.memref_squeeze %dma_start3A_512 : memref<1x128x32xf32, #tpu.memory_space<vmem>> -> memref<128x32xf32, #tpu.memory_space<vmem>>
      %dma_start3A_514 = arith.constant 0 : i32
      %dma_start3A_515 = tpu.memref_slice %arg9[%add3A_471, %dma_start3A_514] : memref<81x128xi32, #tpu.memory_space<vmem>> -> memref<1x128xi32, #tpu.memory_space<vmem>>
      %dma_start3A_516 = tpu.memref_squeeze %dma_start3A_515 : memref<1x128xi32, #tpu.memory_space<vmem>> -> memref<128xi32, #tpu.memory_space<vmem>>
      %dma_start3A_517 = arith.constant 0 : i32
      %dma_start3A_518 = arith.constant 0 : i32
      %dma_start3A_519 = tpu.memref_slice %arg6[%dma_start3A_517, %dma_start3A_518] : memref<20480x32xf32, #tpu.memory_space<vmem_shared>> -> memref<20480x32xf32, #tpu.memory_space<vmem_shared>>
      tpu.enqueue_indirect_dma source(%dma_start3A_513 : memref<128x32xf32, #tpu.memory_space<vmem>>) target(%dma_start3A_519 : memref<20480x32xf32, #tpu.memory_space<vmem_shared>>) offsets(%dma_start3A_516 : memref<128xi32, #tpu.memory_space<vmem>>) semaphore(%arg15 : memref<!tpu.dma_semaphore, #tpu.memory_space<semaphore_mem>>) {add = true}
      %mul3A_520 = arith.constant 6 : i32
      %mul3A_521 = arith.muli %mul3A_520, %scan3A_250 : i32
      %add3A_522 = arith.constant 1 : i32
      %add3A_523 = arith.addi %add3A_522, %mul3A_521 : i32
      %add3A_524 = arith.constant 5 : i32
      %add3A_525 = arith.addi %add3A_523, %add3A_524 : i32
      %dma_wait3A_526 = arith.constant 0 : i32
      %dma_wait3A_527 = arith.constant 0 : i32
      %dma_wait3A_528 = arith.constant 0 : i32
      %dma_wait3A_529 = tpu.memref_slice %arg10[%dma_wait3A_526, %dma_wait3A_527, %dma_wait3A_528] : memref<3x128x32xf32, #tpu.memory_space<vmem>> -> memref<1x128x32xf32, #tpu.memory_space<vmem>>
      %dma_wait3A_530 = tpu.memref_squeeze %dma_wait3A_529 : memref<1x128x32xf32, #tpu.memory_space<vmem>> -> memref<128x32xf32, #tpu.memory_space<vmem>>
      %dma_wait3A_531 = arith.constant 0 : i32
      %dma_wait3A_532 = tpu.memref_slice %arg8[%add3A_525, %dma_wait3A_531] : memref<81x128xi32, #tpu.memory_space<vmem>> -> memref<1x128xi32, #tpu.memory_space<vmem>>
      %dma_wait3A_533 = tpu.memref_squeeze %dma_wait3A_532 : memref<1x128xi32, #tpu.memory_space<vmem>> -> memref<128xi32, #tpu.memory_space<vmem>>
      %dma_wait3A_534 = arith.constant 0 : i32
      %dma_wait3A_535 = arith.constant 0 : i32
      %dma_wait3A_536 = tpu.memref_slice %arg7[%dma_wait3A_534, %dma_wait3A_535] : memref<20480x32xf32, #tpu.memory_space<vmem_shared>> -> memref<20480x32xf32, #tpu.memory_space<vmem_shared>>
      tpu.wait_indirect_dma semaphore(%arg12 : memref<!tpu.dma_semaphore, #tpu.memory_space<semaphore_mem>>) src(%dma_wait3A_536 : memref<20480x32xf32, #tpu.memory_space<vmem_shared>>) dst(%dma_wait3A_530 : memref<128x32xf32, #tpu.memory_space<vmem>>)
      %sub3A_537 = arith.constant 1 : i32
      %sub3A_538 = arith.subi %add3A_525, %sub3A_537 : i32
      %dma_wait3A_539 = arith.constant 2 : i32
      %dma_wait3A_540 = arith.constant 0 : i32
      %dma_wait3A_541 = arith.constant 0 : i32
      %dma_wait3A_542 = tpu.memref_slice %arg10[%dma_wait3A_539, %dma_wait3A_540, %dma_wait3A_541] : memref<3x128x32xf32, #tpu.memory_space<vmem>> -> memref<1x128x32xf32, #tpu.memory_space<vmem>>
      %dma_wait3A_543 = tpu.memref_squeeze %dma_wait3A_542 : memref<1x128x32xf32, #tpu.memory_space<vmem>> -> memref<128x32xf32, #tpu.memory_space<vmem>>
      %dma_wait3A_544 = arith.constant 0 : i32
      %dma_wait3A_545 = tpu.memref_slice %arg9[%sub3A_538, %dma_wait3A_544] : memref<81x128xi32, #tpu.memory_space<vmem>> -> memref<1x128xi32, #tpu.memory_space<vmem>>
      %dma_wait3A_546 = tpu.memref_squeeze %dma_wait3A_545 : memref<1x128xi32, #tpu.memory_space<vmem>> -> memref<128xi32, #tpu.memory_space<vmem>>
      %dma_wait3A_547 = arith.constant 0 : i32
      %dma_wait3A_548 = arith.constant 0 : i32
      %dma_wait3A_549 = tpu.memref_slice %arg6[%dma_wait3A_547, %dma_wait3A_548] : memref<20480x32xf32, #tpu.memory_space<vmem_shared>> -> memref<20480x32xf32, #tpu.memory_space<vmem_shared>>
      tpu.wait_indirect_dma semaphore(%arg15 : memref<!tpu.dma_semaphore, #tpu.memory_space<semaphore_mem>>) src(%dma_wait3A_543 : memref<128x32xf32, #tpu.memory_space<vmem>>) dst(%dma_wait3A_549 : memref<20480x32xf32, #tpu.memory_space<vmem_shared>>)
      %add3A_550 = arith.constant 2 : i32
      %add3A_551 = arith.addi %add3A_525, %add3A_550 : i32
      %dma_start3A_552 = arith.constant 2 : i32
      %dma_start3A_553 = arith.constant 0 : i32
      %dma_start3A_554 = arith.constant 0 : i32
      %dma_start3A_555 = tpu.memref_slice %arg10[%dma_start3A_552, %dma_start3A_553, %dma_start3A_554] : memref<3x128x32xf32, #tpu.memory_space<vmem>> -> memref<1x128x32xf32, #tpu.memory_space<vmem>>
      %dma_start3A_556 = tpu.memref_squeeze %dma_start3A_555 : memref<1x128x32xf32, #tpu.memory_space<vmem>> -> memref<128x32xf32, #tpu.memory_space<vmem>>
      %dma_start3A_557 = arith.constant 0 : i32
      %dma_start3A_558 = tpu.memref_slice %arg8[%add3A_551, %dma_start3A_557] : memref<81x128xi32, #tpu.memory_space<vmem>> -> memref<1x128xi32, #tpu.memory_space<vmem>>
      %dma_start3A_559 = tpu.memref_squeeze %dma_start3A_558 : memref<1x128xi32, #tpu.memory_space<vmem>> -> memref<128xi32, #tpu.memory_space<vmem>>
      %dma_start3A_560 = arith.constant 0 : i32
      %dma_start3A_561 = arith.constant 0 : i32
      %dma_start3A_562 = tpu.memref_slice %arg7[%dma_start3A_560, %dma_start3A_561] : memref<20480x32xf32, #tpu.memory_space<vmem_shared>> -> memref<20480x32xf32, #tpu.memory_space<vmem_shared>>
      tpu.enqueue_indirect_dma source(%dma_start3A_562 : memref<20480x32xf32, #tpu.memory_space<vmem_shared>>) target(%dma_start3A_556 : memref<128x32xf32, #tpu.memory_space<vmem>>) offsets(%dma_start3A_559 : memref<128xi32, #tpu.memory_space<vmem>>) semaphore(%arg12 : memref<!tpu.dma_semaphore, #tpu.memory_space<semaphore_mem>>)
      %dma_start3A_563 = arith.constant 0 : i32
      %dma_start3A_564 = arith.constant 0 : i32
      %dma_start3A_565 = arith.constant 0 : i32
      %dma_start3A_566 = tpu.memref_slice %arg10[%dma_start3A_563, %dma_start3A_564, %dma_start3A_565] : memref<3x128x32xf32, #tpu.memory_space<vmem>> -> memref<1x128x32xf32, #tpu.memory_space<vmem>>
      %dma_start3A_567 = tpu.memref_squeeze %dma_start3A_566 : memref<1x128x32xf32, #tpu.memory_space<vmem>> -> memref<128x32xf32, #tpu.memory_space<vmem>>
      %dma_start3A_568 = arith.constant 0 : i32
      %dma_start3A_569 = tpu.memref_slice %arg9[%add3A_525, %dma_start3A_568] : memref<81x128xi32, #tpu.memory_space<vmem>> -> memref<1x128xi32, #tpu.memory_space<vmem>>
      %dma_start3A_570 = tpu.memref_squeeze %dma_start3A_569 : memref<1x128xi32, #tpu.memory_space<vmem>> -> memref<128xi32, #tpu.memory_space<vmem>>
      %dma_start3A_571 = arith.constant 0 : i32
      %dma_start3A_572 = arith.constant 0 : i32
      %dma_start3A_573 = tpu.memref_slice %arg6[%dma_start3A_571, %dma_start3A_572] : memref<20480x32xf32, #tpu.memory_space<vmem_shared>> -> memref<20480x32xf32, #tpu.memory_space<vmem_shared>>
      tpu.enqueue_indirect_dma source(%dma_start3A_567 : memref<128x32xf32, #tpu.memory_space<vmem>>) target(%dma_start3A_573 : memref<20480x32xf32, #tpu.memory_space<vmem_shared>>) offsets(%dma_start3A_570 : memref<128xi32, #tpu.memory_space<vmem>>) semaphore(%arg15 : memref<!tpu.dma_semaphore, #tpu.memory_space<semaphore_mem>>) {add = true}
    }
    %scan3A_208 = arith.constant 13 : i32
    %dma_wait3A_209 = arith.constant 0 : i32
    %dma_wait3A_210 = arith.constant 78 : i32
    %dma_wait3A_211 = arith.constant 0 : i32
    %dma_wait3A_212 = arith.constant 0 : i32
    %dma_wait3A_213 = tpu.memref_slice %arg10[%dma_wait3A_209, %dma_wait3A_211, %dma_wait3A_212] : memref<3x128x32xf32, #tpu.memory_space<vmem>> -> memref<1x128x32xf32, #tpu.memory_space<vmem>>
    %dma_wait3A_214 = tpu.memref_squeeze %dma_wait3A_213 : memref<1x128x32xf32, #tpu.memory_space<vmem>> -> memref<128x32xf32, #tpu.memory_space<vmem>>
    %dma_wait3A_215 = arith.constant 0 : i32
    %dma_wait3A_216 = tpu.memref_slice %arg9[%dma_wait3A_210, %dma_wait3A_215] : memref<81x128xi32, #tpu.memory_space<vmem>> -> memref<1x128xi32, #tpu.memory_space<vmem>>
    %dma_wait3A_217 = tpu.memref_squeeze %dma_wait3A_216 : memref<1x128xi32, #tpu.memory_space<vmem>> -> memref<128xi32, #tpu.memory_space<vmem>>
    %dma_wait3A_218 = arith.constant 0 : i32
    %dma_wait3A_219 = arith.constant 0 : i32
    %dma_wait3A_220 = tpu.memref_slice %arg6[%dma_wait3A_218, %dma_wait3A_219] : memref<20480x32xf32, #tpu.memory_space<vmem_shared>> -> memref<20480x32xf32, #tpu.memory_space<vmem_shared>>
    tpu.wait_indirect_dma semaphore(%arg15 : memref<!tpu.dma_semaphore, #tpu.memory_space<semaphore_mem>>) src(%dma_wait3A_214 : memref<128x32xf32, #tpu.memory_space<vmem>>) dst(%dma_wait3A_220 : memref<20480x32xf32, #tpu.memory_space<vmem_shared>>)
    %dma_wait3A_221 = arith.constant 79 : i32
    %dma_wait3A_222 = arith.constant 1 : i32
    %dma_wait3A_223 = arith.constant 0 : i32
    %dma_wait3A_224 = arith.constant 0 : i32
    %dma_wait3A_225 = tpu.memref_slice %arg10[%dma_wait3A_222, %dma_wait3A_223, %dma_wait3A_224] : memref<3x128x32xf32, #tpu.memory_space<vmem>> -> memref<1x128x32xf32, #tpu.memory_space<vmem>>
    %dma_wait3A_226 = tpu.memref_squeeze %dma_wait3A_225 : memref<1x128x32xf32, #tpu.memory_space<vmem>> -> memref<128x32xf32, #tpu.memory_space<vmem>>
    %dma_wait3A_227 = arith.constant 0 : i32
    %dma_wait3A_228 = tpu.memref_slice %arg8[%dma_wait3A_221, %dma_wait3A_227] : memref<81x128xi32, #tpu.memory_space<vmem>> -> memref<1x128xi32, #tpu.memory_space<vmem>>
    %dma_wait3A_229 = tpu.memref_squeeze %dma_wait3A_228 : memref<1x128xi32, #tpu.memory_space<vmem>> -> memref<128xi32, #tpu.memory_space<vmem>>
    %dma_wait3A_230 = arith.constant 0 : i32
    %dma_wait3A_231 = arith.constant 0 : i32
    %dma_wait3A_232 = tpu.memref_slice %arg7[%dma_wait3A_230, %dma_wait3A_231] : memref<20480x32xf32, #tpu.memory_space<vmem_shared>> -> memref<20480x32xf32, #tpu.memory_space<vmem_shared>>
    tpu.wait_indirect_dma semaphore(%arg13 : memref<!tpu.dma_semaphore, #tpu.memory_space<semaphore_mem>>) src(%dma_wait3A_232 : memref<20480x32xf32, #tpu.memory_space<vmem_shared>>) dst(%dma_wait3A_226 : memref<128x32xf32, #tpu.memory_space<vmem>>)
    %dma_wait3A_233 = arith.constant 80 : i32
    %dma_wait3A_234 = arith.constant 2 : i32
    %dma_wait3A_235 = arith.constant 0 : i32
    %dma_wait3A_236 = arith.constant 0 : i32
    %dma_wait3A_237 = tpu.memref_slice %arg10[%dma_wait3A_234, %dma_wait3A_235, %dma_wait3A_236] : memref<3x128x32xf32, #tpu.memory_space<vmem>> -> memref<1x128x32xf32, #tpu.memory_space<vmem>>
    %dma_wait3A_238 = tpu.memref_squeeze %dma_wait3A_237 : memref<1x128x32xf32, #tpu.memory_space<vmem>> -> memref<128x32xf32, #tpu.memory_space<vmem>>
    %dma_wait3A_239 = arith.constant 0 : i32
    %dma_wait3A_240 = tpu.memref_slice %arg8[%dma_wait3A_233, %dma_wait3A_239] : memref<81x128xi32, #tpu.memory_space<vmem>> -> memref<1x128xi32, #tpu.memory_space<vmem>>
    %dma_wait3A_241 = tpu.memref_squeeze %dma_wait3A_240 : memref<1x128xi32, #tpu.memory_space<vmem>> -> memref<128xi32, #tpu.memory_space<vmem>>
    %dma_wait3A_242 = arith.constant 0 : i32
    %dma_wait3A_243 = arith.constant 0 : i32
    %dma_wait3A_244 = tpu.memref_slice %arg7[%dma_wait3A_242, %dma_wait3A_243] : memref<20480x32xf32, #tpu.memory_space<vmem_shared>> -> memref<20480x32xf32, #tpu.memory_space<vmem_shared>>
    tpu.wait_indirect_dma semaphore(%arg12 : memref<!tpu.dma_semaphore, #tpu.memory_space<semaphore_mem>>) src(%dma_wait3A_244 : memref<20480x32xf32, #tpu.memory_space<vmem_shared>>) dst(%dma_wait3A_238 : memref<128x32xf32, #tpu.memory_space<vmem>>)
    %barrier3A_245 = arith.constant 0 : index
    tpu.barrier barrier_id(%barrier3A_245)
    %mul3A_246 = arith.constant 1280 : i32
    %mul3A_247 = arith.muli %arg1, %mul3A_246 : i32
    %mul3A_248 = arith.constant 1280 : i32
    %mul3A_249 = arith.muli %arg1, %mul3A_248 : i32
    "tpu.region"() ({
      %run_scoped3A = tpu.sem_alloc : memref<!tpu.dma_semaphore, #tpu.memory_space<semaphore_mem>>
      %dma_start3A_250 = arith.constant 0 : i32
      %dma_start3A_251 = tpu.memref_slice %arg5[%arg0, %mul3A_249, %dma_start3A_250] : memref<2x20480x32xf32, #tpu.memory_space<hbm>> -> memref<1x1280x32xf32, #tpu.memory_space<hbm>>
      %dma_start3A_252 = tpu.memref_squeeze %dma_start3A_251 : memref<1x1280x32xf32, #tpu.memory_space<hbm>> -> memref<1280x32xf32, #tpu.memory_space<hbm>>
      %dma_start3A_253 = arith.constant 0 : i32
      %dma_start3A_254 = tpu.memref_slice %arg6[%mul3A_247, %dma_start3A_253] : memref<20480x32xf32, #tpu.memory_space<vmem_shared>> -> memref<1280x32xf32, #tpu.memory_space<vmem_shared>>
      tpu.enqueue_dma source(%dma_start3A_254 : memref<1280x32xf32, #tpu.memory_space<vmem_shared>>) target(%dma_start3A_252 : memref<1280x32xf32, #tpu.memory_space<hbm>>) target_semaphore(%run_scoped3A : memref<!tpu.dma_semaphore, #tpu.memory_space<semaphore_mem>>)
      %dma_wait3A_255 = arith.constant 0 : i32
      %dma_wait3A_256 = tpu.memref_slice %arg5[%arg0, %mul3A_249, %dma_wait3A_255] : memref<2x20480x32xf32, #tpu.memory_space<hbm>> -> memref<1x1280x32xf32, #tpu.memory_space<hbm>>
      %dma_wait3A_257 = tpu.memref_squeeze %dma_wait3A_256 : memref<1x1280x32xf32, #tpu.memory_space<hbm>> -> memref<1280x32xf32, #tpu.memory_space<hbm>>
      %dma_wait3A_258 = arith.constant 0 : i32
      %dma_wait3A_259 = tpu.memref_slice %arg6[%mul3A_247, %dma_wait3A_258] : memref<20480x32xf32, #tpu.memory_space<vmem_shared>> -> memref<1280x32xf32, #tpu.memory_space<vmem_shared>>
      tpu.wait_dma2 semaphore(%run_scoped3A : memref<!tpu.dma_semaphore, #tpu.memory_space<semaphore_mem>>) src(%dma_wait3A_259 : memref<1280x32xf32, #tpu.memory_space<vmem_shared>>) dst(%dma_wait3A_257 : memref<1280x32xf32, #tpu.memory_space<hbm>>)
      tpu.yield
    }) : () -> ()
    return
  }
}

module attributes {stable_mosaic.version = 14 : i64} {
  func.func @_stage_a_body(%arg0: i32, %arg1: memref<4000x256xf32, #tpu.memory_space<vmem>>, %arg2: memref<1024x128xf32, #tpu.memory_space<vmem>>, %arg3: memref<125x8x128xf32, #tpu.memory_space<vmem>>) attributes {dimension_semantics = [#tpu.dimension_semantics<arbitrary>], iteration_bounds = array<i64: 5>, scalar_prefetch = 0 : i64, scratch_operands = 0 : i64, tpu.core_type = #tpu.core_type<tc>, window_params = [{transform_indices = @transform_0, window_bounds = array<i64: 4000, 256>}, {pipeline_mode = #tpu.pipeline_mode<synchronous>, transform_indices = @transform_1, window_bounds = array<i64: 1024, 128>}, {transform_indices = @transform_2, window_bounds = array<i64: 125, 8, 128>}]} {
    %get3A = arith.constant 0 : index
    %get3A_0 = arith.constant 0 : index
    %get3A_1 = vector.load %arg1[%get3A, %get3A_0] : memref<4000x256xf32, #tpu.memory_space<vmem>>, vector<4000x256xf32>
    %reshape3A = vector.shape_cast %get3A_1 : vector<4000x256xf32> to vector<1000x1024xf32>
    %get3A_2 = arith.constant 0 : index
    %get3A_3 = arith.constant 0 : index
    %get3A_4 = vector.load %arg2[%get3A_2, %get3A_3] : memref<1024x128xf32, #tpu.memory_space<vmem>>, vector<1024x128xf32>
    %dot_general3A = arith.constant dense<0.000000e+00> : vector<1000x128xf32>
    %dot_general3A_5 = tpu.matmul %reshape3A, %get3A_4, %dot_general3A {dimension_numbers = #tpu.dot_dimension_numbers<[1], [0], [0], [1], [0, 0, 1, 1], [], []>, transpose_lhs_hint = false} : vector<1000x1024xf32>, vector<1024x128xf32>, vector<1000x128xf32> -> vector<1000x128xf32>
    %reshape3A_6 = vector.shape_cast %dot_general3A_5 : vector<1000x128xf32> to vector<125x8x128xf32>
    %swap3A = arith.constant 0 : index
    %swap3A_7 = arith.constant 0 : index
    %swap3A_8 = arith.constant 0 : index
    %swap3A_9 = vector.load %arg3[%swap3A, %swap3A_7, %swap3A_8] : memref<125x8x128xf32, #tpu.memory_space<vmem>>, vector<125x8x128xf32>
    tpu.vector_store %arg3[%swap3A, %swap3A_7, %swap3A_8], %reshape3A_6 {strides = array<i32>} : memref<125x8x128xf32, #tpu.memory_space<vmem>>, vector<125x8x128xf32>,
    return
  }
  func.func @transform_0(%arg0: i32) -> (i32, i32) {
    %c0_i32 = arith.constant 0 : i32
    %c0_i32_0 = arith.constant 0 : i32
    return %arg0, %c0_i32 : i32, i32
  }
  func.func @transform_1(%arg0: i32) -> (i32, i32) {
    %c0_i32 = arith.constant 0 : i32
    %c0_i32_0 = arith.constant 0 : i32
    %c0_i32_1 = arith.constant 0 : i32
    return %c0_i32, %c0_i32_0 : i32, i32
  }
  func.func @transform_2(%arg0: i32) -> (i32, i32, i32) {
    %c0_i32 = arith.constant 0 : i32
    %c0_i32_0 = arith.constant 0 : i32
    %c0_i32_1 = arith.constant 0 : i32
    return %arg0, %c0_i32, %c0_i32_0 : i32, i32, i32
  }
}

module attributes {stable_mosaic.version = 14 : i64} {
  func.func @_stage_b1_body(%arg0: i32, %arg1: memref<2x64x8x128xf32, #tpu.memory_space<vmem>>, %arg2: memref<64x8x128xf32, #tpu.memory_space<vmem>>, %arg3: memref<1x128xf32, #tpu.memory_space<vmem>>, %arg4: memref<64x8x128xf32, #tpu.memory_space<vmem>>) attributes {dimension_semantics = [#tpu.dimension_semantics<arbitrary>], iteration_bounds = array<i64: 10>, scalar_prefetch = 0 : i64, scratch_operands = 0 : i64, tpu.core_type = #tpu.core_type<tc>, window_params = [{transform_indices = @transform_0, window_bounds = array<i64: 2, 64, 8, 128>}, {transform_indices = @transform_1, window_bounds = array<i64: 64, 8, 128>}, {pipeline_mode = #tpu.pipeline_mode<synchronous>, transform_indices = @transform_2, window_bounds = array<i64: 1, 128>}, {transform_indices = @transform_3, window_bounds = array<i64: 64, 8, 128>}]} {
    %get3A = arith.constant 0 : index
    %get3A_0 = arith.constant 0 : index
    %get3A_1 = arith.constant 0 : index
    %get3A_2 = arith.constant 0 : index
    %get3A_3 = vector.load %arg1[%get3A, %get3A_0, %get3A_1, %get3A_2] : memref<2x64x8x128xf32, #tpu.memory_space<vmem>>, vector<1x64x8x128xf32>
    %get3A_4 = vector.shape_cast %get3A_3 : vector<1x64x8x128xf32> to vector<64x8x128xf32>
    %get3A_5 = arith.constant 1 : index
    %get3A_6 = arith.constant 0 : index
    %get3A_7 = arith.constant 0 : index
    %get3A_8 = arith.constant 0 : index
    %get3A_9 = vector.load %arg1[%get3A_5, %get3A_6, %get3A_7, %get3A_8] : memref<2x64x8x128xf32, #tpu.memory_space<vmem>>, vector<1x64x8x128xf32>
    %get3A_10 = vector.shape_cast %get3A_9 : vector<1x64x8x128xf32> to vector<64x8x128xf32>
    %add3A = arith.addf %get3A_4, %get3A_10 : vector<64x8x128xf32>
    %get3A_11 = arith.constant 0 : index
    %get3A_12 = arith.constant 0 : index
    %get3A_13 = arith.constant 0 : index
    %get3A_14 = vector.load %arg2[%get3A_11, %get3A_12, %get3A_13] : memref<64x8x128xf32, #tpu.memory_space<vmem>>, vector<64x8x128xf32>
    %add3A_15 = arith.addf %add3A, %get3A_14 : vector<64x8x128xf32>
    %get3A_16 = arith.constant 0 : index
    %get3A_17 = arith.constant 0 : index
    %get3A_18 = vector.load %arg3[%get3A_16, %get3A_17] : memref<1x128xf32, #tpu.memory_space<vmem>>, vector<1x128xf32>
    %broadcast_in_dim3A = vector.shape_cast %get3A_18 : vector<1x128xf32> to vector<1x1x128xf32>
    %add3A_19 = vector.broadcast %broadcast_in_dim3A : vector<1x1x128xf32> to vector<64x8x128xf32>
    %add3A_20 = arith.addf %add3A_15, %add3A_19 : vector<64x8x128xf32>
    %max3A = arith.constant 0.000000e+00 : f32
    %max3A_21 = vector.broadcast %max3A : f32 to vector<64x8x128xf32>
    %max3A_22 = arith.maximumf %add3A_20, %max3A_21 : vector<64x8x128xf32>
    %swap3A = arith.constant 0 : index
    %swap3A_23 = arith.constant 0 : index
    %swap3A_24 = arith.constant 0 : index
    %swap3A_25 = vector.load %arg4[%swap3A, %swap3A_23, %swap3A_24] : memref<64x8x128xf32, #tpu.memory_space<vmem>>, vector<64x8x128xf32>
    tpu.vector_store %arg4[%swap3A, %swap3A_23, %swap3A_24], %max3A_22 {strides = array<i32>} : memref<64x8x128xf32, #tpu.memory_space<vmem>>, vector<64x8x128xf32>,
    return
  }
  func.func @transform_0(%arg0: i32) -> (i32, i32, i32, i32) {
    %c0_i32 = arith.constant 0 : i32
    %c0_i32_0 = arith.constant 0 : i32
    %c0_i32_1 = arith.constant 0 : i32
    %c0_i32_2 = arith.constant 0 : i32
    return %c0_i32, %arg0, %c0_i32_0, %c0_i32_1 : i32, i32, i32, i32
  }
  func.func @transform_1(%arg0: i32) -> (i32, i32, i32) {
    %c0_i32 = arith.constant 0 : i32
    %c0_i32_0 = arith.constant 0 : i32
    %c0_i32_1 = arith.constant 0 : i32
    return %arg0, %c0_i32, %c0_i32_0 : i32, i32, i32
  }
  func.func @transform_2(%arg0: i32) -> (i32, i32) {
    %c0_i32 = arith.constant 0 : i32
    %c0_i32_0 = arith.constant 0 : i32
    %c0_i32_1 = arith.constant 0 : i32
    return %c0_i32, %c0_i32_0 : i32, i32
  }
  func.func @transform_3(%arg0: i32) -> (i32, i32, i32) {
    %c0_i32 = arith.constant 0 : i32
    %c0_i32_0 = arith.constant 0 : i32
    %c0_i32_1 = arith.constant 0 : i32
    return %arg0, %c0_i32, %c0_i32_0 : i32, i32, i32
  }
}

module attributes {stable_mosaic.version = 14 : i64} {
  func.func @_stage_b_body(%arg0: i32, %arg1: memref<2x64x8x128xf32, #tpu.memory_space<vmem>>, %arg2: memref<64x8x128xf32, #tpu.memory_space<vmem>>, %arg3: memref<128x128xf32, #tpu.memory_space<vmem>>, %arg4: memref<128x128xf32, #tpu.memory_space<vmem>>, %arg5: memref<1x128xf32, #tpu.memory_space<vmem>>, %arg6: memref<64x8x128xf32, #tpu.memory_space<vmem>>) attributes {dimension_semantics = [#tpu.dimension_semantics<arbitrary>], iteration_bounds = array<i64: 10>, scalar_prefetch = 0 : i64, scratch_operands = 0 : i64, tpu.core_type = #tpu.core_type<tc>, window_params = [{transform_indices = @transform_0, window_bounds = array<i64: 2, 64, 8, 128>}, {transform_indices = @transform_1, window_bounds = array<i64: 64, 8, 128>}, {pipeline_mode = #tpu.pipeline_mode<synchronous>, transform_indices = @transform_2, window_bounds = array<i64: 128, 128>}, {pipeline_mode = #tpu.pipeline_mode<synchronous>, transform_indices = @transform_3, window_bounds = array<i64: 128, 128>}, {pipeline_mode = #tpu.pipeline_mode<synchronous>, transform_indices = @transform_4, window_bounds = array<i64: 1, 128>}, {transform_indices = @transform_5, window_bounds = array<i64: 64, 8, 128>}]} {
    %get3A = arith.constant 0 : index
    %get3A_0 = arith.constant 0 : index
    %get3A_1 = arith.constant 0 : index
    %get3A_2 = arith.constant 0 : index
    %get3A_3 = vector.load %arg1[%get3A, %get3A_0, %get3A_1, %get3A_2] : memref<2x64x8x128xf32, #tpu.memory_space<vmem>>, vector<1x64x8x128xf32>
    %get3A_4 = vector.shape_cast %get3A_3 : vector<1x64x8x128xf32> to vector<64x8x128xf32>
    %get3A_5 = arith.constant 1 : index
    %get3A_6 = arith.constant 0 : index
    %get3A_7 = arith.constant 0 : index
    %get3A_8 = arith.constant 0 : index
    %get3A_9 = vector.load %arg1[%get3A_5, %get3A_6, %get3A_7, %get3A_8] : memref<2x64x8x128xf32, #tpu.memory_space<vmem>>, vector<1x64x8x128xf32>
    %get3A_10 = vector.shape_cast %get3A_9 : vector<1x64x8x128xf32> to vector<64x8x128xf32>
    %add3A = arith.addf %get3A_4, %get3A_10 : vector<64x8x128xf32>
    %reshape3A = vector.shape_cast %add3A : vector<64x8x128xf32> to vector<512x128xf32>
    %get3A_11 = arith.constant 0 : index
    %get3A_12 = arith.constant 0 : index
    %get3A_13 = arith.constant 0 : index
    %get3A_14 = vector.load %arg2[%get3A_11, %get3A_12, %get3A_13] : memref<64x8x128xf32, #tpu.memory_space<vmem>>, vector<64x8x128xf32>
    %reshape3A_15 = vector.shape_cast %get3A_14 : vector<64x8x128xf32> to vector<512x128xf32>
    %get3A_16 = arith.constant 0 : index
    %get3A_17 = arith.constant 0 : index
    %get3A_18 = vector.load %arg3[%get3A_16, %get3A_17] : memref<128x128xf32, #tpu.memory_space<vmem>>, vector<128x128xf32>
    %dot_general3A = arith.constant dense<0.000000e+00> : vector<512x128xf32>
    %dot_general3A_19 = tpu.matmul %reshape3A, %get3A_18, %dot_general3A {dimension_numbers = #tpu.dot_dimension_numbers<[1], [0], [0], [1], [0, 0, 1, 1], [], []>, transpose_lhs_hint = false} : vector<512x128xf32>, vector<128x128xf32>, vector<512x128xf32> -> vector<512x128xf32>
    %get3A_20 = arith.constant 0 : index
    %get3A_21 = arith.constant 0 : index
    %get3A_22 = vector.load %arg5[%get3A_20, %get3A_21] : memref<1x128xf32, #tpu.memory_space<vmem>>, vector<1x128xf32>
    %add3A_23 = vector.broadcast %get3A_22 : vector<1x128xf32> to vector<512x128xf32>
    %add3A_24 = arith.addf %dot_general3A_19, %add3A_23 : vector<512x128xf32>
    %get3A_25 = arith.constant 0 : index
    %get3A_26 = arith.constant 0 : index
    %get3A_27 = vector.load %arg4[%get3A_25, %get3A_26] : memref<128x128xf32, #tpu.memory_space<vmem>>, vector<128x128xf32>
    %dot_general3A_28 = arith.constant dense<0.000000e+00> : vector<512x128xf32>
    %dot_general3A_29 = tpu.matmul %reshape3A_15, %get3A_27, %dot_general3A_28 {dimension_numbers = #tpu.dot_dimension_numbers<[1], [0], [0], [1], [0, 0, 1, 1], [], []>, transpose_lhs_hint = false} : vector<512x128xf32>, vector<128x128xf32>, vector<512x128xf32> -> vector<512x128xf32>
    %add3A_30 = arith.addf %add3A_24, %dot_general3A_29 : vector<512x128xf32>
    %max3A = arith.constant 0.000000e+00 : f32
    %max3A_31 = vector.broadcast %max3A : f32 to vector<512x128xf32>
    %max3A_32 = arith.maximumf %add3A_30, %max3A_31 : vector<512x128xf32>
    %reshape3A_33 = vector.shape_cast %max3A_32 : vector<512x128xf32> to vector<64x8x128xf32>
    %swap3A = arith.constant 0 : index
    %swap3A_34 = arith.constant 0 : index
    %swap3A_35 = arith.constant 0 : index
    %swap3A_36 = vector.load %arg6[%swap3A, %swap3A_34, %swap3A_35] : memref<64x8x128xf32, #tpu.memory_space<vmem>>, vector<64x8x128xf32>
    tpu.vector_store %arg6[%swap3A, %swap3A_34, %swap3A_35], %reshape3A_33 {strides = array<i32>} : memref<64x8x128xf32, #tpu.memory_space<vmem>>, vector<64x8x128xf32>,
    return
  }
  func.func @transform_0(%arg0: i32) -> (i32, i32, i32, i32) {
    %c0_i32 = arith.constant 0 : i32
    %c0_i32_0 = arith.constant 0 : i32
    %c0_i32_1 = arith.constant 0 : i32
    %c0_i32_2 = arith.constant 0 : i32
    return %c0_i32, %arg0, %c0_i32_0, %c0_i32_1 : i32, i32, i32, i32
  }
  func.func @transform_1(%arg0: i32) -> (i32, i32, i32) {
    %c0_i32 = arith.constant 0 : i32
    %c0_i32_0 = arith.constant 0 : i32
    %c0_i32_1 = arith.constant 0 : i32
    return %arg0, %c0_i32, %c0_i32_0 : i32, i32, i32
  }
  func.func @transform_2(%arg0: i32) -> (i32, i32) {
    %c0_i32 = arith.constant 0 : i32
    %c0_i32_0 = arith.constant 0 : i32
    %c0_i32_1 = arith.constant 0 : i32
    return %c0_i32, %c0_i32_0 : i32, i32
  }
  func.func @transform_3(%arg0: i32) -> (i32, i32) {
    %c0_i32 = arith.constant 0 : i32
    %c0_i32_0 = arith.constant 0 : i32
    %c0_i32_1 = arith.constant 0 : i32
    return %c0_i32, %c0_i32_0 : i32, i32
  }
  func.func @transform_4(%arg0: i32) -> (i32, i32) {
    %c0_i32 = arith.constant 0 : i32
    %c0_i32_0 = arith.constant 0 : i32
    %c0_i32_1 = arith.constant 0 : i32
    return %c0_i32, %c0_i32_0 : i32, i32
  }
  func.func @transform_5(%arg0: i32) -> (i32, i32, i32) {
    %c0_i32 = arith.constant 0 : i32
    %c0_i32_0 = arith.constant 0 : i32
    %c0_i32_1 = arith.constant 0 : i32
    return %arg0, %c0_i32, %c0_i32_0 : i32, i32, i32
  }
}

module attributes {stable_mosaic.version = 14 : i64} {
  func.func @_stage_c_body(%arg0: i32, %arg1: memref<2x125x8x128xf32, #tpu.memory_space<vmem>>, %arg2: memref<125x8x128xf32, #tpu.memory_space<vmem>>, %arg3: memref<128x512xf32, #tpu.memory_space<vmem>>, %arg4: memref<1x512xf32, #tpu.memory_space<vmem>>, %arg5: memref<128x512xf32, #tpu.memory_space<vmem>>, %arg6: memref<128x128xf32, #tpu.memory_space<vmem>>, %arg7: memref<1x128xf32, #tpu.memory_space<vmem>>, %arg8: memref<128x128xf32, #tpu.memory_space<vmem>>, %arg9: memref<1x128xf32, #tpu.memory_space<vmem>>, %arg10: memref<256x10xf32, #tpu.memory_space<vmem>>, %arg11: memref<1x10xf32, #tpu.memory_space<vmem>>, %arg12: memref<10x10xf32, #tpu.memory_space<vmem>>, %arg13: memref<1x10xf32, #tpu.memory_space<vmem>>, %arg14: memref<10x1xf32, #tpu.memory_space<vmem>>, %arg15: memref<1x1xf32, #tpu.memory_space<vmem>>, %arg16: memref<1x1xf32, #tpu.memory_space<vmem>>, %arg17: memref<2x128xf32, #tpu.memory_space<vmem>>) attributes {dimension_semantics = [#tpu.dimension_semantics<arbitrary>], iteration_bounds = array<i64: 5>, scalar_prefetch = 0 : i64, scratch_operands = 1 : i64, tpu.core_type = #tpu.core_type<tc>, window_params = [{transform_indices = @transform_0, window_bounds = array<i64: 2, 125, 8, 128>}, {transform_indices = @transform_1, window_bounds = array<i64: 125, 8, 128>}, {pipeline_mode = #tpu.pipeline_mode<synchronous>, transform_indices = @transform_2, window_bounds = array<i64: 128, 512>}, {pipeline_mode = #tpu.pipeline_mode<synchronous>, transform_indices = @transform_3, window_bounds = array<i64: 1, 512>}, {pipeline_mode = #tpu.pipeline_mode<synchronous>, transform_indices = @transform_4, window_bounds = array<i64: 128, 512>}, {pipeline_mode = #tpu.pipeline_mode<synchronous>, transform_indices = @transform_5, window_bounds = array<i64: 128, 128>}, {pipeline_mode = #tpu.pipeline_mode<synchronous>, transform_indices = @transform_6, window_bounds = array<i64: 1, 128>}, {pipeline_mode = #tpu.pipeline_mode<synchronous>, transform_indices = @transform_7, window_bounds = array<i64: 128, 128>}, {pipeline_mode = #tpu.pipeline_mode<synchronous>, transform_indices = @transform_8, window_bounds = array<i64: 1, 128>}, {pipeline_mode = #tpu.pipeline_mode<synchronous>, transform_indices = @transform_9, window_bounds = array<i64: 256, 10>}, {pipeline_mode = #tpu.pipeline_mode<synchronous>, transform_indices = @transform_10, window_bounds = array<i64: 1, 10>}, {pipeline_mode = #tpu.pipeline_mode<synchronous>, transform_indices = @transform_11, window_bounds = array<i64: 10, 10>}, {pipeline_mode = #tpu.pipeline_mode<synchronous>, transform_indices = @transform_12, window_bounds = array<i64: 1, 10>}, {pipeline_mode = #tpu.pipeline_mode<synchronous>, transform_indices = @transform_13, window_bounds = array<i64: 10, 1>}, {pipeline_mode = #tpu.pipeline_mode<synchronous>, transform_indices = @transform_14, window_bounds = array<i64: 1, 1>}, {pipeline_mode = #tpu.pipeline_mode<synchronous>, transform_indices = @transform_15, window_bounds = array<i64: 1, 1>}]} {
    %get3A = arith.constant 0 : index
    %get3A_0 = arith.constant 0 : index
    %get3A_1 = arith.constant 0 : index
    %get3A_2 = arith.constant 0 : index
    %get3A_3 = vector.load %arg1[%get3A, %get3A_0, %get3A_1, %get3A_2] : memref<2x125x8x128xf32, #tpu.memory_space<vmem>>, vector<1x125x8x128xf32>
    %get3A_4 = vector.shape_cast %get3A_3 : vector<1x125x8x128xf32> to vector<125x8x128xf32>
    %get3A_5 = arith.constant 1 : index
    %get3A_6 = arith.constant 0 : index
    %get3A_7 = arith.constant 0 : index
    %get3A_8 = arith.constant 0 : index
    %get3A_9 = vector.load %arg1[%get3A_5, %get3A_6, %get3A_7, %get3A_8] : memref<2x125x8x128xf32, #tpu.memory_space<vmem>>, vector<1x125x8x128xf32>
    %get3A_10 = vector.shape_cast %get3A_9 : vector<1x125x8x128xf32> to vector<125x8x128xf32>
    %add3A = arith.addf %get3A_4, %get3A_10 : vector<125x8x128xf32>
    %reshape3A = vector.shape_cast %add3A : vector<125x8x128xf32> to vector<1000x128xf32>
    %get3A_11 = arith.constant 0 : index
    %get3A_12 = arith.constant 0 : index
    %get3A_13 = arith.constant 0 : index
    %get3A_14 = vector.load %arg2[%get3A_11, %get3A_12, %get3A_13] : memref<125x8x128xf32, #tpu.memory_space<vmem>>, vector<125x8x128xf32>
    %reshape3A_15 = vector.shape_cast %get3A_14 : vector<125x8x128xf32> to vector<1000x128xf32>
    %get3A_16 = arith.constant 0 : index
    %get3A_17 = arith.constant 0 : index
    %get3A_18 = vector.load %arg3[%get3A_16, %get3A_17] : memref<128x512xf32, #tpu.memory_space<vmem>>, vector<128x512xf32>
    %dot_general3A = arith.constant dense<0.000000e+00> : vector<1000x512xf32>
    %dot_general3A_19 = tpu.matmul %reshape3A, %get3A_18, %dot_general3A {dimension_numbers = #tpu.dot_dimension_numbers<[1], [0], [0], [1], [0, 0, 1, 1], [], []>, transpose_lhs_hint = false} : vector<1000x128xf32>, vector<128x512xf32>, vector<1000x512xf32> -> vector<1000x512xf32>
    %get3A_20 = arith.constant 0 : index
    %get3A_21 = arith.constant 0 : index
    %get3A_22 = vector.load %arg4[%get3A_20, %get3A_21] : memref<1x512xf32, #tpu.memory_space<vmem>>, vector<1x512xf32>
    %add3A_23 = vector.broadcast %get3A_22 : vector<1x512xf32> to vector<1000x512xf32>
    %add3A_24 = arith.addf %dot_general3A_19, %add3A_23 : vector<1000x512xf32>
    %get3A_25 = arith.constant 0 : index
    %get3A_26 = arith.constant 0 : index
    %get3A_27 = vector.load %arg5[%get3A_25, %get3A_26] : memref<128x512xf32, #tpu.memory_space<vmem>>, vector<128x512xf32>
    %dot_general3A_28 = arith.constant dense<0.000000e+00> : vector<1000x512xf32>
    %dot_general3A_29 = tpu.matmul %reshape3A_15, %get3A_27, %dot_general3A_28 {dimension_numbers = #tpu.dot_dimension_numbers<[1], [0], [0], [1], [0, 0, 1, 1], [], []>, transpose_lhs_hint = false} : vector<1000x128xf32>, vector<128x512xf32>, vector<1000x512xf32> -> vector<1000x512xf32>
    %add3A_30 = arith.addf %add3A_24, %dot_general3A_29 : vector<1000x512xf32>
    %max3A = arith.constant 0.000000e+00 : f32
    %max3A_31 = vector.broadcast %max3A : f32 to vector<1000x512xf32>
    %max3A_32 = arith.maximumf %add3A_30, %max3A_31 : vector<1000x512xf32>
    %iota3A = tpu.iota {dimensions = array<i32: 0>} : vector<1000x1xi32>
    %broadcast_in_dim3A = arith.constant 0.000000e+00 : f32
    %broadcast_in_dim3A_33 = vector.broadcast %broadcast_in_dim3A : f32 to vector<1x128xf32>
    %broadcast_in_dim3A_34 = arith.constant 0.000000e+00 : f32
    %broadcast_in_dim3A_35 = vector.broadcast %broadcast_in_dim3A_34 : f32 to vector<1x128xf32>
    %mul3A = arith.constant 1000 : i32
    %mul3A_36 = arith.muli %arg0, %mul3A : i32
    %add3A_37 = vector.broadcast %mul3A_36 : i32 to vector<1000x1xi32>
    %add3A_38 = arith.addi %add3A_37, %iota3A : vector<1000x1xi32>
    %mul3A_39 = arith.constant 4 : i32
    %mul3A_40 = vector.broadcast %mul3A_39 : i32 to vector<1000x1xi32>
    %mul3A_41 = arith.muli %add3A_38, %mul3A_40 : vector<1000x1xi32>
    %add3A_42 = arith.constant 0 : i32
    %add3A_43 = vector.broadcast %add3A_42 : i32 to vector<1000x1xi32>
    %add3A_44 = arith.addi %mul3A_41, %add3A_43 : vector<1000x1xi32>
    %slice3A = vector.extract_strided_slice %max3A_32 {offsets = [0, 0], sizes = [1000, 128], strides = [1, 1]} : vector<1000x512xf32> to vector<1000x128xf32>
    %lt3A = arith.constant 10000 : i32
    %lt3A_45 = vector.broadcast %lt3A : i32 to vector<1000x1xi32>
    %lt3A_46 = arith.cmpi slt, %add3A_44, %lt3A_45 : vector<1000x1xi32>
    %jit3A = arith.constant 0.000000e+00 : f32
    %broadcast_in_dim3A_47 = vector.shape_cast %lt3A_46 : vector<1000x1xi1> to vector<1000x1xi1>
    %broadcast_in_dim3A_48 = vector.broadcast %broadcast_in_dim3A_47 : vector<1000x1xi1> to vector<1000x128xi1>
    %broadcast_in_dim3A_49 = vector.broadcast %jit3A : f32 to vector<1000x128xf32>
    %select_n3A = arith.select %broadcast_in_dim3A_48, %slice3A, %broadcast_in_dim3A_49 : vector<1000x128xi1>, vector<1000x128xf32>
    %reduce_sum3A = arith.constant dense<0.000000e+00> : vector<128xf32>
    %reduce_sum3A_50 = vector.multi_reduction <add>, %select_n3A, %reduce_sum3A [0] : vector<1000x128xf32> to vector<128xf32>
    %broadcast_in_dim3A_51 = vector.shape_cast %reduce_sum3A_50 : vector<128xf32> to vector<1x128xf32>
    %add3A_52 = arith.addf %broadcast_in_dim3A_33, %broadcast_in_dim3A_51 : vector<1x128xf32>
    %jit3A_53 = arith.constant 0.000000e+00 : f32
    %broadcast_in_dim3A_54 = vector.shape_cast %lt3A_46 : vector<1000x1xi1> to vector<1000x1xi1>
    %broadcast_in_dim3A_55 = vector.broadcast %broadcast_in_dim3A_54 : vector<1000x1xi1> to vector<1000x128xi1>
    %broadcast_in_dim3A_56 = vector.broadcast %jit3A_53 : f32 to vector<1000x128xf32>
    %select_n3A_57 = arith.select %broadcast_in_dim3A_55, %broadcast_in_dim3A_56, %slice3A : vector<1000x128xi1>, vector<1000x128xf32>
    %reduce_sum3A_58 = arith.constant dense<0.000000e+00> : vector<128xf32>
    %reduce_sum3A_59 = vector.multi_reduction <add>, %select_n3A_57, %reduce_sum3A_58 [0] : vector<1000x128xf32> to vector<128xf32>
    %broadcast_in_dim3A_60 = vector.shape_cast %reduce_sum3A_59 : vector<128xf32> to vector<1x128xf32>
    %add3A_61 = arith.addf %broadcast_in_dim3A_35, %broadcast_in_dim3A_60 : vector<1x128xf32>
    %mul3A_62 = arith.constant 1000 : i32
    %mul3A_63 = arith.muli %arg0, %mul3A_62 : i32
    %add3A_64 = vector.broadcast %mul3A_63 : i32 to vector<1000x1xi32>
    %add3A_65 = arith.addi %add3A_64, %iota3A : vector<1000x1xi32>
    %mul3A_66 = arith.constant 4 : i32
    %mul3A_67 = vector.broadcast %mul3A_66 : i32 to vector<1000x1xi32>
    %mul3A_68 = arith.muli %add3A_65, %mul3A_67 : vector<1000x1xi32>
    %add3A_69 = arith.constant 1 : i32
    %add3A_70 = vector.broadcast %add3A_69 : i32 to vector<1000x1xi32>
    %add3A_71 = arith.addi %mul3A_68, %add3A_70 : vector<1000x1xi32>
    %slice3A_72 = vector.extract_strided_slice %max3A_32 {offsets = [0, 128], sizes = [1000, 128], strides = [1, 1]} : vector<1000x512xf32> to vector<1000x128xf32>
    %lt3A_73 = arith.constant 10000 : i32
    %lt3A_74 = vector.broadcast %lt3A_73 : i32 to vector<1000x1xi32>
    %lt3A_75 = arith.cmpi slt, %add3A_71, %lt3A_74 : vector<1000x1xi32>
    %jit3A_76 = arith.constant 0.000000e+00 : f32
    %broadcast_in_dim3A_77 = vector.shape_cast %lt3A_75 : vector<1000x1xi1> to vector<1000x1xi1>
    %broadcast_in_dim3A_78 = vector.broadcast %broadcast_in_dim3A_77 : vector<1000x1xi1> to vector<1000x128xi1>
    %broadcast_in_dim3A_79 = vector.broadcast %jit3A_76 : f32 to vector<1000x128xf32>
    %select_n3A_80 = arith.select %broadcast_in_dim3A_78, %slice3A_72, %broadcast_in_dim3A_79 : vector<1000x128xi1>, vector<1000x128xf32>
    %reduce_sum3A_81 = arith.constant dense<0.000000e+00> : vector<128xf32>
    %reduce_sum3A_82 = vector.multi_reduction <add>, %select_n3A_80, %reduce_sum3A_81 [0] : vector<1000x128xf32> to vector<128xf32>
    %broadcast_in_dim3A_83 = vector.shape_cast %reduce_sum3A_82 : vector<128xf32> to vector<1x128xf32>
    %add3A_84 = arith.addf %add3A_52, %broadcast_in_dim3A_83 : vector<1x128xf32>
    %jit3A_85 = arith.constant 0.000000e+00 : f32
    %broadcast_in_dim3A_86 = vector.shape_cast %lt3A_75 : vector<1000x1xi1> to vector<1000x1xi1>
    %broadcast_in_dim3A_87 = vector.broadcast %broadcast_in_dim3A_86 : vector<1000x1xi1> to vector<1000x128xi1>
    %broadcast_in_dim3A_88 = vector.broadcast %jit3A_85 : f32 to vector<1000x128xf32>
    %select_n3A_89 = arith.select %broadcast_in_dim3A_87, %broadcast_in_dim3A_88, %slice3A_72 : vector<1000x128xi1>, vector<1000x128xf32>
    %reduce_sum3A_90 = arith.constant dense<0.000000e+00> : vector<128xf32>
    %reduce_sum3A_91 = vector.multi_reduction <add>, %select_n3A_89, %reduce_sum3A_90 [0] : vector<1000x128xf32> to vector<128xf32>
    %broadcast_in_dim3A_92 = vector.shape_cast %reduce_sum3A_91 : vector<128xf32> to vector<1x128xf32>
    %add3A_93 = arith.addf %add3A_61, %broadcast_in_dim3A_92 : vector<1x128xf32>
    %mul3A_94 = arith.constant 1000 : i32
    %mul3A_95 = arith.muli %arg0, %mul3A_94 : i32
    %add3A_96 = vector.broadcast %mul3A_95 : i32 to vector<1000x1xi32>
    %add3A_97 = arith.addi %add3A_96, %iota3A : vector<1000x1xi32>
    %mul3A_98 = arith.constant 4 : i32
    %mul3A_99 = vector.broadcast %mul3A_98 : i32 to vector<1000x1xi32>
    %mul3A_100 = arith.muli %add3A_97, %mul3A_99 : vector<1000x1xi32>
    %add3A_101 = arith.constant 2 : i32
    %add3A_102 = vector.broadcast %add3A_101 : i32 to vector<1000x1xi32>
    %add3A_103 = arith.addi %mul3A_100, %add3A_102 : vector<1000x1xi32>
    %slice3A_104 = vector.extract_strided_slice %max3A_32 {offsets = [0, 256], sizes = [1000, 128], strides = [1, 1]} : vector<1000x512xf32> to vector<1000x128xf32>
    %lt3A_105 = arith.constant 10000 : i32
    %lt3A_106 = vector.broadcast %lt3A_105 : i32 to vector<1000x1xi32>
    %lt3A_107 = arith.cmpi slt, %add3A_103, %lt3A_106 : vector<1000x1xi32>
    %jit3A_108 = arith.constant 0.000000e+00 : f32
    %broadcast_in_dim3A_109 = vector.shape_cast %lt3A_107 : vector<1000x1xi1> to vector<1000x1xi1>
    %broadcast_in_dim3A_110 = vector.broadcast %broadcast_in_dim3A_109 : vector<1000x1xi1> to vector<1000x128xi1>
    %broadcast_in_dim3A_111 = vector.broadcast %jit3A_108 : f32 to vector<1000x128xf32>
    %select_n3A_112 = arith.select %broadcast_in_dim3A_110, %slice3A_104, %broadcast_in_dim3A_111 : vector<1000x128xi1>, vector<1000x128xf32>
    %reduce_sum3A_113 = arith.constant dense<0.000000e+00> : vector<128xf32>
    %reduce_sum3A_114 = vector.multi_reduction <add>, %select_n3A_112, %reduce_sum3A_113 [0] : vector<1000x128xf32> to vector<128xf32>
    %broadcast_in_dim3A_115 = vector.shape_cast %reduce_sum3A_114 : vector<128xf32> to vector<1x128xf32>
    %add3A_116 = arith.addf %add3A_84, %broadcast_in_dim3A_115 : vector<1x128xf32>
    %jit3A_117 = arith.constant 0.000000e+00 : f32
    %broadcast_in_dim3A_118 = vector.shape_cast %lt3A_107 : vector<1000x1xi1> to vector<1000x1xi1>
    %broadcast_in_dim3A_119 = vector.broadcast %broadcast_in_dim3A_118 : vector<1000x1xi1> to vector<1000x128xi1>
    %broadcast_in_dim3A_120 = vector.broadcast %jit3A_117 : f32 to vector<1000x128xf32>
    %select_n3A_121 = arith.select %broadcast_in_dim3A_119, %broadcast_in_dim3A_120, %slice3A_104 : vector<1000x128xi1>, vector<1000x128xf32>
    %reduce_sum3A_122 = arith.constant dense<0.000000e+00> : vector<128xf32>
    %reduce_sum3A_123 = vector.multi_reduction <add>, %select_n3A_121, %reduce_sum3A_122 [0] : vector<1000x128xf32> to vector<128xf32>
    %broadcast_in_dim3A_124 = vector.shape_cast %reduce_sum3A_123 : vector<128xf32> to vector<1x128xf32>
    %add3A_125 = arith.addf %add3A_93, %broadcast_in_dim3A_124 : vector<1x128xf32>
    %mul3A_126 = arith.constant 1000 : i32
    %mul3A_127 = arith.muli %arg0, %mul3A_126 : i32
    %add3A_128 = vector.broadcast %mul3A_127 : i32 to vector<1000x1xi32>
    %add3A_129 = arith.addi %add3A_128, %iota3A : vector<1000x1xi32>
    %mul3A_130 = arith.constant 4 : i32
    %mul3A_131 = vector.broadcast %mul3A_130 : i32 to vector<1000x1xi32>
    %mul3A_132 = arith.muli %add3A_129, %mul3A_131 : vector<1000x1xi32>
    %add3A_133 = arith.constant 3 : i32
    %add3A_134 = vector.broadcast %add3A_133 : i32 to vector<1000x1xi32>
    %add3A_135 = arith.addi %mul3A_132, %add3A_134 : vector<1000x1xi32>
    %slice3A_136 = vector.extract_strided_slice %max3A_32 {offsets = [0, 384], sizes = [1000, 128], strides = [1, 1]} : vector<1000x512xf32> to vector<1000x128xf32>
    %lt3A_137 = arith.constant 10000 : i32
    %lt3A_138 = vector.broadcast %lt3A_137 : i32 to vector<1000x1xi32>
    %lt3A_139 = arith.cmpi slt, %add3A_135, %lt3A_138 : vector<1000x1xi32>
    %jit3A_140 = arith.constant 0.000000e+00 : f32
    %broadcast_in_dim3A_141 = vector.shape_cast %lt3A_139 : vector<1000x1xi1> to vector<1000x1xi1>
    %broadcast_in_dim3A_142 = vector.broadcast %broadcast_in_dim3A_141 : vector<1000x1xi1> to vector<1000x128xi1>
    %broadcast_in_dim3A_143 = vector.broadcast %jit3A_140 : f32 to vector<1000x128xf32>
    %select_n3A_144 = arith.select %broadcast_in_dim3A_142, %slice3A_136, %broadcast_in_dim3A_143 : vector<1000x128xi1>, vector<1000x128xf32>
    %reduce_sum3A_145 = arith.constant dense<0.000000e+00> : vector<128xf32>
    %reduce_sum3A_146 = vector.multi_reduction <add>, %select_n3A_144, %reduce_sum3A_145 [0] : vector<1000x128xf32> to vector<128xf32>
    %broadcast_in_dim3A_147 = vector.shape_cast %reduce_sum3A_146 : vector<128xf32> to vector<1x128xf32>
    %add3A_148 = arith.addf %add3A_116, %broadcast_in_dim3A_147 : vector<1x128xf32>
    %jit3A_149 = arith.constant 0.000000e+00 : f32
    %broadcast_in_dim3A_150 = vector.shape_cast %lt3A_139 : vector<1000x1xi1> to vector<1000x1xi1>
    %broadcast_in_dim3A_151 = vector.broadcast %broadcast_in_dim3A_150 : vector<1000x1xi1> to vector<1000x128xi1>
    %broadcast_in_dim3A_152 = vector.broadcast %jit3A_149 : f32 to vector<1000x128xf32>
    %select_n3A_153 = arith.select %broadcast_in_dim3A_151, %broadcast_in_dim3A_152, %slice3A_136 : vector<1000x128xi1>, vector<1000x128xf32>
    %reduce_sum3A_154 = arith.constant dense<0.000000e+00> : vector<128xf32>
    %reduce_sum3A_155 = vector.multi_reduction <add>, %select_n3A_153, %reduce_sum3A_154 [0] : vector<1000x128xf32> to vector<128xf32>
    %broadcast_in_dim3A_156 = vector.shape_cast %reduce_sum3A_155 : vector<128xf32> to vector<1x128xf32>
    %add3A_157 = arith.addf %add3A_125, %broadcast_in_dim3A_156 : vector<1x128xf32>
    %eq3A = arith.constant 0 : i32
    %eq3A_158 = arith.cmpi eq, %arg0, %eq3A : i32
    %convert_element_type3A = arith.extui %eq3A_158 : i1 to i32
    %cond3A = arith.constant 0 : i32
    %cond3A_159 = arith.cmpi ne, %convert_element_type3A, %cond3A : i32
    scf.if %cond3A_159 {
      %swap3A = arith.constant 0 : index
      %swap3A_169 = arith.constant 0 : index
      %swap3A_170 = vector.load %arg17[%swap3A, %swap3A_169] : memref<2x128xf32, #tpu.memory_space<vmem>>, vector<1x128xf32>
      tpu.vector_store %arg17[%swap3A, %swap3A_169], %add3A_148 {strides = array<i32>} : memref<2x128xf32, #tpu.memory_space<vmem>>, vector<1x128xf32>,
      %swap3A_171 = arith.constant 1 : index
      %swap3A_172 = arith.constant 0 : index
      %swap3A_173 = vector.load %arg17[%swap3A_171, %swap3A_172] : memref<2x128xf32, #tpu.memory_space<vmem>>, vector<1x128xf32>
      tpu.vector_store %arg17[%swap3A_171, %swap3A_172], %add3A_157 {strides = array<i32>} : memref<2x128xf32, #tpu.memory_space<vmem>>, vector<1x128xf32>,
    } else {
    }
    %gt3A = arith.constant 0 : i32
    %gt3A_160 = arith.cmpi sgt, %arg0, %gt3A : i32
    %convert_element_type3A_161 = arith.extui %gt3A_160 : i1 to i32
    %cond3A_162 = arith.constant 0 : i32
    %cond3A_163 = arith.cmpi ne, %convert_element_type3A_161, %cond3A_162 : i32
    scf.if %cond3A_163 {
      %get3A_169 = arith.constant 0 : index
      %get3A_170 = arith.constant 0 : index
      %get3A_171 = vector.load %arg17[%get3A_169, %get3A_170] : memref<2x128xf32, #tpu.memory_space<vmem>>, vector<1x128xf32>
      %add3A_172 = arith.addf %get3A_171, %add3A_148 : vector<1x128xf32>
      %swap3A = arith.constant 0 : index
      %swap3A_173 = arith.constant 0 : index
      %swap3A_174 = vector.load %arg17[%swap3A, %swap3A_173] : memref<2x128xf32, #tpu.memory_space<vmem>>, vector<1x128xf32>
      tpu.vector_store %arg17[%swap3A, %swap3A_173], %add3A_172 {strides = array<i32>} : memref<2x128xf32, #tpu.memory_space<vmem>>, vector<1x128xf32>,
      %get3A_175 = arith.constant 1 : index
      %get3A_176 = arith.constant 0 : index
      %get3A_177 = vector.load %arg17[%get3A_175, %get3A_176] : memref<2x128xf32, #tpu.memory_space<vmem>>, vector<1x128xf32>
      %add3A_178 = arith.addf %get3A_177, %add3A_157 : vector<1x128xf32>
      %swap3A_179 = arith.constant 1 : index
      %swap3A_180 = arith.constant 0 : index
      %swap3A_181 = vector.load %arg17[%swap3A_179, %swap3A_180] : memref<2x128xf32, #tpu.memory_space<vmem>>, vector<1x128xf32>
      tpu.vector_store %arg17[%swap3A_179, %swap3A_180], %add3A_178 {strides = array<i32>} : memref<2x128xf32, #tpu.memory_space<vmem>>, vector<1x128xf32>,
    } else {
    }
    %eq3A_164 = arith.constant 4 : i32
    %eq3A_165 = arith.cmpi eq, %arg0, %eq3A_164 : i32
    %convert_element_type3A_166 = arith.extui %eq3A_165 : i1 to i32
    %cond3A_167 = arith.constant 0 : i32
    %cond3A_168 = arith.cmpi ne, %convert_element_type3A_166, %cond3A_167 : i32
    scf.if %cond3A_168 {
      %get3A_169 = arith.constant 0 : index
      %get3A_170 = arith.constant 0 : index
      %get3A_171 = vector.load %arg17[%get3A_169, %get3A_170] : memref<2x128xf32, #tpu.memory_space<vmem>>, vector<2x128xf32>
      %get3A_172 = arith.constant 0 : index
      %get3A_173 = arith.constant 0 : index
      %get3A_174 = vector.load %arg6[%get3A_172, %get3A_173] : memref<128x128xf32, #tpu.memory_space<vmem>>, vector<128x128xf32>
      %dot_general3A_175 = arith.constant dense<0.000000e+00> : vector<2x128xf32>
      %dot_general3A_176 = tpu.matmul %get3A_171, %get3A_174, %dot_general3A_175 {dimension_numbers = #tpu.dot_dimension_numbers<[1], [0], [0], [1], [0, 0, 1, 1], [], []>, transpose_lhs_hint = false} : vector<2x128xf32>, vector<128x128xf32>, vector<2x128xf32> -> vector<2x128xf32>
      %get3A_177 = arith.constant 0 : index
      %get3A_178 = arith.constant 0 : index
      %get3A_179 = vector.load %arg7[%get3A_177, %get3A_178] : memref<1x128xf32, #tpu.memory_space<vmem>>, vector<1x128xf32>
      %add3A_180 = vector.broadcast %get3A_179 : vector<1x128xf32> to vector<2x128xf32>
      %add3A_181 = arith.addf %dot_general3A_176, %add3A_180 : vector<2x128xf32>
      %max3A_182 = arith.constant 0.000000e+00 : f32
      %max3A_183 = vector.broadcast %max3A_182 : f32 to vector<2x128xf32>
      %max3A_184 = arith.maximumf %add3A_181, %max3A_183 : vector<2x128xf32>
      %get3A_185 = arith.constant 0 : index
      %get3A_186 = arith.constant 0 : index
      %get3A_187 = vector.load %arg8[%get3A_185, %get3A_186] : memref<128x128xf32, #tpu.memory_space<vmem>>, vector<128x128xf32>
      %dot_general3A_188 = arith.constant dense<0.000000e+00> : vector<2x128xf32>
      %dot_general3A_189 = tpu.matmul %max3A_184, %get3A_187, %dot_general3A_188 {dimension_numbers = #tpu.dot_dimension_numbers<[1], [0], [0], [1], [0, 0, 1, 1], [], []>, transpose_lhs_hint = false} : vector<2x128xf32>, vector<128x128xf32>, vector<2x128xf32> -> vector<2x128xf32>
      %get3A_190 = arith.constant 0 : index
      %get3A_191 = arith.constant 0 : index
      %get3A_192 = vector.load %arg9[%get3A_190, %get3A_191] : memref<1x128xf32, #tpu.memory_space<vmem>>, vector<1x128xf32>
      %add3A_193 = vector.broadcast %get3A_192 : vector<1x128xf32> to vector<2x128xf32>
      %add3A_194 = arith.addf %dot_general3A_189, %add3A_193 : vector<2x128xf32>
      %max3A_195 = arith.constant 0.000000e+00 : f32
      %max3A_196 = vector.broadcast %max3A_195 : f32 to vector<2x128xf32>
      %max3A_197 = arith.maximumf %add3A_194, %max3A_196 : vector<2x128xf32>
      %slice3A_198 = vector.extract_strided_slice %max3A_197 {offsets = [0, 0], sizes = [1, 128], strides = [1, 1]} : vector<2x128xf32> to vector<1x128xf32>
      %get3A_199 = arith.constant 0 : index
      %get3A_200 = arith.constant 0 : index
      %get3A_201 = vector.load %arg10[%get3A_199, %get3A_200] : memref<256x10xf32, #tpu.memory_space<vmem>>, vector<128x10xf32>
      %dot_general3A_202 = arith.constant dense<0.000000e+00> : vector<1x10xf32>
      %dot_general3A_203 = tpu.matmul %slice3A_198, %get3A_201, %dot_general3A_202 {dimension_numbers = #tpu.dot_dimension_numbers<[1], [0], [0], [1], [0, 0, 1, 1], [], []>, transpose_lhs_hint = false} : vector<1x128xf32>, vector<128x10xf32>, vector<1x10xf32> -> vector<1x10xf32>
      %slice3A_204 = vector.extract_strided_slice %max3A_197 {offsets = [1, 0], sizes = [1, 128], strides = [1, 1]} : vector<2x128xf32> to vector<1x128xf32>
      %get3A_205 = arith.constant 128 : index
      %get3A_206 = arith.constant 0 : index
      %get3A_207 = vector.load %arg10[%get3A_205, %get3A_206] : memref<256x10xf32, #tpu.memory_space<vmem>>, vector<128x10xf32>
      %dot_general3A_208 = arith.constant dense<0.000000e+00> : vector<1x10xf32>
      %dot_general3A_209 = tpu.matmul %slice3A_204, %get3A_207, %dot_general3A_208 {dimension_numbers = #tpu.dot_dimension_numbers<[1], [0], [0], [1], [0, 0, 1, 1], [], []>, transpose_lhs_hint = false} : vector<1x128xf32>, vector<128x10xf32>, vector<1x10xf32> -> vector<1x10xf32>
      %add3A_210 = arith.addf %dot_general3A_203, %dot_general3A_209 : vector<1x10xf32>
      %get3A_211 = arith.constant 0 : index
      %get3A_212 = arith.constant 0 : index
      %get3A_213 = vector.load %arg11[%get3A_211, %get3A_212] : memref<1x10xf32, #tpu.memory_space<vmem>>, vector<1x10xf32>
      %add3A_214 = arith.addf %add3A_210, %get3A_213 : vector<1x10xf32>
      %max3A_215 = arith.constant 0.000000e+00 : f32
      %max3A_216 = vector.broadcast %max3A_215 : f32 to vector<1x10xf32>
      %max3A_217 = arith.maximumf %add3A_214, %max3A_216 : vector<1x10xf32>
      %get3A_218 = arith.constant 0 : index
      %get3A_219 = arith.constant 0 : index
      %get3A_220 = vector.load %arg12[%get3A_218, %get3A_219] : memref<10x10xf32, #tpu.memory_space<vmem>>, vector<10x10xf32>
      %dot_general3A_221 = arith.constant dense<0.000000e+00> : vector<1x10xf32>
      %dot_general3A_222 = tpu.matmul %max3A_217, %get3A_220, %dot_general3A_221 {dimension_numbers = #tpu.dot_dimension_numbers<[1], [0], [0], [1], [0, 0, 1, 1], [], []>, transpose_lhs_hint = false} : vector<1x10xf32>, vector<10x10xf32>, vector<1x10xf32> -> vector<1x10xf32>
      %get3A_223 = arith.constant 0 : index
      %get3A_224 = arith.constant 0 : index
      %get3A_225 = vector.load %arg13[%get3A_223, %get3A_224] : memref<1x10xf32, #tpu.memory_space<vmem>>, vector<1x10xf32>
      %add3A_226 = arith.addf %dot_general3A_222, %get3A_225 : vector<1x10xf32>
      %max3A_227 = arith.constant 0.000000e+00 : f32
      %max3A_228 = vector.broadcast %max3A_227 : f32 to vector<1x10xf32>
      %max3A_229 = arith.maximumf %add3A_226, %max3A_228 : vector<1x10xf32>
      %get3A_230 = arith.constant 0 : index
      %get3A_231 = arith.constant 0 : index
      %get3A_232 = vector.load %arg14[%get3A_230, %get3A_231] : memref<10x1xf32, #tpu.memory_space<vmem>>, vector<10x1xf32>
      %dot_general3A_233 = arith.constant dense<0.000000e+00> : vector<1x1xf32>
      %dot_general3A_234 = tpu.matmul %max3A_229, %get3A_232, %dot_general3A_233 {dimension_numbers = #tpu.dot_dimension_numbers<[1], [0], [0], [1], [0, 0, 1, 1], [], []>, transpose_lhs_hint = false} : vector<1x10xf32>, vector<10x1xf32>, vector<1x1xf32> -> vector<1x1xf32>
      %get3A_235 = arith.constant 0 : index
      %get3A_236 = arith.constant 0 : index
      %get3A_237 = vector.load %arg15[%get3A_235, %get3A_236] : memref<1x1xf32, #tpu.memory_space<vmem>>, vector<1x1xf32>
      %add3A_238 = arith.addf %dot_general3A_234, %get3A_237 : vector<1x1xf32>
      %neg3A = arith.constant 0.000000e+00 : f32
      %neg3A_239 = vector.broadcast %neg3A : f32 to vector<1x1xf32>
      %neg3A_240 = arith.subf %neg3A_239, %add3A_238 : vector<1x1xf32>
      %exp3A = math.exp %neg3A_240 : vector<1x1xf32>
      %add3A_241 = arith.constant 1.000000e+00 : f32
      %add3A_242 = vector.broadcast %add3A_241 : f32 to vector<1x1xf32>
      %add3A_243 = arith.addf %add3A_242, %exp3A : vector<1x1xf32>
      %div3A = arith.constant 1.000000e+00 : f32
      %div3A_244 = vector.broadcast %div3A : f32 to vector<1x1xf32>
      %div3A_245 = arith.divf %div3A_244, %add3A_243 : vector<1x1xf32>
      %swap3A = arith.constant 0 : index
      %swap3A_246 = arith.constant 0 : index
      %swap3A_247 = vector.load %arg16[%swap3A, %swap3A_246] : memref<1x1xf32, #tpu.memory_space<vmem>>, vector<1x1xf32>
      tpu.vector_store %arg16[%swap3A, %swap3A_246], %div3A_245 {strides = array<i32>} : memref<1x1xf32, #tpu.memory_space<vmem>>, vector<1x1xf32>,
    } else {
    }
    return
  }
  func.func @transform_0(%arg0: i32) -> (i32, i32, i32, i32) {
    %c0_i32 = arith.constant 0 : i32
    %c0_i32_0 = arith.constant 0 : i32
    %c0_i32_1 = arith.constant 0 : i32
    %c0_i32_2 = arith.constant 0 : i32
    return %c0_i32, %arg0, %c0_i32_0, %c0_i32_1 : i32, i32, i32, i32
  }
  func.func @transform_1(%arg0: i32) -> (i32, i32, i32) {
    %c0_i32 = arith.constant 0 : i32
    %c0_i32_0 = arith.constant 0 : i32
    %c0_i32_1 = arith.constant 0 : i32
    return %arg0, %c0_i32, %c0_i32_0 : i32, i32, i32
  }
  func.func @transform_2(%arg0: i32) -> (i32, i32) {
    %c0_i32 = arith.constant 0 : i32
    %c0_i32_0 = arith.constant 0 : i32
    %c0_i32_1 = arith.constant 0 : i32
    return %c0_i32, %c0_i32_0 : i32, i32
  }
  func.func @transform_3(%arg0: i32) -> (i32, i32) {
    %c0_i32 = arith.constant 0 : i32
    %c0_i32_0 = arith.constant 0 : i32
    %c0_i32_1 = arith.constant 0 : i32
    return %c0_i32, %c0_i32_0 : i32, i32
  }
  func.func @transform_4(%arg0: i32) -> (i32, i32) {
    %c0_i32 = arith.constant 0 : i32
    %c0_i32_0 = arith.constant 0 : i32
    %c0_i32_1 = arith.constant 0 : i32
    return %c0_i32, %c0_i32_0 : i32, i32
  }
  func.func @transform_5(%arg0: i32) -> (i32, i32) {
    %c0_i32 = arith.constant 0 : i32
    %c0_i32_0 = arith.constant 0 : i32
    %c0_i32_1 = arith.constant 0 : i32
    return %c0_i32, %c0_i32_0 : i32, i32
  }
  func.func @transform_6(%arg0: i32) -> (i32, i32) {
    %c0_i32 = arith.constant 0 : i32
    %c0_i32_0 = arith.constant 0 : i32
    %c0_i32_1 = arith.constant 0 : i32
    return %c0_i32, %c0_i32_0 : i32, i32
  }
  func.func @transform_7(%arg0: i32) -> (i32, i32) {
    %c0_i32 = arith.constant 0 : i32
    %c0_i32_0 = arith.constant 0 : i32
    %c0_i32_1 = arith.constant 0 : i32
    return %c0_i32, %c0_i32_0 : i32, i32
  }
  func.func @transform_8(%arg0: i32) -> (i32, i32) {
    %c0_i32 = arith.constant 0 : i32
    %c0_i32_0 = arith.constant 0 : i32
    %c0_i32_1 = arith.constant 0 : i32
    return %c0_i32, %c0_i32_0 : i32, i32
  }
  func.func @transform_9(%arg0: i32) -> (i32, i32) {
    %c0_i32 = arith.constant 0 : i32
    %c0_i32_0 = arith.constant 0 : i32
    %c0_i32_1 = arith.constant 0 : i32
    return %c0_i32, %c0_i32_0 : i32, i32
  }
  func.func @transform_10(%arg0: i32) -> (i32, i32) {
    %c0_i32 = arith.constant 0 : i32
    %c0_i32_0 = arith.constant 0 : i32
    %c0_i32_1 = arith.constant 0 : i32
    return %c0_i32, %c0_i32_0 : i32, i32
  }
  func.func @transform_11(%arg0: i32) -> (i32, i32) {
    %c0_i32 = arith.constant 0 : i32
    %c0_i32_0 = arith.constant 0 : i32
    %c0_i32_1 = arith.constant 0 : i32
    return %c0_i32, %c0_i32_0 : i32, i32
  }
  func.func @transform_12(%arg0: i32) -> (i32, i32) {
    %c0_i32 = arith.constant 0 : i32
    %c0_i32_0 = arith.constant 0 : i32
    %c0_i32_1 = arith.constant 0 : i32
    return %c0_i32, %c0_i32_0 : i32, i32
  }
  func.func @transform_13(%arg0: i32) -> (i32, i32) {
    %c0_i32 = arith.constant 0 : i32
    %c0_i32_0 = arith.constant 0 : i32
    %c0_i32_1 = arith.constant 0 : i32
    return %c0_i32, %c0_i32_0 : i32, i32
  }
  func.func @transform_14(%arg0: i32) -> (i32, i32) {
    %c0_i32 = arith.constant 0 : i32
    %c0_i32_0 = arith.constant 0 : i32
    %c0_i32_1 = arith.constant 0 : i32
    return %c0_i32, %c0_i32_0 : i32, i32
  }
  func.func @transform_15(%arg0: i32) -> (i32, i32) {
    %c0_i32 = arith.constant 0 : i32
    %c0_i32_0 = arith.constant 0 : i32
    %c0_i32_1 = arith.constant 0 : i32
    return %c0_i32, %c0_i32_0 : i32, i32
  }
}

</mosaic_0001>

<sc_bundles>
// kernel: kernel.12.cloned.1.call-start
scs
__scs_entry_jumppad:
0x0: {  	(pc) =	sbr.rel $0x88, $3  }
0x1: {  	(tag) =	ssettag $0x0;
	lr =	simm.s32 $0x1  }
0x2: {  	[smem:$0x3F87] =	sst lr;
	_ =	strace $0xD0000000  }
0x3: {  	_ = 	snop  }
0x4: {  	_ = 	snop  }
0x5: {  	_ = 	snop  }
0x6: {  	_ = 	snop  }
0x7: {  	_ = 	snop  }
__scs_overlays_trampoline_lowered:
0x8: {  	[smem:$0x3F96] =	sst s0  }
0x9: {  	[smem:$0x3F97] =	sst s1  }
0xa: {  	[smem:$0x3F98] =	sst s2  }
0xb: {  	[smem:$0x3F99] =	sst s3  }
0xc: {  	[smem:$0x3F9A] =	sst s4  }
0xd: {  	[smem:$0x3F9B] =	sst s5  }
0xe: {  	[smem:$0x3F9C] =	sst s6  }
0xf: {  	[smem:$0x3F9D] =	sst s7  }
0x10: {  	[smem:$0x3F9E] =	sst s8  }
0x11: {  	[smem:$0x3F9F] =	sst s9;
	s0 =	simm.s32 @!p0 $0x0  }
0x12: {  	s1 =	sld [smem:$0x3F85];
	s0 =	simm.s32 @p0 $0x1  }
0x13: {  	[smem:$0x3FA0] =	sst s0;
	s0 =	simm.s32 @!p1 $0x0  }
0x14: {  	s2 =	sld [smem:$0x3F84];
	s0 =	simm.s32 @p1 $0x1  }
0x15: {  	[smem:$0x3FA1] =	sst s0;
	s0 =	simm.s32 @!p2 $0x0  }
0x16: {  	s3 =	sld [smem:$0x3FDB];
	s0 =	simm.s32 @p2 $0x1  }
0x17: {  	s4 =	simm.s32 $0x1BF5;
	[smem:$0x3FA3] =	sst s0  }
0x18: {  	s0 =	sld [smem:$0x3F86];
	_ =	swait.ge [sflag:s4], $0x0  }
0x19: {  	s7 =	sld [smem:$0x3F87]  }
0x1a: {  	s8 =	sadd.s32 $0xFFFFE003, lr  }
0x1b: {  	s9 =	sadd.s32 $0xFFFFFEF7, lr;
	s5 =	simm.s32 $0xFFFFFFFF;
	p2 =	slt.u32 s8, $0xFFFFF086  }
0x1c: {  	p1 =	slt.u32 s9, $0xF7A;
	s5 =	simm.s32 @!p2 $0x0  }
0x1d: {  	s5 =	simm.s32 @p1 $0x1;
	p0 =	seq.s32 s7, s2  }
0x1e: {  	s7 =	smul.u32 @!p0 $0xF7A, s2;
	p2 =	seq.s32 @!p0 s5, $0x0  }
0x1f: {  	s9 =	smul.u32 $0xF7A, s1;
	s8 =	simm.s32 @!p0 $0x1BF5;
	p2 =	por !p2, p0  }
0x20: {  	[sflag:s8] =	ssyncset.s32 @!p0 $0xFFFFF086;
	s6 =	sadd.s32 @!p0 s3, s7;
	s7 =	simm.s32 @!p0 $0x108  }
0x21: {  	s3 =	sadd.s32 s3, s9;
	s6 =	sadd.s32 @!p0 $0x88, s6;
	s7 =	simm.s32 @p2 $0x1082  }
0x22: {  	[simem:s7], [sflag:s8] =	dma.local @!p0 [hbm:s6], $0xF7A  }
0x23: {  	s9 =	sor.u32 $0xD0000000, s2;
	s6 =	simm.s32 $0x108;
	_ =	swait.ge @!p0 [sflag:s8], $0x0  }
0x24: {  	s3 =	sadd.s32 $0x88, s3;
	s6 =	simm.s32 @!p1 $0x1082;
	[sflag:s4] =	ssyncset.s32 $0xFFFFF086  }
0x25: {  	[simem:s6], [sflag:s4] =	dma.local [hbm:s3], $0xF7A  }
0x26: {  	[smem:$0x3F87] =	sst s1;
	(tag) =	ssettag s2;
	_ =	strace s9  }
0x27: {  	s1 =	sld [smem:$0x3F97]  }
0x28: {  	s2 =	sld [smem:$0x3F98]  }
0x29: {  	s4 =	sld [smem:$0x3F9A]  }
0x2a: {  	p0 =	seq.s32 s5, $0x0;
	s5 =	sld [smem:$0x3F9B]  }
0x2b: {  	s6 =	sld [smem:$0x3F9C]  }
0x2c: {  	s7 =	sld [smem:$0x3F9D]  }
0x2d: {  	s3 =	simm.s32 $0x108;
	s8 =	sld [smem:$0x3F9E]  }
0x2e: {  	s3 =	simm.s32 @!p0 $0x1082;
	s9 =	sld [smem:$0x3F9F]  }
0x2f: {  	lr =	sadd.s32 s0, s3;
	s0 =	sld [smem:$0x3F96]  }
0x30: {  	s3 =	sld [smem:$0x3F99]  }
0x31: {  	[smem:$0x3FA2] =	sst s10  }
0x32: {  	s10 =	sld [smem:$0x3FA0];
	_ =	sdelay $0x3  }
0x33: {  	p0 =	seq.s32 s10, $0x1;
	s10 =	sld [smem:$0x3FA2];
	_ =	sdelay $0x3  }
0x34: {  	[smem:$0x3FA2] =	sst s10  }
0x35: {  	s10 =	sld [smem:$0x3FA1];
	_ =	sdelay $0x3  }
0x36: {  	p1 =	seq.s32 s10, $0x1;
	s10 =	sld [smem:$0x3FA2];
	_ =	sdelay $0x3  }
0x37: {  	[smem:$0x3FA2] =	sst s10  }
0x38: {  	s10 =	sld [smem:$0x3FA3]  }
0x39: {  	_ = 	snop;
	(pc) =	sbr.ind lr, $3  }
0x3a: {  	_ = 	snop  }
0x3b: {  	_ = 	snop  }
0x3c: {  	p2 =	seq.s32 s10, $0x1;
	s10 =	sld [smem:$0x3FA2]  }
0x3d: {  	_ =	shalt  }
0x3e: {  	_ =	shalt  }
0x3f: {  	_ =	shalt  }
0x40: {  	_ =	shalt  }
0x41: {  	_ =	shalt  }
0x42: {  	_ =	shalt  }
0x43: {  	_ =	shalt  }
0x44: {  	_ =	shalt  }
0x45: {  	_ =	shalt  }
0x46: {  	_ =	shalt  }
0x47: {  	_ =	shalt  }
0x48: {  	_ =	shalt  }
0x49: {  	_ =	shalt  }
0x4a: {  	_ =	shalt  }
0x4b: {  	_ =	shalt  }
0x4c: {  	_ =	shalt  }
0x4d: {  	_ =	shalt  }
0x4e: {  	_ =	shalt  }
0x4f: {  	_ =	shalt  }
0x50: {  	_ =	shalt  }
0x51: {  	_ =	shalt  }
0x52: {  	_ =	shalt  }
0x53: {  	_ =	shalt  }
0x54: {  	_ =	shalt  }
0x55: {  	_ =	shalt  }
0x56: {  	_ =	shalt  }
0x57: {  	_ =	shalt  }
0x58: {  	_ =	shalt  }
0x59: {  	_ =	shalt  }
0x5a: {  	_ =	shalt  }
0x5b: {  	_ =	shalt  }
0x5c: {  	_ =	shalt  }
0x5d: {  	_ =	shalt  }
0x5e: {  	_ =	shalt  }
0x5f: {  	_ =	shalt  }
0x60: {  	_ =	shalt  }
0x61: {  	_ =	shalt  }
0x62: {  	_ =	shalt  }
0x63: {  	_ =	shalt  }
0x64: {  	_ =	shalt  }
0x65: {  	_ =	shalt  }
0x66: {  	_ =	shalt  }
0x67: {  	_ =	shalt  }
0x68: {  	_ =	shalt  }
0x69: {  	_ =	shalt  }
0x6a: {  	_ =	shalt  }
0x6b: {  	_ =	shalt  }
0x6c: {  	_ =	shalt  }
0x6d: {  	_ =	shalt  }
0x6e: {  	_ =	shalt  }
0x6f: {  	_ =	shalt  }
0x70: {  	_ =	shalt  }
0x71: {  	_ =	shalt  }
0x72: {  	_ =	shalt  }
0x73: {  	_ =	shalt  }
0x74: {  	_ =	shalt  }
0x75: {  	_ =	shalt  }
0x76: {  	_ =	shalt  }
0x77: {  	_ =	shalt  }
0x78: {  	_ =	shalt  }
0x79: {  	_ =	shalt  }
0x7a: {  	_ =	shalt  }
0x7b: {  	_ =	shalt  }
0x7c: {  	_ =	shalt  }
0x7d: {  	_ =	shalt  }
0x7e: {  	_ =	shalt  }
0x7f: {  	_ =	shalt  }
0x80: {  	_ =	shalt  }
0x81: {  	_ =	shalt  }
0x82: {  	_ =	shalt  }
0x83: {  	_ =	shalt  }
0x84: {  	_ =	shalt  }
0x85: {  	_ =	shalt  }
0x86: {  	_ =	shalt  }
0x87: {  	_ =	shalt  }
.Lfunc_end0:
.L_simem_size_0:
called_computation_lowered:
.L_overlay_start_0:
0x88: {  	s2 =	sld [smem:$0x3FD9]  }
0x89: {  	s3 =	sld [smem:$0x3FFE];
	_ =	sdelay $0x1  }
0x8a: {  	s1 =	srdreg.scid  }
0x8b: {  	s0 =	sand.u32 $0x1, s1  }
0x8c: {  	s16 =	sshll.u32 s0, $0xA;
	s2 =	sadd.s32 s3, s2  }
0x8d: {  	s2 =	sadd.s32 s2, s16  }
0x8e: {  	[smem:$0x3FAE] =	sst s2  }
0x8f: {  	_ = 	snop  }
0x90: {  	(tm) =	ssettm $0x1  }
0x91: {  	s17 =	sld [smem:$0x3FFB];
	_ =	sdelay $0x3  }
0x92: {  	_ =	strace s17  }
0x93: {  	s2 =	sld [smem:$0x3FFC];
	_ =	sdelay $0x3  }
0x94: {  	_ =	strace s2  }
0x95: {  	s2 =	sld [smem:$0x3FFD];
	_ =	sdelay $0x3  }
0x96: {  	_ =	strace s2  }
0x97: {  	_ =	strace $0x8FFFFFFF  }
0x98: {  	s18 =	sld [smem:$0x3FDB];
	_ =	sdelay $0x1  }
0x99: {  	s19 =	simm.s32 $_scs_section_size  }
0x9a: {  	s4 =	simm.s32 $_size__tile_overlayer_lowered;
	s5 =	simm.s32 $_tile_overlayer_lowered  }
0x9b: {  	s22 =	simm.s32 $0x1BFF;
	s21 =	sshll.u32 s5, $0x1;
	s2 =	sadd.s32 s19, s18  }
0x9c: {  	s6 =	simm.s32 $0x0;
	s20 =	sshll.u32 s4, $0x1;
	s4 =	sadd.s32 s21, s2  }
0x9d: {  	[timem:s6], [sflag:s22] =	dma.local [hbm:s4], s20  }
0x9e: {  	_ =	swait.ge [sflag:s22], s20  }
0x9f: {  	s3 =	ssub.s32 $0x0, s20;
	[sflag:s22] =	ssyncset.done $0x0  }
0xa0: {  	[sflag:s22] =	ssyncadd.s32 s3;
	_ =	sdelay $0x1  }
0xa1: {  	s23 =	simm.s32 $0x1B8B  }
0xa2: {  	_ =	swait.ge [sflag:s23], $0x1  }
0xa3: {  	[sflag:s23] =	ssyncset.done $0x0  }
0xa4: {  	s25 =	simm.s32 $0x1B8E;
	s24 =	sld [smem:$0x3FFE];
	[sflag:s23] =	ssyncadd.s32 $0xFFFFFFFF  }
0xa5: {  	s26 =	simm.s32 $execute0_lowered;
	[smem:$0x3FD2] =	sst s25  }
0xa6: {  	s4 =	sshll.u32 s26, $0x1;
	_ =	strace $0x80000046;
	[dreg:$0x1] =	wrdreg $0xFFFFFFFF  }
0xa7: {  	s28 =	simm.s32 $_size_execute0_lowered;
	s2 =	sadd.s32 s2, s4;
	[dreg:$0x0] =	wrdreg $0x0  }
0xa8: {  	s4 =	sshll.u32 s28, $0x1;
	[dreg:$0x2] =	wrdreg s2  }
0xa9: {  	[dreg:$0x3] =	wrdreg s4  }
0xaa: {  	[dreg:$0x4] =	wrdreg $0xC0  }
0xab: {  	_ =	task [dreg:s6], $0x5FFFF  }
0xac: {  	[dreg:$0x1] =	wrdreg $0xFFFFFFFF  }
0xad: {  	[dreg:$0x0] =	wrdreg $0x60  }
0xae: {  	[dreg:$0x2] =	wrdreg s24  }
0xaf: {  	[dreg:$0x3] =	wrdreg $0xA0000  }
0xb0: {  	[dreg:$0x4] =	wrdreg $0x0  }
0xb1: {  	[dreg:$0x5] =	wrdreg $0x9  }
0xb2: {  	_ =	task.clear_ibuf [dreg:s6], $0x6FFFF;
	_ =	strace $0x90000046  }
0xb3: {  	s29 =	simm.s32 $0x9;
	_ =	strace $0x80000048  }
0xb4: {  	_ =	swait.ge [sflag:s29], $0x1  }
0xb5: {  	[sflag:s29] =	ssyncadd.s32 $0xFFFFFFFF  }
0xb6: {  	_ =	strace $0x90000048  }
0xb7: {  	_ =	sfence  }
0xb8: {  	s30 =	sld [smem:$0x0];
	_ =	sdelay $0x2  }
0xb9: {  	s31 =	sshll.u32 s1, $0xD;
	s1 =	sshrl.u32 s1, $0x2  }
0xba: {  	s3 =	sand.u32 $0x4000, s31;
	s1 =	sadd.s32 s1, s30  }
0xbb: {  	s0 =	sor.u32 s3, s0;
	s1 =	sshll.u32 s1, $0x11  }
0xbc: {  	s0 =	sor.u32 s1, s0  }
0xbd: {  	s0 =	sadd.s32 $0x8F2B, s0  }
0xbe: {  	[sflag:s0] =	ssyncadd.remote.s32 $0x1  }
0xbf: {  	_ =	sfence.sel $0xFFFF  }
0xc0: {  	[dreg:$0x0] =	wrdreg $0xFFFFFFFF;
	(pc) =	sbr.abs _section_cstart, $3  }
0xc1: {  	[dreg:$0x1] =	wrdreg $0xFFFFFFFF  }
0xc2: {  	_ =	task.clear_ibuf [dreg:s6], $0x2FFFF;
	_ =	strace $0x9FFFFFFF  }
0xc3: {  	(tm) =	ssettm $0x7FFFFFFF  }
tec
execute0_lowered:
.L_overlay_start_1:
0x0: {  	(tag) =	ssettag $0x1  }
0x1: {  	s0 =	srdreg.scid;
	s1 =	rddreg [dreg:$0x0]  }
0x2: {  	s2 =	rddreg [dreg:$0x1];
	s11 =	stileid.u32  }
0x3: {  	s3 =	rddreg [dreg:$0x2];
	s20 =	simm.s32 $0x14000;
	s28 =	simm.s32 $0x80  }
0x4: {  	s29 =	simm.s32 $0x19100;
	s31 =	simm.s32 $0x1A100;
	s5 =	smul.u32 $0xA000, s11  }
0x5: {  	s30 =	simm.s32 $0x4;
	s0 =	sand.u32 $0x1, s0;
	s10 =	smul.u32 $0x28000, s11  }
0x6: {  	s4 =	sshll.u32 s0, $0x4;
	s8 =	smul.u32 $0xA0000, s0;
	s0 =	ssub.s32 $0x2, s0  }
0x7: {  	s6 =	sor.u32 s11, s4;
	s4 =	simm.s32 $0x0;
	s7 =	sshrl.u32 s5, $0x3  }
0x8: {  	s9 =	sshrl.u32 s0, $0x1;
	s22 =	sadd.s32 s5, s2;
	s23 =	sshrl.u32 s10, $0x2  }
0x9: {  	s10 =	sadd.s32 s5, s3;
	s6 =	smul.u32 $0x510, s6;
	[smem:$0x7FF] =	sst s4  }
0xa: {  	s7 =	sadd.s32 s7, s1;
	s8 =	sadd.s32 s5, s8;
	s0 =	ssub.s32 s0, s9  }
0xb: {  	s24 =	sadd.s32 s23, s3;
	s22 =	sshrl.u32 s22, $0x3;
	s23 =	simm.s32 $0x1  }
0xc: {  	s5 =	simm.s32 $0x0;
	_ =	strace $0x80000047;
	s8 =	sshrl.u32 s8, $0x3  }
0xd: {  	s7 =	sadd.s32 $0xBA400, s7;
	s26 =	sadd.s32 $0x1400, s24;
	s12 =	sadd.s32 $0x2800, s24  }
0xe: {  	s13 =	sadd.s32 $0x3C00, s24;
	s14 =	sadd.s32 $0x5000, s24;
	s15 =	sadd.s32 $0x6400, s24  }
0xf: {  	s16 =	sadd.s32 $0x7800, s24;
	s17 =	sadd.s32 $0x8C00, s24;
	s19 =	smax.u32 s0, $0x1  }
0x10: {  	s24 =	simm.s32 $0x2;
	s0 =	simm.s32 $0x1B100;
	s6 =	sadd.s32 s6, s1  }
0x11: {  	s1 =	sadd.s32 s8, s1;
	[dreg:$0x6] =	wrdreg s7;
	s8 =	sshll.u32 s11, $0x6  }
0x12: {  	[dreg:$0x8] =	wrdreg s26;
	s26 =	simm.s32 $0x1C100;
	s21 =	sadd.s32 $0x9C00, s6  }
0x13: {  	s6 =	sadd.s32 $0x13E00, s6;
	s25 =	sor.u32 $0x1C03, s8;
	[dreg:$0x4] =	wrdreg s21  }
0x14: {  	s18 =	sadd.s32 $0xCE400, s1;
	s1 =	simm.s32 $0x5;
	[dreg:$0x5] =	wrdreg s6  }
0x15: {  	v0 =	vimm.f32 $0.0e+00;
	[dreg:$0x7] =	wrdreg s25;
	s21 =	simm.s32 $0x16880;
	s25 =	simm.s32 $0x3  }
.LBB2_1:
0x16: {  	s6 =	rddreg [dreg:$0x4]  }
0x17: {  	s9 =	rddreg [dreg:$0x5]  }
0x18: {  	[tilespmem:s20], [sflag:$0x1] =	stream.linear.gather [hbm4b:s6+s4], $0x2880, $0x38;
	[tilespmem:$0x1D500] =	vst v63  }
0x19: {  	s11 =	rddreg [dreg:$0x6]  }
0x1a: {  	[tilespmem:s21], [sflag:$0x2] =	stream.linear.gather [hbm4b:s9+s4], $0x2880, $0x38;
	[tilespmem:$0x1D500] =	vst v63  }
0x1b: {  	s7 =	rddreg [dreg:$0x7];
	s9 =	sand.u32 $0x7F80, s4  }
0x1c: {  	[spmem:s22], [sflag:s7] =	dma.local [hbm:s11], $0x1400  }
0x1d: {  	s11 =	sand.u32 $0x10, s4;
	s9 =	sshrl.u32 s9, $0x2  }
0x1e: {  	s6 =	simm.s32 $0x40;
	s7 =	simm.s32 $0x0;
	s9 =	sor.u32 s11, s9  }
.LBB2_2:
0x1f: {  	p0 =	sne.s32 s6, $0x4FC0  }
0x20: {  	[tilespmem:s9+$0x1C100] =	vst v0;
	s7 =	sadd.s32 $0x10, s7;
	s9 =	smov.u32 s6;
	s6 =	sadd.s32 $0x40, s6  }
.Ltmp0:
0x21: {  	(pc) =	sbr.rel @p0 .LBB2_2-.Ltmp0, $4  }
0x22: {  	_ = 	snop  }
0x23: {  	s9 =	sand.u32 $0x7F80, s9  }
0x24: {  	s11 =	sand.u32 $0x10, s7;
	s9 =	sshrl.u32 s9, $0x2  }
0x25: {  	s9 =	sor.u32 s11, s9  }
0x26: {  	[tilespmem:s9+$0x1C100] =	vst v0  }
0x27: {  	_ =	swait.ge [sflag:s23], $0x2880  }
0x28: {  	[sflag:s23] =	ssyncset.done $0x0  }
0x29: {  	[sflag:s23] =	ssyncadd.s32 $0xFFFFD780  }
0x2a: {  	_ =	swait.ge [sflag:s24], $0x2880  }
0x2b: {  	[sflag:s24] =	ssyncset.done $0x0  }
0x2c: {  	[sflag:s24] =	ssyncadd.s32 $0xFFFFD780  }
0x2d: {  	_ =	swait.ge [sflag:s25], $0x1400  }
0x2e: {  	[sflag:s25] =	ssyncset.done $0x0  }
0x2f: {  	[sflag:s25] =	ssyncadd.s32 $0xFFFFEC00  }
0x30: {  	[spmem:s10] =	stream.linear.scatter [tilespmem:s26], [sflag:$0x3], $0x1400, $0x38;
	[tilespmem:$0x1D500] =	vst v63  }
0x31: {  	s6 =	rddreg [dreg:$0x8]  }
0x32: {  	[spmem:s6] =	stream.linear.scatter [tilespmem:s26], [sflag:$0x3], $0x1400, $0x38;
	[tilespmem:$0x1D500] =	vst v63  }
0x33: {  	_ = 	snop  }
0x34: {  	[spmem:s12] =	stream.linear.scatter [tilespmem:s26], [sflag:$0x3], $0x1400, $0x38;
	[tilespmem:$0x1D500] =	vst v63  }
0x35: {  	_ = 	snop  }
0x36: {  	[spmem:s13] =	stream.linear.scatter [tilespmem:s26], [sflag:$0x3], $0x1400, $0x38;
	[tilespmem:$0x1D500] =	vst v63  }
0x37: {  	_ = 	snop  }
0x38: {  	[spmem:s14] =	stream.linear.scatter [tilespmem:s26], [sflag:$0x3], $0x1400, $0x38;
	[tilespmem:$0x1D500] =	vst v63  }
0x39: {  	_ = 	snop  }
0x3a: {  	[spmem:s15] =	stream.linear.scatter [tilespmem:s26], [sflag:$0x3], $0x1400, $0x38;
	[tilespmem:$0x1D500] =	vst v63  }
0x3b: {  	_ = 	snop  }
0x3c: {  	[spmem:s16] =	stream.linear.scatter [tilespmem:s26], [sflag:$0x3], $0x1400, $0x38;
	[tilespmem:$0x1D500] =	vst v63  }
0x3d: {  	_ = 	snop  }
0x3e: {  	[spmem:s17] =	stream.linear.scatter [tilespmem:s26], [sflag:$0x3], $0x1400, $0x38;
	[tilespmem:$0x1D500] =	vst v63  }
0x3f: {  	_ =	swait.ge [sflag:s25], $0x1400  }
0x40: {  	[sflag:s25] =	ssyncset.done $0x0  }
0x41: {  	[sflag:s25] =	ssyncadd.s32 $0xFFFFEC00  }
0x42: {  	_ =	swait.ge [sflag:s25], $0x1400  }
0x43: {  	[sflag:s25] =	ssyncset.done $0x0  }
0x44: {  	[sflag:s25] =	ssyncadd.s32 $0xFFFFEC00  }
0x45: {  	_ =	swait.ge [sflag:s25], $0x1400  }
0x46: {  	[sflag:s25] =	ssyncset.done $0x0  }
0x47: {  	[sflag:s25] =	ssyncadd.s32 $0xFFFFEC00  }
0x48: {  	_ =	swait.ge [sflag:s25], $0x1400  }
0x49: {  	[sflag:s25] =	ssyncset.done $0x0  }
0x4a: {  	[sflag:s25] =	ssyncadd.s32 $0xFFFFEC00  }
0x4b: {  	_ =	swait.ge [sflag:s25], $0x1400  }
0x4c: {  	[sflag:s25] =	ssyncset.done $0x0  }
0x4d: {  	[sflag:s25] =	ssyncadd.s32 $0xFFFFEC00  }
0x4e: {  	_ =	swait.ge [sflag:s25], $0x1400  }
0x4f: {  	[sflag:s25] =	ssyncset.done $0x0  }
0x50: {  	[sflag:s25] =	ssyncadd.s32 $0xFFFFEC00  }
0x51: {  	_ =	swait.ge [sflag:s25], $0x1400  }
0x52: {  	[sflag:s25] =	ssyncset.done $0x0  }
0x53: {  	[sflag:s25] =	ssyncadd.s32 $0xFFFFEC00  }
0x54: {  	_ =	swait.ge [sflag:s25], $0x1400  }
0x55: {  	[sflag:s25] =	ssyncset.done $0x0  }
0x56: {  	[sflag:s25] =	ssyncadd.s32 $0xFFFFEC00  }
0x57: {  	[bflag:$0x0] =	sbarrier.arrive $0xFFFF  }
0x58: {  	[tilespmem:s29], [sflag:$0x1] =	stream.indirect.gather [spmem:s2], $0x20, s20, s28, $0xb8;
	[tilespmem:$0x1D500] =	vst v63  }
0x59: {  	s11 =	simm.s32 $0x14080  }
0x5a: {  	[tilespmem:s31], [sflag:$0x2] =	stream.indirect.gather [spmem:s2], $0x20, s11, s28, $0xb8;
	[tilespmem:$0x1D500] =	vst v63  }
0x5b: {  	_ =	swait.ge [sflag:s23], $0x1000  }
0x5c: {  	[sflag:s23] =	ssyncset.done $0x0  }
0x5d: {  	s7 =	simm.s32 $0x14100;
	[sflag:s23] =	ssyncadd.s32 $0xFFFFF000  }
0x5e: {  	[tilespmem:s0], [sflag:$0x1] =	stream.indirect.gather [spmem:s2], $0x20, s7, s28, $0xb8;
	[tilespmem:$0x1D500] =	vst v63  }
0x5f: {  	_ = 	snop  }
0x60: {  	[spmem:s3] =	stream.indirect.scatter.add.f32 [tilespmem:s29], [sflag:$0x4], $0x20, s21, s28, $0xb8;
	[tilespmem:$0x1D500] =	vst v63  }
0x61: {  	_ =	swait.ge [sflag:s24], $0x1000  }
0x62: {  	[sflag:s24] =	ssyncset.done $0x0  }
0x63: {  	[sflag:s24] =	ssyncadd.s32 $0xFFFFF000  }
0x64: {  	_ =	swait.ge [sflag:s30], $0x1000  }
0x65: {  	[sflag:s30] =	ssyncset.done $0x0  }
0x66: {  	s9 =	simm.s32 $0x14180;
	[sflag:s30] =	ssyncadd.s32 $0xFFFFF000  }
0x67: {  	[tilespmem:s29], [sflag:$0x2] =	stream.indirect.gather [spmem:s2], $0x20, s9, s28, $0xb8;
	[tilespmem:$0x1D500] =	vst v63  }
0x68: {  	s11 =	simm.s32 $0x16900  }
0x69: {  	[spmem:s3] =	stream.indirect.scatter.add.f32 [tilespmem:s31], [sflag:$0x4], $0x20, s11, s28, $0xb8;
	[tilespmem:$0x1D500] =	vst v63  }
0x6a: {  	_ =	swait.ge [sflag:s23], $0x1000  }
0x6b: {  	[sflag:s23] =	ssyncset.done $0x0  }
0x6c: {  	[sflag:s23] =	ssyncadd.s32 $0xFFFFF000  }
0x6d: {  	_ =	swait.ge [sflag:s30], $0x1000  }
0x6e: {  	[sflag:s30] =	ssyncset.done $0x0  }
0x6f: {  	s7 =	simm.s32 $0x14200;
	[sflag:s30] =	ssyncadd.s32 $0xFFFFF000  }
0x70: {  	[tilespmem:s31], [sflag:$0x1] =	stream.indirect.gather [spmem:s2], $0x20, s7, s28, $0xb8;
	[tilespmem:$0x1D500] =	vst v63  }
0x71: {  	s9 =	simm.s32 $0x16980  }
0x72: {  	[spmem:s3] =	stream.indirect.scatter.add.f32 [tilespmem:s0], [sflag:$0x4], $0x20, s9, s28, $0xb8;
	[tilespmem:$0x1D500] =	vst v63  }
0x73: {  	_ =	swait.ge [sflag:s24], $0x1000  }
0x74: {  	[sflag:s24] =	ssyncset.done $0x0  }
0x75: {  	[sflag:s24] =	ssyncadd.s32 $0xFFFFF000  }
0x76: {  	_ =	swait.ge [sflag:s30], $0x1000  }
0x77: {  	[sflag:s30] =	ssyncset.done $0x0  }
0x78: {  	s11 =	simm.s32 $0x14280;
	[sflag:s30] =	ssyncadd.s32 $0xFFFFF000  }
0x79: {  	[tilespmem:s0], [sflag:$0x2] =	stream.indirect.gather [spmem:s2], $0x20, s11, s28, $0xb8;
	[tilespmem:$0x1D500] =	vst v63  }
0x7a: {  	s7 =	simm.s32 $0x16A00  }
0x7b: {  	[spmem:s3] =	stream.indirect.scatter.add.f32 [tilespmem:s29], [sflag:$0x4], $0x20, s7, s28, $0xb8;
	[tilespmem:$0x1D500] =	vst v63  }
0x7c: {  	_ =	swait.ge [sflag:s23], $0x1000  }
0x7d: {  	[sflag:s23] =	ssyncset.done $0x0  }
0x7e: {  	[sflag:s23] =	ssyncadd.s32 $0xFFFFF000  }
0x7f: {  	_ =	swait.ge [sflag:s30], $0x1000  }
0x80: {  	[sflag:s30] =	ssyncset.done $0x0  }
0x81: {  	s9 =	simm.s32 $0x14300;
	[sflag:s30] =	ssyncadd.s32 $0xFFFFF000  }
0x82: {  	[tilespmem:s29], [sflag:$0x1] =	stream.indirect.gather [spmem:s2], $0x20, s9, s28, $0xb8;
	[tilespmem:$0x1D500] =	vst v63  }
0x83: {  	s11 =	simm.s32 $0x16A80  }
0x84: {  	[spmem:s3] =	stream.indirect.scatter.add.f32 [tilespmem:s31], [sflag:$0x4], $0x20, s11, s28, $0xb8;
	[tilespmem:$0x1D500] =	vst v63  }
0x85: {  	_ =	swait.ge [sflag:s24], $0x1000  }
0x86: {  	[sflag:s24] =	ssyncset.done $0x0  }
0x87: {  	[sflag:s24] =	ssyncadd.s32 $0xFFFFF000  }
0x88: {  	_ =	swait.ge [sflag:s30], $0x1000  }
0x89: {  	[sflag:s30] =	ssyncset.done $0x0  }
0x8a: {  	s7 =	simm.s32 $0x14380;
	[sflag:s30] =	ssyncadd.s32 $0xFFFFF000  }
0x8b: {  	[tilespmem:s31], [sflag:$0x2] =	stream.indirect.gather [spmem:s2], $0x20, s7, s28, $0xb8;
	[tilespmem:$0x1D500] =	vst v63  }
0x8c: {  	s9 =	simm.s32 $0x16B00  }
0x8d: {  	[spmem:s3] =	stream.indirect.scatter.add.f32 [tilespmem:s0], [sflag:$0x4], $0x20, s9, s28, $0xb8;
	[tilespmem:$0x1D500] =	vst v63  }
0x8e: {  	_ =	swait.ge [sflag:s23], $0x1000  }
0x8f: {  	[sflag:s23] =	ssyncset.done $0x0  }
0x90: {  	[sflag:s23] =	ssyncadd.s32 $0xFFFFF000  }
0x91: {  	_ =	swait.ge [sflag:s30], $0x1000  }
0x92: {  	s6 =	simm.s32 $0xC00;
	[sflag:s30] =	ssyncset.done $0x0  }
0x93: {  	s11 =	simm.s32 $0x14400;
	s7 =	simm.s32 $0x16B80;
	[sflag:s30] =	ssyncadd.s32 $0xFFFFF000  }
0x94: {  	[tilespmem:s0], [sflag:$0x1] =	stream.indirect.gather [spmem:s2], $0x20, s11, s28, $0xb8;
	[tilespmem:$0x1D500] =	vst v63  }
.LBB2_4:
0x95: {  	[spmem:s3] =	stream.indirect.scatter.add.f32 [tilespmem:s29], [sflag:$0x4], $0x20, s7, s28, $0xb8;
	[tilespmem:$0x1D500] =	vst v63  }
0x96: {  	s7 =	smov.u32 s6  }
0x97: {  	p0 =	sne.s32 s6, $0x9000;
	s6 =	sadd.s32 $0xC00, s6;
	_ =	swait.ge [sflag:s24], $0x1000  }
0x98: {  	[sflag:s24] =	ssyncset.done $0x0  }
0x99: {  	[sflag:s24] =	ssyncadd.s32 $0xFFFFF000  }
0x9a: {  	_ =	swait.ge [sflag:s30], $0x1000  }
0x9b: {  	s7 =	sshra.s32 s7, $0x2;
	[sflag:s30] =	ssyncset.done $0x0  }
0x9c: {  	s9 =	sadd.s32 $0x14180, s7;
	[sflag:s30] =	ssyncadd.s32 $0xFFFFF000  }
0x9d: {  	[tilespmem:s29], [sflag:$0x2] =	stream.indirect.gather [spmem:s2], $0x20, s9, s28, $0xb8;
	[tilespmem:$0x1D500] =	vst v63  }
0x9e: {  	s9 =	sadd.s32 $0x16900, s7  }
0x9f: {  	[spmem:s3] =	stream.indirect.scatter.add.f32 [tilespmem:s31], [sflag:$0x4], $0x20, s9, s28, $0xb8;
	[tilespmem:$0x1D500] =	vst v63  }
0xa0: {  	_ =	swait.ge [sflag:s23], $0x1000  }
0xa1: {  	[sflag:s23] =	ssyncset.done $0x0  }
0xa2: {  	[sflag:s23] =	ssyncadd.s32 $0xFFFFF000  }
0xa3: {  	_ =	swait.ge [sflag:s30], $0x1000  }
0xa4: {  	[sflag:s30] =	ssyncset.done $0x0  }
0xa5: {  	s9 =	sadd.s32 $0x14200, s7;
	[sflag:s30] =	ssyncadd.s32 $0xFFFFF000  }
0xa6: {  	[tilespmem:s31], [sflag:$0x1] =	stream.indirect.gather [spmem:s2], $0x20, s9, s28, $0xb8;
	[tilespmem:$0x1D500] =	vst v63  }
0xa7: {  	s9 =	sadd.s32 $0x16980, s7  }
0xa8: {  	[spmem:s3] =	stream.indirect.scatter.add.f32 [tilespmem:s0], [sflag:$0x4], $0x20, s9, s28, $0xb8;
	[tilespmem:$0x1D500] =	vst v63  }
0xa9: {  	_ =	swait.ge [sflag:s24], $0x1000  }
0xaa: {  	[sflag:s24] =	ssyncset.done $0x0  }
0xab: {  	[sflag:s24] =	ssyncadd.s32 $0xFFFFF000  }
0xac: {  	_ =	swait.ge [sflag:s30], $0x1000  }
0xad: {  	[sflag:s30] =	ssyncset.done $0x0  }
0xae: {  	s9 =	sadd.s32 $0x14280, s7;
	[sflag:s30] =	ssyncadd.s32 $0xFFFFF000  }
0xaf: {  	[tilespmem:s0], [sflag:$0x2] =	stream.indirect.gather [spmem:s2], $0x20, s9, s28, $0xb8;
	[tilespmem:$0x1D500] =	vst v63  }
0xb0: {  	s9 =	sadd.s32 $0x16A00, s7  }
0xb1: {  	[spmem:s3] =	stream.indirect.scatter.add.f32 [tilespmem:s29], [sflag:$0x4], $0x20, s9, s28, $0xb8;
	[tilespmem:$0x1D500] =	vst v63  }
0xb2: {  	_ =	swait.ge [sflag:s23], $0x1000  }
0xb3: {  	[sflag:s23] =	ssyncset.done $0x0  }
0xb4: {  	[sflag:s23] =	ssyncadd.s32 $0xFFFFF000  }
0xb5: {  	_ =	swait.ge [sflag:s30], $0x1000  }
0xb6: {  	[sflag:s30] =	ssyncset.done $0x0  }
0xb7: {  	s9 =	sadd.s32 $0x14300, s7;
	[sflag:s30] =	ssyncadd.s32 $0xFFFFF000  }
0xb8: {  	[tilespmem:s29], [sflag:$0x1] =	stream.indirect.gather [spmem:s2], $0x20, s9, s28, $0xb8;
	[tilespmem:$0x1D500] =	vst v63  }
0xb9: {  	s9 =	sadd.s32 $0x16A80, s7  }
0xba: {  	[spmem:s3] =	stream.indirect.scatter.add.f32 [tilespmem:s31], [sflag:$0x4], $0x20, s9, s28, $0xb8;
	[tilespmem:$0x1D500] =	vst v63  }
0xbb: {  	_ =	swait.ge [sflag:s24], $0x1000  }
0xbc: {  	[sflag:s24] =	ssyncset.done $0x0  }
0xbd: {  	[sflag:s24] =	ssyncadd.s32 $0xFFFFF000  }
0xbe: {  	_ =	swait.ge [sflag:s30], $0x1000  }
0xbf: {  	[sflag:s30] =	ssyncset.done $0x0  }
0xc0: {  	s9 =	sadd.s32 $0x14380, s7;
	[sflag:s30] =	ssyncadd.s32 $0xFFFFF000  }
0xc1: {  	[tilespmem:s31], [sflag:$0x2] =	stream.indirect.gather [spmem:s2], $0x20, s9, s28, $0xb8;
	[tilespmem:$0x1D500] =	vst v63  }
0xc2: {  	s9 =	sadd.s32 $0x16B00, s7  }
0xc3: {  	[spmem:s3] =	stream.indirect.scatter.add.f32 [tilespmem:s0], [sflag:$0x4], $0x20, s9, s28, $0xb8;
	[tilespmem:$0x1D500] =	vst v63  }
0xc4: {  	_ =	swait.ge [sflag:s23], $0x1000  }
0xc5: {  	[sflag:s23] =	ssyncset.done $0x0  }
0xc6: {  	[sflag:s23] =	ssyncadd.s32 $0xFFFFF000  }
.Ltmp1:
0xc7: {  	_ =	swait.ge [sflag:s30], $0x1000;
	(pc) =	sbr.rel @p0 .LBB2_4-.Ltmp1, $4  }
0xc8: {  	[sflag:s30] =	ssyncset.done $0x0  }
0xc9: {  	s9 =	sadd.s32 $0x14400, s7;
	[sflag:s30] =	ssyncadd.s32 $0xFFFFF000  }
0xca: {  	[tilespmem:s0], [sflag:$0x1] =	stream.indirect.gather [spmem:s2], $0x20, s9, s28, $0xb8;
	[tilespmem:$0x1D500] =	vst v63  }
0xcb: {  	s7 =	sadd.s32 $0x16B80, s7  }
0xcc: {  	[spmem:s3] =	stream.indirect.scatter.add.f32 [tilespmem:s29], [sflag:$0x4], $0x20, s7, s28, $0xb8;
	[tilespmem:$0x1D500] =	vst v63  }
0xcd: {  	_ =	swait.ge [sflag:s30], $0x1000  }
0xce: {  	[sflag:s30] =	ssyncset.done $0x0  }
0xcf: {  	[sflag:s30] =	ssyncadd.s32 $0xFFFFF000  }
0xd0: {  	_ =	swait.ge [sflag:s24], $0x1000  }
0xd1: {  	[sflag:s24] =	ssyncset.done $0x0  }
0xd2: {  	[sflag:s24] =	ssyncadd.s32 $0xFFFFF000  }
0xd3: {  	_ =	swait.ge [sflag:s23], $0x1000  }
0xd4: {  	s5 =	sadd.s32 $0x1, s5;
	[sflag:s23] =	ssyncset.done $0x0  }
0xd5: {  	s6 =	sor.u32 $0x1C05, s8;
	p0 =	sne.s32 s5, s19;
	[sflag:s23] =	ssyncadd.s32 $0xFFFFF000  }
.Ltmp2:
0xd6: {  	s11 =	sshrl.u32 s10, $0x3;
	[bflag:$0x0] =	sbarrier.arrive $0xFFFF;
	(pc) =	sbr.rel @p0 .LBB2_1-.Ltmp2, $4  }
0xd7: {  	[hbm:s18], [sflag:s6] =	dma.local [spmem:s11], $0x1400  }
0xd8: {  	_ =	swait.ge [sflag:s1], $0x1400  }
0xd9: {  	[sflag:s1] =	ssyncset.done $0x0  }
0xda: {  	[sflag:s1] =	ssyncadd.s32 $0xFFFFEC00  }
0xdb: {  	_ =	sfence.sel $0x180000  }
0xdc: {  	[bflag:$0x0] =	sbarrier.arrive $0xFFFF  }
0xdd: {  	_ =	strace $0x90000047  }
0xde: {  	s0 =	stileid.u32;
	[bflag:$0x2] =	sbarrier.arrive $0xFFFF  }
0xdf: {  	p0 =	sne.s32 s0, $0x0;
	s0 =	rddreg [dreg:$0x3]  }
0xe0: {  	s0 =	sadd.s32 @!p0 $0x100000, s0  }
0xe1: {  	[sflag:s0] =	ssyncadd.tile.s32 @!p0 $0x1;
	_ =	shalt  }
.Lfunc_end2:
_tile_overlayer_lowered:
.L_overlay_start_2:
0xe2: {  	(tag) =	ssettag $0x2  }
0xe3: {  	s0 =	rddreg [dreg:$0x0];
	s2 =	stileid.u32  }
0xe4: {  	s1 =	rddreg [dreg:$0x1];
	p0 =	sne.s32 s2, $0x0  }
0xe5: {  	s3 =	rddreg [dreg:$0x2];
	[bflag:$0x3] =	sbarrier.arrive $0xFFFF;
	s2 =	simm.s32 @!p0 $0x1C05  }
0xe6: {  	[timem:s3], [sflag:s2] =	dma.local @!p0 [hbm:s0], s1  }
0xe7: {  	s0 =	simm.s32 @!p0 $0x5  }
0xe8: {  	_ =	swait.ge @!p0 [sflag:s0], s1  }
0xe9: {  	s1 =	ssub.s32 @!p0 $0x0, s1;
	[sflag:s0] =	ssyncset.done @!p0 $0x0  }
0xea: {  	[sflag:s0] =	ssyncadd.s32 @!p0 s1  }
0xeb: {  	[bflag:$0x3] =	sbarrier.arrive $0xFFFF  }
0xec: {  	_ =	shalt  }

// kernel: kernel.15.cloned.1.call-start
scs
__scs_entry_jumppad:
0x0: {  	(pc) =	sbr.rel $0x88, $3  }
0x1: {  	(tag) =	ssettag $0x0;
	lr =	simm.s32 $0x1  }
0x2: {  	[smem:$0x3F87] =	sst lr;
	_ =	strace $0xD0000000  }
0x3: {  	_ = 	snop  }
0x4: {  	_ = 	snop  }
0x5: {  	_ = 	snop  }
0x6: {  	_ = 	snop  }
0x7: {  	_ = 	snop  }
__scs_overlays_trampoline_lowered:
0x8: {  	[smem:$0x3F96] =	sst s0  }
0x9: {  	[smem:$0x3F97] =	sst s1  }
0xa: {  	[smem:$0x3F98] =	sst s2  }
0xb: {  	[smem:$0x3F99] =	sst s3  }
0xc: {  	[smem:$0x3F9A] =	sst s4  }
0xd: {  	[smem:$0x3F9B] =	sst s5  }
0xe: {  	[smem:$0x3F9C] =	sst s6  }
0xf: {  	[smem:$0x3F9D] =	sst s7  }
0x10: {  	[smem:$0x3F9E] =	sst s8  }
0x11: {  	[smem:$0x3F9F] =	sst s9;
	s0 =	simm.s32 @!p0 $0x0  }
0x12: {  	s1 =	sld [smem:$0x3F85];
	s0 =	simm.s32 @p0 $0x1  }
0x13: {  	[smem:$0x3FA0] =	sst s0;
	s0 =	simm.s32 @!p1 $0x0  }
0x14: {  	s2 =	sld [smem:$0x3F84];
	s0 =	simm.s32 @p1 $0x1  }
0x15: {  	[smem:$0x3FA1] =	sst s0;
	s0 =	simm.s32 @!p2 $0x0  }
0x16: {  	s3 =	sld [smem:$0x3FDB];
	s0 =	simm.s32 @p2 $0x1  }
0x17: {  	s4 =	simm.s32 $0x1BF5;
	[smem:$0x3FA3] =	sst s0  }
0x18: {  	s0 =	sld [smem:$0x3F86];
	_ =	swait.ge [sflag:s4], $0x0  }
0x19: {  	s7 =	sld [smem:$0x3F87]  }
0x1a: {  	s8 =	sadd.s32 $0xFFFFE003, lr  }
0x1b: {  	s9 =	sadd.s32 $0xFFFFFEF7, lr;
	s5 =	simm.s32 $0xFFFFFFFF;
	p2 =	slt.u32 s8, $0xFFFFF086  }
0x1c: {  	p1 =	slt.u32 s9, $0xF7A;
	s5 =	simm.s32 @!p2 $0x0  }
0x1d: {  	s5 =	simm.s32 @p1 $0x1;
	p0 =	seq.s32 s7, s2  }
0x1e: {  	s7 =	smul.u32 @!p0 $0xF7A, s2;
	p2 =	seq.s32 @!p0 s5, $0x0  }
0x1f: {  	s9 =	smul.u32 $0xF7A, s1;
	s8 =	simm.s32 @!p0 $0x1BF5;
	p2 =	por !p2, p0  }
0x20: {  	[sflag:s8] =	ssyncset.s32 @!p0 $0xFFFFF086;
	s6 =	sadd.s32 @!p0 s3, s7;
	s7 =	simm.s32 @!p0 $0x108  }
0x21: {  	s3 =	sadd.s32 s3, s9;
	s6 =	sadd.s32 @!p0 $0x88, s6;
	s7 =	simm.s32 @p2 $0x1082  }
0x22: {  	[simem:s7], [sflag:s8] =	dma.local @!p0 [hbm:s6], $0xF7A  }
0x23: {  	s9 =	sor.u32 $0xD0000000, s2;
	s6 =	simm.s32 $0x108;
	_ =	swait.ge @!p0 [sflag:s8], $0x0  }
0x24: {  	s3 =	sadd.s32 $0x88, s3;
	s6 =	simm.s32 @!p1 $0x1082;
	[sflag:s4] =	ssyncset.s32 $0xFFFFF086  }
0x25: {  	[simem:s6], [sflag:s4] =	dma.local [hbm:s3], $0xF7A  }
0x26: {  	[smem:$0x3F87] =	sst s1;
	(tag) =	ssettag s2;
	_ =	strace s9  }
0x27: {  	s1 =	sld [smem:$0x3F97]  }
0x28: {  	s2 =	sld [smem:$0x3F98]  }
0x29: {  	s4 =	sld [smem:$0x3F9A]  }
0x2a: {  	p0 =	seq.s32 s5, $0x0;
	s5 =	sld [smem:$0x3F9B]  }
0x2b: {  	s6 =	sld [smem:$0x3F9C]  }
0x2c: {  	s7 =	sld [smem:$0x3F9D]  }
0x2d: {  	s3 =	simm.s32 $0x108;
	s8 =	sld [smem:$0x3F9E]  }
0x2e: {  	s3 =	simm.s32 @!p0 $0x1082;
	s9 =	sld [smem:$0x3F9F]  }
0x2f: {  	lr =	sadd.s32 s0, s3;
	s0 =	sld [smem:$0x3F96]  }
0x30: {  	s3 =	sld [smem:$0x3F99]  }
0x31: {  	[smem:$0x3FA2] =	sst s10  }
0x32: {  	s10 =	sld [smem:$0x3FA0];
	_ =	sdelay $0x3  }
0x33: {  	p0 =	seq.s32 s10, $0x1;
	s10 =	sld [smem:$0x3FA2];
	_ =	sdelay $0x3  }
0x34: {  	[smem:$0x3FA2] =	sst s10  }
0x35: {  	s10 =	sld [smem:$0x3FA1];
	_ =	sdelay $0x3  }
0x36: {  	p1 =	seq.s32 s10, $0x1;
	s10 =	sld [smem:$0x3FA2];
	_ =	sdelay $0x3  }
0x37: {  	[smem:$0x3FA2] =	sst s10  }
0x38: {  	s10 =	sld [smem:$0x3FA3]  }
0x39: {  	_ = 	snop;
	(pc) =	sbr.ind lr, $3  }
0x3a: {  	_ = 	snop  }
0x3b: {  	_ = 	snop  }
0x3c: {  	p2 =	seq.s32 s10, $0x1;
	s10 =	sld [smem:$0x3FA2]  }
0x3d: {  	_ =	shalt  }
0x3e: {  	_ =	shalt  }
0x3f: {  	_ =	shalt  }
0x40: {  	_ =	shalt  }
0x41: {  	_ =	shalt  }
0x42: {  	_ =	shalt  }
0x43: {  	_ =	shalt  }
0x44: {  	_ =	shalt  }
0x45: {  	_ =	shalt  }
0x46: {  	_ =	shalt  }
0x47: {  	_ =	shalt  }
0x48: {  	_ =	shalt  }
0x49: {  	_ =	shalt  }
0x4a: {  	_ =	shalt  }
0x4b: {  	_ =	shalt  }
0x4c: {  	_ =	shalt  }
0x4d: {  	_ =	shalt  }
0x4e: {  	_ =	shalt  }
0x4f: {  	_ =	shalt  }
0x50: {  	_ =	shalt  }
0x51: {  	_ =	shalt  }
0x52: {  	_ =	shalt  }
0x53: {  	_ =	shalt  }
0x54: {  	_ =	shalt  }
0x55: {  	_ =	shalt  }
0x56: {  	_ =	shalt  }
0x57: {  	_ =	shalt  }
0x58: {  	_ =	shalt  }
0x59: {  	_ =	shalt  }
0x5a: {  	_ =	shalt  }
0x5b: {  	_ =	shalt  }
0x5c: {  	_ =	shalt  }
0x5d: {  	_ =	shalt  }
0x5e: {  	_ =	shalt  }
0x5f: {  	_ =	shalt  }
0x60: {  	_ =	shalt  }
0x61: {  	_ =	shalt  }
0x62: {  	_ =	shalt  }
0x63: {  	_ =	shalt  }
0x64: {  	_ =	shalt  }
0x65: {  	_ =	shalt  }
0x66: {  	_ =	shalt  }
0x67: {  	_ =	shalt  }
0x68: {  	_ =	shalt  }
0x69: {  	_ =	shalt  }
0x6a: {  	_ =	shalt  }
0x6b: {  	_ =	shalt  }
0x6c: {  	_ =	shalt  }
0x6d: {  	_ =	shalt  }
0x6e: {  	_ =	shalt  }
0x6f: {  	_ =	shalt  }
0x70: {  	_ =	shalt  }
0x71: {  	_ =	shalt  }
0x72: {  	_ =	shalt  }
0x73: {  	_ =	shalt  }
0x74: {  	_ =	shalt  }
0x75: {  	_ =	shalt  }
0x76: {  	_ =	shalt  }
0x77: {  	_ =	shalt  }
0x78: {  	_ =	shalt  }
0x79: {  	_ =	shalt  }
0x7a: {  	_ =	shalt  }
0x7b: {  	_ =	shalt  }
0x7c: {  	_ =	shalt  }
0x7d: {  	_ =	shalt  }
0x7e: {  	_ =	shalt  }
0x7f: {  	_ =	shalt  }
0x80: {  	_ =	shalt  }
0x81: {  	_ =	shalt  }
0x82: {  	_ =	shalt  }
0x83: {  	_ =	shalt  }
0x84: {  	_ =	shalt  }
0x85: {  	_ =	shalt  }
0x86: {  	_ =	shalt  }
0x87: {  	_ =	shalt  }
.Lfunc_end0:
.L_simem_size_0:
called_computation.1_lowered:
.L_overlay_start_0:
0x88: {  	s2 =	sld [smem:$0x3FD9]  }
0x89: {  	s3 =	sld [smem:$0x3FFE];
	_ =	sdelay $0x1  }
0x8a: {  	s1 =	srdreg.scid  }
0x8b: {  	s0 =	sand.u32 $0x1, s1  }
0x8c: {  	s16 =	sshll.u32 s0, $0xA;
	s2 =	sadd.s32 s3, s2  }
0x8d: {  	s2 =	sadd.s32 s2, s16  }
0x8e: {  	[smem:$0x3FAE] =	sst s2  }
0x8f: {  	_ = 	snop  }
0x90: {  	(tm) =	ssettm $0x1  }
0x91: {  	s17 =	sld [smem:$0x3FFB];
	_ =	sdelay $0x3  }
0x92: {  	_ =	strace s17  }
0x93: {  	s2 =	sld [smem:$0x3FFC];
	_ =	sdelay $0x3  }
0x94: {  	_ =	strace s2  }
0x95: {  	s2 =	sld [smem:$0x3FFD];
	_ =	sdelay $0x3  }
0x96: {  	_ =	strace s2  }
0x97: {  	_ =	strace $0x8FFFFFFF  }
0x98: {  	s18 =	sld [smem:$0x3FDB];
	_ =	sdelay $0x1  }
0x99: {  	s19 =	simm.s32 $_scs_section_size  }
0x9a: {  	s4 =	simm.s32 $_size__tile_overlayer_lowered;
	s5 =	simm.s32 $_tile_overlayer_lowered  }
0x9b: {  	s22 =	simm.s32 $0x1BFF;
	s21 =	sshll.u32 s5, $0x1;
	s2 =	sadd.s32 s19, s18  }
0x9c: {  	s6 =	simm.s32 $0x0;
	s20 =	sshll.u32 s4, $0x1;
	s4 =	sadd.s32 s21, s2  }
0x9d: {  	[timem:s6], [sflag:s22] =	dma.local [hbm:s4], s20  }
0x9e: {  	_ =	swait.ge [sflag:s22], s20  }
0x9f: {  	s3 =	ssub.s32 $0x0, s20;
	[sflag:s22] =	ssyncset.done $0x0  }
0xa0: {  	[sflag:s22] =	ssyncadd.s32 s3;
	_ =	sdelay $0x1  }
0xa1: {  	s23 =	simm.s32 $0x1B8B  }
0xa2: {  	_ =	swait.ge [sflag:s23], $0x1  }
0xa3: {  	[sflag:s23] =	ssyncset.done $0x0  }
0xa4: {  	s25 =	simm.s32 $0x1B8E;
	s24 =	sld [smem:$0x3FFE];
	[sflag:s23] =	ssyncadd.s32 $0xFFFFFFFF  }
0xa5: {  	s26 =	simm.s32 $execute0_lowered;
	[smem:$0x3FD2] =	sst s25  }
0xa6: {  	s4 =	sshll.u32 s26, $0x1;
	_ =	strace $0x80000049;
	[dreg:$0x1] =	wrdreg $0xFFFFFFFF  }
0xa7: {  	s28 =	simm.s32 $_size_execute0_lowered;
	s2 =	sadd.s32 s2, s4;
	[dreg:$0x0] =	wrdreg $0x0  }
0xa8: {  	s4 =	sshll.u32 s28, $0x1;
	[dreg:$0x2] =	wrdreg s2  }
0xa9: {  	[dreg:$0x3] =	wrdreg s4  }
0xaa: {  	[dreg:$0x4] =	wrdreg $0xC0  }
0xab: {  	_ =	task [dreg:s6], $0x5FFFF  }
0xac: {  	[dreg:$0x1] =	wrdreg $0xFFFFFFFF  }
0xad: {  	[dreg:$0x0] =	wrdreg $0x60  }
0xae: {  	[dreg:$0x2] =	wrdreg s24  }
0xaf: {  	[dreg:$0x3] =	wrdreg $0xA0000  }
0xb0: {  	[dreg:$0x4] =	wrdreg $0x0  }
0xb1: {  	[dreg:$0x5] =	wrdreg $0x9  }
0xb2: {  	_ =	task.clear_ibuf [dreg:s6], $0x6FFFF;
	_ =	strace $0x90000049  }
0xb3: {  	s29 =	simm.s32 $0x9;
	_ =	strace $0x8000004B  }
0xb4: {  	_ =	swait.ge [sflag:s29], $0x1  }
0xb5: {  	[sflag:s29] =	ssyncadd.s32 $0xFFFFFFFF  }
0xb6: {  	_ =	strace $0x9000004B  }
0xb7: {  	_ =	sfence  }
0xb8: {  	s30 =	sld [smem:$0x0];
	_ =	sdelay $0x2  }
0xb9: {  	s31 =	sshll.u32 s1, $0xD;
	s1 =	sshrl.u32 s1, $0x2  }
0xba: {  	s3 =	sand.u32 $0x4000, s31;
	s1 =	sadd.s32 s1, s30  }
0xbb: {  	s0 =	sor.u32 s3, s0;
	s1 =	sshll.u32 s1, $0x11  }
0xbc: {  	s0 =	sor.u32 s1, s0  }
0xbd: {  	s0 =	sadd.s32 $0x8F2B, s0  }
0xbe: {  	[sflag:s0] =	ssyncadd.remote.s32 $0x1  }
0xbf: {  	_ =	sfence.sel $0xFFFF  }
0xc0: {  	[dreg:$0x0] =	wrdreg $0xFFFFFFFF;
	(pc) =	sbr.abs _section_cstart, $3  }
0xc1: {  	[dreg:$0x1] =	wrdreg $0xFFFFFFFF  }
0xc2: {  	_ =	task.clear_ibuf [dreg:s6], $0x2FFFF;
	_ =	strace $0x9FFFFFFF  }
0xc3: {  	(tm) =	ssettm $0x7FFFFFFF  }
tec
execute0_lowered:
.L_overlay_start_1:
0x0: {  	(tag) =	ssettag $0x1  }
0x1: {  	s0 =	srdreg.scid;
	s1 =	rddreg [dreg:$0x0]  }
0x2: {  	s2 =	rddreg [dreg:$0x1];
	s11 =	stileid.u32  }
0x3: {  	s3 =	rddreg [dreg:$0x2];
	s20 =	simm.s32 $0x14000;
	s28 =	simm.s32 $0x80  }
0x4: {  	s29 =	simm.s32 $0x19100;
	s31 =	simm.s32 $0x1A100;
	s5 =	smul.u32 $0xA000, s11  }
0x5: {  	s30 =	simm.s32 $0x4;
	s0 =	sand.u32 $0x1, s0;
	s10 =	smul.u32 $0x28000, s11  }
0x6: {  	s4 =	sshll.u32 s0, $0x4;
	s8 =	smul.u32 $0xA0000, s0;
	s0 =	ssub.s32 $0x2, s0  }
0x7: {  	s6 =	sor.u32 s11, s4;
	s4 =	simm.s32 $0x0;
	s7 =	sshrl.u32 s5, $0x3  }
0x8: {  	s9 =	sshrl.u32 s0, $0x1;
	s22 =	sadd.s32 s5, s2;
	s23 =	sshrl.u32 s10, $0x2  }
0x9: {  	s10 =	sadd.s32 s5, s3;
	s6 =	smul.u32 $0x510, s6;
	[smem:$0x7FF] =	sst s4  }
0xa: {  	s7 =	sadd.s32 s7, s1;
	s8 =	sadd.s32 s5, s8;
	s0 =	ssub.s32 s0, s9  }
0xb: {  	s24 =	sadd.s32 s23, s3;
	s22 =	sshrl.u32 s22, $0x3;
	s23 =	simm.s32 $0x1  }
0xc: {  	s5 =	simm.s32 $0x0;
	_ =	strace $0x8000004A;
	s8 =	sshrl.u32 s8, $0x3  }
0xd: {  	s7 =	sadd.s32 $0x1E000, s7;
	s26 =	sadd.s32 $0x1400, s24;
	s12 =	sadd.s32 $0x2800, s24  }
0xe: {  	s13 =	sadd.s32 $0x3C00, s24;
	s14 =	sadd.s32 $0x5000, s24;
	s15 =	sadd.s32 $0x6400, s24  }
0xf: {  	s16 =	sadd.s32 $0x7800, s24;
	s17 =	sadd.s32 $0x8C00, s24;
	s19 =	smax.u32 s0, $0x1  }
0x10: {  	s24 =	simm.s32 $0x2;
	s0 =	simm.s32 $0x1B100;
	s6 =	sadd.s32 s6, s1  }
0x11: {  	s1 =	sadd.s32 s8, s1;
	[dreg:$0x6] =	wrdreg s7;
	s8 =	sshll.u32 s11, $0x6  }
0x12: {  	[dreg:$0x8] =	wrdreg s26;
	s26 =	simm.s32 $0x1C100;
	s21 =	sadd.s32 $0x9C00, s6  }
0x13: {  	s6 =	sadd.s32 $0x13E00, s6;
	s25 =	sor.u32 $0x1C03, s8;
	[dreg:$0x4] =	wrdreg s21  }
0x14: {  	s18 =	sadd.s32 $0x32000, s1;
	s1 =	simm.s32 $0x5;
	[dreg:$0x5] =	wrdreg s6  }
0x15: {  	v0 =	vimm.f32 $0.0e+00;
	[dreg:$0x7] =	wrdreg s25;
	s21 =	simm.s32 $0x16880;
	s25 =	simm.s32 $0x3  }
.LBB2_1:
0x16: {  	s6 =	rddreg [dreg:$0x4]  }
0x17: {  	s9 =	rddreg [dreg:$0x5]  }
0x18: {  	[tilespmem:s20], [sflag:$0x1] =	stream.linear.gather [hbm4b:s6+s4], $0x2880, $0x38;
	[tilespmem:$0x1D500] =	vst v63  }
0x19: {  	s11 =	rddreg [dreg:$0x6]  }
0x1a: {  	[tilespmem:s21], [sflag:$0x2] =	stream.linear.gather [hbm4b:s9+s4], $0x2880, $0x38;
	[tilespmem:$0x1D500] =	vst v63  }
0x1b: {  	s7 =	rddreg [dreg:$0x7];
	s9 =	sand.u32 $0x7F80, s4  }
0x1c: {  	[spmem:s22], [sflag:s7] =	dma.local [hbm:s11], $0x1400  }
0x1d: {  	s11 =	sand.u32 $0x10, s4;
	s9 =	sshrl.u32 s9, $0x2  }
0x1e: {  	s6 =	simm.s32 $0x40;
	s7 =	simm.s32 $0x0;
	s9 =	sor.u32 s11, s9  }
.LBB2_2:
0x1f: {  	p0 =	sne.s32 s6, $0x4FC0  }
0x20: {  	[tilespmem:s9+$0x1C100] =	vst v0;
	s7 =	sadd.s32 $0x10, s7;
	s9 =	smov.u32 s6;
	s6 =	sadd.s32 $0x40, s6  }
.Ltmp0:
0x21: {  	(pc) =	sbr.rel @p0 .LBB2_2-.Ltmp0, $4  }
0x22: {  	_ = 	snop  }
0x23: {  	s9 =	sand.u32 $0x7F80, s9  }
0x24: {  	s11 =	sand.u32 $0x10, s7;
	s9 =	sshrl.u32 s9, $0x2  }
0x25: {  	s9 =	sor.u32 s11, s9  }
0x26: {  	[tilespmem:s9+$0x1C100] =	vst v0  }
0x27: {  	_ =	swait.ge [sflag:s23], $0x2880  }
0x28: {  	[sflag:s23] =	ssyncset.done $0x0  }
0x29: {  	[sflag:s23] =	ssyncadd.s32 $0xFFFFD780  }
0x2a: {  	_ =	swait.ge [sflag:s24], $0x2880  }
0x2b: {  	[sflag:s24] =	ssyncset.done $0x0  }
0x2c: {  	[sflag:s24] =	ssyncadd.s32 $0xFFFFD780  }
0x2d: {  	_ =	swait.ge [sflag:s25], $0x1400  }
0x2e: {  	[sflag:s25] =	ssyncset.done $0x0  }
0x2f: {  	[sflag:s25] =	ssyncadd.s32 $0xFFFFEC00  }
0x30: {  	[spmem:s10] =	stream.linear.scatter [tilespmem:s26], [sflag:$0x3], $0x1400, $0x38;
	[tilespmem:$0x1D500] =	vst v63  }
0x31: {  	s6 =	rddreg [dreg:$0x8]  }
0x32: {  	[spmem:s6] =	stream.linear.scatter [tilespmem:s26], [sflag:$0x3], $0x1400, $0x38;
	[tilespmem:$0x1D500] =	vst v63  }
0x33: {  	_ = 	snop  }
0x34: {  	[spmem:s12] =	stream.linear.scatter [tilespmem:s26], [sflag:$0x3], $0x1400, $0x38;
	[tilespmem:$0x1D500] =	vst v63  }
0x35: {  	_ = 	snop  }
0x36: {  	[spmem:s13] =	stream.linear.scatter [tilespmem:s26], [sflag:$0x3], $0x1400, $0x38;
	[tilespmem:$0x1D500] =	vst v63  }
0x37: {  	_ = 	snop  }
0x38: {  	[spmem:s14] =	stream.linear.scatter [tilespmem:s26], [sflag:$0x3], $0x1400, $0x38;
	[tilespmem:$0x1D500] =	vst v63  }
0x39: {  	_ = 	snop  }
0x3a: {  	[spmem:s15] =	stream.linear.scatter [tilespmem:s26], [sflag:$0x3], $0x1400, $0x38;
	[tilespmem:$0x1D500] =	vst v63  }
0x3b: {  	_ = 	snop  }
0x3c: {  	[spmem:s16] =	stream.linear.scatter [tilespmem:s26], [sflag:$0x3], $0x1400, $0x38;
	[tilespmem:$0x1D500] =	vst v63  }
0x3d: {  	_ = 	snop  }
0x3e: {  	[spmem:s17] =	stream.linear.scatter [tilespmem:s26], [sflag:$0x3], $0x1400, $0x38;
	[tilespmem:$0x1D500] =	vst v63  }
0x3f: {  	_ =	swait.ge [sflag:s25], $0x1400  }
0x40: {  	[sflag:s25] =	ssyncset.done $0x0  }
0x41: {  	[sflag:s25] =	ssyncadd.s32 $0xFFFFEC00  }
0x42: {  	_ =	swait.ge [sflag:s25], $0x1400  }
0x43: {  	[sflag:s25] =	ssyncset.done $0x0  }
0x44: {  	[sflag:s25] =	ssyncadd.s32 $0xFFFFEC00  }
0x45: {  	_ =	swait.ge [sflag:s25], $0x1400  }
0x46: {  	[sflag:s25] =	ssyncset.done $0x0  }
0x47: {  	[sflag:s25] =	ssyncadd.s32 $0xFFFFEC00  }
0x48: {  	_ =	swait.ge [sflag:s25], $0x1400  }
0x49: {  	[sflag:s25] =	ssyncset.done $0x0  }
0x4a: {  	[sflag:s25] =	ssyncadd.s32 $0xFFFFEC00  }
0x4b: {  	_ =	swait.ge [sflag:s25], $0x1400  }
0x4c: {  	[sflag:s25] =	ssyncset.done $0x0  }
0x4d: {  	[sflag:s25] =	ssyncadd.s32 $0xFFFFEC00  }
0x4e: {  	_ =	swait.ge [sflag:s25], $0x1400  }
0x4f: {  	[sflag:s25] =	ssyncset.done $0x0  }
0x50: {  	[sflag:s25] =	ssyncadd.s32 $0xFFFFEC00  }
0x51: {  	_ =	swait.ge [sflag:s25], $0x1400  }
0x52: {  	[sflag:s25] =	ssyncset.done $0x0  }
0x53: {  	[sflag:s25] =	ssyncadd.s32 $0xFFFFEC00  }
0x54: {  	_ =	swait.ge [sflag:s25], $0x1400  }
0x55: {  	[sflag:s25] =	ssyncset.done $0x0  }
0x56: {  	[sflag:s25] =	ssyncadd.s32 $0xFFFFEC00  }
0x57: {  	[bflag:$0x0] =	sbarrier.arrive $0xFFFF  }
0x58: {  	[tilespmem:s29], [sflag:$0x1] =	stream.indirect.gather [spmem:s2], $0x20, s20, s28, $0xb8;
	[tilespmem:$0x1D500] =	vst v63  }
0x59: {  	s11 =	simm.s32 $0x14080  }
0x5a: {  	[tilespmem:s31], [sflag:$0x2] =	stream.indirect.gather [spmem:s2], $0x20, s11, s28, $0xb8;
	[tilespmem:$0x1D500] =	vst v63  }
0x5b: {  	_ =	swait.ge [sflag:s23], $0x1000  }
0x5c: {  	[sflag:s23] =	ssyncset.done $0x0  }
0x5d: {  	s7 =	simm.s32 $0x14100;
	[sflag:s23] =	ssyncadd.s32 $0xFFFFF000  }
0x5e: {  	[tilespmem:s0], [sflag:$0x1] =	stream.indirect.gather [spmem:s2], $0x20, s7, s28, $0xb8;
	[tilespmem:$0x1D500] =	vst v63  }
0x5f: {  	_ = 	snop  }
0x60: {  	[spmem:s3] =	stream.indirect.scatter.add.f32 [tilespmem:s29], [sflag:$0x4], $0x20, s21, s28, $0xb8;
	[tilespmem:$0x1D500] =	vst v63  }
0x61: {  	_ =	swait.ge [sflag:s24], $0x1000  }
0x62: {  	[sflag:s24] =	ssyncset.done $0x0  }
0x63: {  	[sflag:s24] =	ssyncadd.s32 $0xFFFFF000  }
0x64: {  	_ =	swait.ge [sflag:s30], $0x1000  }
0x65: {  	[sflag:s30] =	ssyncset.done $0x0  }
0x66: {  	s9 =	simm.s32 $0x14180;
	[sflag:s30] =	ssyncadd.s32 $0xFFFFF000  }
0x67: {  	[tilespmem:s29], [sflag:$0x2] =	stream.indirect.gather [spmem:s2], $0x20, s9, s28, $0xb8;
	[tilespmem:$0x1D500] =	vst v63  }
0x68: {  	s11 =	simm.s32 $0x16900  }
0x69: {  	[spmem:s3] =	stream.indirect.scatter.add.f32 [tilespmem:s31], [sflag:$0x4], $0x20, s11, s28, $0xb8;
	[tilespmem:$0x1D500] =	vst v63  }
0x6a: {  	_ =	swait.ge [sflag:s23], $0x1000  }
0x6b: {  	[sflag:s23] =	ssyncset.done $0x0  }
0x6c: {  	[sflag:s23] =	ssyncadd.s32 $0xFFFFF000  }
0x6d: {  	_ =	swait.ge [sflag:s30], $0x1000  }
0x6e: {  	[sflag:s30] =	ssyncset.done $0x0  }
0x6f: {  	s7 =	simm.s32 $0x14200;
	[sflag:s30] =	ssyncadd.s32 $0xFFFFF000  }
0x70: {  	[tilespmem:s31], [sflag:$0x1] =	stream.indirect.gather [spmem:s2], $0x20, s7, s28, $0xb8;
	[tilespmem:$0x1D500] =	vst v63  }
0x71: {  	s9 =	simm.s32 $0x16980  }
0x72: {  	[spmem:s3] =	stream.indirect.scatter.add.f32 [tilespmem:s0], [sflag:$0x4], $0x20, s9, s28, $0xb8;
	[tilespmem:$0x1D500] =	vst v63  }
0x73: {  	_ =	swait.ge [sflag:s24], $0x1000  }
0x74: {  	[sflag:s24] =	ssyncset.done $0x0  }
0x75: {  	[sflag:s24] =	ssyncadd.s32 $0xFFFFF000  }
0x76: {  	_ =	swait.ge [sflag:s30], $0x1000  }
0x77: {  	[sflag:s30] =	ssyncset.done $0x0  }
0x78: {  	s11 =	simm.s32 $0x14280;
	[sflag:s30] =	ssyncadd.s32 $0xFFFFF000  }
0x79: {  	[tilespmem:s0], [sflag:$0x2] =	stream.indirect.gather [spmem:s2], $0x20, s11, s28, $0xb8;
	[tilespmem:$0x1D500] =	vst v63  }
0x7a: {  	s7 =	simm.s32 $0x16A00  }
0x7b: {  	[spmem:s3] =	stream.indirect.scatter.add.f32 [tilespmem:s29], [sflag:$0x4], $0x20, s7, s28, $0xb8;
	[tilespmem:$0x1D500] =	vst v63  }
0x7c: {  	_ =	swait.ge [sflag:s23], $0x1000  }
0x7d: {  	[sflag:s23] =	ssyncset.done $0x0  }
0x7e: {  	[sflag:s23] =	ssyncadd.s32 $0xFFFFF000  }
0x7f: {  	_ =	swait.ge [sflag:s30], $0x1000  }
0x80: {  	[sflag:s30] =	ssyncset.done $0x0  }
0x81: {  	s9 =	simm.s32 $0x14300;
	[sflag:s30] =	ssyncadd.s32 $0xFFFFF000  }
0x82: {  	[tilespmem:s29], [sflag:$0x1] =	stream.indirect.gather [spmem:s2], $0x20, s9, s28, $0xb8;
	[tilespmem:$0x1D500] =	vst v63  }
0x83: {  	s11 =	simm.s32 $0x16A80  }
0x84: {  	[spmem:s3] =	stream.indirect.scatter.add.f32 [tilespmem:s31], [sflag:$0x4], $0x20, s11, s28, $0xb8;
	[tilespmem:$0x1D500] =	vst v63  }
0x85: {  	_ =	swait.ge [sflag:s24], $0x1000  }
0x86: {  	[sflag:s24] =	ssyncset.done $0x0  }
0x87: {  	[sflag:s24] =	ssyncadd.s32 $0xFFFFF000  }
0x88: {  	_ =	swait.ge [sflag:s30], $0x1000  }
0x89: {  	[sflag:s30] =	ssyncset.done $0x0  }
0x8a: {  	s7 =	simm.s32 $0x14380;
	[sflag:s30] =	ssyncadd.s32 $0xFFFFF000  }
0x8b: {  	[tilespmem:s31], [sflag:$0x2] =	stream.indirect.gather [spmem:s2], $0x20, s7, s28, $0xb8;
	[tilespmem:$0x1D500] =	vst v63  }
0x8c: {  	s9 =	simm.s32 $0x16B00  }
0x8d: {  	[spmem:s3] =	stream.indirect.scatter.add.f32 [tilespmem:s0], [sflag:$0x4], $0x20, s9, s28, $0xb8;
	[tilespmem:$0x1D500] =	vst v63  }
0x8e: {  	_ =	swait.ge [sflag:s23], $0x1000  }
0x8f: {  	[sflag:s23] =	ssyncset.done $0x0  }
0x90: {  	[sflag:s23] =	ssyncadd.s32 $0xFFFFF000  }
0x91: {  	_ =	swait.ge [sflag:s30], $0x1000  }
0x92: {  	s6 =	simm.s32 $0xC00;
	[sflag:s30] =	ssyncset.done $0x0  }
0x93: {  	s11 =	simm.s32 $0x14400;
	s7 =	simm.s32 $0x16B80;
	[sflag:s30] =	ssyncadd.s32 $0xFFFFF000  }
0x94: {  	[tilespmem:s0], [sflag:$0x1] =	stream.indirect.gather [spmem:s2], $0x20, s11, s28, $0xb8;
	[tilespmem:$0x1D500] =	vst v63  }
.LBB2_4:
0x95: {  	[spmem:s3] =	stream.indirect.scatter.add.f32 [tilespmem:s29], [sflag:$0x4], $0x20, s7, s28, $0xb8;
	[tilespmem:$0x1D500] =	vst v63  }
0x96: {  	s7 =	smov.u32 s6  }
0x97: {  	p0 =	sne.s32 s6, $0x9000;
	s6 =	sadd.s32 $0xC00, s6;
	_ =	swait.ge [sflag:s24], $0x1000  }
0x98: {  	[sflag:s24] =	ssyncset.done $0x0  }
0x99: {  	[sflag:s24] =	ssyncadd.s32 $0xFFFFF000  }
0x9a: {  	_ =	swait.ge [sflag:s30], $0x1000  }
0x9b: {  	s7 =	sshra.s32 s7, $0x2;
	[sflag:s30] =	ssyncset.done $0x0  }
0x9c: {  	s9 =	sadd.s32 $0x14180, s7;
	[sflag:s30] =	ssyncadd.s32 $0xFFFFF000  }
0x9d: {  	[tilespmem:s29], [sflag:$0x2] =	stream.indirect.gather [spmem:s2], $0x20, s9, s28, $0xb8;
	[tilespmem:$0x1D500] =	vst v63  }
0x9e: {  	s9 =	sadd.s32 $0x16900, s7  }
0x9f: {  	[spmem:s3] =	stream.indirect.scatter.add.f32 [tilespmem:s31], [sflag:$0x4], $0x20, s9, s28, $0xb8;
	[tilespmem:$0x1D500] =	vst v63  }
0xa0: {  	_ =	swait.ge [sflag:s23], $0x1000  }
0xa1: {  	[sflag:s23] =	ssyncset.done $0x0  }
0xa2: {  	[sflag:s23] =	ssyncadd.s32 $0xFFFFF000  }
0xa3: {  	_ =	swait.ge [sflag:s30], $0x1000  }
0xa4: {  	[sflag:s30] =	ssyncset.done $0x0  }
0xa5: {  	s9 =	sadd.s32 $0x14200, s7;
	[sflag:s30] =	ssyncadd.s32 $0xFFFFF000  }
0xa6: {  	[tilespmem:s31], [sflag:$0x1] =	stream.indirect.gather [spmem:s2], $0x20, s9, s28, $0xb8;
	[tilespmem:$0x1D500] =	vst v63  }
0xa7: {  	s9 =	sadd.s32 $0x16980, s7  }
0xa8: {  	[spmem:s3] =	stream.indirect.scatter.add.f32 [tilespmem:s0], [sflag:$0x4], $0x20, s9, s28, $0xb8;
	[tilespmem:$0x1D500] =	vst v63  }
0xa9: {  	_ =	swait.ge [sflag:s24], $0x1000  }
0xaa: {  	[sflag:s24] =	ssyncset.done $0x0  }
0xab: {  	[sflag:s24] =	ssyncadd.s32 $0xFFFFF000  }
0xac: {  	_ =	swait.ge [sflag:s30], $0x1000  }
0xad: {  	[sflag:s30] =	ssyncset.done $0x0  }
0xae: {  	s9 =	sadd.s32 $0x14280, s7;
	[sflag:s30] =	ssyncadd.s32 $0xFFFFF000  }
0xaf: {  	[tilespmem:s0], [sflag:$0x2] =	stream.indirect.gather [spmem:s2], $0x20, s9, s28, $0xb8;
	[tilespmem:$0x1D500] =	vst v63  }
0xb0: {  	s9 =	sadd.s32 $0x16A00, s7  }
0xb1: {  	[spmem:s3] =	stream.indirect.scatter.add.f32 [tilespmem:s29], [sflag:$0x4], $0x20, s9, s28, $0xb8;
	[tilespmem:$0x1D500] =	vst v63  }
0xb2: {  	_ =	swait.ge [sflag:s23], $0x1000  }
0xb3: {  	[sflag:s23] =	ssyncset.done $0x0  }
0xb4: {  	[sflag:s23] =	ssyncadd.s32 $0xFFFFF000  }
0xb5: {  	_ =	swait.ge [sflag:s30], $0x1000  }
0xb6: {  	[sflag:s30] =	ssyncset.done $0x0  }
0xb7: {  	s9 =	sadd.s32 $0x14300, s7;
	[sflag:s30] =	ssyncadd.s32 $0xFFFFF000  }
0xb8: {  	[tilespmem:s29], [sflag:$0x1] =	stream.indirect.gather [spmem:s2], $0x20, s9, s28, $0xb8;
	[tilespmem:$0x1D500] =	vst v63  }
0xb9: {  	s9 =	sadd.s32 $0x16A80, s7  }
0xba: {  	[spmem:s3] =	stream.indirect.scatter.add.f32 [tilespmem:s31], [sflag:$0x4], $0x20, s9, s28, $0xb8;
	[tilespmem:$0x1D500] =	vst v63  }
0xbb: {  	_ =	swait.ge [sflag:s24], $0x1000  }
0xbc: {  	[sflag:s24] =	ssyncset.done $0x0  }
0xbd: {  	[sflag:s24] =	ssyncadd.s32 $0xFFFFF000  }
0xbe: {  	_ =	swait.ge [sflag:s30], $0x1000  }
0xbf: {  	[sflag:s30] =	ssyncset.done $0x0  }
0xc0: {  	s9 =	sadd.s32 $0x14380, s7;
	[sflag:s30] =	ssyncadd.s32 $0xFFFFF000  }
0xc1: {  	[tilespmem:s31], [sflag:$0x2] =	stream.indirect.gather [spmem:s2], $0x20, s9, s28, $0xb8;
	[tilespmem:$0x1D500] =	vst v63  }
0xc2: {  	s9 =	sadd.s32 $0x16B00, s7  }
0xc3: {  	[spmem:s3] =	stream.indirect.scatter.add.f32 [tilespmem:s0], [sflag:$0x4], $0x20, s9, s28, $0xb8;
	[tilespmem:$0x1D500] =	vst v63  }
0xc4: {  	_ =	swait.ge [sflag:s23], $0x1000  }
0xc5: {  	[sflag:s23] =	ssyncset.done $0x0  }
0xc6: {  	[sflag:s23] =	ssyncadd.s32 $0xFFFFF000  }
.Ltmp1:
0xc7: {  	_ =	swait.ge [sflag:s30], $0x1000;
	(pc) =	sbr.rel @p0 .LBB2_4-.Ltmp1, $4  }
0xc8: {  	[sflag:s30] =	ssyncset.done $0x0  }
0xc9: {  	s9 =	sadd.s32 $0x14400, s7;
	[sflag:s30] =	ssyncadd.s32 $0xFFFFF000  }
0xca: {  	[tilespmem:s0], [sflag:$0x1] =	stream.indirect.gather [spmem:s2], $0x20, s9, s28, $0xb8;
	[tilespmem:$0x1D500] =	vst v63  }
0xcb: {  	s7 =	sadd.s32 $0x16B80, s7  }
0xcc: {  	[spmem:s3] =	stream.indirect.scatter.add.f32 [tilespmem:s29], [sflag:$0x4], $0x20, s7, s28, $0xb8;
	[tilespmem:$0x1D500] =	vst v63  }
0xcd: {  	_ =	swait.ge [sflag:s30], $0x1000  }
0xce: {  	[sflag:s30] =	ssyncset.done $0x0  }
0xcf: {  	[sflag:s30] =	ssyncadd.s32 $0xFFFFF000  }
0xd0: {  	_ =	swait.ge [sflag:s24], $0x1000  }
0xd1: {  	[sflag:s24] =	ssyncset.done $0x0  }
0xd2: {  	[sflag:s24] =	ssyncadd.s32 $0xFFFFF000  }
0xd3: {  	_ =	swait.ge [sflag:s23], $0x1000  }
0xd4: {  	s5 =	sadd.s32 $0x1, s5;
	[sflag:s23] =	ssyncset.done $0x0  }
0xd5: {  	s6 =	sor.u32 $0x1C05, s8;
	p0 =	sne.s32 s5, s19;
	[sflag:s23] =	ssyncadd.s32 $0xFFFFF000  }
.Ltmp2:
0xd6: {  	s11 =	sshrl.u32 s10, $0x3;
	[bflag:$0x0] =	sbarrier.arrive $0xFFFF;
	(pc) =	sbr.rel @p0 .LBB2_1-.Ltmp2, $4  }
0xd7: {  	[hbm:s18], [sflag:s6] =	dma.local [spmem:s11], $0x1400  }
0xd8: {  	_ =	swait.ge [sflag:s1], $0x1400  }
0xd9: {  	[sflag:s1] =	ssyncset.done $0x0  }
0xda: {  	[sflag:s1] =	ssyncadd.s32 $0xFFFFEC00  }
0xdb: {  	_ =	sfence.sel $0x180000  }
0xdc: {  	[bflag:$0x0] =	sbarrier.arrive $0xFFFF  }
0xdd: {  	_ =	strace $0x9000004A  }
0xde: {  	s0 =	stileid.u32;
	[bflag:$0x2] =	sbarrier.arrive $0xFFFF  }
0xdf: {  	p0 =	sne.s32 s0, $0x0;
	s0 =	rddreg [dreg:$0x3]  }
0xe0: {  	s0 =	sadd.s32 @!p0 $0x100000, s0  }
0xe1: {  	[sflag:s0] =	ssyncadd.tile.s32 @!p0 $0x1;
	_ =	shalt  }
.Lfunc_end2:
_tile_overlayer_lowered:
.L_overlay_start_2:
0xe2: {  	(tag) =	ssettag $0x2  }
0xe3: {  	s0 =	rddreg [dreg:$0x0];
	s2 =	stileid.u32  }
0xe4: {  	s1 =	rddreg [dreg:$0x1];
	p0 =	sne.s32 s2, $0x0  }
0xe5: {  	s3 =	rddreg [dreg:$0x2];
	[bflag:$0x3] =	sbarrier.arrive $0xFFFF;
	s2 =	simm.s32 @!p0 $0x1C05  }
0xe6: {  	[timem:s3], [sflag:s2] =	dma.local @!p0 [hbm:s0], s1  }
0xe7: {  	s0 =	simm.s32 @!p0 $0x5  }
0xe8: {  	_ =	swait.ge @!p0 [sflag:s0], s1  }
0xe9: {  	s1 =	ssub.s32 @!p0 $0x0, s1;
	[sflag:s0] =	ssyncset.done @!p0 $0x0  }
0xea: {  	[sflag:s0] =	ssyncadd.s32 @!p0 s1  }
0xeb: {  	[bflag:$0x3] =	sbarrier.arrive $0xFFFF  }
0xec: {  	_ =	shalt  }

// kernel: kernel.18.cloned.1.call-start
scs
__scs_entry_jumppad:
0x0: {  	(pc) =	sbr.rel $0x88, $3  }
0x1: {  	(tag) =	ssettag $0x0;
	lr =	simm.s32 $0x1  }
0x2: {  	[smem:$0x3F87] =	sst lr;
	_ =	strace $0xD0000000  }
0x3: {  	_ = 	snop  }
0x4: {  	_ = 	snop  }
0x5: {  	_ = 	snop  }
0x6: {  	_ = 	snop  }
0x7: {  	_ = 	snop  }
__scs_overlays_trampoline_lowered:
0x8: {  	[smem:$0x3F96] =	sst s0  }
0x9: {  	[smem:$0x3F97] =	sst s1  }
0xa: {  	[smem:$0x3F98] =	sst s2  }
0xb: {  	[smem:$0x3F99] =	sst s3  }
0xc: {  	[smem:$0x3F9A] =	sst s4  }
0xd: {  	[smem:$0x3F9B] =	sst s5  }
0xe: {  	[smem:$0x3F9C] =	sst s6  }
0xf: {  	[smem:$0x3F9D] =	sst s7  }
0x10: {  	[smem:$0x3F9E] =	sst s8  }
0x11: {  	[smem:$0x3F9F] =	sst s9;
	s0 =	simm.s32 @!p0 $0x0  }
0x12: {  	s1 =	sld [smem:$0x3F85];
	s0 =	simm.s32 @p0 $0x1  }
0x13: {  	[smem:$0x3FA0] =	sst s0;
	s0 =	simm.s32 @!p1 $0x0  }
0x14: {  	s2 =	sld [smem:$0x3F84];
	s0 =	simm.s32 @p1 $0x1  }
0x15: {  	[smem:$0x3FA1] =	sst s0;
	s0 =	simm.s32 @!p2 $0x0  }
0x16: {  	s3 =	sld [smem:$0x3FDB];
	s0 =	simm.s32 @p2 $0x1  }
0x17: {  	s4 =	simm.s32 $0x1BF5;
	[smem:$0x3FA3] =	sst s0  }
0x18: {  	s0 =	sld [smem:$0x3F86];
	_ =	swait.ge [sflag:s4], $0x0  }
0x19: {  	s7 =	sld [smem:$0x3F87]  }
0x1a: {  	s8 =	sadd.s32 $0xFFFFE003, lr  }
0x1b: {  	s9 =	sadd.s32 $0xFFFFFEF7, lr;
	s5 =	simm.s32 $0xFFFFFFFF;
	p2 =	slt.u32 s8, $0xFFFFF086  }
0x1c: {  	p1 =	slt.u32 s9, $0xF7A;
	s5 =	simm.s32 @!p2 $0x0  }
0x1d: {  	s5 =	simm.s32 @p1 $0x1;
	p0 =	seq.s32 s7, s2  }
0x1e: {  	s7 =	smul.u32 @!p0 $0xF7A, s2;
	p2 =	seq.s32 @!p0 s5, $0x0  }
0x1f: {  	s9 =	smul.u32 $0xF7A, s1;
	s8 =	simm.s32 @!p0 $0x1BF5;
	p2 =	por !p2, p0  }
0x20: {  	[sflag:s8] =	ssyncset.s32 @!p0 $0xFFFFF086;
	s6 =	sadd.s32 @!p0 s3, s7;
	s7 =	simm.s32 @!p0 $0x108  }
0x21: {  	s3 =	sadd.s32 s3, s9;
	s6 =	sadd.s32 @!p0 $0x88, s6;
	s7 =	simm.s32 @p2 $0x1082  }
0x22: {  	[simem:s7], [sflag:s8] =	dma.local @!p0 [hbm:s6], $0xF7A  }
0x23: {  	s9 =	sor.u32 $0xD0000000, s2;
	s6 =	simm.s32 $0x108;
	_ =	swait.ge @!p0 [sflag:s8], $0x0  }
0x24: {  	s3 =	sadd.s32 $0x88, s3;
	s6 =	simm.s32 @!p1 $0x1082;
	[sflag:s4] =	ssyncset.s32 $0xFFFFF086  }
0x25: {  	[simem:s6], [sflag:s4] =	dma.local [hbm:s3], $0xF7A  }
0x26: {  	[smem:$0x3F87] =	sst s1;
	(tag) =	ssettag s2;
	_ =	strace s9  }
0x27: {  	s1 =	sld [smem:$0x3F97]  }
0x28: {  	s2 =	sld [smem:$0x3F98]  }
0x29: {  	s4 =	sld [smem:$0x3F9A]  }
0x2a: {  	p0 =	seq.s32 s5, $0x0;
	s5 =	sld [smem:$0x3F9B]  }
0x2b: {  	s6 =	sld [smem:$0x3F9C]  }
0x2c: {  	s7 =	sld [smem:$0x3F9D]  }
0x2d: {  	s3 =	simm.s32 $0x108;
	s8 =	sld [smem:$0x3F9E]  }
0x2e: {  	s3 =	simm.s32 @!p0 $0x1082;
	s9 =	sld [smem:$0x3F9F]  }
0x2f: {  	lr =	sadd.s32 s0, s3;
	s0 =	sld [smem:$0x3F96]  }
0x30: {  	s3 =	sld [smem:$0x3F99]  }
0x31: {  	[smem:$0x3FA2] =	sst s10  }
0x32: {  	s10 =	sld [smem:$0x3FA0];
	_ =	sdelay $0x3  }
0x33: {  	p0 =	seq.s32 s10, $0x1;
	s10 =	sld [smem:$0x3FA2];
	_ =	sdelay $0x3  }
0x34: {  	[smem:$0x3FA2] =	sst s10  }
0x35: {  	s10 =	sld [smem:$0x3FA1];
	_ =	sdelay $0x3  }
0x36: {  	p1 =	seq.s32 s10, $0x1;
	s10 =	sld [smem:$0x3FA2];
	_ =	sdelay $0x3  }
0x37: {  	[smem:$0x3FA2] =	sst s10  }
0x38: {  	s10 =	sld [smem:$0x3FA3]  }
0x39: {  	_ = 	snop;
	(pc) =	sbr.ind lr, $3  }
0x3a: {  	_ = 	snop  }
0x3b: {  	_ = 	snop  }
0x3c: {  	p2 =	seq.s32 s10, $0x1;
	s10 =	sld [smem:$0x3FA2]  }
0x3d: {  	_ =	shalt  }
0x3e: {  	_ =	shalt  }
0x3f: {  	_ =	shalt  }
0x40: {  	_ =	shalt  }
0x41: {  	_ =	shalt  }
0x42: {  	_ =	shalt  }
0x43: {  	_ =	shalt  }
0x44: {  	_ =	shalt  }
0x45: {  	_ =	shalt  }
0x46: {  	_ =	shalt  }
0x47: {  	_ =	shalt  }
0x48: {  	_ =	shalt  }
0x49: {  	_ =	shalt  }
0x4a: {  	_ =	shalt  }
0x4b: {  	_ =	shalt  }
0x4c: {  	_ =	shalt  }
0x4d: {  	_ =	shalt  }
0x4e: {  	_ =	shalt  }
0x4f: {  	_ =	shalt  }
0x50: {  	_ =	shalt  }
0x51: {  	_ =	shalt  }
0x52: {  	_ =	shalt  }
0x53: {  	_ =	shalt  }
0x54: {  	_ =	shalt  }
0x55: {  	_ =	shalt  }
0x56: {  	_ =	shalt  }
0x57: {  	_ =	shalt  }
0x58: {  	_ =	shalt  }
0x59: {  	_ =	shalt  }
0x5a: {  	_ =	shalt  }
0x5b: {  	_ =	shalt  }
0x5c: {  	_ =	shalt  }
0x5d: {  	_ =	shalt  }
0x5e: {  	_ =	shalt  }
0x5f: {  	_ =	shalt  }
0x60: {  	_ =	shalt  }
0x61: {  	_ =	shalt  }
0x62: {  	_ =	shalt  }
0x63: {  	_ =	shalt  }
0x64: {  	_ =	shalt  }
0x65: {  	_ =	shalt  }
0x66: {  	_ =	shalt  }
0x67: {  	_ =	shalt  }
0x68: {  	_ =	shalt  }
0x69: {  	_ =	shalt  }
0x6a: {  	_ =	shalt  }
0x6b: {  	_ =	shalt  }
0x6c: {  	_ =	shalt  }
0x6d: {  	_ =	shalt  }
0x6e: {  	_ =	shalt  }
0x6f: {  	_ =	shalt  }
0x70: {  	_ =	shalt  }
0x71: {  	_ =	shalt  }
0x72: {  	_ =	shalt  }
0x73: {  	_ =	shalt  }
0x74: {  	_ =	shalt  }
0x75: {  	_ =	shalt  }
0x76: {  	_ =	shalt  }
0x77: {  	_ =	shalt  }
0x78: {  	_ =	shalt  }
0x79: {  	_ =	shalt  }
0x7a: {  	_ =	shalt  }
0x7b: {  	_ =	shalt  }
0x7c: {  	_ =	shalt  }
0x7d: {  	_ =	shalt  }
0x7e: {  	_ =	shalt  }
0x7f: {  	_ =	shalt  }
0x80: {  	_ =	shalt  }
0x81: {  	_ =	shalt  }
0x82: {  	_ =	shalt  }
0x83: {  	_ =	shalt  }
0x84: {  	_ =	shalt  }
0x85: {  	_ =	shalt  }
0x86: {  	_ =	shalt  }
0x87: {  	_ =	shalt  }
.Lfunc_end0:
.L_simem_size_0:
called_computation.2_lowered:
.L_overlay_start_0:
0x88: {  	s2 =	sld [smem:$0x3FD9]  }
0x89: {  	s3 =	sld [smem:$0x3FFE];
	_ =	sdelay $0x1  }
0x8a: {  	s1 =	srdreg.scid  }
0x8b: {  	s0 =	sand.u32 $0x1, s1  }
0x8c: {  	s16 =	sshll.u32 s0, $0xA;
	s2 =	sadd.s32 s3, s2  }
0x8d: {  	s2 =	sadd.s32 s2, s16  }
0x8e: {  	[smem:$0x3FAE] =	sst s2  }
0x8f: {  	_ = 	snop  }
0x90: {  	(tm) =	ssettm $0x1  }
0x91: {  	s17 =	sld [smem:$0x3FFB];
	_ =	sdelay $0x3  }
0x92: {  	_ =	strace s17  }
0x93: {  	s2 =	sld [smem:$0x3FFC];
	_ =	sdelay $0x3  }
0x94: {  	_ =	strace s2  }
0x95: {  	s2 =	sld [smem:$0x3FFD];
	_ =	sdelay $0x3  }
0x96: {  	_ =	strace s2  }
0x97: {  	_ =	strace $0x8FFFFFFF  }
0x98: {  	s18 =	sld [smem:$0x3FDB];
	_ =	sdelay $0x1  }
0x99: {  	s19 =	simm.s32 $_scs_section_size  }
0x9a: {  	s4 =	simm.s32 $_size__tile_overlayer_lowered;
	s5 =	simm.s32 $_tile_overlayer_lowered  }
0x9b: {  	s22 =	simm.s32 $0x1BFF;
	s21 =	sshll.u32 s5, $0x1;
	s2 =	sadd.s32 s19, s18  }
0x9c: {  	s6 =	simm.s32 $0x0;
	s20 =	sshll.u32 s4, $0x1;
	s4 =	sadd.s32 s21, s2  }
0x9d: {  	[timem:s6], [sflag:s22] =	dma.local [hbm:s4], s20  }
0x9e: {  	_ =	swait.ge [sflag:s22], s20  }
0x9f: {  	s3 =	ssub.s32 $0x0, s20;
	[sflag:s22] =	ssyncset.done $0x0  }
0xa0: {  	[sflag:s22] =	ssyncadd.s32 s3;
	_ =	sdelay $0x1  }
0xa1: {  	s23 =	simm.s32 $0x1B8B  }
0xa2: {  	_ =	swait.ge [sflag:s23], $0x1  }
0xa3: {  	[sflag:s23] =	ssyncset.done $0x0  }
0xa4: {  	s25 =	simm.s32 $0x1B8E;
	s24 =	sld [smem:$0x3FFE];
	[sflag:s23] =	ssyncadd.s32 $0xFFFFFFFF  }
0xa5: {  	s26 =	simm.s32 $execute0_lowered;
	[smem:$0x3FD2] =	sst s25  }
0xa6: {  	s4 =	sshll.u32 s26, $0x1;
	_ =	strace $0x8000004C;
	[dreg:$0x1] =	wrdreg $0xFFFFFFFF  }
0xa7: {  	s28 =	simm.s32 $_size_execute0_lowered;
	s2 =	sadd.s32 s2, s4;
	[dreg:$0x0] =	wrdreg $0x0  }
0xa8: {  	s4 =	sshll.u32 s28, $0x1;
	[dreg:$0x2] =	wrdreg s2  }
0xa9: {  	[dreg:$0x3] =	wrdreg s4  }
0xaa: {  	[dreg:$0x4] =	wrdreg $0xC0  }
0xab: {  	_ =	task [dreg:s6], $0x5FFFF  }
0xac: {  	[dreg:$0x1] =	wrdreg $0xFFFFFFFF  }
0xad: {  	[dreg:$0x0] =	wrdreg $0x60  }
0xae: {  	[dreg:$0x2] =	wrdreg s24  }
0xaf: {  	[dreg:$0x3] =	wrdreg $0xA0000  }
0xb0: {  	[dreg:$0x4] =	wrdreg $0x0  }
0xb1: {  	[dreg:$0x5] =	wrdreg $0x9  }
0xb2: {  	_ =	task.clear_ibuf [dreg:s6], $0x6FFFF;
	_ =	strace $0x9000004C  }
0xb3: {  	s29 =	simm.s32 $0x9;
	_ =	strace $0x8000004E  }
0xb4: {  	_ =	swait.ge [sflag:s29], $0x1  }
0xb5: {  	[sflag:s29] =	ssyncadd.s32 $0xFFFFFFFF  }
0xb6: {  	_ =	strace $0x9000004E  }
0xb7: {  	_ =	sfence  }
0xb8: {  	s30 =	sld [smem:$0x0];
	_ =	sdelay $0x2  }
0xb9: {  	s31 =	sshll.u32 s1, $0xD;
	s1 =	sshrl.u32 s1, $0x2  }
0xba: {  	s3 =	sand.u32 $0x4000, s31;
	s1 =	sadd.s32 s1, s30  }
0xbb: {  	s0 =	sor.u32 s3, s0;
	s1 =	sshll.u32 s1, $0x11  }
0xbc: {  	s0 =	sor.u32 s1, s0  }
0xbd: {  	s0 =	sadd.s32 $0x8F2B, s0  }
0xbe: {  	[sflag:s0] =	ssyncadd.remote.s32 $0x1  }
0xbf: {  	_ =	sfence.sel $0xFFFF  }
0xc0: {  	[dreg:$0x0] =	wrdreg $0xFFFFFFFF;
	(pc) =	sbr.abs _section_cstart, $3  }
0xc1: {  	[dreg:$0x1] =	wrdreg $0xFFFFFFFF  }
0xc2: {  	_ =	task.clear_ibuf [dreg:s6], $0x2FFFF;
	_ =	strace $0x9FFFFFFF  }
0xc3: {  	(tm) =	ssettm $0x7FFFFFFF  }
tec
execute0_lowered:
.L_overlay_start_1:
0x0: {  	(tag) =	ssettag $0x1  }
0x1: {  	s0 =	srdreg.scid;
	s1 =	rddreg [dreg:$0x0]  }
0x2: {  	s2 =	rddreg [dreg:$0x1];
	s11 =	stileid.u32  }
0x3: {  	s3 =	rddreg [dreg:$0x2];
	s20 =	simm.s32 $0x14000;
	s28 =	simm.s32 $0x80  }
0x4: {  	s29 =	simm.s32 $0x19100;
	s31 =	simm.s32 $0x1A100;
	s5 =	smul.u32 $0xA000, s11  }
0x5: {  	s30 =	simm.s32 $0x4;
	s0 =	sand.u32 $0x1, s0;
	s10 =	smul.u32 $0x28000, s11  }
0x6: {  	s4 =	sshll.u32 s0, $0x4;
	s8 =	smul.u32 $0xA0000, s0;
	s0 =	ssub.s32 $0x2, s0  }
0x7: {  	s6 =	sor.u32 s11, s4;
	s4 =	simm.s32 $0x0;
	s7 =	sshrl.u32 s5, $0x3  }
0x8: {  	s9 =	sshrl.u32 s0, $0x1;
	s22 =	sadd.s32 s5, s2;
	s23 =	sshrl.u32 s10, $0x2  }
0x9: {  	s10 =	sadd.s32 s5, s3;
	s6 =	smul.u32 $0x510, s6;
	[smem:$0x7FF] =	sst s4  }
0xa: {  	s7 =	sadd.s32 s7, s1;
	s8 =	sadd.s32 s5, s8;
	s0 =	ssub.s32 s0, s9  }
0xb: {  	s24 =	sadd.s32 s23, s3;
	s22 =	sshrl.u32 s22, $0x3;
	s23 =	simm.s32 $0x1  }
0xc: {  	s5 =	simm.s32 $0x0;
	_ =	strace $0x8000004D;
	s8 =	sshrl.u32 s8, $0x3  }
0xd: {  	s7 =	sadd.s32 $0x1E000, s7;
	s26 =	sadd.s32 $0x1400, s24;
	s12 =	sadd.s32 $0x2800, s24  }
0xe: {  	s13 =	sadd.s32 $0x3C00, s24;
	s14 =	sadd.s32 $0x5000, s24;
	s15 =	sadd.s32 $0x6400, s24  }
0xf: {  	s16 =	sadd.s32 $0x7800, s24;
	s17 =	sadd.s32 $0x8C00, s24;
	s19 =	smax.u32 s0, $0x1  }
0x10: {  	s24 =	simm.s32 $0x2;
	s0 =	simm.s32 $0x1B100;
	s6 =	sadd.s32 s6, s1  }
0x11: {  	s1 =	sadd.s32 s8, s1;
	[dreg:$0x6] =	wrdreg s7;
	s8 =	sshll.u32 s11, $0x6  }
0x12: {  	[dreg:$0x8] =	wrdreg s26;
	s26 =	simm.s32 $0x1C100;
	s21 =	sadd.s32 $0x9C00, s6  }
0x13: {  	s6 =	sadd.s32 $0x13E00, s6;
	s25 =	sor.u32 $0x1C03, s8;
	[dreg:$0x4] =	wrdreg s21  }
0x14: {  	s18 =	sadd.s32 $0x32000, s1;
	s1 =	simm.s32 $0x5;
	[dreg:$0x5] =	wrdreg s6  }
0x15: {  	v0 =	vimm.f32 $0.0e+00;
	[dreg:$0x7] =	wrdreg s25;
	s21 =	simm.s32 $0x16880;
	s25 =	simm.s32 $0x3  }
.LBB2_1:
0x16: {  	s6 =	rddreg [dreg:$0x4]  }
0x17: {  	s9 =	rddreg [dreg:$0x5]  }
0x18: {  	[tilespmem:s20], [sflag:$0x1] =	stream.linear.gather [hbm4b:s6+s4], $0x2880, $0x38;
	[tilespmem:$0x1D500] =	vst v63  }
0x19: {  	s11 =	rddreg [dreg:$0x6]  }
0x1a: {  	[tilespmem:s21], [sflag:$0x2] =	stream.linear.gather [hbm4b:s9+s4], $0x2880, $0x38;
	[tilespmem:$0x1D500] =	vst v63  }
0x1b: {  	s7 =	rddreg [dreg:$0x7];
	s9 =	sand.u32 $0x7F80, s4  }
0x1c: {  	[spmem:s22], [sflag:s7] =	dma.local [hbm:s11], $0x1400  }
0x1d: {  	s11 =	sand.u32 $0x10, s4;
	s9 =	sshrl.u32 s9, $0x2  }
0x1e: {  	s6 =	simm.s32 $0x40;
	s7 =	simm.s32 $0x0;
	s9 =	sor.u32 s11, s9  }
.LBB2_2:
0x1f: {  	p0 =	sne.s32 s6, $0x4FC0  }
0x20: {  	[tilespmem:s9+$0x1C100] =	vst v0;
	s7 =	sadd.s32 $0x10, s7;
	s9 =	smov.u32 s6;
	s6 =	sadd.s32 $0x40, s6  }
.Ltmp0:
0x21: {  	(pc) =	sbr.rel @p0 .LBB2_2-.Ltmp0, $4  }
0x22: {  	_ = 	snop  }
0x23: {  	s9 =	sand.u32 $0x7F80, s9  }
0x24: {  	s11 =	sand.u32 $0x10, s7;
	s9 =	sshrl.u32 s9, $0x2  }
0x25: {  	s9 =	sor.u32 s11, s9  }
0x26: {  	[tilespmem:s9+$0x1C100] =	vst v0  }
0x27: {  	_ =	swait.ge [sflag:s23], $0x2880  }
0x28: {  	[sflag:s23] =	ssyncset.done $0x0  }
0x29: {  	[sflag:s23] =	ssyncadd.s32 $0xFFFFD780  }
0x2a: {  	_ =	swait.ge [sflag:s24], $0x2880  }
0x2b: {  	[sflag:s24] =	ssyncset.done $0x0  }
0x2c: {  	[sflag:s24] =	ssyncadd.s32 $0xFFFFD780  }
0x2d: {  	_ =	swait.ge [sflag:s25], $0x1400  }
0x2e: {  	[sflag:s25] =	ssyncset.done $0x0  }
0x2f: {  	[sflag:s25] =	ssyncadd.s32 $0xFFFFEC00  }
0x30: {  	[spmem:s10] =	stream.linear.scatter [tilespmem:s26], [sflag:$0x3], $0x1400, $0x38;
	[tilespmem:$0x1D500] =	vst v63  }
0x31: {  	s6 =	rddreg [dreg:$0x8]  }
0x32: {  	[spmem:s6] =	stream.linear.scatter [tilespmem:s26], [sflag:$0x3], $0x1400, $0x38;
	[tilespmem:$0x1D500] =	vst v63  }
0x33: {  	_ = 	snop  }
0x34: {  	[spmem:s12] =	stream.linear.scatter [tilespmem:s26], [sflag:$0x3], $0x1400, $0x38;
	[tilespmem:$0x1D500] =	vst v63  }
0x35: {  	_ = 	snop  }
0x36: {  	[spmem:s13] =	stream.linear.scatter [tilespmem:s26], [sflag:$0x3], $0x1400, $0x38;
	[tilespmem:$0x1D500] =	vst v63  }
0x37: {  	_ = 	snop  }
0x38: {  	[spmem:s14] =	stream.linear.scatter [tilespmem:s26], [sflag:$0x3], $0x1400, $0x38;
	[tilespmem:$0x1D500] =	vst v63  }
0x39: {  	_ = 	snop  }
0x3a: {  	[spmem:s15] =	stream.linear.scatter [tilespmem:s26], [sflag:$0x3], $0x1400, $0x38;
	[tilespmem:$0x1D500] =	vst v63  }
0x3b: {  	_ = 	snop  }
0x3c: {  	[spmem:s16] =	stream.linear.scatter [tilespmem:s26], [sflag:$0x3], $0x1400, $0x38;
	[tilespmem:$0x1D500] =	vst v63  }
0x3d: {  	_ = 	snop  }
0x3e: {  	[spmem:s17] =	stream.linear.scatter [tilespmem:s26], [sflag:$0x3], $0x1400, $0x38;
	[tilespmem:$0x1D500] =	vst v63  }
0x3f: {  	_ =	swait.ge [sflag:s25], $0x1400  }
0x40: {  	[sflag:s25] =	ssyncset.done $0x0  }
0x41: {  	[sflag:s25] =	ssyncadd.s32 $0xFFFFEC00  }
0x42: {  	_ =	swait.ge [sflag:s25], $0x1400  }
0x43: {  	[sflag:s25] =	ssyncset.done $0x0  }
0x44: {  	[sflag:s25] =	ssyncadd.s32 $0xFFFFEC00  }
0x45: {  	_ =	swait.ge [sflag:s25], $0x1400  }
0x46: {  	[sflag:s25] =	ssyncset.done $0x0  }
0x47: {  	[sflag:s25] =	ssyncadd.s32 $0xFFFFEC00  }
0x48: {  	_ =	swait.ge [sflag:s25], $0x1400  }
0x49: {  	[sflag:s25] =	ssyncset.done $0x0  }
0x4a: {  	[sflag:s25] =	ssyncadd.s32 $0xFFFFEC00  }
0x4b: {  	_ =	swait.ge [sflag:s25], $0x1400  }
0x4c: {  	[sflag:s25] =	ssyncset.done $0x0  }
0x4d: {  	[sflag:s25] =	ssyncadd.s32 $0xFFFFEC00  }
0x4e: {  	_ =	swait.ge [sflag:s25], $0x1400  }
0x4f: {  	[sflag:s25] =	ssyncset.done $0x0  }
0x50: {  	[sflag:s25] =	ssyncadd.s32 $0xFFFFEC00  }
0x51: {  	_ =	swait.ge [sflag:s25], $0x1400  }
0x52: {  	[sflag:s25] =	ssyncset.done $0x0  }
0x53: {  	[sflag:s25] =	ssyncadd.s32 $0xFFFFEC00  }
0x54: {  	_ =	swait.ge [sflag:s25], $0x1400  }
0x55: {  	[sflag:s25] =	ssyncset.done $0x0  }
0x56: {  	[sflag:s25] =	ssyncadd.s32 $0xFFFFEC00  }
0x57: {  	[bflag:$0x0] =	sbarrier.arrive $0xFFFF  }
0x58: {  	[tilespmem:s29], [sflag:$0x1] =	stream.indirect.gather [spmem:s2], $0x20, s20, s28, $0xb8;
	[tilespmem:$0x1D500] =	vst v63  }
0x59: {  	s11 =	simm.s32 $0x14080  }
0x5a: {  	[tilespmem:s31], [sflag:$0x2] =	stream.indirect.gather [spmem:s2], $0x20, s11, s28, $0xb8;
	[tilespmem:$0x1D500] =	vst v63  }
0x5b: {  	_ =	swait.ge [sflag:s23], $0x1000  }
0x5c: {  	[sflag:s23] =	ssyncset.done $0x0  }
0x5d: {  	s7 =	simm.s32 $0x14100;
	[sflag:s23] =	ssyncadd.s32 $0xFFFFF000  }
0x5e: {  	[tilespmem:s0], [sflag:$0x1] =	stream.indirect.gather [spmem:s2], $0x20, s7, s28, $0xb8;
	[tilespmem:$0x1D500] =	vst v63  }
0x5f: {  	_ = 	snop  }
0x60: {  	[spmem:s3] =	stream.indirect.scatter.add.f32 [tilespmem:s29], [sflag:$0x4], $0x20, s21, s28, $0xb8;
	[tilespmem:$0x1D500] =	vst v63  }
0x61: {  	_ =	swait.ge [sflag:s24], $0x1000  }
0x62: {  	[sflag:s24] =	ssyncset.done $0x0  }
0x63: {  	[sflag:s24] =	ssyncadd.s32 $0xFFFFF000  }
0x64: {  	_ =	swait.ge [sflag:s30], $0x1000  }
0x65: {  	[sflag:s30] =	ssyncset.done $0x0  }
0x66: {  	s9 =	simm.s32 $0x14180;
	[sflag:s30] =	ssyncadd.s32 $0xFFFFF000  }
0x67: {  	[tilespmem:s29], [sflag:$0x2] =	stream.indirect.gather [spmem:s2], $0x20, s9, s28, $0xb8;
	[tilespmem:$0x1D500] =	vst v63  }
0x68: {  	s11 =	simm.s32 $0x16900  }
0x69: {  	[spmem:s3] =	stream.indirect.scatter.add.f32 [tilespmem:s31], [sflag:$0x4], $0x20, s11, s28, $0xb8;
	[tilespmem:$0x1D500] =	vst v63  }
0x6a: {  	_ =	swait.ge [sflag:s23], $0x1000  }
0x6b: {  	[sflag:s23] =	ssyncset.done $0x0  }
0x6c: {  	[sflag:s23] =	ssyncadd.s32 $0xFFFFF000  }
0x6d: {  	_ =	swait.ge [sflag:s30], $0x1000  }
0x6e: {  	[sflag:s30] =	ssyncset.done $0x0  }
0x6f: {  	s7 =	simm.s32 $0x14200;
	[sflag:s30] =	ssyncadd.s32 $0xFFFFF000  }
0x70: {  	[tilespmem:s31], [sflag:$0x1] =	stream.indirect.gather [spmem:s2], $0x20, s7, s28, $0xb8;
	[tilespmem:$0x1D500] =	vst v63  }
0x71: {  	s9 =	simm.s32 $0x16980  }
0x72: {  	[spmem:s3] =	stream.indirect.scatter.add.f32 [tilespmem:s0], [sflag:$0x4], $0x20, s9, s28, $0xb8;
	[tilespmem:$0x1D500] =	vst v63  }
0x73: {  	_ =	swait.ge [sflag:s24], $0x1000  }
0x74: {  	[sflag:s24] =	ssyncset.done $0x0  }
0x75: {  	[sflag:s24] =	ssyncadd.s32 $0xFFFFF000  }
0x76: {  	_ =	swait.ge [sflag:s30], $0x1000  }
0x77: {  	[sflag:s30] =	ssyncset.done $0x0  }
0x78: {  	s11 =	simm.s32 $0x14280;
	[sflag:s30] =	ssyncadd.s32 $0xFFFFF000  }
0x79: {  	[tilespmem:s0], [sflag:$0x2] =	stream.indirect.gather [spmem:s2], $0x20, s11, s28, $0xb8;
	[tilespmem:$0x1D500] =	vst v63  }
0x7a: {  	s7 =	simm.s32 $0x16A00  }
0x7b: {  	[spmem:s3] =	stream.indirect.scatter.add.f32 [tilespmem:s29], [sflag:$0x4], $0x20, s7, s28, $0xb8;
	[tilespmem:$0x1D500] =	vst v63  }
0x7c: {  	_ =	swait.ge [sflag:s23], $0x1000  }
0x7d: {  	[sflag:s23] =	ssyncset.done $0x0  }
0x7e: {  	[sflag:s23] =	ssyncadd.s32 $0xFFFFF000  }
0x7f: {  	_ =	swait.ge [sflag:s30], $0x1000  }
0x80: {  	[sflag:s30] =	ssyncset.done $0x0  }
0x81: {  	s9 =	simm.s32 $0x14300;
	[sflag:s30] =	ssyncadd.s32 $0xFFFFF000  }
0x82: {  	[tilespmem:s29], [sflag:$0x1] =	stream.indirect.gather [spmem:s2], $0x20, s9, s28, $0xb8;
	[tilespmem:$0x1D500] =	vst v63  }
0x83: {  	s11 =	simm.s32 $0x16A80  }
0x84: {  	[spmem:s3] =	stream.indirect.scatter.add.f32 [tilespmem:s31], [sflag:$0x4], $0x20, s11, s28, $0xb8;
	[tilespmem:$0x1D500] =	vst v63  }
0x85: {  	_ =	swait.ge [sflag:s24], $0x1000  }
0x86: {  	[sflag:s24] =	ssyncset.done $0x0  }
0x87: {  	[sflag:s24] =	ssyncadd.s32 $0xFFFFF000  }
0x88: {  	_ =	swait.ge [sflag:s30], $0x1000  }
0x89: {  	[sflag:s30] =	ssyncset.done $0x0  }
0x8a: {  	s7 =	simm.s32 $0x14380;
	[sflag:s30] =	ssyncadd.s32 $0xFFFFF000  }
0x8b: {  	[tilespmem:s31], [sflag:$0x2] =	stream.indirect.gather [spmem:s2], $0x20, s7, s28, $0xb8;
	[tilespmem:$0x1D500] =	vst v63  }
0x8c: {  	s9 =	simm.s32 $0x16B00  }
0x8d: {  	[spmem:s3] =	stream.indirect.scatter.add.f32 [tilespmem:s0], [sflag:$0x4], $0x20, s9, s28, $0xb8;
	[tilespmem:$0x1D500] =	vst v63  }
0x8e: {  	_ =	swait.ge [sflag:s23], $0x1000  }
0x8f: {  	[sflag:s23] =	ssyncset.done $0x0  }
0x90: {  	[sflag:s23] =	ssyncadd.s32 $0xFFFFF000  }
0x91: {  	_ =	swait.ge [sflag:s30], $0x1000  }
0x92: {  	s6 =	simm.s32 $0xC00;
	[sflag:s30] =	ssyncset.done $0x0  }
0x93: {  	s11 =	simm.s32 $0x14400;
	s7 =	simm.s32 $0x16B80;
	[sflag:s30] =	ssyncadd.s32 $0xFFFFF000  }
0x94: {  	[tilespmem:s0], [sflag:$0x1] =	stream.indirect.gather [spmem:s2], $0x20, s11, s28, $0xb8;
	[tilespmem:$0x1D500] =	vst v63  }
.LBB2_4:
0x95: {  	[spmem:s3] =	stream.indirect.scatter.add.f32 [tilespmem:s29], [sflag:$0x4], $0x20, s7, s28, $0xb8;
	[tilespmem:$0x1D500] =	vst v63  }
0x96: {  	s7 =	smov.u32 s6  }
0x97: {  	p0 =	sne.s32 s6, $0x9000;
	s6 =	sadd.s32 $0xC00, s6;
	_ =	swait.ge [sflag:s24], $0x1000  }
0x98: {  	[sflag:s24] =	ssyncset.done $0x0  }
0x99: {  	[sflag:s24] =	ssyncadd.s32 $0xFFFFF000  }
0x9a: {  	_ =	swait.ge [sflag:s30], $0x1000  }
0x9b: {  	s7 =	sshra.s32 s7, $0x2;
	[sflag:s30] =	ssyncset.done $0x0  }
0x9c: {  	s9 =	sadd.s32 $0x14180, s7;
	[sflag:s30] =	ssyncadd.s32 $0xFFFFF000  }
0x9d: {  	[tilespmem:s29], [sflag:$0x2] =	stream.indirect.gather [spmem:s2], $0x20, s9, s28, $0xb8;
	[tilespmem:$0x1D500] =	vst v63  }
0x9e: {  	s9 =	sadd.s32 $0x16900, s7  }
0x9f: {  	[spmem:s3] =	stream.indirect.scatter.add.f32 [tilespmem:s31], [sflag:$0x4], $0x20, s9, s28, $0xb8;
	[tilespmem:$0x1D500] =	vst v63  }
0xa0: {  	_ =	swait.ge [sflag:s23], $0x1000  }
0xa1: {  	[sflag:s23] =	ssyncset.done $0x0  }
0xa2: {  	[sflag:s23] =	ssyncadd.s32 $0xFFFFF000  }
0xa3: {  	_ =	swait.ge [sflag:s30], $0x1000  }
0xa4: {  	[sflag:s30] =	ssyncset.done $0x0  }
0xa5: {  	s9 =	sadd.s32 $0x14200, s7;
	[sflag:s30] =	ssyncadd.s32 $0xFFFFF000  }
0xa6: {  	[tilespmem:s31], [sflag:$0x1] =	stream.indirect.gather [spmem:s2], $0x20, s9, s28, $0xb8;
	[tilespmem:$0x1D500] =	vst v63  }
0xa7: {  	s9 =	sadd.s32 $0x16980, s7  }
0xa8: {  	[spmem:s3] =	stream.indirect.scatter.add.f32 [tilespmem:s0], [sflag:$0x4], $0x20, s9, s28, $0xb8;
	[tilespmem:$0x1D500] =	vst v63  }
0xa9: {  	_ =	swait.ge [sflag:s24], $0x1000  }
0xaa: {  	[sflag:s24] =	ssyncset.done $0x0  }
0xab: {  	[sflag:s24] =	ssyncadd.s32 $0xFFFFF000  }
0xac: {  	_ =	swait.ge [sflag:s30], $0x1000  }
0xad: {  	[sflag:s30] =	ssyncset.done $0x0  }
0xae: {  	s9 =	sadd.s32 $0x14280, s7;
	[sflag:s30] =	ssyncadd.s32 $0xFFFFF000  }
0xaf: {  	[tilespmem:s0], [sflag:$0x2] =	stream.indirect.gather [spmem:s2], $0x20, s9, s28, $0xb8;
	[tilespmem:$0x1D500] =	vst v63  }
0xb0: {  	s9 =	sadd.s32 $0x16A00, s7  }
0xb1: {  	[spmem:s3] =	stream.indirect.scatter.add.f32 [tilespmem:s29], [sflag:$0x4], $0x20, s9, s28, $0xb8;
	[tilespmem:$0x1D500] =	vst v63  }
0xb2: {  	_ =	swait.ge [sflag:s23], $0x1000  }
0xb3: {  	[sflag:s23] =	ssyncset.done $0x0  }
0xb4: {  	[sflag:s23] =	ssyncadd.s32 $0xFFFFF000  }
0xb5: {  	_ =	swait.ge [sflag:s30], $0x1000  }
0xb6: {  	[sflag:s30] =	ssyncset.done $0x0  }
0xb7: {  	s9 =	sadd.s32 $0x14300, s7;
	[sflag:s30] =	ssyncadd.s32 $0xFFFFF000  }
0xb8: {  	[tilespmem:s29], [sflag:$0x1] =	stream.indirect.gather [spmem:s2], $0x20, s9, s28, $0xb8;
	[tilespmem:$0x1D500] =	vst v63  }
0xb9: {  	s9 =	sadd.s32 $0x16A80, s7  }
0xba: {  	[spmem:s3] =	stream.indirect.scatter.add.f32 [tilespmem:s31], [sflag:$0x4], $0x20, s9, s28, $0xb8;
	[tilespmem:$0x1D500] =	vst v63  }
0xbb: {  	_ =	swait.ge [sflag:s24], $0x1000  }
0xbc: {  	[sflag:s24] =	ssyncset.done $0x0  }
0xbd: {  	[sflag:s24] =	ssyncadd.s32 $0xFFFFF000  }
0xbe: {  	_ =	swait.ge [sflag:s30], $0x1000  }
0xbf: {  	[sflag:s30] =	ssyncset.done $0x0  }
0xc0: {  	s9 =	sadd.s32 $0x14380, s7;
	[sflag:s30] =	ssyncadd.s32 $0xFFFFF000  }
0xc1: {  	[tilespmem:s31], [sflag:$0x2] =	stream.indirect.gather [spmem:s2], $0x20, s9, s28, $0xb8;
	[tilespmem:$0x1D500] =	vst v63  }
0xc2: {  	s9 =	sadd.s32 $0x16B00, s7  }
0xc3: {  	[spmem:s3] =	stream.indirect.scatter.add.f32 [tilespmem:s0], [sflag:$0x4], $0x20, s9, s28, $0xb8;
	[tilespmem:$0x1D500] =	vst v63  }
0xc4: {  	_ =	swait.ge [sflag:s23], $0x1000  }
0xc5: {  	[sflag:s23] =	ssyncset.done $0x0  }
0xc6: {  	[sflag:s23] =	ssyncadd.s32 $0xFFFFF000  }
.Ltmp1:
0xc7: {  	_ =	swait.ge [sflag:s30], $0x1000;
	(pc) =	sbr.rel @p0 .LBB2_4-.Ltmp1, $4  }
0xc8: {  	[sflag:s30] =	ssyncset.done $0x0  }
0xc9: {  	s9 =	sadd.s32 $0x14400, s7;
	[sflag:s30] =	ssyncadd.s32 $0xFFFFF000  }
0xca: {  	[tilespmem:s0], [sflag:$0x1] =	stream.indirect.gather [spmem:s2], $0x20, s9, s28, $0xb8;
	[tilespmem:$0x1D500] =	vst v63  }
0xcb: {  	s7 =	sadd.s32 $0x16B80, s7  }
0xcc: {  	[spmem:s3] =	stream.indirect.scatter.add.f32 [tilespmem:s29], [sflag:$0x4], $0x20, s7, s28, $0xb8;
	[tilespmem:$0x1D500] =	vst v63  }
0xcd: {  	_ =	swait.ge [sflag:s30], $0x1000  }
0xce: {  	[sflag:s30] =	ssyncset.done $0x0  }
0xcf: {  	[sflag:s30] =	ssyncadd.s32 $0xFFFFF000  }
0xd0: {  	_ =	swait.ge [sflag:s24], $0x1000  }
0xd1: {  	[sflag:s24] =	ssyncset.done $0x0  }
0xd2: {  	[sflag:s24] =	ssyncadd.s32 $0xFFFFF000  }
0xd3: {  	_ =	swait.ge [sflag:s23], $0x1000  }
0xd4: {  	s5 =	sadd.s32 $0x1, s5;
	[sflag:s23] =	ssyncset.done $0x0  }
0xd5: {  	s6 =	sor.u32 $0x1C05, s8;
	p0 =	sne.s32 s5, s19;
	[sflag:s23] =	ssyncadd.s32 $0xFFFFF000  }
.Ltmp2:
0xd6: {  	s11 =	sshrl.u32 s10, $0x3;
	[bflag:$0x0] =	sbarrier.arrive $0xFFFF;
	(pc) =	sbr.rel @p0 .LBB2_1-.Ltmp2, $4  }
0xd7: {  	[hbm:s18], [sflag:s6] =	dma.local [spmem:s11], $0x1400  }
0xd8: {  	_ =	swait.ge [sflag:s1], $0x1400  }
0xd9: {  	[sflag:s1] =	ssyncset.done $0x0  }
0xda: {  	[sflag:s1] =	ssyncadd.s32 $0xFFFFEC00  }
0xdb: {  	_ =	sfence.sel $0x180000  }
0xdc: {  	[bflag:$0x0] =	sbarrier.arrive $0xFFFF  }
0xdd: {  	_ =	strace $0x9000004D  }
0xde: {  	s0 =	stileid.u32;
	[bflag:$0x2] =	sbarrier.arrive $0xFFFF  }
0xdf: {  	p0 =	sne.s32 s0, $0x0;
	s0 =	rddreg [dreg:$0x3]  }
0xe0: {  	s0 =	sadd.s32 @!p0 $0x100000, s0  }
0xe1: {  	[sflag:s0] =	ssyncadd.tile.s32 @!p0 $0x1;
	_ =	shalt  }
.Lfunc_end2:
_tile_overlayer_lowered:
.L_overlay_start_2:
0xe2: {  	(tag) =	ssettag $0x2  }
0xe3: {  	s0 =	rddreg [dreg:$0x0];
	s2 =	stileid.u32  }
0xe4: {  	s1 =	rddreg [dreg:$0x1];
	p0 =	sne.s32 s2, $0x0  }
0xe5: {  	s3 =	rddreg [dreg:$0x2];
	[bflag:$0x3] =	sbarrier.arrive $0xFFFF;
	s2 =	simm.s32 @!p0 $0x1C05  }
0xe6: {  	[timem:s3], [sflag:s2] =	dma.local @!p0 [hbm:s0], s1  }
0xe7: {  	s0 =	simm.s32 @!p0 $0x5  }
0xe8: {  	_ =	swait.ge @!p0 [sflag:s0], s1  }
0xe9: {  	s1 =	ssub.s32 @!p0 $0x0, s1;
	[sflag:s0] =	ssyncset.done @!p0 $0x0  }
0xea: {  	[sflag:s0] =	ssyncadd.s32 @!p0 s1  }
0xeb: {  	[bflag:$0x3] =	sbarrier.arrive $0xFFFF  }
0xec: {  	_ =	shalt  }

// kernel: kernel.21.cloned.1.call-start
scs
__scs_entry_jumppad:
0x0: {  	(pc) =	sbr.rel $0x88, $3  }
0x1: {  	(tag) =	ssettag $0x0;
	lr =	simm.s32 $0x1  }
0x2: {  	[smem:$0x3F87] =	sst lr;
	_ =	strace $0xD0000000  }
0x3: {  	_ = 	snop  }
0x4: {  	_ = 	snop  }
0x5: {  	_ = 	snop  }
0x6: {  	_ = 	snop  }
0x7: {  	_ = 	snop  }
__scs_overlays_trampoline_lowered:
0x8: {  	[smem:$0x3F96] =	sst s0  }
0x9: {  	[smem:$0x3F97] =	sst s1  }
0xa: {  	[smem:$0x3F98] =	sst s2  }
0xb: {  	[smem:$0x3F99] =	sst s3  }
0xc: {  	[smem:$0x3F9A] =	sst s4  }
0xd: {  	[smem:$0x3F9B] =	sst s5  }
0xe: {  	[smem:$0x3F9C] =	sst s6  }
0xf: {  	[smem:$0x3F9D] =	sst s7  }
0x10: {  	[smem:$0x3F9E] =	sst s8  }
0x11: {  	[smem:$0x3F9F] =	sst s9;
	s0 =	simm.s32 @!p0 $0x0  }
0x12: {  	s1 =	sld [smem:$0x3F85];
	s0 =	simm.s32 @p0 $0x1  }
0x13: {  	[smem:$0x3FA0] =	sst s0;
	s0 =	simm.s32 @!p1 $0x0  }
0x14: {  	s2 =	sld [smem:$0x3F84];
	s0 =	simm.s32 @p1 $0x1  }
0x15: {  	[smem:$0x3FA1] =	sst s0;
	s0 =	simm.s32 @!p2 $0x0  }
0x16: {  	s3 =	sld [smem:$0x3FDB];
	s0 =	simm.s32 @p2 $0x1  }
0x17: {  	s4 =	simm.s32 $0x1BF5;
	[smem:$0x3FA3] =	sst s0  }
0x18: {  	s0 =	sld [smem:$0x3F86];
	_ =	swait.ge [sflag:s4], $0x0  }
0x19: {  	s7 =	sld [smem:$0x3F87]  }
0x1a: {  	s8 =	sadd.s32 $0xFFFFE003, lr  }
0x1b: {  	s9 =	sadd.s32 $0xFFFFFEF7, lr;
	s5 =	simm.s32 $0xFFFFFFFF;
	p2 =	slt.u32 s8, $0xFFFFF086  }
0x1c: {  	p1 =	slt.u32 s9, $0xF7A;
	s5 =	simm.s32 @!p2 $0x0  }
0x1d: {  	s5 =	simm.s32 @p1 $0x1;
	p0 =	seq.s32 s7, s2  }
0x1e: {  	s7 =	smul.u32 @!p0 $0xF7A, s2;
	p2 =	seq.s32 @!p0 s5, $0x0  }
0x1f: {  	s9 =	smul.u32 $0xF7A, s1;
	s8 =	simm.s32 @!p0 $0x1BF5;
	p2 =	por !p2, p0  }
0x20: {  	[sflag:s8] =	ssyncset.s32 @!p0 $0xFFFFF086;
	s6 =	sadd.s32 @!p0 s3, s7;
	s7 =	simm.s32 @!p0 $0x108  }
0x21: {  	s3 =	sadd.s32 s3, s9;
	s6 =	sadd.s32 @!p0 $0x88, s6;
	s7 =	simm.s32 @p2 $0x1082  }
0x22: {  	[simem:s7], [sflag:s8] =	dma.local @!p0 [hbm:s6], $0xF7A  }
0x23: {  	s9 =	sor.u32 $0xD0000000, s2;
	s6 =	simm.s32 $0x108;
	_ =	swait.ge @!p0 [sflag:s8], $0x0  }
0x24: {  	s3 =	sadd.s32 $0x88, s3;
	s6 =	simm.s32 @!p1 $0x1082;
	[sflag:s4] =	ssyncset.s32 $0xFFFFF086  }
0x25: {  	[simem:s6], [sflag:s4] =	dma.local [hbm:s3], $0xF7A  }
0x26: {  	[smem:$0x3F87] =	sst s1;
	(tag) =	ssettag s2;
	_ =	strace s9  }
0x27: {  	s1 =	sld [smem:$0x3F97]  }
0x28: {  	s2 =	sld [smem:$0x3F98]  }
0x29: {  	s4 =	sld [smem:$0x3F9A]  }
0x2a: {  	p0 =	seq.s32 s5, $0x0;
	s5 =	sld [smem:$0x3F9B]  }
0x2b: {  	s6 =	sld [smem:$0x3F9C]  }
0x2c: {  	s7 =	sld [smem:$0x3F9D]  }
0x2d: {  	s3 =	simm.s32 $0x108;
	s8 =	sld [smem:$0x3F9E]  }
0x2e: {  	s3 =	simm.s32 @!p0 $0x1082;
	s9 =	sld [smem:$0x3F9F]  }
0x2f: {  	lr =	sadd.s32 s0, s3;
	s0 =	sld [smem:$0x3F96]  }
0x30: {  	s3 =	sld [smem:$0x3F99]  }
0x31: {  	[smem:$0x3FA2] =	sst s10  }
0x32: {  	s10 =	sld [smem:$0x3FA0];
	_ =	sdelay $0x3  }
0x33: {  	p0 =	seq.s32 s10, $0x1;
	s10 =	sld [smem:$0x3FA2];
	_ =	sdelay $0x3  }
0x34: {  	[smem:$0x3FA2] =	sst s10  }
0x35: {  	s10 =	sld [smem:$0x3FA1];
	_ =	sdelay $0x3  }
0x36: {  	p1 =	seq.s32 s10, $0x1;
	s10 =	sld [smem:$0x3FA2];
	_ =	sdelay $0x3  }
0x37: {  	[smem:$0x3FA2] =	sst s10  }
0x38: {  	s10 =	sld [smem:$0x3FA3]  }
0x39: {  	_ = 	snop;
	(pc) =	sbr.ind lr, $3  }
0x3a: {  	_ = 	snop  }
0x3b: {  	_ = 	snop  }
0x3c: {  	p2 =	seq.s32 s10, $0x1;
	s10 =	sld [smem:$0x3FA2]  }
0x3d: {  	_ =	shalt  }
0x3e: {  	_ =	shalt  }
0x3f: {  	_ =	shalt  }
0x40: {  	_ =	shalt  }
0x41: {  	_ =	shalt  }
0x42: {  	_ =	shalt  }
0x43: {  	_ =	shalt  }
0x44: {  	_ =	shalt  }
0x45: {  	_ =	shalt  }
0x46: {  	_ =	shalt  }
0x47: {  	_ =	shalt  }
0x48: {  	_ =	shalt  }
0x49: {  	_ =	shalt  }
0x4a: {  	_ =	shalt  }
0x4b: {  	_ =	shalt  }
0x4c: {  	_ =	shalt  }
0x4d: {  	_ =	shalt  }
0x4e: {  	_ =	shalt  }
0x4f: {  	_ =	shalt  }
0x50: {  	_ =	shalt  }
0x51: {  	_ =	shalt  }
0x52: {  	_ =	shalt  }
0x53: {  	_ =	shalt  }
0x54: {  	_ =	shalt  }
0x55: {  	_ =	shalt  }
0x56: {  	_ =	shalt  }
0x57: {  	_ =	shalt  }
0x58: {  	_ =	shalt  }
0x59: {  	_ =	shalt  }
0x5a: {  	_ =	shalt  }
0x5b: {  	_ =	shalt  }
0x5c: {  	_ =	shalt  }
0x5d: {  	_ =	shalt  }
0x5e: {  	_ =	shalt  }
0x5f: {  	_ =	shalt  }
0x60: {  	_ =	shalt  }
0x61: {  	_ =	shalt  }
0x62: {  	_ =	shalt  }
0x63: {  	_ =	shalt  }
0x64: {  	_ =	shalt  }
0x65: {  	_ =	shalt  }
0x66: {  	_ =	shalt  }
0x67: {  	_ =	shalt  }
0x68: {  	_ =	shalt  }
0x69: {  	_ =	shalt  }
0x6a: {  	_ =	shalt  }
0x6b: {  	_ =	shalt  }
0x6c: {  	_ =	shalt  }
0x6d: {  	_ =	shalt  }
0x6e: {  	_ =	shalt  }
0x6f: {  	_ =	shalt  }
0x70: {  	_ =	shalt  }
0x71: {  	_ =	shalt  }
0x72: {  	_ =	shalt  }
0x73: {  	_ =	shalt  }
0x74: {  	_ =	shalt  }
0x75: {  	_ =	shalt  }
0x76: {  	_ =	shalt  }
0x77: {  	_ =	shalt  }
0x78: {  	_ =	shalt  }
0x79: {  	_ =	shalt  }
0x7a: {  	_ =	shalt  }
0x7b: {  	_ =	shalt  }
0x7c: {  	_ =	shalt  }
0x7d: {  	_ =	shalt  }
0x7e: {  	_ =	shalt  }
0x7f: {  	_ =	shalt  }
0x80: {  	_ =	shalt  }
0x81: {  	_ =	shalt  }
0x82: {  	_ =	shalt  }
0x83: {  	_ =	shalt  }
0x84: {  	_ =	shalt  }
0x85: {  	_ =	shalt  }
0x86: {  	_ =	shalt  }
0x87: {  	_ =	shalt  }
.Lfunc_end0:
.L_simem_size_0:
called_computation.3_lowered:
.L_overlay_start_0:
0x88: {  	s2 =	sld [smem:$0x3FD9]  }
0x89: {  	s3 =	sld [smem:$0x3FFE];
	_ =	sdelay $0x1  }
0x8a: {  	s1 =	srdreg.scid  }
0x8b: {  	s0 =	sand.u32 $0x1, s1  }
0x8c: {  	s16 =	sshll.u32 s0, $0xA;
	s2 =	sadd.s32 s3, s2  }
0x8d: {  	s2 =	sadd.s32 s2, s16  }
0x8e: {  	[smem:$0x3FAE] =	sst s2  }
0x8f: {  	_ = 	snop  }
0x90: {  	(tm) =	ssettm $0x1  }
0x91: {  	s17 =	sld [smem:$0x3FFB];
	_ =	sdelay $0x3  }
0x92: {  	_ =	strace s17  }
0x93: {  	s2 =	sld [smem:$0x3FFC];
	_ =	sdelay $0x3  }
0x94: {  	_ =	strace s2  }
0x95: {  	s2 =	sld [smem:$0x3FFD];
	_ =	sdelay $0x3  }
0x96: {  	_ =	strace s2  }
0x97: {  	_ =	strace $0x8FFFFFFF  }
0x98: {  	s18 =	sld [smem:$0x3FDB];
	_ =	sdelay $0x1  }
0x99: {  	s19 =	simm.s32 $_scs_section_size  }
0x9a: {  	s4 =	simm.s32 $_size__tile_overlayer_lowered;
	s5 =	simm.s32 $_tile_overlayer_lowered  }
0x9b: {  	s22 =	simm.s32 $0x1BFF;
	s21 =	sshll.u32 s5, $0x1;
	s2 =	sadd.s32 s19, s18  }
0x9c: {  	s6 =	simm.s32 $0x0;
	s20 =	sshll.u32 s4, $0x1;
	s4 =	sadd.s32 s21, s2  }
0x9d: {  	[timem:s6], [sflag:s22] =	dma.local [hbm:s4], s20  }
0x9e: {  	_ =	swait.ge [sflag:s22], s20  }
0x9f: {  	s3 =	ssub.s32 $0x0, s20;
	[sflag:s22] =	ssyncset.done $0x0  }
0xa0: {  	[sflag:s22] =	ssyncadd.s32 s3;
	_ =	sdelay $0x1  }
0xa1: {  	s23 =	simm.s32 $0x1B8B  }
0xa2: {  	_ =	swait.ge [sflag:s23], $0x1  }
0xa3: {  	[sflag:s23] =	ssyncset.done $0x0  }
0xa4: {  	s25 =	simm.s32 $0x1B8E;
	s24 =	sld [smem:$0x3FFE];
	[sflag:s23] =	ssyncadd.s32 $0xFFFFFFFF  }
0xa5: {  	s26 =	simm.s32 $execute0_lowered;
	[smem:$0x3FD2] =	sst s25  }
0xa6: {  	s4 =	sshll.u32 s26, $0x1;
	_ =	strace $0x8000004F;
	[dreg:$0x1] =	wrdreg $0xFFFFFFFF  }
0xa7: {  	s28 =	simm.s32 $_size_execute0_lowered;
	s2 =	sadd.s32 s2, s4;
	[dreg:$0x0] =	wrdreg $0x0  }
0xa8: {  	s4 =	sshll.u32 s28, $0x1;
	[dreg:$0x2] =	wrdreg s2  }
0xa9: {  	[dreg:$0x3] =	wrdreg s4  }
0xaa: {  	[dreg:$0x4] =	wrdreg $0xC0  }
0xab: {  	_ =	task [dreg:s6], $0x5FFFF  }
0xac: {  	[dreg:$0x1] =	wrdreg $0xFFFFFFFF  }
0xad: {  	[dreg:$0x0] =	wrdreg $0x60  }
0xae: {  	[dreg:$0x2] =	wrdreg s24  }
0xaf: {  	[dreg:$0x3] =	wrdreg $0xA0000  }
0xb0: {  	[dreg:$0x4] =	wrdreg $0x0  }
0xb1: {  	[dreg:$0x5] =	wrdreg $0x9  }
0xb2: {  	_ =	task.clear_ibuf [dreg:s6], $0x6FFFF;
	_ =	strace $0x9000004F  }
0xb3: {  	s29 =	simm.s32 $0x9;
	_ =	strace $0x80000051  }
0xb4: {  	_ =	swait.ge [sflag:s29], $0x1  }
0xb5: {  	[sflag:s29] =	ssyncadd.s32 $0xFFFFFFFF  }
0xb6: {  	_ =	strace $0x90000051  }
0xb7: {  	_ =	sfence  }
0xb8: {  	s30 =	sld [smem:$0x0];
	_ =	sdelay $0x2  }
0xb9: {  	s31 =	sshll.u32 s1, $0xD;
	s1 =	sshrl.u32 s1, $0x2  }
0xba: {  	s3 =	sand.u32 $0x4000, s31;
	s1 =	sadd.s32 s1, s30  }
0xbb: {  	s0 =	sor.u32 s3, s0;
	s1 =	sshll.u32 s1, $0x11  }
0xbc: {  	s0 =	sor.u32 s1, s0  }
0xbd: {  	s0 =	sadd.s32 $0x8F2B, s0  }
0xbe: {  	[sflag:s0] =	ssyncadd.remote.s32 $0x1  }
0xbf: {  	_ =	sfence.sel $0xFFFF  }
0xc0: {  	[dreg:$0x0] =	wrdreg $0xFFFFFFFF;
	(pc) =	sbr.abs _section_cstart, $3  }
0xc1: {  	[dreg:$0x1] =	wrdreg $0xFFFFFFFF  }
0xc2: {  	_ =	task.clear_ibuf [dreg:s6], $0x2FFFF;
	_ =	strace $0x9FFFFFFF  }
0xc3: {  	(tm) =	ssettm $0x7FFFFFFF  }
tec
execute0_lowered:
.L_overlay_start_1:
0x0: {  	(tag) =	ssettag $0x1  }
0x1: {  	s0 =	srdreg.scid;
	s1 =	rddreg [dreg:$0x0]  }
0x2: {  	s2 =	rddreg [dreg:$0x1];
	s11 =	stileid.u32  }
0x3: {  	s3 =	rddreg [dreg:$0x2];
	s20 =	simm.s32 $0x14000;
	s28 =	simm.s32 $0x80  }
0x4: {  	s29 =	simm.s32 $0x19100;
	s31 =	simm.s32 $0x1A100;
	s5 =	smul.u32 $0xA000, s11  }
0x5: {  	s30 =	simm.s32 $0x4;
	s0 =	sand.u32 $0x1, s0;
	s10 =	smul.u32 $0x28000, s11  }
0x6: {  	s4 =	sshll.u32 s0, $0x4;
	s8 =	smul.u32 $0xA0000, s0;
	s0 =	ssub.s32 $0x2, s0  }
0x7: {  	s6 =	sor.u32 s11, s4;
	s4 =	simm.s32 $0x0;
	s7 =	sshrl.u32 s5, $0x3  }
0x8: {  	s9 =	sshrl.u32 s0, $0x1;
	s22 =	sadd.s32 s5, s2;
	s23 =	sshrl.u32 s10, $0x2  }
0x9: {  	s10 =	sadd.s32 s5, s3;
	s6 =	smul.u32 $0x510, s6;
	[smem:$0x7FF] =	sst s4  }
0xa: {  	s7 =	sadd.s32 s7, s1;
	s8 =	sadd.s32 s5, s8;
	s0 =	ssub.s32 s0, s9  }
0xb: {  	s24 =	sadd.s32 s23, s3;
	s22 =	sshrl.u32 s22, $0x3;
	s23 =	simm.s32 $0x1  }
0xc: {  	s5 =	simm.s32 $0x0;
	_ =	strace $0x80000050;
	s8 =	sshrl.u32 s8, $0x3  }
0xd: {  	s7 =	sadd.s32 $0x1E000, s7;
	s26 =	sadd.s32 $0x1400, s24;
	s12 =	sadd.s32 $0x2800, s24  }
0xe: {  	s13 =	sadd.s32 $0x3C00, s24;
	s14 =	sadd.s32 $0x5000, s24;
	s15 =	sadd.s32 $0x6400, s24  }
0xf: {  	s16 =	sadd.s32 $0x7800, s24;
	s17 =	sadd.s32 $0x8C00, s24;
	s19 =	smax.u32 s0, $0x1  }
0x10: {  	s24 =	simm.s32 $0x2;
	s0 =	simm.s32 $0x1B100;
	s6 =	sadd.s32 s6, s1  }
0x11: {  	s1 =	sadd.s32 s8, s1;
	[dreg:$0x6] =	wrdreg s7;
	s8 =	sshll.u32 s11, $0x6  }
0x12: {  	[dreg:$0x8] =	wrdreg s26;
	s26 =	simm.s32 $0x1C100;
	s21 =	sadd.s32 $0x9C00, s6  }
0x13: {  	s6 =	sadd.s32 $0x13E00, s6;
	s25 =	sor.u32 $0x1C03, s8;
	[dreg:$0x4] =	wrdreg s21  }
0x14: {  	s18 =	sadd.s32 $0x32000, s1;
	s1 =	simm.s32 $0x5;
	[dreg:$0x5] =	wrdreg s6  }
0x15: {  	v0 =	vimm.f32 $0.0e+00;
	[dreg:$0x7] =	wrdreg s25;
	s21 =	simm.s32 $0x16880;
	s25 =	simm.s32 $0x3  }
.LBB2_1:
0x16: {  	s6 =	rddreg [dreg:$0x4]  }
0x17: {  	s9 =	rddreg [dreg:$0x5]  }
0x18: {  	[tilespmem:s20], [sflag:$0x1] =	stream.linear.gather [hbm4b:s6+s4], $0x2880, $0x38;
	[tilespmem:$0x1D500] =	vst v63  }
0x19: {  	s11 =	rddreg [dreg:$0x6]  }
0x1a: {  	[tilespmem:s21], [sflag:$0x2] =	stream.linear.gather [hbm4b:s9+s4], $0x2880, $0x38;
	[tilespmem:$0x1D500] =	vst v63  }
0x1b: {  	s7 =	rddreg [dreg:$0x7];
	s9 =	sand.u32 $0x7F80, s4  }
0x1c: {  	[spmem:s22], [sflag:s7] =	dma.local [hbm:s11], $0x1400  }
0x1d: {  	s11 =	sand.u32 $0x10, s4;
	s9 =	sshrl.u32 s9, $0x2  }
0x1e: {  	s6 =	simm.s32 $0x40;
	s7 =	simm.s32 $0x0;
	s9 =	sor.u32 s11, s9  }
.LBB2_2:
0x1f: {  	p0 =	sne.s32 s6, $0x4FC0  }
0x20: {  	[tilespmem:s9+$0x1C100] =	vst v0;
	s7 =	sadd.s32 $0x10, s7;
	s9 =	smov.u32 s6;
	s6 =	sadd.s32 $0x40, s6  }
.Ltmp0:
0x21: {  	(pc) =	sbr.rel @p0 .LBB2_2-.Ltmp0, $4  }
0x22: {  	_ = 	snop  }
0x23: {  	s9 =	sand.u32 $0x7F80, s9  }
0x24: {  	s11 =	sand.u32 $0x10, s7;
	s9 =	sshrl.u32 s9, $0x2  }
0x25: {  	s9 =	sor.u32 s11, s9  }
0x26: {  	[tilespmem:s9+$0x1C100] =	vst v0  }
0x27: {  	_ =	swait.ge [sflag:s23], $0x2880  }
0x28: {  	[sflag:s23] =	ssyncset.done $0x0  }
0x29: {  	[sflag:s23] =	ssyncadd.s32 $0xFFFFD780  }
0x2a: {  	_ =	swait.ge [sflag:s24], $0x2880  }
0x2b: {  	[sflag:s24] =	ssyncset.done $0x0  }
0x2c: {  	[sflag:s24] =	ssyncadd.s32 $0xFFFFD780  }
0x2d: {  	_ =	swait.ge [sflag:s25], $0x1400  }
0x2e: {  	[sflag:s25] =	ssyncset.done $0x0  }
0x2f: {  	[sflag:s25] =	ssyncadd.s32 $0xFFFFEC00  }
0x30: {  	[spmem:s10] =	stream.linear.scatter [tilespmem:s26], [sflag:$0x3], $0x1400, $0x38;
	[tilespmem:$0x1D500] =	vst v63  }
0x31: {  	s6 =	rddreg [dreg:$0x8]  }
0x32: {  	[spmem:s6] =	stream.linear.scatter [tilespmem:s26], [sflag:$0x3], $0x1400, $0x38;
	[tilespmem:$0x1D500] =	vst v63  }
0x33: {  	_ = 	snop  }
0x34: {  	[spmem:s12] =	stream.linear.scatter [tilespmem:s26], [sflag:$0x3], $0x1400, $0x38;
	[tilespmem:$0x1D500] =	vst v63  }
0x35: {  	_ = 	snop  }
0x36: {  	[spmem:s13] =	stream.linear.scatter [tilespmem:s26], [sflag:$0x3], $0x1400, $0x38;
	[tilespmem:$0x1D500] =	vst v63  }
0x37: {  	_ = 	snop  }
0x38: {  	[spmem:s14] =	stream.linear.scatter [tilespmem:s26], [sflag:$0x3], $0x1400, $0x38;
	[tilespmem:$0x1D500] =	vst v63  }
0x39: {  	_ = 	snop  }
0x3a: {  	[spmem:s15] =	stream.linear.scatter [tilespmem:s26], [sflag:$0x3], $0x1400, $0x38;
	[tilespmem:$0x1D500] =	vst v63  }
0x3b: {  	_ = 	snop  }
0x3c: {  	[spmem:s16] =	stream.linear.scatter [tilespmem:s26], [sflag:$0x3], $0x1400, $0x38;
	[tilespmem:$0x1D500] =	vst v63  }
0x3d: {  	_ = 	snop  }
0x3e: {  	[spmem:s17] =	stream.linear.scatter [tilespmem:s26], [sflag:$0x3], $0x1400, $0x38;
	[tilespmem:$0x1D500] =	vst v63  }
0x3f: {  	_ =	swait.ge [sflag:s25], $0x1400  }
0x40: {  	[sflag:s25] =	ssyncset.done $0x0  }
0x41: {  	[sflag:s25] =	ssyncadd.s32 $0xFFFFEC00  }
0x42: {  	_ =	swait.ge [sflag:s25], $0x1400  }
0x43: {  	[sflag:s25] =	ssyncset.done $0x0  }
0x44: {  	[sflag:s25] =	ssyncadd.s32 $0xFFFFEC00  }
0x45: {  	_ =	swait.ge [sflag:s25], $0x1400  }
0x46: {  	[sflag:s25] =	ssyncset.done $0x0  }
0x47: {  	[sflag:s25] =	ssyncadd.s32 $0xFFFFEC00  }
0x48: {  	_ =	swait.ge [sflag:s25], $0x1400  }
0x49: {  	[sflag:s25] =	ssyncset.done $0x0  }
0x4a: {  	[sflag:s25] =	ssyncadd.s32 $0xFFFFEC00  }
0x4b: {  	_ =	swait.ge [sflag:s25], $0x1400  }
0x4c: {  	[sflag:s25] =	ssyncset.done $0x0  }
0x4d: {  	[sflag:s25] =	ssyncadd.s32 $0xFFFFEC00  }
0x4e: {  	_ =	swait.ge [sflag:s25], $0x1400  }
0x4f: {  	[sflag:s25] =	ssyncset.done $0x0  }
0x50: {  	[sflag:s25] =	ssyncadd.s32 $0xFFFFEC00  }
0x51: {  	_ =	swait.ge [sflag:s25], $0x1400  }
0x52: {  	[sflag:s25] =	ssyncset.done $0x0  }
0x53: {  	[sflag:s25] =	ssyncadd.s32 $0xFFFFEC00  }
0x54: {  	_ =	swait.ge [sflag:s25], $0x1400  }
0x55: {  	[sflag:s25] =	ssyncset.done $0x0  }
0x56: {  	[sflag:s25] =	ssyncadd.s32 $0xFFFFEC00  }
0x57: {  	[bflag:$0x0] =	sbarrier.arrive $0xFFFF  }
0x58: {  	[tilespmem:s29], [sflag:$0x1] =	stream.indirect.gather [spmem:s2], $0x20, s20, s28, $0xb8;
	[tilespmem:$0x1D500] =	vst v63  }
0x59: {  	s11 =	simm.s32 $0x14080  }
0x5a: {  	[tilespmem:s31], [sflag:$0x2] =	stream.indirect.gather [spmem:s2], $0x20, s11, s28, $0xb8;
	[tilespmem:$0x1D500] =	vst v63  }
0x5b: {  	_ =	swait.ge [sflag:s23], $0x1000  }
0x5c: {  	[sflag:s23] =	ssyncset.done $0x0  }
0x5d: {  	s7 =	simm.s32 $0x14100;
	[sflag:s23] =	ssyncadd.s32 $0xFFFFF000  }
0x5e: {  	[tilespmem:s0], [sflag:$0x1] =	stream.indirect.gather [spmem:s2], $0x20, s7, s28, $0xb8;
	[tilespmem:$0x1D500] =	vst v63  }
0x5f: {  	_ = 	snop  }
0x60: {  	[spmem:s3] =	stream.indirect.scatter.add.f32 [tilespmem:s29], [sflag:$0x4], $0x20, s21, s28, $0xb8;
	[tilespmem:$0x1D500] =	vst v63  }
0x61: {  	_ =	swait.ge [sflag:s24], $0x1000  }
0x62: {  	[sflag:s24] =	ssyncset.done $0x0  }
0x63: {  	[sflag:s24] =	ssyncadd.s32 $0xFFFFF000  }
0x64: {  	_ =	swait.ge [sflag:s30], $0x1000  }
0x65: {  	[sflag:s30] =	ssyncset.done $0x0  }
0x66: {  	s9 =	simm.s32 $0x14180;
	[sflag:s30] =	ssyncadd.s32 $0xFFFFF000  }
0x67: {  	[tilespmem:s29], [sflag:$0x2] =	stream.indirect.gather [spmem:s2], $0x20, s9, s28, $0xb8;
	[tilespmem:$0x1D500] =	vst v63  }
0x68: {  	s11 =	simm.s32 $0x16900  }
0x69: {  	[spmem:s3] =	stream.indirect.scatter.add.f32 [tilespmem:s31], [sflag:$0x4], $0x20, s11, s28, $0xb8;
	[tilespmem:$0x1D500] =	vst v63  }
0x6a: {  	_ =	swait.ge [sflag:s23], $0x1000  }
0x6b: {  	[sflag:s23] =	ssyncset.done $0x0  }
0x6c: {  	[sflag:s23] =	ssyncadd.s32 $0xFFFFF000  }
0x6d: {  	_ =	swait.ge [sflag:s30], $0x1000  }
0x6e: {  	[sflag:s30] =	ssyncset.done $0x0  }
0x6f: {  	s7 =	simm.s32 $0x14200;
	[sflag:s30] =	ssyncadd.s32 $0xFFFFF000  }
0x70: {  	[tilespmem:s31], [sflag:$0x1] =	stream.indirect.gather [spmem:s2], $0x20, s7, s28, $0xb8;
	[tilespmem:$0x1D500] =	vst v63  }
0x71: {  	s9 =	simm.s32 $0x16980  }
0x72: {  	[spmem:s3] =	stream.indirect.scatter.add.f32 [tilespmem:s0], [sflag:$0x4], $0x20, s9, s28, $0xb8;
	[tilespmem:$0x1D500] =	vst v63  }
0x73: {  	_ =	swait.ge [sflag:s24], $0x1000  }
0x74: {  	[sflag:s24] =	ssyncset.done $0x0  }
0x75: {  	[sflag:s24] =	ssyncadd.s32 $0xFFFFF000  }
0x76: {  	_ =	swait.ge [sflag:s30], $0x1000  }
0x77: {  	[sflag:s30] =	ssyncset.done $0x0  }
0x78: {  	s11 =	simm.s32 $0x14280;
	[sflag:s30] =	ssyncadd.s32 $0xFFFFF000  }
0x79: {  	[tilespmem:s0], [sflag:$0x2] =	stream.indirect.gather [spmem:s2], $0x20, s11, s28, $0xb8;
	[tilespmem:$0x1D500] =	vst v63  }
0x7a: {  	s7 =	simm.s32 $0x16A00  }
0x7b: {  	[spmem:s3] =	stream.indirect.scatter.add.f32 [tilespmem:s29], [sflag:$0x4], $0x20, s7, s28, $0xb8;
	[tilespmem:$0x1D500] =	vst v63  }
0x7c: {  	_ =	swait.ge [sflag:s23], $0x1000  }
0x7d: {  	[sflag:s23] =	ssyncset.done $0x0  }
0x7e: {  	[sflag:s23] =	ssyncadd.s32 $0xFFFFF000  }
0x7f: {  	_ =	swait.ge [sflag:s30], $0x1000  }
0x80: {  	[sflag:s30] =	ssyncset.done $0x0  }
0x81: {  	s9 =	simm.s32 $0x14300;
	[sflag:s30] =	ssyncadd.s32 $0xFFFFF000  }
0x82: {  	[tilespmem:s29], [sflag:$0x1] =	stream.indirect.gather [spmem:s2], $0x20, s9, s28, $0xb8;
	[tilespmem:$0x1D500] =	vst v63  }
0x83: {  	s11 =	simm.s32 $0x16A80  }
0x84: {  	[spmem:s3] =	stream.indirect.scatter.add.f32 [tilespmem:s31], [sflag:$0x4], $0x20, s11, s28, $0xb8;
	[tilespmem:$0x1D500] =	vst v63  }
0x85: {  	_ =	swait.ge [sflag:s24], $0x1000  }
0x86: {  	[sflag:s24] =	ssyncset.done $0x0  }
0x87: {  	[sflag:s24] =	ssyncadd.s32 $0xFFFFF000  }
0x88: {  	_ =	swait.ge [sflag:s30], $0x1000  }
0x89: {  	[sflag:s30] =	ssyncset.done $0x0  }
0x8a: {  	s7 =	simm.s32 $0x14380;
	[sflag:s30] =	ssyncadd.s32 $0xFFFFF000  }
0x8b: {  	[tilespmem:s31], [sflag:$0x2] =	stream.indirect.gather [spmem:s2], $0x20, s7, s28, $0xb8;
	[tilespmem:$0x1D500] =	vst v63  }
0x8c: {  	s9 =	simm.s32 $0x16B00  }
0x8d: {  	[spmem:s3] =	stream.indirect.scatter.add.f32 [tilespmem:s0], [sflag:$0x4], $0x20, s9, s28, $0xb8;
	[tilespmem:$0x1D500] =	vst v63  }
0x8e: {  	_ =	swait.ge [sflag:s23], $0x1000  }
0x8f: {  	[sflag:s23] =	ssyncset.done $0x0  }
0x90: {  	[sflag:s23] =	ssyncadd.s32 $0xFFFFF000  }
0x91: {  	_ =	swait.ge [sflag:s30], $0x1000  }
0x92: {  	s6 =	simm.s32 $0xC00;
	[sflag:s30] =	ssyncset.done $0x0  }
0x93: {  	s11 =	simm.s32 $0x14400;
	s7 =	simm.s32 $0x16B80;
	[sflag:s30] =	ssyncadd.s32 $0xFFFFF000  }
0x94: {  	[tilespmem:s0], [sflag:$0x1] =	stream.indirect.gather [spmem:s2], $0x20, s11, s28, $0xb8;
	[tilespmem:$0x1D500] =	vst v63  }
.LBB2_4:
0x95: {  	[spmem:s3] =	stream.indirect.scatter.add.f32 [tilespmem:s29], [sflag:$0x4], $0x20, s7, s28, $0xb8;
	[tilespmem:$0x1D500] =	vst v63  }
0x96: {  	s7 =	smov.u32 s6  }
0x97: {  	p0 =	sne.s32 s6, $0x9000;
	s6 =	sadd.s32 $0xC00, s6;
	_ =	swait.ge [sflag:s24], $0x1000  }
0x98: {  	[sflag:s24] =	ssyncset.done $0x0  }
0x99: {  	[sflag:s24] =	ssyncadd.s32 $0xFFFFF000  }
0x9a: {  	_ =	swait.ge [sflag:s30], $0x1000  }
0x9b: {  	s7 =	sshra.s32 s7, $0x2;
	[sflag:s30] =	ssyncset.done $0x0  }
0x9c: {  	s9 =	sadd.s32 $0x14180, s7;
	[sflag:s30] =	ssyncadd.s32 $0xFFFFF000  }
0x9d: {  	[tilespmem:s29], [sflag:$0x2] =	stream.indirect.gather [spmem:s2], $0x20, s9, s28, $0xb8;
	[tilespmem:$0x1D500] =	vst v63  }
0x9e: {  	s9 =	sadd.s32 $0x16900, s7  }
0x9f: {  	[spmem:s3] =	stream.indirect.scatter.add.f32 [tilespmem:s31], [sflag:$0x4], $0x20, s9, s28, $0xb8;
	[tilespmem:$0x1D500] =	vst v63  }
0xa0: {  	_ =	swait.ge [sflag:s23], $0x1000  }
0xa1: {  	[sflag:s23] =	ssyncset.done $0x0  }
0xa2: {  	[sflag:s23] =	ssyncadd.s32 $0xFFFFF000  }
0xa3: {  	_ =	swait.ge [sflag:s30], $0x1000  }
0xa4: {  	[sflag:s30] =	ssyncset.done $0x0  }
0xa5: {  	s9 =	sadd.s32 $0x14200, s7;
	[sflag:s30] =	ssyncadd.s32 $0xFFFFF000  }
0xa6: {  	[tilespmem:s31], [sflag:$0x1] =	stream.indirect.gather [spmem:s2], $0x20, s9, s28, $0xb8;
	[tilespmem:$0x1D500] =	vst v63  }
0xa7: {  	s9 =	sadd.s32 $0x16980, s7  }
0xa8: {  	[spmem:s3] =	stream.indirect.scatter.add.f32 [tilespmem:s0], [sflag:$0x4], $0x20, s9, s28, $0xb8;
	[tilespmem:$0x1D500] =	vst v63  }
0xa9: {  	_ =	swait.ge [sflag:s24], $0x1000  }
0xaa: {  	[sflag:s24] =	ssyncset.done $0x0  }
0xab: {  	[sflag:s24] =	ssyncadd.s32 $0xFFFFF000  }
0xac: {  	_ =	swait.ge [sflag:s30], $0x1000  }
0xad: {  	[sflag:s30] =	ssyncset.done $0x0  }
0xae: {  	s9 =	sadd.s32 $0x14280, s7;
	[sflag:s30] =	ssyncadd.s32 $0xFFFFF000  }
0xaf: {  	[tilespmem:s0], [sflag:$0x2] =	stream.indirect.gather [spmem:s2], $0x20, s9, s28, $0xb8;
	[tilespmem:$0x1D500] =	vst v63  }
0xb0: {  	s9 =	sadd.s32 $0x16A00, s7  }
0xb1: {  	[spmem:s3] =	stream.indirect.scatter.add.f32 [tilespmem:s29], [sflag:$0x4], $0x20, s9, s28, $0xb8;
	[tilespmem:$0x1D500] =	vst v63  }
0xb2: {  	_ =	swait.ge [sflag:s23], $0x1000  }
0xb3: {  	[sflag:s23] =	ssyncset.done $0x0  }
0xb4: {  	[sflag:s23] =	ssyncadd.s32 $0xFFFFF000  }
0xb5: {  	_ =	swait.ge [sflag:s30], $0x1000  }
0xb6: {  	[sflag:s30] =	ssyncset.done $0x0  }
0xb7: {  	s9 =	sadd.s32 $0x14300, s7;
	[sflag:s30] =	ssyncadd.s32 $0xFFFFF000  }
0xb8: {  	[tilespmem:s29], [sflag:$0x1] =	stream.indirect.gather [spmem:s2], $0x20, s9, s28, $0xb8;
	[tilespmem:$0x1D500] =	vst v63  }
0xb9: {  	s9 =	sadd.s32 $0x16A80, s7  }
0xba: {  	[spmem:s3] =	stream.indirect.scatter.add.f32 [tilespmem:s31], [sflag:$0x4], $0x20, s9, s28, $0xb8;
	[tilespmem:$0x1D500] =	vst v63  }
0xbb: {  	_ =	swait.ge [sflag:s24], $0x1000  }
0xbc: {  	[sflag:s24] =	ssyncset.done $0x0  }
0xbd: {  	[sflag:s24] =	ssyncadd.s32 $0xFFFFF000  }
0xbe: {  	_ =	swait.ge [sflag:s30], $0x1000  }
0xbf: {  	[sflag:s30] =	ssyncset.done $0x0  }
0xc0: {  	s9 =	sadd.s32 $0x14380, s7;
	[sflag:s30] =	ssyncadd.s32 $0xFFFFF000  }
0xc1: {  	[tilespmem:s31], [sflag:$0x2] =	stream.indirect.gather [spmem:s2], $0x20, s9, s28, $0xb8;
	[tilespmem:$0x1D500] =	vst v63  }
0xc2: {  	s9 =	sadd.s32 $0x16B00, s7  }
0xc3: {  	[spmem:s3] =	stream.indirect.scatter.add.f32 [tilespmem:s0], [sflag:$0x4], $0x20, s9, s28, $0xb8;
	[tilespmem:$0x1D500] =	vst v63  }
0xc4: {  	_ =	swait.ge [sflag:s23], $0x1000  }
0xc5: {  	[sflag:s23] =	ssyncset.done $0x0  }
0xc6: {  	[sflag:s23] =	ssyncadd.s32 $0xFFFFF000  }
.Ltmp1:
0xc7: {  	_ =	swait.ge [sflag:s30], $0x1000;
	(pc) =	sbr.rel @p0 .LBB2_4-.Ltmp1, $4  }
0xc8: {  	[sflag:s30] =	ssyncset.done $0x0  }
0xc9: {  	s9 =	sadd.s32 $0x14400, s7;
	[sflag:s30] =	ssyncadd.s32 $0xFFFFF000  }
0xca: {  	[tilespmem:s0], [sflag:$0x1] =	stream.indirect.gather [spmem:s2], $0x20, s9, s28, $0xb8;
	[tilespmem:$0x1D500] =	vst v63  }
0xcb: {  	s7 =	sadd.s32 $0x16B80, s7  }
0xcc: {  	[spmem:s3] =	stream.indirect.scatter.add.f32 [tilespmem:s29], [sflag:$0x4], $0x20, s7, s28, $0xb8;
	[tilespmem:$0x1D500] =	vst v63  }
0xcd: {  	_ =	swait.ge [sflag:s30], $0x1000  }
0xce: {  	[sflag:s30] =	ssyncset.done $0x0  }
0xcf: {  	[sflag:s30] =	ssyncadd.s32 $0xFFFFF000  }
0xd0: {  	_ =	swait.ge [sflag:s24], $0x1000  }
0xd1: {  	[sflag:s24] =	ssyncset.done $0x0  }
0xd2: {  	[sflag:s24] =	ssyncadd.s32 $0xFFFFF000  }
0xd3: {  	_ =	swait.ge [sflag:s23], $0x1000  }
0xd4: {  	s5 =	sadd.s32 $0x1, s5;
	[sflag:s23] =	ssyncset.done $0x0  }
0xd5: {  	s6 =	sor.u32 $0x1C05, s8;
	p0 =	sne.s32 s5, s19;
	[sflag:s23] =	ssyncadd.s32 $0xFFFFF000  }
.Ltmp2:
0xd6: {  	s11 =	sshrl.u32 s10, $0x3;
	[bflag:$0x0] =	sbarrier.arrive $0xFFFF;
	(pc) =	sbr.rel @p0 .LBB2_1-.Ltmp2, $4  }
0xd7: {  	[hbm:s18], [sflag:s6] =	dma.local [spmem:s11], $0x1400  }
0xd8: {  	_ =	swait.ge [sflag:s1], $0x1400  }
0xd9: {  	[sflag:s1] =	ssyncset.done $0x0  }
0xda: {  	[sflag:s1] =	ssyncadd.s32 $0xFFFFEC00  }
0xdb: {  	_ =	sfence.sel $0x180000  }
0xdc: {  	[bflag:$0x0] =	sbarrier.arrive $0xFFFF  }
0xdd: {  	_ =	strace $0x90000050  }
0xde: {  	s0 =	stileid.u32;
	[bflag:$0x2] =	sbarrier.arrive $0xFFFF  }
0xdf: {  	p0 =	sne.s32 s0, $0x0;
	s0 =	rddreg [dreg:$0x3]  }
0xe0: {  	s0 =	sadd.s32 @!p0 $0x100000, s0  }
0xe1: {  	[sflag:s0] =	ssyncadd.tile.s32 @!p0 $0x1;
	_ =	shalt  }
.Lfunc_end2:
_tile_overlayer_lowered:
.L_overlay_start_2:
0xe2: {  	(tag) =	ssettag $0x2  }
0xe3: {  	s0 =	rddreg [dreg:$0x0];
	s2 =	stileid.u32  }
0xe4: {  	s1 =	rddreg [dreg:$0x1];
	p0 =	sne.s32 s2, $0x0  }
0xe5: {  	s3 =	rddreg [dreg:$0x2];
	[bflag:$0x3] =	sbarrier.arrive $0xFFFF;
	s2 =	simm.s32 @!p0 $0x1C05  }
0xe6: {  	[timem:s3], [sflag:s2] =	dma.local @!p0 [hbm:s0], s1  }
0xe7: {  	s0 =	simm.s32 @!p0 $0x5  }
0xe8: {  	_ =	swait.ge @!p0 [sflag:s0], s1  }
0xe9: {  	s1 =	ssub.s32 @!p0 $0x0, s1;
	[sflag:s0] =	ssyncset.done @!p0 $0x0  }
0xea: {  	[sflag:s0] =	ssyncadd.s32 @!p0 s1  }
0xeb: {  	[bflag:$0x3] =	sbarrier.arrive $0xFFFF  }
0xec: {  	_ =	shalt  }

</sc_bundles>
